<compile_context>
chip_gen: v7x
topology: tpu7x:2x2x1
jax: 0.10.2.dev20260603
libtpu: 0.0.44.dev20260713+nightly
codegen_flags: <defaults>
</compile_context>

<pallas_src>
import functools

import numpy as np

import jax
import jax.numpy as jnp
from jax import lax
from jax.experimental import pallas as pl
from jax.experimental.pallas import tpu as pltpu
from jax.experimental.pallas import tpu_sc as plsc

N = 10000
E = 320000
D_IN = 128
LANES = 16
NC, NS = 2, 16
NW = NC * NS
CHUNK = 512
NCHUNK = 20
NBUF = 4
EW = NCHUNK * CHUNK
EPAD = NW * EW
NPAD = 10112
RPS = NPAD // NS

_mesh = plsc.VectorSubcoreMesh(core_axis_name="c", subcore_axis_name="s")
_f32 = jnp.float32
_node_rows = jax.ShapeDtypeStruct((NPAD, LANES), _f32)



WD = 16
_deg_rows = jax.ShapeDtypeStruct((NPAD, WD), _f32)


@functools.partial(
    pl.kernel,
    out_type=(_deg_rows,) * 4,
    mesh=_mesh,
    compiler_params=pltpu.CompilerParams(use_tc_tiling_on_sc=False),
    scratch_types=[
        pltpu.VMEM((NCHUNK, CHUNK), jnp.int32),
        pltpu.VMEM((NCHUNK, CHUNK), jnp.int32),
        pltpu.VMEM((CHUNK, WD), _f32),
        pltpu.VMEM_SHARED((NPAD, WD), _f32),
        pltpu.VMEM_SHARED((NPAD, WD), _f32),
        pltpu.SemaphoreType.DMA,
        pltpu.SemaphoreType.DMA,
    ],
)
def _deg_kernel(a_hbm, b_hbm, ones_hbm, z8_hbm, dega0, dega1, degb0, degb1,
                a_v, b_v, ones_v, acc_a, acc_b, sem_a, sem_b):
    c = lax.axis_index("c")
    s = lax.axis_index("s")
    w = c * NS + s
    row0 = pl.multiple_of(s * RPS, 8)

    d1 = pltpu.async_copy(ones_hbm, ones_v, sem_a)
    d2 = pltpu.async_copy(z8_hbm.at[pl.ds(row0, RPS)],
                          acc_a.at[pl.ds(row0, RPS)], sem_a)
    d3 = pltpu.async_copy(z8_hbm.at[pl.ds(row0, RPS)],
                          acc_b.at[pl.ds(row0, RPS)], sem_a)
    d4 = pltpu.async_copy(a_hbm.at[w], a_v, sem_b)
    d5 = pltpu.async_copy(b_hbm.at[w], b_v, sem_b)
    for d in (d1, d2, d3, d4, d5):
        d.wait()
    plsc.subcore_barrier()

    def chunk_body(i, carry):
        @pl.when(i >= NBUF)
        def _():
            pltpu.make_async_copy(ones_v, acc_a.at[a_v.at[i]], sem_a).wait()
            pltpu.make_async_copy(ones_v, acc_b.at[b_v.at[i]], sem_b).wait()

        pltpu.async_copy(ones_v, acc_a.at[a_v.at[i]], sem_a, add=True)
        pltpu.async_copy(ones_v, acc_b.at[b_v.at[i]], sem_b, add=True)
        return carry

    lax.fori_loop(0, NCHUNK, chunk_body, 0)
    for _i in range(NBUF):
        pltpu.make_async_copy(ones_v, acc_a.at[a_v.at[0]], sem_a).wait()
        pltpu.make_async_copy(ones_v, acc_b.at[b_v.at[0]], sem_b).wait()
    plsc.subcore_barrier()

    @pl.when(c == 0)
    def _():
        pltpu.sync_copy(acc_a.at[pl.ds(row0, RPS)], dega0.at[pl.ds(row0, RPS)])
        pltpu.sync_copy(acc_b.at[pl.ds(row0, RPS)], degb0.at[pl.ds(row0, RPS)])

    @pl.when(c == 1)
    def _():
        pltpu.sync_copy(acc_a.at[pl.ds(row0, RPS)], dega1.at[pl.ds(row0, RPS)])
        pltpu.sync_copy(acc_b.at[pl.ds(row0, RPS)], degb1.at[pl.ds(row0, RPS)])


@functools.partial(
    pl.kernel,
    out_type=(_node_rows,) * 2,
    mesh=_mesh,
    compiler_params=pltpu.CompilerParams(use_tc_tiling_on_sc=False),
    scratch_types=[
        pltpu.VMEM((NCHUNK, CHUNK), jnp.int32),
        pltpu.VMEM((NCHUNK, CHUNK), jnp.int32),
        [pltpu.VMEM((CHUNK, LANES), _f32)] * NBUF,
        pltpu.VMEM_SHARED((NPAD, LANES), _f32),
        pltpu.VMEM_SHARED((NPAD, LANES), _f32),
        [pltpu.SemaphoreType.DMA] * NBUF,
        [pltpu.SemaphoreType.DMA] * NBUF,
    ],
)
def _edge_scatter(g_hbm, z_hbm, src_hbm, dst_hbm, out0, out1,
                  src_v, dst_v, rows, g_sm, acc_sm, ssems, gsems):
    c = lax.axis_index("c")
    s = lax.axis_index("s")
    w = c * NS + s
    row0 = pl.multiple_of(s * RPS, 8)

    d1 = pltpu.async_copy(g_hbm.at[pl.ds(row0, RPS)],
                          g_sm.at[pl.ds(row0, RPS)], gsems[0])

    @pl.when(c == 0)
    def _():
        pltpu.async_copy(g_hbm.at[pl.ds(row0, RPS)],
                         acc_sm.at[pl.ds(row0, RPS)], gsems[1])

    @pl.when(c == 1)
    def _():
        pltpu.async_copy(z_hbm.at[pl.ds(row0, RPS)],
                         acc_sm.at[pl.ds(row0, RPS)], gsems[1])
    d3 = pltpu.async_copy(src_hbm.at[w], src_v, gsems[2])
    d4 = pltpu.async_copy(dst_hbm.at[w], dst_v, gsems[3])
    d1.wait()
    pltpu.make_async_copy(z_hbm.at[pl.ds(row0, RPS)],
                          acc_sm.at[pl.ds(row0, RPS)], gsems[1]).wait()
    d3.wait()
    d4.wait()
    plsc.subcore_barrier()

    def chunk_group(t, carry):
        for b in range(NBUF):
            i = t * NBUF + b

            @pl.when(t > 0)
            def _():
                pltpu.make_async_copy(
                    rows[b], acc_sm.at[dst_v.at[i]], ssems[b]).wait()

            pltpu.async_copy(g_sm.at[src_v.at[i]], rows[b], gsems[b])
        for b in range(NBUF):
            i = t * NBUF + b
            pltpu.make_async_copy(g_sm.at[src_v.at[i]], rows[b],
                                  gsems[b]).wait()
            pltpu.async_copy(rows[b], acc_sm.at[dst_v.at[i]], ssems[b],
                             add=True)
        return carry

    lax.fori_loop(0, NCHUNK // NBUF, chunk_group, 0)
    for b in range(NBUF):
        pltpu.make_async_copy(rows[b], acc_sm.at[dst_v.at[0]], ssems[b]).wait()
    plsc.subcore_barrier()

    @pl.when(c == 0)
    def _():
        pltpu.sync_copy(acc_sm.at[pl.ds(row0, RPS)], out0.at[pl.ds(row0, RPS)])

    @pl.when(c == 1)
    def _():
        pltpu.sync_copy(acc_sm.at[pl.ds(row0, RPS)], out1.at[pl.ds(row0, RPS)])



NR = NPAD // 8
FL = 128
_flat = jax.ShapeDtypeStruct((NR, FL), _f32)


_ER = E // FL
_EPR = EPAD // FL


def _eprep_body(ei_ref, ea_ref, eb_ref):
    pr = lax.broadcasted_iota(jnp.int32, (_EPR - _ER, FL), 1)
    padblk = N + (pr % LANES)
    a2 = ei_ref[0, :].reshape(_ER, FL)
    b2 = ei_ref[1, :].reshape(_ER, FL)
    ea_ref[...] = jnp.concatenate([a2, padblk], axis=0)
    eb_ref[...] = jnp.concatenate([b2, padblk], axis=0)


def _nid(shape):
    r = lax.broadcasted_iota(jnp.int32, shape, 0)
    lane = lax.broadcasted_iota(jnp.int32, shape, 1)
    return r * 8 + lane // 16


def _k0_body(xf_ref, w1b_ref, z1_ref):
    z1_ref[...] = jnp.dot(xf_ref[...], w1b_ref[...],
                          preferred_element_type=_f32)


def _k1_body(z1_ref, da0, da1, db0, db1,
             g1_ref, dinv_rev_ref, dinv_fwd_ref):
    valid = jnp.where(_nid((NR, FL)) < N, 1.0, 0.0).astype(_f32)
    dinv_rev = valid * lax.rsqrt(da0[...] + da1[...] + 1.0)
    dinv_fwd = valid * lax.rsqrt(db0[...] + db1[...] + 1.0)
    g1_ref[...] = dinv_rev * z1_ref[...]
    dinv_rev_ref[...] = dinv_rev
    dinv_fwd_ref[...] = dinv_fwd


def _kmid_body(p0, p1, dprev, dnext, b_ref, w_ref, gn_ref):
    p = dprev[...] * (p0[...] + p1[...])
    act = jnp.maximum(p + b_ref[...], 0.0)
    gn_ref[...] = dnext[...] * jnp.dot(act, w_ref[...],
                                       preferred_element_type=_f32)


def _k5_body(p0, p1, dinv, b_ref, wo_ref, wv_ref, wd_ref,
             bv_ref, bd_ref, g5_ref, v_ref, pn_ref):
    p = dinv[...] * (p0[...] + p1[...])
    hfin = jnp.maximum(p + b_ref[...], 0.0)
    g5_ref[...] = dinv[...] * jnp.dot(hfin, wo_ref[...],
                                      preferred_element_type=_f32)
    hmask = jnp.where(_nid((NR, FL)) < N, hfin, 0.0)
    xsum = jnp.sum(hmask, axis=0, keepdims=True)
    v_ref[...] = jnp.dot(xsum, wv_ref[...],
                         preferred_element_type=_f32) * (1.0 / N) + bv_ref[...]
    pn_ref[...] = jnp.dot(xsum, wd_ref[...],
                          preferred_element_type=_f32) * (1.0 / N) + bd_ref[...]


def _k6_body(p0, p1, dinv, bo_ref, sel_ref, pcol_ref):
    p5 = dinv[...] * (p0[...] + p1[...]) + bo_ref[...]
    pcol_ref[...] = jnp.dot(p5, sel_ref[...], preferred_element_type=_f32)


def _pad_w(w):
    out = jnp.zeros((LANES, LANES), _f32)
    return out.at[: w.shape[0], : w.shape[1]].set(w)


def _tile_b(b):
    out = jnp.zeros((1, LANES), _f32).at[0, : b.shape[0]].set(b)
    return jnp.tile(out, (1, 8))


_EYE8 = np.eye(8, dtype=np.float32)
_SEL = np.zeros((FL, 8), np.float32)
_SEL[np.arange(8) * LANES, np.arange(8)] = 1.0


def kernel(x, edge_index, W1, b1, W2, b2, Wp, bp, W3, b3, Wo, bo,
           Wd, bd, Wv, bv):
    ea2, eb2 = pl.pallas_call(
        _eprep_body,
        out_shape=(jax.ShapeDtypeStruct((_EPR, FL), jnp.int32),) * 2,
    )(edge_index)
    ea3 = ea2.reshape(NW, NCHUNK, CHUNK)
    eb3 = eb2.reshape(NW, NCHUNK, CHUNK)
    xf = jnp.zeros((NR, 8 * D_IN), _f32).at[: N // 8].set(
        x.reshape(N // 8, 8 * D_IN))
    w1p = jnp.zeros((D_IN, LANES), _f32).at[:, :10].set(W1)
    w1b = jnp.kron(_EYE8, w1p)
    w2b = jnp.kron(_EYE8, _pad_w(W2))
    wpb = jnp.kron(_EYE8, _pad_w(Wp))
    w3b = jnp.kron(_EYE8, _pad_w(W3))
    wob = jnp.kron(_EYE8, _pad_w(Wo))
    wvb = jnp.tile(_pad_w(Wv), (8, 1))
    wdb = jnp.tile(_pad_w(Wd), (8, 1))
    b1t, b2t, bpt, b3t = _tile_b(b1), _tile_b(b2), _tile_b(bp), _tile_b(b3)
    bot = _tile_b(bo)
    bvp = jnp.zeros((1, LANES), _f32).at[0, :1].set(bv)
    bdp = jnp.zeros((1, LANES), _f32).at[0, :1].set(bd)

    def to2d(a):
        return a.reshape(NPAD, LANES)

    def tofl(a):
        return a.reshape(NR, FL)

    zrows = jnp.zeros((NPAD, LANES), _f32)
    z8 = jnp.zeros((NPAD, WD), _f32)
    ones8 = jnp.ones((CHUNK, WD), _f32)

    da0, da1, db0, db1 = _deg_kernel(ea3, eb3, ones8, z8)
    z1 = pl.pallas_call(_k0_body, out_shape=_flat)(xf, w1b)

    def wide(d):
        return tofl(d)

    g1, dinv_rev, dinv_fwd = pl.pallas_call(
        _k1_body, out_shape=(_flat,) * 3,
    )(z1, wide(da0), wide(da1), wide(db0), wide(db1))

    kmid = pl.pallas_call(_kmid_body, out_shape=_flat)

    s0, s1 = _edge_scatter(to2d(g1), zrows, eb3, ea3)
    g2 = kmid(tofl(s0), tofl(s1), dinv_rev, dinv_rev, b1t, w2b)
    s0, s1 = _edge_scatter(to2d(g2), zrows, eb3, ea3)
    g3 = kmid(tofl(s0), tofl(s1), dinv_rev, dinv_fwd, b2t, wpb)
    s0, s1 = _edge_scatter(to2d(g3), zrows, ea3, eb3)
    g4 = kmid(tofl(s0), tofl(s1), dinv_fwd, dinv_rev, bpt, w3b)
    s0, s1 = _edge_scatter(to2d(g4), zrows, eb3, ea3)
    g5, vhead, pnhead = pl.pallas_call(
        _k5_body,
        out_shape=(_flat,
                   jax.ShapeDtypeStruct((1, LANES), _f32),
                   jax.ShapeDtypeStruct((1, LANES), _f32)),
    )(tofl(s0), tofl(s1), dinv_rev, b3t, wob, wvb, wdb, bvp, bdp)
    s0, s1 = _edge_scatter(to2d(g5), zrows, eb3, ea3)
    pcol = pl.pallas_call(
        _k6_body, out_shape=jax.ShapeDtypeStruct((NR, 8), _f32),
    )(tofl(s0), tofl(s1), dinv_rev, bot, _SEL)

    probs = jnp.concatenate([pcol.reshape(NPAD, 1)[:N], pnhead[:1, :1]],
                            axis=0)
    return (probs, vhead[0, :1])

# --- scband reference (transcript-rebuilt; emitter-appended) ---
"""Pipeline reference for scband-net-12799002542605 (READ-ONLY COPY).

The authoritative reference and input builder live on the scoring server;
editing this copy changes nothing except your own understanding.
"""

import jax, jax.numpy as jnp
import numpy as np

N_NODES = 10000
N_EDGES = 320000
D_IN = 128
D_HID = 10


def _glorot(key, fan_in, fan_out):
    lim = float(np.sqrt(6.0 / (fan_in + fan_out)))
    return jax.random.uniform(key, (fan_in, fan_out), minval=-lim, maxval=lim, dtype=jnp.float32)


def setup_inputs(seed: int = 0):
    key = jax.random.key(seed)
    ks = jax.random.split(key, 10)
    inp = {}
    inp["x"] = jax.random.normal(ks[0], (N_NODES, D_IN), dtype=jnp.float32)
    inp["edge_index"] = jax.random.randint(ks[1], (2, N_EDGES), 0, N_NODES, dtype=jnp.int32)
    inp["W1"] = _glorot(ks[2], D_IN, D_HID); inp["b1"] = jnp.zeros((D_HID,), jnp.float32)
    inp["W2"] = _glorot(ks[3], D_HID, D_HID); inp["b2"] = jnp.zeros((D_HID,), jnp.float32)
    inp["Wp"] = _glorot(ks[4], D_HID, D_HID); inp["bp"] = jnp.zeros((D_HID,), jnp.float32)
    inp["W3"] = _glorot(ks[5], D_HID, D_HID); inp["b3"] = jnp.zeros((D_HID,), jnp.float32)
    inp["Wo"] = _glorot(ks[6], D_HID, 1); inp["bo"] = jnp.zeros((1,), jnp.float32)
    inp["Wd"] = _glorot(ks[7], D_HID, 1); inp["bd"] = jnp.zeros((1,), jnp.float32)
    inp["Wv"] = _glorot(ks[8], D_HID, 1); inp["bv"] = jnp.zeros((1,), jnp.float32)
    return inp


def gcn_conv(x, edge_index, W, b, reverse):
    # GCNConv with symmetric normalization and self-loops.
    # reverse=True corresponds to flow='target_to_source' (aggregate at source nodes).
    N = x.shape[0]
    loops = jnp.arange(N, dtype=edge_index.dtype)
    ei = jnp.concatenate([edge_index, jnp.stack([loops, loops])], axis=1)
    if reverse:
        src, dst = ei[1], ei[0]
    else:
        src, dst = ei[0], ei[1]
    h = x @ W
    deg = jnp.zeros((N,), h.dtype).at[dst].add(1.0)
    dinv = jnp.where(deg > 0, jax.lax.rsqrt(jnp.maximum(deg, 1e-12)), 0.0)
    norm = dinv[src] * dinv[dst]
    out = jnp.zeros((N, h.shape[1]), h.dtype).at[dst].add(norm[:, None] * h[src])
    return out + b


def reference(x, edge_index, W1, b1, W2, b2, Wp, bp, W3, b3, Wo, bo, Wd, bd, Wv, bv):
    h = jax.nn.relu(gcn_conv(x, edge_index, W1, b1, True))   # conv_succ1 (t2s)
    h = jax.nn.relu(gcn_conv(h, edge_index, W2, b2, True))   # conv_succ2 (t2s)
    h = jax.nn.relu(gcn_conv(h, edge_index, Wp, bp, False))  # conv_pred1 (default flow)
    h = jax.nn.relu(gcn_conv(h, edge_index, W3, b3, True))   # conv_succ3 (t2s)
    probs = gcn_conv(h, edge_index, Wo, bo, True)            # conv_probs/output (t2s) -> [N, 1]
    x_mean = jnp.mean(h, axis=0)                             # [10]
    v = x_mean @ Wv + bv                                     # [1]
    prob_nothing = x_mean @ Wd + bd                          # [1]
    probs = jnp.concatenate([probs, prob_nothing.reshape(1, 1)], axis=0)  # [N+1, 1]
    return (probs, v)

if __name__ == "__main__":
    import jax
    _d = setup_inputs()
    print(jax.jit(kernel)(*tuple(_d.values())))

</pallas_src>

<mosaic_0001>
#map = affine_map<(d0, d1) -> (0, 0)>
#map1 = affine_map<(d0, d1) -> (0, 0, 0)>
module attributes {stable_mosaic.version = 14 : i64} {
  func.func @_edge_scatter(%arg0: i32, %arg1: i32, %arg2: memref<10112x16xf32, #tpu.memory_space<hbm>>, %arg3: memref<10112x16xf32, #tpu.memory_space<hbm>>, %arg4: memref<32x20x512xi32, #tpu.memory_space<hbm>>, %arg5: memref<32x20x512xi32, #tpu.memory_space<hbm>>, %arg6: memref<10112x16xf32, #tpu.memory_space<hbm>>, %arg7: memref<10112x16xf32, #tpu.memory_space<hbm>>, %arg8: memref<20x512xi32, #tpu.memory_space<vmem>>, %arg9: memref<20x512xi32, #tpu.memory_space<vmem>>, %arg10: memref<512x16xf32, #tpu.memory_space<vmem>>, %arg11: memref<512x16xf32, #tpu.memory_space<vmem>>, %arg12: memref<512x16xf32, #tpu.memory_space<vmem>>, %arg13: memref<512x16xf32, #tpu.memory_space<vmem>>, %arg14: memref<10112x16xf32, #tpu.memory_space<vmem_shared>>, %arg15: memref<10112x16xf32, #tpu.memory_space<vmem_shared>>, %arg16: memref<!tpu.dma_semaphore, #tpu.memory_space<semaphore_mem>>, %arg17: memref<!tpu.dma_semaphore, #tpu.memory_space<semaphore_mem>>, %arg18: memref<!tpu.dma_semaphore, #tpu.memory_space<semaphore_mem>>, %arg19: memref<!tpu.dma_semaphore, #tpu.memory_space<semaphore_mem>>, %arg20: memref<!tpu.dma_semaphore, #tpu.memory_space<semaphore_mem>>, %arg21: memref<!tpu.dma_semaphore, #tpu.memory_space<semaphore_mem>>, %arg22: memref<!tpu.dma_semaphore, #tpu.memory_space<semaphore_mem>>, %arg23: memref<!tpu.dma_semaphore, #tpu.memory_space<semaphore_mem>>) attributes {dimension_semantics = [#tpu.dimension_semantics<core_parallel>, #tpu.dimension_semantics<subcore_parallel>], iteration_bounds = array<i64: 2, 16>, scalar_prefetch = 0 : i64, scratch_operands = 16 : i64, tpu.core_type = #tpu.core_type<sc_vector_subcore>, window_params = [{transform_indices = #map}, {transform_indices = #map}, {transform_indices = #map1}, {transform_indices = #map1}, {transform_indices = #map}, {transform_indices = #map}]} {
    %mul3A = arith.constant 16 : i32
    %mul3A_0 = arith.muli %arg0, %mul3A : i32
    %add3A = arith.addi %mul3A_0, %arg1 : i32
    %mul3A_1 = arith.constant 632 : i32
    %mul3A_2 = arith.muli %arg1, %mul3A_1 : i32
    %multiple_of3A = tpu.assume_multiple %mul3A_2, 8 : i32
    %dma_start3A = arith.constant 0 : i32
    %dma_start3A_3 = tpu.memref_slice %arg14[%multiple_of3A, %dma_start3A] : memref<10112x16xf32, #tpu.memory_space<vmem_shared>> -> memref<632x16xf32, #tpu.memory_space<vmem_shared>>
    %dma_start3A_4 = arith.constant 0 : i32
    %dma_start3A_5 = tpu.memref_slice %arg2[%multiple_of3A, %dma_start3A_4] : memref<10112x16xf32, #tpu.memory_space<hbm>> -> memref<632x16xf32, #tpu.memory_space<hbm>>
    tpu.enqueue_dma source(%dma_start3A_5 : memref<632x16xf32, #tpu.memory_space<hbm>>) target(%dma_start3A_3 : memref<632x16xf32, #tpu.memory_space<vmem_shared>>) target_semaphore(%arg20 : memref<!tpu.dma_semaphore, #tpu.memory_space<semaphore_mem>>)
    %eq3A = arith.constant 0 : i32
    %eq3A_6 = arith.cmpi eq, %arg0, %eq3A : i32
    %convert_element_type3A = arith.extui %eq3A_6 : i1 to i32
    %cond3A = arith.constant 0 : i32
    %cond3A_7 = arith.cmpi ne, %convert_element_type3A, %cond3A : i32
    scf.if %cond3A_7 {
      %dma_start3A_96 = arith.constant 0 : i32
      %dma_start3A_97 = tpu.memref_slice %arg15[%multiple_of3A, %dma_start3A_96] : memref<10112x16xf32, #tpu.memory_space<vmem_shared>> -> memref<632x16xf32, #tpu.memory_space<vmem_shared>>
      %dma_start3A_98 = arith.constant 0 : i32
      %dma_start3A_99 = tpu.memref_slice %arg2[%multiple_of3A, %dma_start3A_98] : memref<10112x16xf32, #tpu.memory_space<hbm>> -> memref<632x16xf32, #tpu.memory_space<hbm>>
      tpu.enqueue_dma source(%dma_start3A_99 : memref<632x16xf32, #tpu.memory_space<hbm>>) target(%dma_start3A_97 : memref<632x16xf32, #tpu.memory_space<vmem_shared>>) target_semaphore(%arg21 : memref<!tpu.dma_semaphore, #tpu.memory_space<semaphore_mem>>)
    } else {
    }
    %eq3A_8 = arith.constant 1 : i32
    %eq3A_9 = arith.cmpi eq, %arg0, %eq3A_8 : i32
    %convert_element_type3A_10 = arith.extui %eq3A_9 : i1 to i32
    %cond3A_11 = arith.constant 0 : i32
    %cond3A_12 = arith.cmpi ne, %convert_element_type3A_10, %cond3A_11 : i32
    scf.if %cond3A_12 {
      %dma_start3A_96 = arith.constant 0 : i32
      %dma_start3A_97 = tpu.memref_slice %arg15[%multiple_of3A, %dma_start3A_96] : memref<10112x16xf32, #tpu.memory_space<vmem_shared>> -> memref<632x16xf32, #tpu.memory_space<vmem_shared>>
      %dma_start3A_98 = arith.constant 0 : i32
      %dma_start3A_99 = tpu.memref_slice %arg3[%multiple_of3A, %dma_start3A_98] : memref<10112x16xf32, #tpu.memory_space<hbm>> -> memref<632x16xf32, #tpu.memory_space<hbm>>
      tpu.enqueue_dma source(%dma_start3A_99 : memref<632x16xf32, #tpu.memory_space<hbm>>) target(%dma_start3A_97 : memref<632x16xf32, #tpu.memory_space<vmem_shared>>) target_semaphore(%arg21 : memref<!tpu.dma_semaphore, #tpu.memory_space<semaphore_mem>>)
    } else {
    }
    %dma_start3A_13 = arith.constant 0 : i32
    %dma_start3A_14 = arith.constant 0 : i32
    %dma_start3A_15 = tpu.memref_slice %arg4[%add3A, %dma_start3A_13, %dma_start3A_14] : memref<32x20x512xi32, #tpu.memory_space<hbm>> -> memref<1x20x512xi32, #tpu.memory_space<hbm>>
    %dma_start3A_16 = tpu.memref_squeeze %dma_start3A_15 : memref<1x20x512xi32, #tpu.memory_space<hbm>> -> memref<20x512xi32, #tpu.memory_space<hbm>>
    %dma_start3A_17 = arith.constant 0 : i32
    %dma_start3A_18 = arith.constant 0 : i32
    %dma_start3A_19 = tpu.memref_slice %arg4[%add3A, %dma_start3A_17, %dma_start3A_18] : memref<32x20x512xi32, #tpu.memory_space<hbm>> -> memref<1x20x512xi32, #tpu.memory_space<hbm>>
    %dma_start3A_20 = tpu.memref_squeeze %dma_start3A_19 : memref<1x20x512xi32, #tpu.memory_space<hbm>> -> memref<20x512xi32, #tpu.memory_space<hbm>>
    tpu.enqueue_dma source(%dma_start3A_20 : memref<20x512xi32, #tpu.memory_space<hbm>>) target(%arg8 : memref<20x512xi32, #tpu.memory_space<vmem>>) target_semaphore(%arg22 : memref<!tpu.dma_semaphore, #tpu.memory_space<semaphore_mem>>)
    %dma_start3A_21 = arith.constant 0 : i32
    %dma_start3A_22 = arith.constant 0 : i32
    %dma_start3A_23 = tpu.memref_slice %arg5[%add3A, %dma_start3A_21, %dma_start3A_22] : memref<32x20x512xi32, #tpu.memory_space<hbm>> -> memref<1x20x512xi32, #tpu.memory_space<hbm>>
    %dma_start3A_24 = tpu.memref_squeeze %dma_start3A_23 : memref<1x20x512xi32, #tpu.memory_space<hbm>> -> memref<20x512xi32, #tpu.memory_space<hbm>>
    %dma_start3A_25 = arith.constant 0 : i32
    %dma_start3A_26 = arith.constant 0 : i32
    %dma_start3A_27 = tpu.memref_slice %arg5[%add3A, %dma_start3A_25, %dma_start3A_26] : memref<32x20x512xi32, #tpu.memory_space<hbm>> -> memref<1x20x512xi32, #tpu.memory_space<hbm>>
    %dma_start3A_28 = tpu.memref_squeeze %dma_start3A_27 : memref<1x20x512xi32, #tpu.memory_space<hbm>> -> memref<20x512xi32, #tpu.memory_space<hbm>>
    tpu.enqueue_dma source(%dma_start3A_28 : memref<20x512xi32, #tpu.memory_space<hbm>>) target(%arg9 : memref<20x512xi32, #tpu.memory_space<vmem>>) target_semaphore(%arg23 : memref<!tpu.dma_semaphore, #tpu.memory_space<semaphore_mem>>)
    %dma_wait3A = arith.constant 0 : i32
    %dma_wait3A_29 = tpu.memref_slice %arg14[%multiple_of3A, %dma_wait3A] : memref<10112x16xf32, #tpu.memory_space<vmem_shared>> -> memref<632x16xf32, #tpu.memory_space<vmem_shared>>
    %dma_wait3A_30 = arith.constant 0 : i32
    %dma_wait3A_31 = tpu.memref_slice %arg2[%multiple_of3A, %dma_wait3A_30] : memref<10112x16xf32, #tpu.memory_space<hbm>> -> memref<632x16xf32, #tpu.memory_space<hbm>>
    tpu.wait_dma2 semaphore(%arg20 : memref<!tpu.dma_semaphore, #tpu.memory_space<semaphore_mem>>) src(%dma_wait3A_31 : memref<632x16xf32, #tpu.memory_space<hbm>>) dst(%dma_wait3A_29 : memref<632x16xf32, #tpu.memory_space<vmem_shared>>)
    %dma_wait3A_32 = arith.constant 0 : i32
    %dma_wait3A_33 = tpu.memref_slice %arg15[%multiple_of3A, %dma_wait3A_32] : memref<10112x16xf32, #tpu.memory_space<vmem_shared>> -> memref<632x16xf32, #tpu.memory_space<vmem_shared>>
    %dma_wait3A_34 = arith.constant 0 : i32
    %dma_wait3A_35 = tpu.memref_slice %arg3[%multiple_of3A, %dma_wait3A_34] : memref<10112x16xf32, #tpu.memory_space<hbm>> -> memref<632x16xf32, #tpu.memory_space<hbm>>
    tpu.wait_dma2 semaphore(%arg21 : memref<!tpu.dma_semaphore, #tpu.memory_space<semaphore_mem>>) src(%dma_wait3A_35 : memref<632x16xf32, #tpu.memory_space<hbm>>) dst(%dma_wait3A_33 : memref<632x16xf32, #tpu.memory_space<vmem_shared>>)
    %dma_wait3A_36 = arith.constant 0 : i32
    %dma_wait3A_37 = arith.constant 0 : i32
    %dma_wait3A_38 = tpu.memref_slice %arg4[%add3A, %dma_wait3A_36, %dma_wait3A_37] : memref<32x20x512xi32, #tpu.memory_space<hbm>> -> memref<1x20x512xi32, #tpu.memory_space<hbm>>
    %dma_wait3A_39 = tpu.memref_squeeze %dma_wait3A_38 : memref<1x20x512xi32, #tpu.memory_space<hbm>> -> memref<20x512xi32, #tpu.memory_space<hbm>>
    %dma_wait3A_40 = arith.constant 0 : i32
    %dma_wait3A_41 = arith.constant 0 : i32
    %dma_wait3A_42 = tpu.memref_slice %arg4[%add3A, %dma_wait3A_40, %dma_wait3A_41] : memref<32x20x512xi32, #tpu.memory_space<hbm>> -> memref<1x20x512xi32, #tpu.memory_space<hbm>>
    %dma_wait3A_43 = tpu.memref_squeeze %dma_wait3A_42 : memref<1x20x512xi32, #tpu.memory_space<hbm>> -> memref<20x512xi32, #tpu.memory_space<hbm>>
    tpu.wait_dma2 semaphore(%arg22 : memref<!tpu.dma_semaphore, #tpu.memory_space<semaphore_mem>>) src(%dma_wait3A_43 : memref<20x512xi32, #tpu.memory_space<hbm>>) dst(%arg8 : memref<20x512xi32, #tpu.memory_space<vmem>>)
    %dma_wait3A_44 = arith.constant 0 : i32
    %dma_wait3A_45 = arith.constant 0 : i32
    %dma_wait3A_46 = tpu.memref_slice %arg5[%add3A, %dma_wait3A_44, %dma_wait3A_45] : memref<32x20x512xi32, #tpu.memory_space<hbm>> -> memref<1x20x512xi32, #tpu.memory_space<hbm>>
    %dma_wait3A_47 = tpu.memref_squeeze %dma_wait3A_46 : memref<1x20x512xi32, #tpu.memory_space<hbm>> -> memref<20x512xi32, #tpu.memory_space<hbm>>
    %dma_wait3A_48 = arith.constant 0 : i32
    %dma_wait3A_49 = arith.constant 0 : i32
    %dma_wait3A_50 = tpu.memref_slice %arg5[%add3A, %dma_wait3A_48, %dma_wait3A_49] : memref<32x20x512xi32, #tpu.memory_space<hbm>> -> memref<1x20x512xi32, #tpu.memory_space<hbm>>
    %dma_wait3A_51 = tpu.memref_squeeze %dma_wait3A_50 : memref<1x20x512xi32, #tpu.memory_space<hbm>> -> memref<20x512xi32, #tpu.memory_space<hbm>>
    tpu.wait_dma2 semaphore(%arg23 : memref<!tpu.dma_semaphore, #tpu.memory_space<semaphore_mem>>) src(%dma_wait3A_51 : memref<20x512xi32, #tpu.memory_space<hbm>>) dst(%arg9 : memref<20x512xi32, #tpu.memory_space<vmem>>)
    %barrier3A = arith.constant 0 : index
    tpu.barrier barrier_id(%barrier3A)
    %scan3A = arith.constant 0 : i32
    %scan3A_52 = arith.constant 0 : i32
    %scan3A_53 = arith.constant 5 : i32
    %scan3A_54 = arith.addi %scan3A_52, %scan3A_53 : i32
    %scan3A_55 = arith.constant 1 : i32
    scf.for %scan3A_96 = %scan3A_52 to %scan3A_54 step %scan3A_55  : i32 {
      %mul3A_97 = arith.constant 4 : i32
      %mul3A_98 = arith.muli %scan3A_96, %mul3A_97 : i32
      %add3A_99 = arith.constant 0 : i32
      %add3A_100 = arith.addi %mul3A_98, %add3A_99 : i32
      %gt3A = arith.constant 0 : i32
      %gt3A_101 = arith.cmpi sgt, %scan3A_96, %gt3A : i32
      %convert_element_type3A_102 = arith.extui %gt3A_101 : i1 to i32
      %cond3A_103 = arith.constant 0 : i32
      %cond3A_104 = arith.cmpi ne, %convert_element_type3A_102, %cond3A_103 : i32
      scf.if %cond3A_104 {
        %dma_wait3A_220 = arith.constant 0 : i32
        %dma_wait3A_221 = tpu.memref_slice %arg9[%add3A_100, %dma_wait3A_220] : memref<20x512xi32, #tpu.memory_space<vmem>> -> memref<1x512xi32, #tpu.memory_space<vmem>>
        %dma_wait3A_222 = tpu.memref_squeeze %dma_wait3A_221 : memref<1x512xi32, #tpu.memory_space<vmem>> -> memref<512xi32, #tpu.memory_space<vmem>>
        %dma_wait3A_223 = arith.constant 0 : i32
        %dma_wait3A_224 = arith.constant 0 : i32
        %dma_wait3A_225 = tpu.memref_slice %arg15[%dma_wait3A_223, %dma_wait3A_224] : memref<10112x16xf32, #tpu.memory_space<vmem_shared>> -> memref<10112x16xf32, #tpu.memory_space<vmem_shared>>
        tpu.wait_indirect_dma semaphore(%arg16 : memref<!tpu.dma_semaphore, #tpu.memory_space<semaphore_mem>>) src(%arg10 : memref<512x16xf32, #tpu.memory_space<vmem>>) dst(%dma_wait3A_225 : memref<10112x16xf32, #tpu.memory_space<vmem_shared>>)
      } else {
      }
      %dma_start3A_105 = arith.constant 0 : i32
      %dma_start3A_106 = tpu.memref_slice %arg8[%add3A_100, %dma_start3A_105] : memref<20x512xi32, #tpu.memory_space<vmem>> -> memref<1x512xi32, #tpu.memory_space<vmem>>
      %dma_start3A_107 = tpu.memref_squeeze %dma_start3A_106 : memref<1x512xi32, #tpu.memory_space<vmem>> -> memref<512xi32, #tpu.memory_space<vmem>>
      %dma_start3A_108 = arith.constant 0 : i32
      %dma_start3A_109 = arith.constant 0 : i32
      %dma_start3A_110 = tpu.memref_slice %arg14[%dma_start3A_108, %dma_start3A_109] : memref<10112x16xf32, #tpu.memory_space<vmem_shared>> -> memref<10112x16xf32, #tpu.memory_space<vmem_shared>>
      tpu.enqueue_indirect_dma source(%dma_start3A_110 : memref<10112x16xf32, #tpu.memory_space<vmem_shared>>) target(%arg10 : memref<512x16xf32, #tpu.memory_space<vmem>>) offsets(%dma_start3A_107 : memref<512xi32, #tpu.memory_space<vmem>>) semaphore(%arg20 : memref<!tpu.dma_semaphore, #tpu.memory_space<semaphore_mem>>)
      %mul3A_111 = arith.constant 4 : i32
      %mul3A_112 = arith.muli %scan3A_96, %mul3A_111 : i32
      %add3A_113 = arith.constant 1 : i32
      %add3A_114 = arith.addi %mul3A_112, %add3A_113 : i32
      %gt3A_115 = arith.constant 0 : i32
      %gt3A_116 = arith.cmpi sgt, %scan3A_96, %gt3A_115 : i32
      %convert_element_type3A_117 = arith.extui %gt3A_116 : i1 to i32
      %cond3A_118 = arith.constant 0 : i32
      %cond3A_119 = arith.cmpi ne, %convert_element_type3A_117, %cond3A_118 : i32
      scf.if %cond3A_119 {
        %dma_wait3A_220 = arith.constant 0 : i32
        %dma_wait3A_221 = tpu.memref_slice %arg9[%add3A_114, %dma_wait3A_220] : memref<20x512xi32, #tpu.memory_space<vmem>> -> memref<1x512xi32, #tpu.memory_space<vmem>>
        %dma_wait3A_222 = tpu.memref_squeeze %dma_wait3A_221 : memref<1x512xi32, #tpu.memory_space<vmem>> -> memref<512xi32, #tpu.memory_space<vmem>>
        %dma_wait3A_223 = arith.constant 0 : i32
        %dma_wait3A_224 = arith.constant 0 : i32
        %dma_wait3A_225 = tpu.memref_slice %arg15[%dma_wait3A_223, %dma_wait3A_224] : memref<10112x16xf32, #tpu.memory_space<vmem_shared>> -> memref<10112x16xf32, #tpu.memory_space<vmem_shared>>
        tpu.wait_indirect_dma semaphore(%arg17 : memref<!tpu.dma_semaphore, #tpu.memory_space<semaphore_mem>>) src(%arg11 : memref<512x16xf32, #tpu.memory_space<vmem>>) dst(%dma_wait3A_225 : memref<10112x16xf32, #tpu.memory_space<vmem_shared>>)
      } else {
      }
      %dma_start3A_120 = arith.constant 0 : i32
      %dma_start3A_121 = tpu.memref_slice %arg8[%add3A_114, %dma_start3A_120] : memref<20x512xi32, #tpu.memory_space<vmem>> -> memref<1x512xi32, #tpu.memory_space<vmem>>
      %dma_start3A_122 = tpu.memref_squeeze %dma_start3A_121 : memref<1x512xi32, #tpu.memory_space<vmem>> -> memref<512xi32, #tpu.memory_space<vmem>>
      %dma_start3A_123 = arith.constant 0 : i32
      %dma_start3A_124 = arith.constant 0 : i32
      %dma_start3A_125 = tpu.memref_slice %arg14[%dma_start3A_123, %dma_start3A_124] : memref<10112x16xf32, #tpu.memory_space<vmem_shared>> -> memref<10112x16xf32, #tpu.memory_space<vmem_shared>>
      tpu.enqueue_indirect_dma source(%dma_start3A_125 : memref<10112x16xf32, #tpu.memory_space<vmem_shared>>) target(%arg11 : memref<512x16xf32, #tpu.memory_space<vmem>>) offsets(%dma_start3A_122 : memref<512xi32, #tpu.memory_space<vmem>>) semaphore(%arg21 : memref<!tpu.dma_semaphore, #tpu.memory_space<semaphore_mem>>)
      %mul3A_126 = arith.constant 4 : i32
      %mul3A_127 = arith.muli %scan3A_96, %mul3A_126 : i32
      %add3A_128 = arith.constant 2 : i32
      %add3A_129 = arith.addi %mul3A_127, %add3A_128 : i32
      %gt3A_130 = arith.constant 0 : i32
      %gt3A_131 = arith.cmpi sgt, %scan3A_96, %gt3A_130 : i32
      %convert_element_type3A_132 = arith.extui %gt3A_131 : i1 to i32
      %cond3A_133 = arith.constant 0 : i32
      %cond3A_134 = arith.cmpi ne, %convert_element_type3A_132, %cond3A_133 : i32
      scf.if %cond3A_134 {
        %dma_wait3A_220 = arith.constant 0 : i32
        %dma_wait3A_221 = tpu.memref_slice %arg9[%add3A_129, %dma_wait3A_220] : memref<20x512xi32, #tpu.memory_space<vmem>> -> memref<1x512xi32, #tpu.memory_space<vmem>>
        %dma_wait3A_222 = tpu.memref_squeeze %dma_wait3A_221 : memref<1x512xi32, #tpu.memory_space<vmem>> -> memref<512xi32, #tpu.memory_space<vmem>>
        %dma_wait3A_223 = arith.constant 0 : i32
        %dma_wait3A_224 = arith.constant 0 : i32
        %dma_wait3A_225 = tpu.memref_slice %arg15[%dma_wait3A_223, %dma_wait3A_224] : memref<10112x16xf32, #tpu.memory_space<vmem_shared>> -> memref<10112x16xf32, #tpu.memory_space<vmem_shared>>
        tpu.wait_indirect_dma semaphore(%arg18 : memref<!tpu.dma_semaphore, #tpu.memory_space<semaphore_mem>>) src(%arg12 : memref<512x16xf32, #tpu.memory_space<vmem>>) dst(%dma_wait3A_225 : memref<10112x16xf32, #tpu.memory_space<vmem_shared>>)
      } else {
      }
      %dma_start3A_135 = arith.constant 0 : i32
      %dma_start3A_136 = tpu.memref_slice %arg8[%add3A_129, %dma_start3A_135] : memref<20x512xi32, #tpu.memory_space<vmem>> -> memref<1x512xi32, #tpu.memory_space<vmem>>
      %dma_start3A_137 = tpu.memref_squeeze %dma_start3A_136 : memref<1x512xi32, #tpu.memory_space<vmem>> -> memref<512xi32, #tpu.memory_space<vmem>>
      %dma_start3A_138 = arith.constant 0 : i32
      %dma_start3A_139 = arith.constant 0 : i32
      %dma_start3A_140 = tpu.memref_slice %arg14[%dma_start3A_138, %dma_start3A_139] : memref<10112x16xf32, #tpu.memory_space<vmem_shared>> -> memref<10112x16xf32, #tpu.memory_space<vmem_shared>>
      tpu.enqueue_indirect_dma source(%dma_start3A_140 : memref<10112x16xf32, #tpu.memory_space<vmem_shared>>) target(%arg12 : memref<512x16xf32, #tpu.memory_space<vmem>>) offsets(%dma_start3A_137 : memref<512xi32, #tpu.memory_space<vmem>>) semaphore(%arg22 : memref<!tpu.dma_semaphore, #tpu.memory_space<semaphore_mem>>)
      %mul3A_141 = arith.constant 4 : i32
      %mul3A_142 = arith.muli %scan3A_96, %mul3A_141 : i32
      %add3A_143 = arith.constant 3 : i32
      %add3A_144 = arith.addi %mul3A_142, %add3A_143 : i32
      %gt3A_145 = arith.constant 0 : i32
      %gt3A_146 = arith.cmpi sgt, %scan3A_96, %gt3A_145 : i32
      %convert_element_type3A_147 = arith.extui %gt3A_146 : i1 to i32
      %cond3A_148 = arith.constant 0 : i32
      %cond3A_149 = arith.cmpi ne, %convert_element_type3A_147, %cond3A_148 : i32
      scf.if %cond3A_149 {
        %dma_wait3A_220 = arith.constant 0 : i32
        %dma_wait3A_221 = tpu.memref_slice %arg9[%add3A_144, %dma_wait3A_220] : memref<20x512xi32, #tpu.memory_space<vmem>> -> memref<1x512xi32, #tpu.memory_space<vmem>>
        %dma_wait3A_222 = tpu.memref_squeeze %dma_wait3A_221 : memref<1x512xi32, #tpu.memory_space<vmem>> -> memref<512xi32, #tpu.memory_space<vmem>>
        %dma_wait3A_223 = arith.constant 0 : i32
        %dma_wait3A_224 = arith.constant 0 : i32
        %dma_wait3A_225 = tpu.memref_slice %arg15[%dma_wait3A_223, %dma_wait3A_224] : memref<10112x16xf32, #tpu.memory_space<vmem_shared>> -> memref<10112x16xf32, #tpu.memory_space<vmem_shared>>
        tpu.wait_indirect_dma semaphore(%arg19 : memref<!tpu.dma_semaphore, #tpu.memory_space<semaphore_mem>>) src(%arg13 : memref<512x16xf32, #tpu.memory_space<vmem>>) dst(%dma_wait3A_225 : memref<10112x16xf32, #tpu.memory_space<vmem_shared>>)
      } else {
      }
      %dma_start3A_150 = arith.constant 0 : i32
      %dma_start3A_151 = tpu.memref_slice %arg8[%add3A_144, %dma_start3A_150] : memref<20x512xi32, #tpu.memory_space<vmem>> -> memref<1x512xi32, #tpu.memory_space<vmem>>
      %dma_start3A_152 = tpu.memref_squeeze %dma_start3A_151 : memref<1x512xi32, #tpu.memory_space<vmem>> -> memref<512xi32, #tpu.memory_space<vmem>>
      %dma_start3A_153 = arith.constant 0 : i32
      %dma_start3A_154 = arith.constant 0 : i32
      %dma_start3A_155 = tpu.memref_slice %arg14[%dma_start3A_153, %dma_start3A_154] : memref<10112x16xf32, #tpu.memory_space<vmem_shared>> -> memref<10112x16xf32, #tpu.memory_space<vmem_shared>>
      tpu.enqueue_indirect_dma source(%dma_start3A_155 : memref<10112x16xf32, #tpu.memory_space<vmem_shared>>) target(%arg13 : memref<512x16xf32, #tpu.memory_space<vmem>>) offsets(%dma_start3A_152 : memref<512xi32, #tpu.memory_space<vmem>>) semaphore(%arg23 : memref<!tpu.dma_semaphore, #tpu.memory_space<semaphore_mem>>)
      %mul3A_156 = arith.constant 4 : i32
      %mul3A_157 = arith.muli %scan3A_96, %mul3A_156 : i32
      %add3A_158 = arith.constant 0 : i32
      %add3A_159 = arith.addi %mul3A_157, %add3A_158 : i32
      %dma_wait3A_160 = arith.constant 0 : i32
      %dma_wait3A_161 = tpu.memref_slice %arg8[%add3A_159, %dma_wait3A_160] : memref<20x512xi32, #tpu.memory_space<vmem>> -> memref<1x512xi32, #tpu.memory_space<vmem>>
      %dma_wait3A_162 = tpu.memref_squeeze %dma_wait3A_161 : memref<1x512xi32, #tpu.memory_space<vmem>> -> memref<512xi32, #tpu.memory_space<vmem>>
      %dma_wait3A_163 = arith.constant 0 : i32
      %dma_wait3A_164 = arith.constant 0 : i32
      %dma_wait3A_165 = tpu.memref_slice %arg14[%dma_wait3A_163, %dma_wait3A_164] : memref<10112x16xf32, #tpu.memory_space<vmem_shared>> -> memref<10112x16xf32, #tpu.memory_space<vmem_shared>>
      tpu.wait_indirect_dma semaphore(%arg20 : memref<!tpu.dma_semaphore, #tpu.memory_space<semaphore_mem>>) src(%dma_wait3A_165 : memref<10112x16xf32, #tpu.memory_space<vmem_shared>>) dst(%arg10 : memref<512x16xf32, #tpu.memory_space<vmem>>)
      %dma_start3A_166 = arith.constant 0 : i32
      %dma_start3A_167 = tpu.memref_slice %arg9[%add3A_159, %dma_start3A_166] : memref<20x512xi32, #tpu.memory_space<vmem>> -> memref<1x512xi32, #tpu.memory_space<vmem>>
      %dma_start3A_168 = tpu.memref_squeeze %dma_start3A_167 : memref<1x512xi32, #tpu.memory_space<vmem>> -> memref<512xi32, #tpu.memory_space<vmem>>
      %dma_start3A_169 = arith.constant 0 : i32
      %dma_start3A_170 = arith.constant 0 : i32
      %dma_start3A_171 = tpu.memref_slice %arg15[%dma_start3A_169, %dma_start3A_170] : memref<10112x16xf32, #tpu.memory_space<vmem_shared>> -> memref<10112x16xf32, #tpu.memory_space<vmem_shared>>
      tpu.enqueue_indirect_dma source(%arg10 : memref<512x16xf32, #tpu.memory_space<vmem>>) target(%dma_start3A_171 : memref<10112x16xf32, #tpu.memory_space<vmem_shared>>) offsets(%dma_start3A_168 : memref<512xi32, #tpu.memory_space<vmem>>) semaphore(%arg16 : memref<!tpu.dma_semaphore, #tpu.memory_space<semaphore_mem>>) {add = true}
      %mul3A_172 = arith.constant 4 : i32
      %mul3A_173 = arith.muli %scan3A_96, %mul3A_172 : i32
      %add3A_174 = arith.constant 1 : i32
      %add3A_175 = arith.addi %mul3A_173, %add3A_174 : i32
      %dma_wait3A_176 = arith.constant 0 : i32
      %dma_wait3A_177 = tpu.memref_slice %arg8[%add3A_175, %dma_wait3A_176] : memref<20x512xi32, #tpu.memory_space<vmem>> -> memref<1x512xi32, #tpu.memory_space<vmem>>
      %dma_wait3A_178 = tpu.memref_squeeze %dma_wait3A_177 : memref<1x512xi32, #tpu.memory_space<vmem>> -> memref<512xi32, #tpu.memory_space<vmem>>
      %dma_wait3A_179 = arith.constant 0 : i32
      %dma_wait3A_180 = arith.constant 0 : i32
      %dma_wait3A_181 = tpu.memref_slice %arg14[%dma_wait3A_179, %dma_wait3A_180] : memref<10112x16xf32, #tpu.memory_space<vmem_shared>> -> memref<10112x16xf32, #tpu.memory_space<vmem_shared>>
      tpu.wait_indirect_dma semaphore(%arg21 : memref<!tpu.dma_semaphore, #tpu.memory_space<semaphore_mem>>) src(%dma_wait3A_181 : memref<10112x16xf32, #tpu.memory_space<vmem_shared>>) dst(%arg11 : memref<512x16xf32, #tpu.memory_space<vmem>>)
      %dma_start3A_182 = arith.constant 0 : i32
      %dma_start3A_183 = tpu.memref_slice %arg9[%add3A_175, %dma_start3A_182] : memref<20x512xi32, #tpu.memory_space<vmem>> -> memref<1x512xi32, #tpu.memory_space<vmem>>
      %dma_start3A_184 = tpu.memref_squeeze %dma_start3A_183 : memref<1x512xi32, #tpu.memory_space<vmem>> -> memref<512xi32, #tpu.memory_space<vmem>>
      %dma_start3A_185 = arith.constant 0 : i32
      %dma_start3A_186 = arith.constant 0 : i32
      %dma_start3A_187 = tpu.memref_slice %arg15[%dma_start3A_185, %dma_start3A_186] : memref<10112x16xf32, #tpu.memory_space<vmem_shared>> -> memref<10112x16xf32, #tpu.memory_space<vmem_shared>>
      tpu.enqueue_indirect_dma source(%arg11 : memref<512x16xf32, #tpu.memory_space<vmem>>) target(%dma_start3A_187 : memref<10112x16xf32, #tpu.memory_space<vmem_shared>>) offsets(%dma_start3A_184 : memref<512xi32, #tpu.memory_space<vmem>>) semaphore(%arg17 : memref<!tpu.dma_semaphore, #tpu.memory_space<semaphore_mem>>) {add = true}
      %mul3A_188 = arith.constant 4 : i32
      %mul3A_189 = arith.muli %scan3A_96, %mul3A_188 : i32
      %add3A_190 = arith.constant 2 : i32
      %add3A_191 = arith.addi %mul3A_189, %add3A_190 : i32
      %dma_wait3A_192 = arith.constant 0 : i32
      %dma_wait3A_193 = tpu.memref_slice %arg8[%add3A_191, %dma_wait3A_192] : memref<20x512xi32, #tpu.memory_space<vmem>> -> memref<1x512xi32, #tpu.memory_space<vmem>>
      %dma_wait3A_194 = tpu.memref_squeeze %dma_wait3A_193 : memref<1x512xi32, #tpu.memory_space<vmem>> -> memref<512xi32, #tpu.memory_space<vmem>>
      %dma_wait3A_195 = arith.constant 0 : i32
      %dma_wait3A_196 = arith.constant 0 : i32
      %dma_wait3A_197 = tpu.memref_slice %arg14[%dma_wait3A_195, %dma_wait3A_196] : memref<10112x16xf32, #tpu.memory_space<vmem_shared>> -> memref<10112x16xf32, #tpu.memory_space<vmem_shared>>
      tpu.wait_indirect_dma semaphore(%arg22 : memref<!tpu.dma_semaphore, #tpu.memory_space<semaphore_mem>>) src(%dma_wait3A_197 : memref<10112x16xf32, #tpu.memory_space<vmem_shared>>) dst(%arg12 : memref<512x16xf32, #tpu.memory_space<vmem>>)
      %dma_start3A_198 = arith.constant 0 : i32
      %dma_start3A_199 = tpu.memref_slice %arg9[%add3A_191, %dma_start3A_198] : memref<20x512xi32, #tpu.memory_space<vmem>> -> memref<1x512xi32, #tpu.memory_space<vmem>>
      %dma_start3A_200 = tpu.memref_squeeze %dma_start3A_199 : memref<1x512xi32, #tpu.memory_space<vmem>> -> memref<512xi32, #tpu.memory_space<vmem>>
      %dma_start3A_201 = arith.constant 0 : i32
      %dma_start3A_202 = arith.constant 0 : i32
      %dma_start3A_203 = tpu.memref_slice %arg15[%dma_start3A_201, %dma_start3A_202] : memref<10112x16xf32, #tpu.memory_space<vmem_shared>> -> memref<10112x16xf32, #tpu.memory_space<vmem_shared>>
      tpu.enqueue_indirect_dma source(%arg12 : memref<512x16xf32, #tpu.memory_space<vmem>>) target(%dma_start3A_203 : memref<10112x16xf32, #tpu.memory_space<vmem_shared>>) offsets(%dma_start3A_200 : memref<512xi32, #tpu.memory_space<vmem>>) semaphore(%arg18 : memref<!tpu.dma_semaphore, #tpu.memory_space<semaphore_mem>>) {add = true}
      %mul3A_204 = arith.constant 4 : i32
      %mul3A_205 = arith.muli %scan3A_96, %mul3A_204 : i32
      %add3A_206 = arith.constant 3 : i32
      %add3A_207 = arith.addi %mul3A_205, %add3A_206 : i32
      %dma_wait3A_208 = arith.constant 0 : i32
      %dma_wait3A_209 = tpu.memref_slice %arg8[%add3A_207, %dma_wait3A_208] : memref<20x512xi32, #tpu.memory_space<vmem>> -> memref<1x512xi32, #tpu.memory_space<vmem>>
      %dma_wait3A_210 = tpu.memref_squeeze %dma_wait3A_209 : memref<1x512xi32, #tpu.memory_space<vmem>> -> memref<512xi32, #tpu.memory_space<vmem>>
      %dma_wait3A_211 = arith.constant 0 : i32
      %dma_wait3A_212 = arith.constant 0 : i32
      %dma_wait3A_213 = tpu.memref_slice %arg14[%dma_wait3A_211, %dma_wait3A_212] : memref<10112x16xf32, #tpu.memory_space<vmem_shared>> -> memref<10112x16xf32, #tpu.memory_space<vmem_shared>>
      tpu.wait_indirect_dma semaphore(%arg23 : memref<!tpu.dma_semaphore, #tpu.memory_space<semaphore_mem>>) src(%dma_wait3A_213 : memref<10112x16xf32, #tpu.memory_space<vmem_shared>>) dst(%arg13 : memref<512x16xf32, #tpu.memory_space<vmem>>)
      %dma_start3A_214 = arith.constant 0 : i32
      %dma_start3A_215 = tpu.memref_slice %arg9[%add3A_207, %dma_start3A_214] : memref<20x512xi32, #tpu.memory_space<vmem>> -> memref<1x512xi32, #tpu.memory_space<vmem>>
      %dma_start3A_216 = tpu.memref_squeeze %dma_start3A_215 : memref<1x512xi32, #tpu.memory_space<vmem>> -> memref<512xi32, #tpu.memory_space<vmem>>
      %dma_start3A_217 = arith.constant 0 : i32
      %dma_start3A_218 = arith.constant 0 : i32
      %dma_start3A_219 = tpu.memref_slice %arg15[%dma_start3A_217, %dma_start3A_218] : memref<10112x16xf32, #tpu.memory_space<vmem_shared>> -> memref<10112x16xf32, #tpu.memory_space<vmem_shared>>
      tpu.enqueue_indirect_dma source(%arg13 : memref<512x16xf32, #tpu.memory_space<vmem>>) target(%dma_start3A_219 : memref<10112x16xf32, #tpu.memory_space<vmem_shared>>) offsets(%dma_start3A_216 : memref<512xi32, #tpu.memory_space<vmem>>) semaphore(%arg19 : memref<!tpu.dma_semaphore, #tpu.memory_space<semaphore_mem>>) {add = true}
    }
    %scan3A_56 = arith.constant 5 : i32
    %dma_wait3A_57 = arith.constant 0 : i32
    %dma_wait3A_58 = arith.constant 0 : i32
    %dma_wait3A_59 = tpu.memref_slice %arg9[%dma_wait3A_57, %dma_wait3A_58] : memref<20x512xi32, #tpu.memory_space<vmem>> -> memref<1x512xi32, #tpu.memory_space<vmem>>
    %dma_wait3A_60 = tpu.memref_squeeze %dma_wait3A_59 : memref<1x512xi32, #tpu.memory_space<vmem>> -> memref<512xi32, #tpu.memory_space<vmem>>
    %dma_wait3A_61 = arith.constant 0 : i32
    %dma_wait3A_62 = arith.constant 0 : i32
    %dma_wait3A_63 = tpu.memref_slice %arg15[%dma_wait3A_61, %dma_wait3A_62] : memref<10112x16xf32, #tpu.memory_space<vmem_shared>> -> memref<10112x16xf32, #tpu.memory_space<vmem_shared>>
    tpu.wait_indirect_dma semaphore(%arg16 : memref<!tpu.dma_semaphore, #tpu.memory_space<semaphore_mem>>) src(%arg10 : memref<512x16xf32, #tpu.memory_space<vmem>>) dst(%dma_wait3A_63 : memref<10112x16xf32, #tpu.memory_space<vmem_shared>>)
    %dma_wait3A_64 = arith.constant 0 : i32
    %dma_wait3A_65 = arith.constant 0 : i32
    %dma_wait3A_66 = tpu.memref_slice %arg9[%dma_wait3A_64, %dma_wait3A_65] : memref<20x512xi32, #tpu.memory_space<vmem>> -> memref<1x512xi32, #tpu.memory_space<vmem>>
    %dma_wait3A_67 = tpu.memref_squeeze %dma_wait3A_66 : memref<1x512xi32, #tpu.memory_space<vmem>> -> memref<512xi32, #tpu.memory_space<vmem>>
    %dma_wait3A_68 = arith.constant 0 : i32
    %dma_wait3A_69 = arith.constant 0 : i32
    %dma_wait3A_70 = tpu.memref_slice %arg15[%dma_wait3A_68, %dma_wait3A_69] : memref<10112x16xf32, #tpu.memory_space<vmem_shared>> -> memref<10112x16xf32, #tpu.memory_space<vmem_shared>>
    tpu.wait_indirect_dma semaphore(%arg17 : memref<!tpu.dma_semaphore, #tpu.memory_space<semaphore_mem>>) src(%arg11 : memref<512x16xf32, #tpu.memory_space<vmem>>) dst(%dma_wait3A_70 : memref<10112x16xf32, #tpu.memory_space<vmem_shared>>)
    %dma_wait3A_71 = arith.constant 0 : i32
    %dma_wait3A_72 = arith.constant 0 : i32
    %dma_wait3A_73 = tpu.memref_slice %arg9[%dma_wait3A_71, %dma_wait3A_72] : memref<20x512xi32, #tpu.memory_space<vmem>> -> memref<1x512xi32, #tpu.memory_space<vmem>>
    %dma_wait3A_74 = tpu.memref_squeeze %dma_wait3A_73 : memref<1x512xi32, #tpu.memory_space<vmem>> -> memref<512xi32, #tpu.memory_space<vmem>>
    %dma_wait3A_75 = arith.constant 0 : i32
    %dma_wait3A_76 = arith.constant 0 : i32
    %dma_wait3A_77 = tpu.memref_slice %arg15[%dma_wait3A_75, %dma_wait3A_76] : memref<10112x16xf32, #tpu.memory_space<vmem_shared>> -> memref<10112x16xf32, #tpu.memory_space<vmem_shared>>
    tpu.wait_indirect_dma semaphore(%arg18 : memref<!tpu.dma_semaphore, #tpu.memory_space<semaphore_mem>>) src(%arg12 : memref<512x16xf32, #tpu.memory_space<vmem>>) dst(%dma_wait3A_77 : memref<10112x16xf32, #tpu.memory_space<vmem_shared>>)
    %dma_wait3A_78 = arith.constant 0 : i32
    %dma_wait3A_79 = arith.constant 0 : i32
    %dma_wait3A_80 = tpu.memref_slice %arg9[%dma_wait3A_78, %dma_wait3A_79] : memref<20x512xi32, #tpu.memory_space<vmem>> -> memref<1x512xi32, #tpu.memory_space<vmem>>
    %dma_wait3A_81 = tpu.memref_squeeze %dma_wait3A_80 : memref<1x512xi32, #tpu.memory_space<vmem>> -> memref<512xi32, #tpu.memory_space<vmem>>
    %dma_wait3A_82 = arith.constant 0 : i32
    %dma_wait3A_83 = arith.constant 0 : i32
    %dma_wait3A_84 = tpu.memref_slice %arg15[%dma_wait3A_82, %dma_wait3A_83] : memref<10112x16xf32, #tpu.memory_space<vmem_shared>> -> memref<10112x16xf32, #tpu.memory_space<vmem_shared>>
    tpu.wait_indirect_dma semaphore(%arg19 : memref<!tpu.dma_semaphore, #tpu.memory_space<semaphore_mem>>) src(%arg13 : memref<512x16xf32, #tpu.memory_space<vmem>>) dst(%dma_wait3A_84 : memref<10112x16xf32, #tpu.memory_space<vmem_shared>>)
    %barrier3A_85 = arith.constant 0 : index
    tpu.barrier barrier_id(%barrier3A_85)
    %eq3A_86 = arith.constant 0 : i32
    %eq3A_87 = arith.cmpi eq, %arg0, %eq3A_86 : i32
    %convert_element_type3A_88 = arith.extui %eq3A_87 : i1 to i32
    %cond3A_89 = arith.constant 0 : i32
    %cond3A_90 = arith.cmpi ne, %convert_element_type3A_88, %cond3A_89 : i32
    scf.if %cond3A_90 {
      "tpu.region"() ({
        %run_scoped3A = tpu.sem_alloc : memref<!tpu.dma_semaphore, #tpu.memory_space<semaphore_mem>>
        %dma_start3A_96 = arith.constant 0 : i32
        %dma_start3A_97 = tpu.memref_slice %arg6[%multiple_of3A, %dma_start3A_96] : memref<10112x16xf32, #tpu.memory_space<hbm>> -> memref<632x16xf32, #tpu.memory_space<hbm>>
        %dma_start3A_98 = arith.constant 0 : i32
        %dma_start3A_99 = tpu.memref_slice %arg15[%multiple_of3A, %dma_start3A_98] : memref<10112x16xf32, #tpu.memory_space<vmem_shared>> -> memref<632x16xf32, #tpu.memory_space<vmem_shared>>
        tpu.enqueue_dma source(%dma_start3A_99 : memref<632x16xf32, #tpu.memory_space<vmem_shared>>) target(%dma_start3A_97 : memref<632x16xf32, #tpu.memory_space<hbm>>) target_semaphore(%run_scoped3A : memref<!tpu.dma_semaphore, #tpu.memory_space<semaphore_mem>>)
        %dma_wait3A_100 = arith.constant 0 : i32
        %dma_wait3A_101 = tpu.memref_slice %arg6[%multiple_of3A, %dma_wait3A_100] : memref<10112x16xf32, #tpu.memory_space<hbm>> -> memref<632x16xf32, #tpu.memory_space<hbm>>
        %dma_wait3A_102 = arith.constant 0 : i32
        %dma_wait3A_103 = tpu.memref_slice %arg15[%multiple_of3A, %dma_wait3A_102] : memref<10112x16xf32, #tpu.memory_space<vmem_shared>> -> memref<632x16xf32, #tpu.memory_space<vmem_shared>>
        tpu.wait_dma2 semaphore(%run_scoped3A : memref<!tpu.dma_semaphore, #tpu.memory_space<semaphore_mem>>) src(%dma_wait3A_103 : memref<632x16xf32, #tpu.memory_space<vmem_shared>>) dst(%dma_wait3A_101 : memref<632x16xf32, #tpu.memory_space<hbm>>)
        tpu.yield
      }) : () -> ()
    } else {
    }
    %eq3A_91 = arith.constant 1 : i32
    %eq3A_92 = arith.cmpi eq, %arg0, %eq3A_91 : i32
    %convert_element_type3A_93 = arith.extui %eq3A_92 : i1 to i32
    %cond3A_94 = arith.constant 0 : i32
    %cond3A_95 = arith.cmpi ne, %convert_element_type3A_93, %cond3A_94 : i32
    scf.if %cond3A_95 {
      "tpu.region"() ({
        %run_scoped3A = tpu.sem_alloc : memref<!tpu.dma_semaphore, #tpu.memory_space<semaphore_mem>>
        %dma_start3A_96 = arith.constant 0 : i32
        %dma_start3A_97 = tpu.memref_slice %arg7[%multiple_of3A, %dma_start3A_96] : memref<10112x16xf32, #tpu.memory_space<hbm>> -> memref<632x16xf32, #tpu.memory_space<hbm>>
        %dma_start3A_98 = arith.constant 0 : i32
        %dma_start3A_99 = tpu.memref_slice %arg15[%multiple_of3A, %dma_start3A_98] : memref<10112x16xf32, #tpu.memory_space<vmem_shared>> -> memref<632x16xf32, #tpu.memory_space<vmem_shared>>
        tpu.enqueue_dma source(%dma_start3A_99 : memref<632x16xf32, #tpu.memory_space<vmem_shared>>) target(%dma_start3A_97 : memref<632x16xf32, #tpu.memory_space<hbm>>) target_semaphore(%run_scoped3A : memref<!tpu.dma_semaphore, #tpu.memory_space<semaphore_mem>>)
        %dma_wait3A_100 = arith.constant 0 : i32
        %dma_wait3A_101 = tpu.memref_slice %arg7[%multiple_of3A, %dma_wait3A_100] : memref<10112x16xf32, #tpu.memory_space<hbm>> -> memref<632x16xf32, #tpu.memory_space<hbm>>
        %dma_wait3A_102 = arith.constant 0 : i32
        %dma_wait3A_103 = tpu.memref_slice %arg15[%multiple_of3A, %dma_wait3A_102] : memref<10112x16xf32, #tpu.memory_space<vmem_shared>> -> memref<632x16xf32, #tpu.memory_space<vmem_shared>>
        tpu.wait_dma2 semaphore(%run_scoped3A : memref<!tpu.dma_semaphore, #tpu.memory_space<semaphore_mem>>) src(%dma_wait3A_103 : memref<632x16xf32, #tpu.memory_space<vmem_shared>>) dst(%dma_wait3A_101 : memref<632x16xf32, #tpu.memory_space<hbm>>)
        tpu.yield
      }) : () -> ()
    } else {
    }
    return
  }
}

#map = affine_map<(d0, d1) -> (0, 0, 0)>
#map1 = affine_map<(d0, d1) -> (0, 0)>
module attributes {stable_mosaic.version = 14 : i64} {
  func.func @_deg_kernel(%arg0: i32, %arg1: i32, %arg2: memref<32x20x512xi32, #tpu.memory_space<hbm>>, %arg3: memref<32x20x512xi32, #tpu.memory_space<hbm>>, %arg4: memref<512x16xf32, #tpu.memory_space<hbm>>, %arg5: memref<10112x16xf32, #tpu.memory_space<hbm>>, %arg6: memref<10112x16xf32, #tpu.memory_space<hbm>>, %arg7: memref<10112x16xf32, #tpu.memory_space<hbm>>, %arg8: memref<10112x16xf32, #tpu.memory_space<hbm>>, %arg9: memref<10112x16xf32, #tpu.memory_space<hbm>>, %arg10: memref<20x512xi32, #tpu.memory_space<vmem>>, %arg11: memref<20x512xi32, #tpu.memory_space<vmem>>, %arg12: memref<512x16xf32, #tpu.memory_space<vmem>>, %arg13: memref<10112x16xf32, #tpu.memory_space<vmem_shared>>, %arg14: memref<10112x16xf32, #tpu.memory_space<vmem_shared>>, %arg15: memref<!tpu.dma_semaphore, #tpu.memory_space<semaphore_mem>>, %arg16: memref<!tpu.dma_semaphore, #tpu.memory_space<semaphore_mem>>) attributes {dimension_semantics = [#tpu.dimension_semantics<core_parallel>, #tpu.dimension_semantics<subcore_parallel>], iteration_bounds = array<i64: 2, 16>, scalar_prefetch = 0 : i64, scratch_operands = 7 : i64, tpu.core_type = #tpu.core_type<sc_vector_subcore>, window_params = [{transform_indices = #map}, {transform_indices = #map}, {transform_indices = #map1}, {transform_indices = #map1}, {transform_indices = #map1}, {transform_indices = #map1}, {transform_indices = #map1}, {transform_indices = #map1}]} {
    %mul3A = arith.constant 16 : i32
    %mul3A_0 = arith.muli %arg0, %mul3A : i32
    %add3A = arith.addi %mul3A_0, %arg1 : i32
    %mul3A_1 = arith.constant 632 : i32
    %mul3A_2 = arith.muli %arg1, %mul3A_1 : i32
    %multiple_of3A = tpu.assume_multiple %mul3A_2, 8 : i32
    tpu.enqueue_dma source(%arg4 : memref<512x16xf32, #tpu.memory_space<hbm>>) target(%arg12 : memref<512x16xf32, #tpu.memory_space<vmem>>) target_semaphore(%arg15 : memref<!tpu.dma_semaphore, #tpu.memory_space<semaphore_mem>>)
    %dma_start3A = arith.constant 0 : i32
    %dma_start3A_3 = tpu.memref_slice %arg13[%multiple_of3A, %dma_start3A] : memref<10112x16xf32, #tpu.memory_space<vmem_shared>> -> memref<632x16xf32, #tpu.memory_space<vmem_shared>>
    %dma_start3A_4 = arith.constant 0 : i32
    %dma_start3A_5 = tpu.memref_slice %arg5[%multiple_of3A, %dma_start3A_4] : memref<10112x16xf32, #tpu.memory_space<hbm>> -> memref<632x16xf32, #tpu.memory_space<hbm>>
    tpu.enqueue_dma source(%dma_start3A_5 : memref<632x16xf32, #tpu.memory_space<hbm>>) target(%dma_start3A_3 : memref<632x16xf32, #tpu.memory_space<vmem_shared>>) target_semaphore(%arg15 : memref<!tpu.dma_semaphore, #tpu.memory_space<semaphore_mem>>)
    %dma_start3A_6 = arith.constant 0 : i32
    %dma_start3A_7 = tpu.memref_slice %arg14[%multiple_of3A, %dma_start3A_6] : memref<10112x16xf32, #tpu.memory_space<vmem_shared>> -> memref<632x16xf32, #tpu.memory_space<vmem_shared>>
    %dma_start3A_8 = arith.constant 0 : i32
    %dma_start3A_9 = tpu.memref_slice %arg5[%multiple_of3A, %dma_start3A_8] : memref<10112x16xf32, #tpu.memory_space<hbm>> -> memref<632x16xf32, #tpu.memory_space<hbm>>
    tpu.enqueue_dma source(%dma_start3A_9 : memref<632x16xf32, #tpu.memory_space<hbm>>) target(%dma_start3A_7 : memref<632x16xf32, #tpu.memory_space<vmem_shared>>) target_semaphore(%arg15 : memref<!tpu.dma_semaphore, #tpu.memory_space<semaphore_mem>>)
    %dma_start3A_10 = arith.constant 0 : i32
    %dma_start3A_11 = arith.constant 0 : i32
    %dma_start3A_12 = tpu.memref_slice %arg2[%add3A, %dma_start3A_10, %dma_start3A_11] : memref<32x20x512xi32, #tpu.memory_space<hbm>> -> memref<1x20x512xi32, #tpu.memory_space<hbm>>
    %dma_start3A_13 = tpu.memref_squeeze %dma_start3A_12 : memref<1x20x512xi32, #tpu.memory_space<hbm>> -> memref<20x512xi32, #tpu.memory_space<hbm>>
    %dma_start3A_14 = arith.constant 0 : i32
    %dma_start3A_15 = arith.constant 0 : i32
    %dma_start3A_16 = tpu.memref_slice %arg2[%add3A, %dma_start3A_14, %dma_start3A_15] : memref<32x20x512xi32, #tpu.memory_space<hbm>> -> memref<1x20x512xi32, #tpu.memory_space<hbm>>
    %dma_start3A_17 = tpu.memref_squeeze %dma_start3A_16 : memref<1x20x512xi32, #tpu.memory_space<hbm>> -> memref<20x512xi32, #tpu.memory_space<hbm>>
    tpu.enqueue_dma source(%dma_start3A_17 : memref<20x512xi32, #tpu.memory_space<hbm>>) target(%arg10 : memref<20x512xi32, #tpu.memory_space<vmem>>) target_semaphore(%arg16 : memref<!tpu.dma_semaphore, #tpu.memory_space<semaphore_mem>>)
    %dma_start3A_18 = arith.constant 0 : i32
    %dma_start3A_19 = arith.constant 0 : i32
    %dma_start3A_20 = tpu.memref_slice %arg3[%add3A, %dma_start3A_18, %dma_start3A_19] : memref<32x20x512xi32, #tpu.memory_space<hbm>> -> memref<1x20x512xi32, #tpu.memory_space<hbm>>
    %dma_start3A_21 = tpu.memref_squeeze %dma_start3A_20 : memref<1x20x512xi32, #tpu.memory_space<hbm>> -> memref<20x512xi32, #tpu.memory_space<hbm>>
    %dma_start3A_22 = arith.constant 0 : i32
    %dma_start3A_23 = arith.constant 0 : i32
    %dma_start3A_24 = tpu.memref_slice %arg3[%add3A, %dma_start3A_22, %dma_start3A_23] : memref<32x20x512xi32, #tpu.memory_space<hbm>> -> memref<1x20x512xi32, #tpu.memory_space<hbm>>
    %dma_start3A_25 = tpu.memref_squeeze %dma_start3A_24 : memref<1x20x512xi32, #tpu.memory_space<hbm>> -> memref<20x512xi32, #tpu.memory_space<hbm>>
    tpu.enqueue_dma source(%dma_start3A_25 : memref<20x512xi32, #tpu.memory_space<hbm>>) target(%arg11 : memref<20x512xi32, #tpu.memory_space<vmem>>) target_semaphore(%arg16 : memref<!tpu.dma_semaphore, #tpu.memory_space<semaphore_mem>>)
    tpu.wait_dma2 semaphore(%arg15 : memref<!tpu.dma_semaphore, #tpu.memory_space<semaphore_mem>>) src(%arg4 : memref<512x16xf32, #tpu.memory_space<hbm>>) dst(%arg12 : memref<512x16xf32, #tpu.memory_space<vmem>>)
    %dma_wait3A = arith.constant 0 : i32
    %dma_wait3A_26 = tpu.memref_slice %arg13[%multiple_of3A, %dma_wait3A] : memref<10112x16xf32, #tpu.memory_space<vmem_shared>> -> memref<632x16xf32, #tpu.memory_space<vmem_shared>>
    %dma_wait3A_27 = arith.constant 0 : i32
    %dma_wait3A_28 = tpu.memref_slice %arg5[%multiple_of3A, %dma_wait3A_27] : memref<10112x16xf32, #tpu.memory_space<hbm>> -> memref<632x16xf32, #tpu.memory_space<hbm>>
    tpu.wait_dma2 semaphore(%arg15 : memref<!tpu.dma_semaphore, #tpu.memory_space<semaphore_mem>>) src(%dma_wait3A_28 : memref<632x16xf32, #tpu.memory_space<hbm>>) dst(%dma_wait3A_26 : memref<632x16xf32, #tpu.memory_space<vmem_shared>>)
    %dma_wait3A_29 = arith.constant 0 : i32
    %dma_wait3A_30 = tpu.memref_slice %arg14[%multiple_of3A, %dma_wait3A_29] : memref<10112x16xf32, #tpu.memory_space<vmem_shared>> -> memref<632x16xf32, #tpu.memory_space<vmem_shared>>
    %dma_wait3A_31 = arith.constant 0 : i32
    %dma_wait3A_32 = tpu.memref_slice %arg5[%multiple_of3A, %dma_wait3A_31] : memref<10112x16xf32, #tpu.memory_space<hbm>> -> memref<632x16xf32, #tpu.memory_space<hbm>>
    tpu.wait_dma2 semaphore(%arg15 : memref<!tpu.dma_semaphore, #tpu.memory_space<semaphore_mem>>) src(%dma_wait3A_32 : memref<632x16xf32, #tpu.memory_space<hbm>>) dst(%dma_wait3A_30 : memref<632x16xf32, #tpu.memory_space<vmem_shared>>)
    %dma_wait3A_33 = arith.constant 0 : i32
    %dma_wait3A_34 = arith.constant 0 : i32
    %dma_wait3A_35 = tpu.memref_slice %arg2[%add3A, %dma_wait3A_33, %dma_wait3A_34] : memref<32x20x512xi32, #tpu.memory_space<hbm>> -> memref<1x20x512xi32, #tpu.memory_space<hbm>>
    %dma_wait3A_36 = tpu.memref_squeeze %dma_wait3A_35 : memref<1x20x512xi32, #tpu.memory_space<hbm>> -> memref<20x512xi32, #tpu.memory_space<hbm>>
    %dma_wait3A_37 = arith.constant 0 : i32
    %dma_wait3A_38 = arith.constant 0 : i32
    %dma_wait3A_39 = tpu.memref_slice %arg2[%add3A, %dma_wait3A_37, %dma_wait3A_38] : memref<32x20x512xi32, #tpu.memory_space<hbm>> -> memref<1x20x512xi32, #tpu.memory_space<hbm>>
    %dma_wait3A_40 = tpu.memref_squeeze %dma_wait3A_39 : memref<1x20x512xi32, #tpu.memory_space<hbm>> -> memref<20x512xi32, #tpu.memory_space<hbm>>
    tpu.wait_dma2 semaphore(%arg16 : memref<!tpu.dma_semaphore, #tpu.memory_space<semaphore_mem>>) src(%dma_wait3A_40 : memref<20x512xi32, #tpu.memory_space<hbm>>) dst(%arg10 : memref<20x512xi32, #tpu.memory_space<vmem>>)
    %dma_wait3A_41 = arith.constant 0 : i32
    %dma_wait3A_42 = arith.constant 0 : i32
    %dma_wait3A_43 = tpu.memref_slice %arg3[%add3A, %dma_wait3A_41, %dma_wait3A_42] : memref<32x20x512xi32, #tpu.memory_space<hbm>> -> memref<1x20x512xi32, #tpu.memory_space<hbm>>
    %dma_wait3A_44 = tpu.memref_squeeze %dma_wait3A_43 : memref<1x20x512xi32, #tpu.memory_space<hbm>> -> memref<20x512xi32, #tpu.memory_space<hbm>>
    %dma_wait3A_45 = arith.constant 0 : i32
    %dma_wait3A_46 = arith.constant 0 : i32
    %dma_wait3A_47 = tpu.memref_slice %arg3[%add3A, %dma_wait3A_45, %dma_wait3A_46] : memref<32x20x512xi32, #tpu.memory_space<hbm>> -> memref<1x20x512xi32, #tpu.memory_space<hbm>>
    %dma_wait3A_48 = tpu.memref_squeeze %dma_wait3A_47 : memref<1x20x512xi32, #tpu.memory_space<hbm>> -> memref<20x512xi32, #tpu.memory_space<hbm>>
    tpu.wait_dma2 semaphore(%arg16 : memref<!tpu.dma_semaphore, #tpu.memory_space<semaphore_mem>>) src(%dma_wait3A_48 : memref<20x512xi32, #tpu.memory_space<hbm>>) dst(%arg11 : memref<20x512xi32, #tpu.memory_space<vmem>>)
    %barrier3A = arith.constant 0 : index
    tpu.barrier barrier_id(%barrier3A)
    %scan3A = arith.constant 0 : i32
    %scan3A_49 = arith.constant 0 : i32
    %scan3A_50 = arith.constant 20 : i32
    %scan3A_51 = arith.addi %scan3A_49, %scan3A_50 : i32
    %scan3A_52 = arith.constant 1 : i32
    scf.for %scan3A_118 = %scan3A_49 to %scan3A_51 step %scan3A_52  : i32 {
      %ge3A = arith.constant 4 : i32
      %ge3A_119 = arith.cmpi sge, %scan3A_118, %ge3A : i32
      %convert_element_type3A_120 = arith.extui %ge3A_119 : i1 to i32
      %cond3A_121 = arith.constant 0 : i32
      %cond3A_122 = arith.cmpi ne, %convert_element_type3A_120, %cond3A_121 : i32
      scf.if %cond3A_122 {
        %dma_wait3A_135 = arith.constant 0 : i32
        %dma_wait3A_136 = tpu.memref_slice %arg10[%scan3A_118, %dma_wait3A_135] : memref<20x512xi32, #tpu.memory_space<vmem>> -> memref<1x512xi32, #tpu.memory_space<vmem>>
        %dma_wait3A_137 = tpu.memref_squeeze %dma_wait3A_136 : memref<1x512xi32, #tpu.memory_space<vmem>> -> memref<512xi32, #tpu.memory_space<vmem>>
        %dma_wait3A_138 = arith.constant 0 : i32
        %dma_wait3A_139 = arith.constant 0 : i32
        %dma_wait3A_140 = tpu.memref_slice %arg13[%dma_wait3A_138, %dma_wait3A_139] : memref<10112x16xf32, #tpu.memory_space<vmem_shared>> -> memref<10112x16xf32, #tpu.memory_space<vmem_shared>>
        tpu.wait_indirect_dma semaphore(%arg15 : memref<!tpu.dma_semaphore, #tpu.memory_space<semaphore_mem>>) src(%arg12 : memref<512x16xf32, #tpu.memory_space<vmem>>) dst(%dma_wait3A_140 : memref<10112x16xf32, #tpu.memory_space<vmem_shared>>)
        %dma_wait3A_141 = arith.constant 0 : i32
        %dma_wait3A_142 = tpu.memref_slice %arg11[%scan3A_118, %dma_wait3A_141] : memref<20x512xi32, #tpu.memory_space<vmem>> -> memref<1x512xi32, #tpu.memory_space<vmem>>
        %dma_wait3A_143 = tpu.memref_squeeze %dma_wait3A_142 : memref<1x512xi32, #tpu.memory_space<vmem>> -> memref<512xi32, #tpu.memory_space<vmem>>
        %dma_wait3A_144 = arith.constant 0 : i32
        %dma_wait3A_145 = arith.constant 0 : i32
        %dma_wait3A_146 = tpu.memref_slice %arg14[%dma_wait3A_144, %dma_wait3A_145] : memref<10112x16xf32, #tpu.memory_space<vmem_shared>> -> memref<10112x16xf32, #tpu.memory_space<vmem_shared>>
        tpu.wait_indirect_dma semaphore(%arg16 : memref<!tpu.dma_semaphore, #tpu.memory_space<semaphore_mem>>) src(%arg12 : memref<512x16xf32, #tpu.memory_space<vmem>>) dst(%dma_wait3A_146 : memref<10112x16xf32, #tpu.memory_space<vmem_shared>>)
      } else {
      }
      %dma_start3A_123 = arith.constant 0 : i32
      %dma_start3A_124 = tpu.memref_slice %arg10[%scan3A_118, %dma_start3A_123] : memref<20x512xi32, #tpu.memory_space<vmem>> -> memref<1x512xi32, #tpu.memory_space<vmem>>
      %dma_start3A_125 = tpu.memref_squeeze %dma_start3A_124 : memref<1x512xi32, #tpu.memory_space<vmem>> -> memref<512xi32, #tpu.memory_space<vmem>>
      %dma_start3A_126 = arith.constant 0 : i32
      %dma_start3A_127 = arith.constant 0 : i32
      %dma_start3A_128 = tpu.memref_slice %arg13[%dma_start3A_126, %dma_start3A_127] : memref<10112x16xf32, #tpu.memory_space<vmem_shared>> -> memref<10112x16xf32, #tpu.memory_space<vmem_shared>>
      tpu.enqueue_indirect_dma source(%arg12 : memref<512x16xf32, #tpu.memory_space<vmem>>) target(%dma_start3A_128 : memref<10112x16xf32, #tpu.memory_space<vmem_shared>>) offsets(%dma_start3A_125 : memref<512xi32, #tpu.memory_space<vmem>>) semaphore(%arg15 : memref<!tpu.dma_semaphore, #tpu.memory_space<semaphore_mem>>) {add = true}
      %dma_start3A_129 = arith.constant 0 : i32
      %dma_start3A_130 = tpu.memref_slice %arg11[%scan3A_118, %dma_start3A_129] : memref<20x512xi32, #tpu.memory_space<vmem>> -> memref<1x512xi32, #tpu.memory_space<vmem>>
      %dma_start3A_131 = tpu.memref_squeeze %dma_start3A_130 : memref<1x512xi32, #tpu.memory_space<vmem>> -> memref<512xi32, #tpu.memory_space<vmem>>
      %dma_start3A_132 = arith.constant 0 : i32
      %dma_start3A_133 = arith.constant 0 : i32
      %dma_start3A_134 = tpu.memref_slice %arg14[%dma_start3A_132, %dma_start3A_133] : memref<10112x16xf32, #tpu.memory_space<vmem_shared>> -> memref<10112x16xf32, #tpu.memory_space<vmem_shared>>
      tpu.enqueue_indirect_dma source(%arg12 : memref<512x16xf32, #tpu.memory_space<vmem>>) target(%dma_start3A_134 : memref<10112x16xf32, #tpu.memory_space<vmem_shared>>) offsets(%dma_start3A_131 : memref<512xi32, #tpu.memory_space<vmem>>) semaphore(%arg16 : memref<!tpu.dma_semaphore, #tpu.memory_space<semaphore_mem>>) {add = true}
    }
    %scan3A_53 = arith.constant 20 : i32
    %dma_wait3A_54 = arith.constant 0 : i32
    %dma_wait3A_55 = arith.constant 0 : i32
    %dma_wait3A_56 = tpu.memref_slice %arg10[%dma_wait3A_54, %dma_wait3A_55] : memref<20x512xi32, #tpu.memory_space<vmem>> -> memref<1x512xi32, #tpu.memory_space<vmem>>
    %dma_wait3A_57 = tpu.memref_squeeze %dma_wait3A_56 : memref<1x512xi32, #tpu.memory_space<vmem>> -> memref<512xi32, #tpu.memory_space<vmem>>
    %dma_wait3A_58 = arith.constant 0 : i32
    %dma_wait3A_59 = arith.constant 0 : i32
    %dma_wait3A_60 = tpu.memref_slice %arg13[%dma_wait3A_58, %dma_wait3A_59] : memref<10112x16xf32, #tpu.memory_space<vmem_shared>> -> memref<10112x16xf32, #tpu.memory_space<vmem_shared>>
    tpu.wait_indirect_dma semaphore(%arg15 : memref<!tpu.dma_semaphore, #tpu.memory_space<semaphore_mem>>) src(%arg12 : memref<512x16xf32, #tpu.memory_space<vmem>>) dst(%dma_wait3A_60 : memref<10112x16xf32, #tpu.memory_space<vmem_shared>>)
    %dma_wait3A_61 = arith.constant 0 : i32
    %dma_wait3A_62 = arith.constant 0 : i32
    %dma_wait3A_63 = tpu.memref_slice %arg11[%dma_wait3A_61, %dma_wait3A_62] : memref<20x512xi32, #tpu.memory_space<vmem>> -> memref<1x512xi32, #tpu.memory_space<vmem>>
    %dma_wait3A_64 = tpu.memref_squeeze %dma_wait3A_63 : memref<1x512xi32, #tpu.memory_space<vmem>> -> memref<512xi32, #tpu.memory_space<vmem>>
    %dma_wait3A_65 = arith.constant 0 : i32
    %dma_wait3A_66 = arith.constant 0 : i32
    %dma_wait3A_67 = tpu.memref_slice %arg14[%dma_wait3A_65, %dma_wait3A_66] : memref<10112x16xf32, #tpu.memory_space<vmem_shared>> -> memref<10112x16xf32, #tpu.memory_space<vmem_shared>>
    tpu.wait_indirect_dma semaphore(%arg16 : memref<!tpu.dma_semaphore, #tpu.memory_space<semaphore_mem>>) src(%arg12 : memref<512x16xf32, #tpu.memory_space<vmem>>) dst(%dma_wait3A_67 : memref<10112x16xf32, #tpu.memory_space<vmem_shared>>)
    %dma_wait3A_68 = arith.constant 0 : i32
    %dma_wait3A_69 = arith.constant 0 : i32
    %dma_wait3A_70 = tpu.memref_slice %arg10[%dma_wait3A_68, %dma_wait3A_69] : memref<20x512xi32, #tpu.memory_space<vmem>> -> memref<1x512xi32, #tpu.memory_space<vmem>>
    %dma_wait3A_71 = tpu.memref_squeeze %dma_wait3A_70 : memref<1x512xi32, #tpu.memory_space<vmem>> -> memref<512xi32, #tpu.memory_space<vmem>>
    %dma_wait3A_72 = arith.constant 0 : i32
    %dma_wait3A_73 = arith.constant 0 : i32
    %dma_wait3A_74 = tpu.memref_slice %arg13[%dma_wait3A_72, %dma_wait3A_73] : memref<10112x16xf32, #tpu.memory_space<vmem_shared>> -> memref<10112x16xf32, #tpu.memory_space<vmem_shared>>
    tpu.wait_indirect_dma semaphore(%arg15 : memref<!tpu.dma_semaphore, #tpu.memory_space<semaphore_mem>>) src(%arg12 : memref<512x16xf32, #tpu.memory_space<vmem>>) dst(%dma_wait3A_74 : memref<10112x16xf32, #tpu.memory_space<vmem_shared>>)
    %dma_wait3A_75 = arith.constant 0 : i32
    %dma_wait3A_76 = arith.constant 0 : i32
    %dma_wait3A_77 = tpu.memref_slice %arg11[%dma_wait3A_75, %dma_wait3A_76] : memref<20x512xi32, #tpu.memory_space<vmem>> -> memref<1x512xi32, #tpu.memory_space<vmem>>
    %dma_wait3A_78 = tpu.memref_squeeze %dma_wait3A_77 : memref<1x512xi32, #tpu.memory_space<vmem>> -> memref<512xi32, #tpu.memory_space<vmem>>
    %dma_wait3A_79 = arith.constant 0 : i32
    %dma_wait3A_80 = arith.constant 0 : i32
    %dma_wait3A_81 = tpu.memref_slice %arg14[%dma_wait3A_79, %dma_wait3A_80] : memref<10112x16xf32, #tpu.memory_space<vmem_shared>> -> memref<10112x16xf32, #tpu.memory_space<vmem_shared>>
    tpu.wait_indirect_dma semaphore(%arg16 : memref<!tpu.dma_semaphore, #tpu.memory_space<semaphore_mem>>) src(%arg12 : memref<512x16xf32, #tpu.memory_space<vmem>>) dst(%dma_wait3A_81 : memref<10112x16xf32, #tpu.memory_space<vmem_shared>>)
    %dma_wait3A_82 = arith.constant 0 : i32
    %dma_wait3A_83 = arith.constant 0 : i32
    %dma_wait3A_84 = tpu.memref_slice %arg10[%dma_wait3A_82, %dma_wait3A_83] : memref<20x512xi32, #tpu.memory_space<vmem>> -> memref<1x512xi32, #tpu.memory_space<vmem>>
    %dma_wait3A_85 = tpu.memref_squeeze %dma_wait3A_84 : memref<1x512xi32, #tpu.memory_space<vmem>> -> memref<512xi32, #tpu.memory_space<vmem>>
    %dma_wait3A_86 = arith.constant 0 : i32
    %dma_wait3A_87 = arith.constant 0 : i32
    %dma_wait3A_88 = tpu.memref_slice %arg13[%dma_wait3A_86, %dma_wait3A_87] : memref<10112x16xf32, #tpu.memory_space<vmem_shared>> -> memref<10112x16xf32, #tpu.memory_space<vmem_shared>>
    tpu.wait_indirect_dma semaphore(%arg15 : memref<!tpu.dma_semaphore, #tpu.memory_space<semaphore_mem>>) src(%arg12 : memref<512x16xf32, #tpu.memory_space<vmem>>) dst(%dma_wait3A_88 : memref<10112x16xf32, #tpu.memory_space<vmem_shared>>)
    %dma_wait3A_89 = arith.constant 0 : i32
    %dma_wait3A_90 = arith.constant 0 : i32
    %dma_wait3A_91 = tpu.memref_slice %arg11[%dma_wait3A_89, %dma_wait3A_90] : memref<20x512xi32, #tpu.memory_space<vmem>> -> memref<1x512xi32, #tpu.memory_space<vmem>>
    %dma_wait3A_92 = tpu.memref_squeeze %dma_wait3A_91 : memref<1x512xi32, #tpu.memory_space<vmem>> -> memref<512xi32, #tpu.memory_space<vmem>>
    %dma_wait3A_93 = arith.constant 0 : i32
    %dma_wait3A_94 = arith.constant 0 : i32
    %dma_wait3A_95 = tpu.memref_slice %arg14[%dma_wait3A_93, %dma_wait3A_94] : memref<10112x16xf32, #tpu.memory_space<vmem_shared>> -> memref<10112x16xf32, #tpu.memory_space<vmem_shared>>
    tpu.wait_indirect_dma semaphore(%arg16 : memref<!tpu.dma_semaphore, #tpu.memory_space<semaphore_mem>>) src(%arg12 : memref<512x16xf32, #tpu.memory_space<vmem>>) dst(%dma_wait3A_95 : memref<10112x16xf32, #tpu.memory_space<vmem_shared>>)
    %dma_wait3A_96 = arith.constant 0 : i32
    %dma_wait3A_97 = arith.constant 0 : i32
    %dma_wait3A_98 = tpu.memref_slice %arg10[%dma_wait3A_96, %dma_wait3A_97] : memref<20x512xi32, #tpu.memory_space<vmem>> -> memref<1x512xi32, #tpu.memory_space<vmem>>
    %dma_wait3A_99 = tpu.memref_squeeze %dma_wait3A_98 : memref<1x512xi32, #tpu.memory_space<vmem>> -> memref<512xi32, #tpu.memory_space<vmem>>
    %dma_wait3A_100 = arith.constant 0 : i32
    %dma_wait3A_101 = arith.constant 0 : i32
    %dma_wait3A_102 = tpu.memref_slice %arg13[%dma_wait3A_100, %dma_wait3A_101] : memref<10112x16xf32, #tpu.memory_space<vmem_shared>> -> memref<10112x16xf32, #tpu.memory_space<vmem_shared>>
    tpu.wait_indirect_dma semaphore(%arg15 : memref<!tpu.dma_semaphore, #tpu.memory_space<semaphore_mem>>) src(%arg12 : memref<512x16xf32, #tpu.memory_space<vmem>>) dst(%dma_wait3A_102 : memref<10112x16xf32, #tpu.memory_space<vmem_shared>>)
    %dma_wait3A_103 = arith.constant 0 : i32
    %dma_wait3A_104 = arith.constant 0 : i32
    %dma_wait3A_105 = tpu.memref_slice %arg11[%dma_wait3A_103, %dma_wait3A_104] : memref<20x512xi32, #tpu.memory_space<vmem>> -> memref<1x512xi32, #tpu.memory_space<vmem>>
    %dma_wait3A_106 = tpu.memref_squeeze %dma_wait3A_105 : memref<1x512xi32, #tpu.memory_space<vmem>> -> memref<512xi32, #tpu.memory_space<vmem>>
    %dma_wait3A_107 = arith.constant 0 : i32
    %dma_wait3A_108 = arith.constant 0 : i32
    %dma_wait3A_109 = tpu.memref_slice %arg14[%dma_wait3A_107, %dma_wait3A_108] : memref<10112x16xf32, #tpu.memory_space<vmem_shared>> -> memref<10112x16xf32, #tpu.memory_space<vmem_shared>>
    tpu.wait_indirect_dma semaphore(%arg16 : memref<!tpu.dma_semaphore, #tpu.memory_space<semaphore_mem>>) src(%arg12 : memref<512x16xf32, #tpu.memory_space<vmem>>) dst(%dma_wait3A_109 : memref<10112x16xf32, #tpu.memory_space<vmem_shared>>)
    %barrier3A_110 = arith.constant 0 : index
    tpu.barrier barrier_id(%barrier3A_110)
    %eq3A = arith.constant 0 : i32
    %eq3A_111 = arith.cmpi eq, %arg0, %eq3A : i32
    %convert_element_type3A = arith.extui %eq3A_111 : i1 to i32
    %cond3A = arith.constant 0 : i32
    %cond3A_112 = arith.cmpi ne, %convert_element_type3A, %cond3A : i32
    scf.if %cond3A_112 {
      "tpu.region"() ({
        %run_scoped3A = tpu.sem_alloc : memref<!tpu.dma_semaphore, #tpu.memory_space<semaphore_mem>>
        %dma_start3A_118 = arith.constant 0 : i32
        %dma_start3A_119 = tpu.memref_slice %arg6[%multiple_of3A, %dma_start3A_118] : memref<10112x16xf32, #tpu.memory_space<hbm>> -> memref<632x16xf32, #tpu.memory_space<hbm>>
        %dma_start3A_120 = arith.constant 0 : i32
        %dma_start3A_121 = tpu.memref_slice %arg13[%multiple_of3A, %dma_start3A_120] : memref<10112x16xf32, #tpu.memory_space<vmem_shared>> -> memref<632x16xf32, #tpu.memory_space<vmem_shared>>
        tpu.enqueue_dma source(%dma_start3A_121 : memref<632x16xf32, #tpu.memory_space<vmem_shared>>) target(%dma_start3A_119 : memref<632x16xf32, #tpu.memory_space<hbm>>) target_semaphore(%run_scoped3A : memref<!tpu.dma_semaphore, #tpu.memory_space<semaphore_mem>>)
        %dma_wait3A_122 = arith.constant 0 : i32
        %dma_wait3A_123 = tpu.memref_slice %arg6[%multiple_of3A, %dma_wait3A_122] : memref<10112x16xf32, #tpu.memory_space<hbm>> -> memref<632x16xf32, #tpu.memory_space<hbm>>
        %dma_wait3A_124 = arith.constant 0 : i32
        %dma_wait3A_125 = tpu.memref_slice %arg13[%multiple_of3A, %dma_wait3A_124] : memref<10112x16xf32, #tpu.memory_space<vmem_shared>> -> memref<632x16xf32, #tpu.memory_space<vmem_shared>>
        tpu.wait_dma2 semaphore(%run_scoped3A : memref<!tpu.dma_semaphore, #tpu.memory_space<semaphore_mem>>) src(%dma_wait3A_125 : memref<632x16xf32, #tpu.memory_space<vmem_shared>>) dst(%dma_wait3A_123 : memref<632x16xf32, #tpu.memory_space<hbm>>)
        tpu.yield
      }) : () -> ()
      "tpu.region"() ({
        %run_scoped3A = tpu.sem_alloc : memref<!tpu.dma_semaphore, #tpu.memory_space<semaphore_mem>>
        %dma_start3A_118 = arith.constant 0 : i32
        %dma_start3A_119 = tpu.memref_slice %arg8[%multiple_of3A, %dma_start3A_118] : memref<10112x16xf32, #tpu.memory_space<hbm>> -> memref<632x16xf32, #tpu.memory_space<hbm>>
        %dma_start3A_120 = arith.constant 0 : i32
        %dma_start3A_121 = tpu.memref_slice %arg14[%multiple_of3A, %dma_start3A_120] : memref<10112x16xf32, #tpu.memory_space<vmem_shared>> -> memref<632x16xf32, #tpu.memory_space<vmem_shared>>
        tpu.enqueue_dma source(%dma_start3A_121 : memref<632x16xf32, #tpu.memory_space<vmem_shared>>) target(%dma_start3A_119 : memref<632x16xf32, #tpu.memory_space<hbm>>) target_semaphore(%run_scoped3A : memref<!tpu.dma_semaphore, #tpu.memory_space<semaphore_mem>>)
        %dma_wait3A_122 = arith.constant 0 : i32
        %dma_wait3A_123 = tpu.memref_slice %arg8[%multiple_of3A, %dma_wait3A_122] : memref<10112x16xf32, #tpu.memory_space<hbm>> -> memref<632x16xf32, #tpu.memory_space<hbm>>
        %dma_wait3A_124 = arith.constant 0 : i32
        %dma_wait3A_125 = tpu.memref_slice %arg14[%multiple_of3A, %dma_wait3A_124] : memref<10112x16xf32, #tpu.memory_space<vmem_shared>> -> memref<632x16xf32, #tpu.memory_space<vmem_shared>>
        tpu.wait_dma2 semaphore(%run_scoped3A : memref<!tpu.dma_semaphore, #tpu.memory_space<semaphore_mem>>) src(%dma_wait3A_125 : memref<632x16xf32, #tpu.memory_space<vmem_shared>>) dst(%dma_wait3A_123 : memref<632x16xf32, #tpu.memory_space<hbm>>)
        tpu.yield
      }) : () -> ()
    } else {
    }
    %eq3A_113 = arith.constant 1 : i32
    %eq3A_114 = arith.cmpi eq, %arg0, %eq3A_113 : i32
    %convert_element_type3A_115 = arith.extui %eq3A_114 : i1 to i32
    %cond3A_116 = arith.constant 0 : i32
    %cond3A_117 = arith.cmpi ne, %convert_element_type3A_115, %cond3A_116 : i32
    scf.if %cond3A_117 {
      "tpu.region"() ({
        %run_scoped3A = tpu.sem_alloc : memref<!tpu.dma_semaphore, #tpu.memory_space<semaphore_mem>>
        %dma_start3A_118 = arith.constant 0 : i32
        %dma_start3A_119 = tpu.memref_slice %arg7[%multiple_of3A, %dma_start3A_118] : memref<10112x16xf32, #tpu.memory_space<hbm>> -> memref<632x16xf32, #tpu.memory_space<hbm>>
        %dma_start3A_120 = arith.constant 0 : i32
        %dma_start3A_121 = tpu.memref_slice %arg13[%multiple_of3A, %dma_start3A_120] : memref<10112x16xf32, #tpu.memory_space<vmem_shared>> -> memref<632x16xf32, #tpu.memory_space<vmem_shared>>
        tpu.enqueue_dma source(%dma_start3A_121 : memref<632x16xf32, #tpu.memory_space<vmem_shared>>) target(%dma_start3A_119 : memref<632x16xf32, #tpu.memory_space<hbm>>) target_semaphore(%run_scoped3A : memref<!tpu.dma_semaphore, #tpu.memory_space<semaphore_mem>>)
        %dma_wait3A_122 = arith.constant 0 : i32
        %dma_wait3A_123 = tpu.memref_slice %arg7[%multiple_of3A, %dma_wait3A_122] : memref<10112x16xf32, #tpu.memory_space<hbm>> -> memref<632x16xf32, #tpu.memory_space<hbm>>
        %dma_wait3A_124 = arith.constant 0 : i32
        %dma_wait3A_125 = tpu.memref_slice %arg13[%multiple_of3A, %dma_wait3A_124] : memref<10112x16xf32, #tpu.memory_space<vmem_shared>> -> memref<632x16xf32, #tpu.memory_space<vmem_shared>>
        tpu.wait_dma2 semaphore(%run_scoped3A : memref<!tpu.dma_semaphore, #tpu.memory_space<semaphore_mem>>) src(%dma_wait3A_125 : memref<632x16xf32, #tpu.memory_space<vmem_shared>>) dst(%dma_wait3A_123 : memref<632x16xf32, #tpu.memory_space<hbm>>)
        tpu.yield
      }) : () -> ()
      "tpu.region"() ({
        %run_scoped3A = tpu.sem_alloc : memref<!tpu.dma_semaphore, #tpu.memory_space<semaphore_mem>>
        %dma_start3A_118 = arith.constant 0 : i32
        %dma_start3A_119 = tpu.memref_slice %arg9[%multiple_of3A, %dma_start3A_118] : memref<10112x16xf32, #tpu.memory_space<hbm>> -> memref<632x16xf32, #tpu.memory_space<hbm>>
        %dma_start3A_120 = arith.constant 0 : i32
        %dma_start3A_121 = tpu.memref_slice %arg14[%multiple_of3A, %dma_start3A_120] : memref<10112x16xf32, #tpu.memory_space<vmem_shared>> -> memref<632x16xf32, #tpu.memory_space<vmem_shared>>
        tpu.enqueue_dma source(%dma_start3A_121 : memref<632x16xf32, #tpu.memory_space<vmem_shared>>) target(%dma_start3A_119 : memref<632x16xf32, #tpu.memory_space<hbm>>) target_semaphore(%run_scoped3A : memref<!tpu.dma_semaphore, #tpu.memory_space<semaphore_mem>>)
        %dma_wait3A_122 = arith.constant 0 : i32
        %dma_wait3A_123 = tpu.memref_slice %arg9[%multiple_of3A, %dma_wait3A_122] : memref<10112x16xf32, #tpu.memory_space<hbm>> -> memref<632x16xf32, #tpu.memory_space<hbm>>
        %dma_wait3A_124 = arith.constant 0 : i32
        %dma_wait3A_125 = tpu.memref_slice %arg14[%multiple_of3A, %dma_wait3A_124] : memref<10112x16xf32, #tpu.memory_space<vmem_shared>> -> memref<632x16xf32, #tpu.memory_space<vmem_shared>>
        tpu.wait_dma2 semaphore(%run_scoped3A : memref<!tpu.dma_semaphore, #tpu.memory_space<semaphore_mem>>) src(%dma_wait3A_125 : memref<632x16xf32, #tpu.memory_space<vmem_shared>>) dst(%dma_wait3A_123 : memref<632x16xf32, #tpu.memory_space<hbm>>)
        tpu.yield
      }) : () -> ()
    } else {
    }
    return
  }
}

#map = affine_map<(d0, d1) -> (0, 0)>
#map1 = affine_map<(d0, d1) -> (0, 0, 0)>
module attributes {stable_mosaic.version = 14 : i64} {
  func.func @_edge_scatter(%arg0: i32, %arg1: i32, %arg2: memref<10112x16xf32, #tpu.memory_space<hbm>>, %arg3: memref<10112x16xf32, #tpu.memory_space<hbm>>, %arg4: memref<32x20x512xi32, #tpu.memory_space<hbm>>, %arg5: memref<32x20x512xi32, #tpu.memory_space<hbm>>, %arg6: memref<10112x16xf32, #tpu.memory_space<hbm>>, %arg7: memref<10112x16xf32, #tpu.memory_space<hbm>>, %arg8: memref<20x512xi32, #tpu.memory_space<vmem>>, %arg9: memref<20x512xi32, #tpu.memory_space<vmem>>, %arg10: memref<512x16xf32, #tpu.memory_space<vmem>>, %arg11: memref<512x16xf32, #tpu.memory_space<vmem>>, %arg12: memref<512x16xf32, #tpu.memory_space<vmem>>, %arg13: memref<512x16xf32, #tpu.memory_space<vmem>>, %arg14: memref<10112x16xf32, #tpu.memory_space<vmem_shared>>, %arg15: memref<10112x16xf32, #tpu.memory_space<vmem_shared>>, %arg16: memref<!tpu.dma_semaphore, #tpu.memory_space<semaphore_mem>>, %arg17: memref<!tpu.dma_semaphore, #tpu.memory_space<semaphore_mem>>, %arg18: memref<!tpu.dma_semaphore, #tpu.memory_space<semaphore_mem>>, %arg19: memref<!tpu.dma_semaphore, #tpu.memory_space<semaphore_mem>>, %arg20: memref<!tpu.dma_semaphore, #tpu.memory_space<semaphore_mem>>, %arg21: memref<!tpu.dma_semaphore, #tpu.memory_space<semaphore_mem>>, %arg22: memref<!tpu.dma_semaphore, #tpu.memory_space<semaphore_mem>>, %arg23: memref<!tpu.dma_semaphore, #tpu.memory_space<semaphore_mem>>) attributes {dimension_semantics = [#tpu.dimension_semantics<core_parallel>, #tpu.dimension_semantics<subcore_parallel>], iteration_bounds = array<i64: 2, 16>, scalar_prefetch = 0 : i64, scratch_operands = 16 : i64, tpu.core_type = #tpu.core_type<sc_vector_subcore>, window_params = [{transform_indices = #map}, {transform_indices = #map}, {transform_indices = #map1}, {transform_indices = #map1}, {transform_indices = #map}, {transform_indices = #map}]} {
    %mul3A = arith.constant 16 : i32
    %mul3A_0 = arith.muli %arg0, %mul3A : i32
    %add3A = arith.addi %mul3A_0, %arg1 : i32
    %mul3A_1 = arith.constant 632 : i32
    %mul3A_2 = arith.muli %arg1, %mul3A_1 : i32
    %multiple_of3A = tpu.assume_multiple %mul3A_2, 8 : i32
    %dma_start3A = arith.constant 0 : i32
    %dma_start3A_3 = tpu.memref_slice %arg14[%multiple_of3A, %dma_start3A] : memref<10112x16xf32, #tpu.memory_space<vmem_shared>> -> memref<632x16xf32, #tpu.memory_space<vmem_shared>>
    %dma_start3A_4 = arith.constant 0 : i32
    %dma_start3A_5 = tpu.memref_slice %arg2[%multiple_of3A, %dma_start3A_4] : memref<10112x16xf32, #tpu.memory_space<hbm>> -> memref<632x16xf32, #tpu.memory_space<hbm>>
    tpu.enqueue_dma source(%dma_start3A_5 : memref<632x16xf32, #tpu.memory_space<hbm>>) target(%dma_start3A_3 : memref<632x16xf32, #tpu.memory_space<vmem_shared>>) target_semaphore(%arg20 : memref<!tpu.dma_semaphore, #tpu.memory_space<semaphore_mem>>)
    %eq3A = arith.constant 0 : i32
    %eq3A_6 = arith.cmpi eq, %arg0, %eq3A : i32
    %convert_element_type3A = arith.extui %eq3A_6 : i1 to i32
    %cond3A = arith.constant 0 : i32
    %cond3A_7 = arith.cmpi ne, %convert_element_type3A, %cond3A : i32
    scf.if %cond3A_7 {
      %dma_start3A_96 = arith.constant 0 : i32
      %dma_start3A_97 = tpu.memref_slice %arg15[%multiple_of3A, %dma_start3A_96] : memref<10112x16xf32, #tpu.memory_space<vmem_shared>> -> memref<632x16xf32, #tpu.memory_space<vmem_shared>>
      %dma_start3A_98 = arith.constant 0 : i32
      %dma_start3A_99 = tpu.memref_slice %arg2[%multiple_of3A, %dma_start3A_98] : memref<10112x16xf32, #tpu.memory_space<hbm>> -> memref<632x16xf32, #tpu.memory_space<hbm>>
      tpu.enqueue_dma source(%dma_start3A_99 : memref<632x16xf32, #tpu.memory_space<hbm>>) target(%dma_start3A_97 : memref<632x16xf32, #tpu.memory_space<vmem_shared>>) target_semaphore(%arg21 : memref<!tpu.dma_semaphore, #tpu.memory_space<semaphore_mem>>)
    } else {
    }
    %eq3A_8 = arith.constant 1 : i32
    %eq3A_9 = arith.cmpi eq, %arg0, %eq3A_8 : i32
    %convert_element_type3A_10 = arith.extui %eq3A_9 : i1 to i32
    %cond3A_11 = arith.constant 0 : i32
    %cond3A_12 = arith.cmpi ne, %convert_element_type3A_10, %cond3A_11 : i32
    scf.if %cond3A_12 {
      %dma_start3A_96 = arith.constant 0 : i32
      %dma_start3A_97 = tpu.memref_slice %arg15[%multiple_of3A, %dma_start3A_96] : memref<10112x16xf32, #tpu.memory_space<vmem_shared>> -> memref<632x16xf32, #tpu.memory_space<vmem_shared>>
      %dma_start3A_98 = arith.constant 0 : i32
      %dma_start3A_99 = tpu.memref_slice %arg3[%multiple_of3A, %dma_start3A_98] : memref<10112x16xf32, #tpu.memory_space<hbm>> -> memref<632x16xf32, #tpu.memory_space<hbm>>
      tpu.enqueue_dma source(%dma_start3A_99 : memref<632x16xf32, #tpu.memory_space<hbm>>) target(%dma_start3A_97 : memref<632x16xf32, #tpu.memory_space<vmem_shared>>) target_semaphore(%arg21 : memref<!tpu.dma_semaphore, #tpu.memory_space<semaphore_mem>>)
    } else {
    }
    %dma_start3A_13 = arith.constant 0 : i32
    %dma_start3A_14 = arith.constant 0 : i32
    %dma_start3A_15 = tpu.memref_slice %arg4[%add3A, %dma_start3A_13, %dma_start3A_14] : memref<32x20x512xi32, #tpu.memory_space<hbm>> -> memref<1x20x512xi32, #tpu.memory_space<hbm>>
    %dma_start3A_16 = tpu.memref_squeeze %dma_start3A_15 : memref<1x20x512xi32, #tpu.memory_space<hbm>> -> memref<20x512xi32, #tpu.memory_space<hbm>>
    %dma_start3A_17 = arith.constant 0 : i32
    %dma_start3A_18 = arith.constant 0 : i32
    %dma_start3A_19 = tpu.memref_slice %arg4[%add3A, %dma_start3A_17, %dma_start3A_18] : memref<32x20x512xi32, #tpu.memory_space<hbm>> -> memref<1x20x512xi32, #tpu.memory_space<hbm>>
    %dma_start3A_20 = tpu.memref_squeeze %dma_start3A_19 : memref<1x20x512xi32, #tpu.memory_space<hbm>> -> memref<20x512xi32, #tpu.memory_space<hbm>>
    tpu.enqueue_dma source(%dma_start3A_20 : memref<20x512xi32, #tpu.memory_space<hbm>>) target(%arg8 : memref<20x512xi32, #tpu.memory_space<vmem>>) target_semaphore(%arg22 : memref<!tpu.dma_semaphore, #tpu.memory_space<semaphore_mem>>)
    %dma_start3A_21 = arith.constant 0 : i32
    %dma_start3A_22 = arith.constant 0 : i32
    %dma_start3A_23 = tpu.memref_slice %arg5[%add3A, %dma_start3A_21, %dma_start3A_22] : memref<32x20x512xi32, #tpu.memory_space<hbm>> -> memref<1x20x512xi32, #tpu.memory_space<hbm>>
    %dma_start3A_24 = tpu.memref_squeeze %dma_start3A_23 : memref<1x20x512xi32, #tpu.memory_space<hbm>> -> memref<20x512xi32, #tpu.memory_space<hbm>>
    %dma_start3A_25 = arith.constant 0 : i32
    %dma_start3A_26 = arith.constant 0 : i32
    %dma_start3A_27 = tpu.memref_slice %arg5[%add3A, %dma_start3A_25, %dma_start3A_26] : memref<32x20x512xi32, #tpu.memory_space<hbm>> -> memref<1x20x512xi32, #tpu.memory_space<hbm>>
    %dma_start3A_28 = tpu.memref_squeeze %dma_start3A_27 : memref<1x20x512xi32, #tpu.memory_space<hbm>> -> memref<20x512xi32, #tpu.memory_space<hbm>>
    tpu.enqueue_dma source(%dma_start3A_28 : memref<20x512xi32, #tpu.memory_space<hbm>>) target(%arg9 : memref<20x512xi32, #tpu.memory_space<vmem>>) target_semaphore(%arg23 : memref<!tpu.dma_semaphore, #tpu.memory_space<semaphore_mem>>)
    %dma_wait3A = arith.constant 0 : i32
    %dma_wait3A_29 = tpu.memref_slice %arg14[%multiple_of3A, %dma_wait3A] : memref<10112x16xf32, #tpu.memory_space<vmem_shared>> -> memref<632x16xf32, #tpu.memory_space<vmem_shared>>
    %dma_wait3A_30 = arith.constant 0 : i32
    %dma_wait3A_31 = tpu.memref_slice %arg2[%multiple_of3A, %dma_wait3A_30] : memref<10112x16xf32, #tpu.memory_space<hbm>> -> memref<632x16xf32, #tpu.memory_space<hbm>>
    tpu.wait_dma2 semaphore(%arg20 : memref<!tpu.dma_semaphore, #tpu.memory_space<semaphore_mem>>) src(%dma_wait3A_31 : memref<632x16xf32, #tpu.memory_space<hbm>>) dst(%dma_wait3A_29 : memref<632x16xf32, #tpu.memory_space<vmem_shared>>)
    %dma_wait3A_32 = arith.constant 0 : i32
    %dma_wait3A_33 = tpu.memref_slice %arg15[%multiple_of3A, %dma_wait3A_32] : memref<10112x16xf32, #tpu.memory_space<vmem_shared>> -> memref<632x16xf32, #tpu.memory_space<vmem_shared>>
    %dma_wait3A_34 = arith.constant 0 : i32
    %dma_wait3A_35 = tpu.memref_slice %arg3[%multiple_of3A, %dma_wait3A_34] : memref<10112x16xf32, #tpu.memory_space<hbm>> -> memref<632x16xf32, #tpu.memory_space<hbm>>
    tpu.wait_dma2 semaphore(%arg21 : memref<!tpu.dma_semaphore, #tpu.memory_space<semaphore_mem>>) src(%dma_wait3A_35 : memref<632x16xf32, #tpu.memory_space<hbm>>) dst(%dma_wait3A_33 : memref<632x16xf32, #tpu.memory_space<vmem_shared>>)
    %dma_wait3A_36 = arith.constant 0 : i32
    %dma_wait3A_37 = arith.constant 0 : i32
    %dma_wait3A_38 = tpu.memref_slice %arg4[%add3A, %dma_wait3A_36, %dma_wait3A_37] : memref<32x20x512xi32, #tpu.memory_space<hbm>> -> memref<1x20x512xi32, #tpu.memory_space<hbm>>
    %dma_wait3A_39 = tpu.memref_squeeze %dma_wait3A_38 : memref<1x20x512xi32, #tpu.memory_space<hbm>> -> memref<20x512xi32, #tpu.memory_space<hbm>>
    %dma_wait3A_40 = arith.constant 0 : i32
    %dma_wait3A_41 = arith.constant 0 : i32
    %dma_wait3A_42 = tpu.memref_slice %arg4[%add3A, %dma_wait3A_40, %dma_wait3A_41] : memref<32x20x512xi32, #tpu.memory_space<hbm>> -> memref<1x20x512xi32, #tpu.memory_space<hbm>>
    %dma_wait3A_43 = tpu.memref_squeeze %dma_wait3A_42 : memref<1x20x512xi32, #tpu.memory_space<hbm>> -> memref<20x512xi32, #tpu.memory_space<hbm>>
    tpu.wait_dma2 semaphore(%arg22 : memref<!tpu.dma_semaphore, #tpu.memory_space<semaphore_mem>>) src(%dma_wait3A_43 : memref<20x512xi32, #tpu.memory_space<hbm>>) dst(%arg8 : memref<20x512xi32, #tpu.memory_space<vmem>>)
    %dma_wait3A_44 = arith.constant 0 : i32
    %dma_wait3A_45 = arith.constant 0 : i32
    %dma_wait3A_46 = tpu.memref_slice %arg5[%add3A, %dma_wait3A_44, %dma_wait3A_45] : memref<32x20x512xi32, #tpu.memory_space<hbm>> -> memref<1x20x512xi32, #tpu.memory_space<hbm>>
    %dma_wait3A_47 = tpu.memref_squeeze %dma_wait3A_46 : memref<1x20x512xi32, #tpu.memory_space<hbm>> -> memref<20x512xi32, #tpu.memory_space<hbm>>
    %dma_wait3A_48 = arith.constant 0 : i32
    %dma_wait3A_49 = arith.constant 0 : i32
    %dma_wait3A_50 = tpu.memref_slice %arg5[%add3A, %dma_wait3A_48, %dma_wait3A_49] : memref<32x20x512xi32, #tpu.memory_space<hbm>> -> memref<1x20x512xi32, #tpu.memory_space<hbm>>
    %dma_wait3A_51 = tpu.memref_squeeze %dma_wait3A_50 : memref<1x20x512xi32, #tpu.memory_space<hbm>> -> memref<20x512xi32, #tpu.memory_space<hbm>>
    tpu.wait_dma2 semaphore(%arg23 : memref<!tpu.dma_semaphore, #tpu.memory_space<semaphore_mem>>) src(%dma_wait3A_51 : memref<20x512xi32, #tpu.memory_space<hbm>>) dst(%arg9 : memref<20x512xi32, #tpu.memory_space<vmem>>)
    %barrier3A = arith.constant 0 : index
    tpu.barrier barrier_id(%barrier3A)
    %scan3A = arith.constant 0 : i32
    %scan3A_52 = arith.constant 0 : i32
    %scan3A_53 = arith.constant 5 : i32
    %scan3A_54 = arith.addi %scan3A_52, %scan3A_53 : i32
    %scan3A_55 = arith.constant 1 : i32
    scf.for %scan3A_96 = %scan3A_52 to %scan3A_54 step %scan3A_55  : i32 {
      %mul3A_97 = arith.constant 4 : i32
      %mul3A_98 = arith.muli %scan3A_96, %mul3A_97 : i32
      %add3A_99 = arith.constant 0 : i32
      %add3A_100 = arith.addi %mul3A_98, %add3A_99 : i32
      %gt3A = arith.constant 0 : i32
      %gt3A_101 = arith.cmpi sgt, %scan3A_96, %gt3A : i32
      %convert_element_type3A_102 = arith.extui %gt3A_101 : i1 to i32
      %cond3A_103 = arith.constant 0 : i32
      %cond3A_104 = arith.cmpi ne, %convert_element_type3A_102, %cond3A_103 : i32
      scf.if %cond3A_104 {
        %dma_wait3A_220 = arith.constant 0 : i32
        %dma_wait3A_221 = tpu.memref_slice %arg9[%add3A_100, %dma_wait3A_220] : memref<20x512xi32, #tpu.memory_space<vmem>> -> memref<1x512xi32, #tpu.memory_space<vmem>>
        %dma_wait3A_222 = tpu.memref_squeeze %dma_wait3A_221 : memref<1x512xi32, #tpu.memory_space<vmem>> -> memref<512xi32, #tpu.memory_space<vmem>>
        %dma_wait3A_223 = arith.constant 0 : i32
        %dma_wait3A_224 = arith.constant 0 : i32
        %dma_wait3A_225 = tpu.memref_slice %arg15[%dma_wait3A_223, %dma_wait3A_224] : memref<10112x16xf32, #tpu.memory_space<vmem_shared>> -> memref<10112x16xf32, #tpu.memory_space<vmem_shared>>
        tpu.wait_indirect_dma semaphore(%arg16 : memref<!tpu.dma_semaphore, #tpu.memory_space<semaphore_mem>>) src(%arg10 : memref<512x16xf32, #tpu.memory_space<vmem>>) dst(%dma_wait3A_225 : memref<10112x16xf32, #tpu.memory_space<vmem_shared>>)
      } else {
      }
      %dma_start3A_105 = arith.constant 0 : i32
      %dma_start3A_106 = tpu.memref_slice %arg8[%add3A_100, %dma_start3A_105] : memref<20x512xi32, #tpu.memory_space<vmem>> -> memref<1x512xi32, #tpu.memory_space<vmem>>
      %dma_start3A_107 = tpu.memref_squeeze %dma_start3A_106 : memref<1x512xi32, #tpu.memory_space<vmem>> -> memref<512xi32, #tpu.memory_space<vmem>>
      %dma_start3A_108 = arith.constant 0 : i32
      %dma_start3A_109 = arith.constant 0 : i32
      %dma_start3A_110 = tpu.memref_slice %arg14[%dma_start3A_108, %dma_start3A_109] : memref<10112x16xf32, #tpu.memory_space<vmem_shared>> -> memref<10112x16xf32, #tpu.memory_space<vmem_shared>>
      tpu.enqueue_indirect_dma source(%dma_start3A_110 : memref<10112x16xf32, #tpu.memory_space<vmem_shared>>) target(%arg10 : memref<512x16xf32, #tpu.memory_space<vmem>>) offsets(%dma_start3A_107 : memref<512xi32, #tpu.memory_space<vmem>>) semaphore(%arg20 : memref<!tpu.dma_semaphore, #tpu.memory_space<semaphore_mem>>)
      %mul3A_111 = arith.constant 4 : i32
      %mul3A_112 = arith.muli %scan3A_96, %mul3A_111 : i32
      %add3A_113 = arith.constant 1 : i32
      %add3A_114 = arith.addi %mul3A_112, %add3A_113 : i32
      %gt3A_115 = arith.constant 0 : i32
      %gt3A_116 = arith.cmpi sgt, %scan3A_96, %gt3A_115 : i32
      %convert_element_type3A_117 = arith.extui %gt3A_116 : i1 to i32
      %cond3A_118 = arith.constant 0 : i32
      %cond3A_119 = arith.cmpi ne, %convert_element_type3A_117, %cond3A_118 : i32
      scf.if %cond3A_119 {
        %dma_wait3A_220 = arith.constant 0 : i32
        %dma_wait3A_221 = tpu.memref_slice %arg9[%add3A_114, %dma_wait3A_220] : memref<20x512xi32, #tpu.memory_space<vmem>> -> memref<1x512xi32, #tpu.memory_space<vmem>>
        %dma_wait3A_222 = tpu.memref_squeeze %dma_wait3A_221 : memref<1x512xi32, #tpu.memory_space<vmem>> -> memref<512xi32, #tpu.memory_space<vmem>>
        %dma_wait3A_223 = arith.constant 0 : i32
        %dma_wait3A_224 = arith.constant 0 : i32
        %dma_wait3A_225 = tpu.memref_slice %arg15[%dma_wait3A_223, %dma_wait3A_224] : memref<10112x16xf32, #tpu.memory_space<vmem_shared>> -> memref<10112x16xf32, #tpu.memory_space<vmem_shared>>
        tpu.wait_indirect_dma semaphore(%arg17 : memref<!tpu.dma_semaphore, #tpu.memory_space<semaphore_mem>>) src(%arg11 : memref<512x16xf32, #tpu.memory_space<vmem>>) dst(%dma_wait3A_225 : memref<10112x16xf32, #tpu.memory_space<vmem_shared>>)
      } else {
      }
      %dma_start3A_120 = arith.constant 0 : i32
      %dma_start3A_121 = tpu.memref_slice %arg8[%add3A_114, %dma_start3A_120] : memref<20x512xi32, #tpu.memory_space<vmem>> -> memref<1x512xi32, #tpu.memory_space<vmem>>
      %dma_start3A_122 = tpu.memref_squeeze %dma_start3A_121 : memref<1x512xi32, #tpu.memory_space<vmem>> -> memref<512xi32, #tpu.memory_space<vmem>>
      %dma_start3A_123 = arith.constant 0 : i32
      %dma_start3A_124 = arith.constant 0 : i32
      %dma_start3A_125 = tpu.memref_slice %arg14[%dma_start3A_123, %dma_start3A_124] : memref<10112x16xf32, #tpu.memory_space<vmem_shared>> -> memref<10112x16xf32, #tpu.memory_space<vmem_shared>>
      tpu.enqueue_indirect_dma source(%dma_start3A_125 : memref<10112x16xf32, #tpu.memory_space<vmem_shared>>) target(%arg11 : memref<512x16xf32, #tpu.memory_space<vmem>>) offsets(%dma_start3A_122 : memref<512xi32, #tpu.memory_space<vmem>>) semaphore(%arg21 : memref<!tpu.dma_semaphore, #tpu.memory_space<semaphore_mem>>)
      %mul3A_126 = arith.constant 4 : i32
      %mul3A_127 = arith.muli %scan3A_96, %mul3A_126 : i32
      %add3A_128 = arith.constant 2 : i32
      %add3A_129 = arith.addi %mul3A_127, %add3A_128 : i32
      %gt3A_130 = arith.constant 0 : i32
      %gt3A_131 = arith.cmpi sgt, %scan3A_96, %gt3A_130 : i32
      %convert_element_type3A_132 = arith.extui %gt3A_131 : i1 to i32
      %cond3A_133 = arith.constant 0 : i32
      %cond3A_134 = arith.cmpi ne, %convert_element_type3A_132, %cond3A_133 : i32
      scf.if %cond3A_134 {
        %dma_wait3A_220 = arith.constant 0 : i32
        %dma_wait3A_221 = tpu.memref_slice %arg9[%add3A_129, %dma_wait3A_220] : memref<20x512xi32, #tpu.memory_space<vmem>> -> memref<1x512xi32, #tpu.memory_space<vmem>>
        %dma_wait3A_222 = tpu.memref_squeeze %dma_wait3A_221 : memref<1x512xi32, #tpu.memory_space<vmem>> -> memref<512xi32, #tpu.memory_space<vmem>>
        %dma_wait3A_223 = arith.constant 0 : i32
        %dma_wait3A_224 = arith.constant 0 : i32
        %dma_wait3A_225 = tpu.memref_slice %arg15[%dma_wait3A_223, %dma_wait3A_224] : memref<10112x16xf32, #tpu.memory_space<vmem_shared>> -> memref<10112x16xf32, #tpu.memory_space<vmem_shared>>
        tpu.wait_indirect_dma semaphore(%arg18 : memref<!tpu.dma_semaphore, #tpu.memory_space<semaphore_mem>>) src(%arg12 : memref<512x16xf32, #tpu.memory_space<vmem>>) dst(%dma_wait3A_225 : memref<10112x16xf32, #tpu.memory_space<vmem_shared>>)
      } else {
      }
      %dma_start3A_135 = arith.constant 0 : i32
      %dma_start3A_136 = tpu.memref_slice %arg8[%add3A_129, %dma_start3A_135] : memref<20x512xi32, #tpu.memory_space<vmem>> -> memref<1x512xi32, #tpu.memory_space<vmem>>
      %dma_start3A_137 = tpu.memref_squeeze %dma_start3A_136 : memref<1x512xi32, #tpu.memory_space<vmem>> -> memref<512xi32, #tpu.memory_space<vmem>>
      %dma_start3A_138 = arith.constant 0 : i32
      %dma_start3A_139 = arith.constant 0 : i32
      %dma_start3A_140 = tpu.memref_slice %arg14[%dma_start3A_138, %dma_start3A_139] : memref<10112x16xf32, #tpu.memory_space<vmem_shared>> -> memref<10112x16xf32, #tpu.memory_space<vmem_shared>>
      tpu.enqueue_indirect_dma source(%dma_start3A_140 : memref<10112x16xf32, #tpu.memory_space<vmem_shared>>) target(%arg12 : memref<512x16xf32, #tpu.memory_space<vmem>>) offsets(%dma_start3A_137 : memref<512xi32, #tpu.memory_space<vmem>>) semaphore(%arg22 : memref<!tpu.dma_semaphore, #tpu.memory_space<semaphore_mem>>)
      %mul3A_141 = arith.constant 4 : i32
      %mul3A_142 = arith.muli %scan3A_96, %mul3A_141 : i32
      %add3A_143 = arith.constant 3 : i32
      %add3A_144 = arith.addi %mul3A_142, %add3A_143 : i32
      %gt3A_145 = arith.constant 0 : i32
      %gt3A_146 = arith.cmpi sgt, %scan3A_96, %gt3A_145 : i32
      %convert_element_type3A_147 = arith.extui %gt3A_146 : i1 to i32
      %cond3A_148 = arith.constant 0 : i32
      %cond3A_149 = arith.cmpi ne, %convert_element_type3A_147, %cond3A_148 : i32
      scf.if %cond3A_149 {
        %dma_wait3A_220 = arith.constant 0 : i32
        %dma_wait3A_221 = tpu.memref_slice %arg9[%add3A_144, %dma_wait3A_220] : memref<20x512xi32, #tpu.memory_space<vmem>> -> memref<1x512xi32, #tpu.memory_space<vmem>>
        %dma_wait3A_222 = tpu.memref_squeeze %dma_wait3A_221 : memref<1x512xi32, #tpu.memory_space<vmem>> -> memref<512xi32, #tpu.memory_space<vmem>>
        %dma_wait3A_223 = arith.constant 0 : i32
        %dma_wait3A_224 = arith.constant 0 : i32
        %dma_wait3A_225 = tpu.memref_slice %arg15[%dma_wait3A_223, %dma_wait3A_224] : memref<10112x16xf32, #tpu.memory_space<vmem_shared>> -> memref<10112x16xf32, #tpu.memory_space<vmem_shared>>
        tpu.wait_indirect_dma semaphore(%arg19 : memref<!tpu.dma_semaphore, #tpu.memory_space<semaphore_mem>>) src(%arg13 : memref<512x16xf32, #tpu.memory_space<vmem>>) dst(%dma_wait3A_225 : memref<10112x16xf32, #tpu.memory_space<vmem_shared>>)
      } else {
      }
      %dma_start3A_150 = arith.constant 0 : i32
      %dma_start3A_151 = tpu.memref_slice %arg8[%add3A_144, %dma_start3A_150] : memref<20x512xi32, #tpu.memory_space<vmem>> -> memref<1x512xi32, #tpu.memory_space<vmem>>
      %dma_start3A_152 = tpu.memref_squeeze %dma_start3A_151 : memref<1x512xi32, #tpu.memory_space<vmem>> -> memref<512xi32, #tpu.memory_space<vmem>>
      %dma_start3A_153 = arith.constant 0 : i32
      %dma_start3A_154 = arith.constant 0 : i32
      %dma_start3A_155 = tpu.memref_slice %arg14[%dma_start3A_153, %dma_start3A_154] : memref<10112x16xf32, #tpu.memory_space<vmem_shared>> -> memref<10112x16xf32, #tpu.memory_space<vmem_shared>>
      tpu.enqueue_indirect_dma source(%dma_start3A_155 : memref<10112x16xf32, #tpu.memory_space<vmem_shared>>) target(%arg13 : memref<512x16xf32, #tpu.memory_space<vmem>>) offsets(%dma_start3A_152 : memref<512xi32, #tpu.memory_space<vmem>>) semaphore(%arg23 : memref<!tpu.dma_semaphore, #tpu.memory_space<semaphore_mem>>)
      %mul3A_156 = arith.constant 4 : i32
      %mul3A_157 = arith.muli %scan3A_96, %mul3A_156 : i32
      %add3A_158 = arith.constant 0 : i32
      %add3A_159 = arith.addi %mul3A_157, %add3A_158 : i32
      %dma_wait3A_160 = arith.constant 0 : i32
      %dma_wait3A_161 = tpu.memref_slice %arg8[%add3A_159, %dma_wait3A_160] : memref<20x512xi32, #tpu.memory_space<vmem>> -> memref<1x512xi32, #tpu.memory_space<vmem>>
      %dma_wait3A_162 = tpu.memref_squeeze %dma_wait3A_161 : memref<1x512xi32, #tpu.memory_space<vmem>> -> memref<512xi32, #tpu.memory_space<vmem>>
      %dma_wait3A_163 = arith.constant 0 : i32
      %dma_wait3A_164 = arith.constant 0 : i32
      %dma_wait3A_165 = tpu.memref_slice %arg14[%dma_wait3A_163, %dma_wait3A_164] : memref<10112x16xf32, #tpu.memory_space<vmem_shared>> -> memref<10112x16xf32, #tpu.memory_space<vmem_shared>>
      tpu.wait_indirect_dma semaphore(%arg20 : memref<!tpu.dma_semaphore, #tpu.memory_space<semaphore_mem>>) src(%dma_wait3A_165 : memref<10112x16xf32, #tpu.memory_space<vmem_shared>>) dst(%arg10 : memref<512x16xf32, #tpu.memory_space<vmem>>)
      %dma_start3A_166 = arith.constant 0 : i32
      %dma_start3A_167 = tpu.memref_slice %arg9[%add3A_159, %dma_start3A_166] : memref<20x512xi32, #tpu.memory_space<vmem>> -> memref<1x512xi32, #tpu.memory_space<vmem>>
      %dma_start3A_168 = tpu.memref_squeeze %dma_start3A_167 : memref<1x512xi32, #tpu.memory_space<vmem>> -> memref<512xi32, #tpu.memory_space<vmem>>
      %dma_start3A_169 = arith.constant 0 : i32
      %dma_start3A_170 = arith.constant 0 : i32
      %dma_start3A_171 = tpu.memref_slice %arg15[%dma_start3A_169, %dma_start3A_170] : memref<10112x16xf32, #tpu.memory_space<vmem_shared>> -> memref<10112x16xf32, #tpu.memory_space<vmem_shared>>
      tpu.enqueue_indirect_dma source(%arg10 : memref<512x16xf32, #tpu.memory_space<vmem>>) target(%dma_start3A_171 : memref<10112x16xf32, #tpu.memory_space<vmem_shared>>) offsets(%dma_start3A_168 : memref<512xi32, #tpu.memory_space<vmem>>) semaphore(%arg16 : memref<!tpu.dma_semaphore, #tpu.memory_space<semaphore_mem>>) {add = true}
      %mul3A_172 = arith.constant 4 : i32
      %mul3A_173 = arith.muli %scan3A_96, %mul3A_172 : i32
      %add3A_174 = arith.constant 1 : i32
      %add3A_175 = arith.addi %mul3A_173, %add3A_174 : i32
      %dma_wait3A_176 = arith.constant 0 : i32
      %dma_wait3A_177 = tpu.memref_slice %arg8[%add3A_175, %dma_wait3A_176] : memref<20x512xi32, #tpu.memory_space<vmem>> -> memref<1x512xi32, #tpu.memory_space<vmem>>
      %dma_wait3A_178 = tpu.memref_squeeze %dma_wait3A_177 : memref<1x512xi32, #tpu.memory_space<vmem>> -> memref<512xi32, #tpu.memory_space<vmem>>
      %dma_wait3A_179 = arith.constant 0 : i32
      %dma_wait3A_180 = arith.constant 0 : i32
      %dma_wait3A_181 = tpu.memref_slice %arg14[%dma_wait3A_179, %dma_wait3A_180] : memref<10112x16xf32, #tpu.memory_space<vmem_shared>> -> memref<10112x16xf32, #tpu.memory_space<vmem_shared>>
      tpu.wait_indirect_dma semaphore(%arg21 : memref<!tpu.dma_semaphore, #tpu.memory_space<semaphore_mem>>) src(%dma_wait3A_181 : memref<10112x16xf32, #tpu.memory_space<vmem_shared>>) dst(%arg11 : memref<512x16xf32, #tpu.memory_space<vmem>>)
      %dma_start3A_182 = arith.constant 0 : i32
      %dma_start3A_183 = tpu.memref_slice %arg9[%add3A_175, %dma_start3A_182] : memref<20x512xi32, #tpu.memory_space<vmem>> -> memref<1x512xi32, #tpu.memory_space<vmem>>
      %dma_start3A_184 = tpu.memref_squeeze %dma_start3A_183 : memref<1x512xi32, #tpu.memory_space<vmem>> -> memref<512xi32, #tpu.memory_space<vmem>>
      %dma_start3A_185 = arith.constant 0 : i32
      %dma_start3A_186 = arith.constant 0 : i32
      %dma_start3A_187 = tpu.memref_slice %arg15[%dma_start3A_185, %dma_start3A_186] : memref<10112x16xf32, #tpu.memory_space<vmem_shared>> -> memref<10112x16xf32, #tpu.memory_space<vmem_shared>>
      tpu.enqueue_indirect_dma source(%arg11 : memref<512x16xf32, #tpu.memory_space<vmem>>) target(%dma_start3A_187 : memref<10112x16xf32, #tpu.memory_space<vmem_shared>>) offsets(%dma_start3A_184 : memref<512xi32, #tpu.memory_space<vmem>>) semaphore(%arg17 : memref<!tpu.dma_semaphore, #tpu.memory_space<semaphore_mem>>) {add = true}
      %mul3A_188 = arith.constant 4 : i32
      %mul3A_189 = arith.muli %scan3A_96, %mul3A_188 : i32
      %add3A_190 = arith.constant 2 : i32
      %add3A_191 = arith.addi %mul3A_189, %add3A_190 : i32
      %dma_wait3A_192 = arith.constant 0 : i32
      %dma_wait3A_193 = tpu.memref_slice %arg8[%add3A_191, %dma_wait3A_192] : memref<20x512xi32, #tpu.memory_space<vmem>> -> memref<1x512xi32, #tpu.memory_space<vmem>>
      %dma_wait3A_194 = tpu.memref_squeeze %dma_wait3A_193 : memref<1x512xi32, #tpu.memory_space<vmem>> -> memref<512xi32, #tpu.memory_space<vmem>>
      %dma_wait3A_195 = arith.constant 0 : i32
      %dma_wait3A_196 = arith.constant 0 : i32
      %dma_wait3A_197 = tpu.memref_slice %arg14[%dma_wait3A_195, %dma_wait3A_196] : memref<10112x16xf32, #tpu.memory_space<vmem_shared>> -> memref<10112x16xf32, #tpu.memory_space<vmem_shared>>
      tpu.wait_indirect_dma semaphore(%arg22 : memref<!tpu.dma_semaphore, #tpu.memory_space<semaphore_mem>>) src(%dma_wait3A_197 : memref<10112x16xf32, #tpu.memory_space<vmem_shared>>) dst(%arg12 : memref<512x16xf32, #tpu.memory_space<vmem>>)
      %dma_start3A_198 = arith.constant 0 : i32
      %dma_start3A_199 = tpu.memref_slice %arg9[%add3A_191, %dma_start3A_198] : memref<20x512xi32, #tpu.memory_space<vmem>> -> memref<1x512xi32, #tpu.memory_space<vmem>>
      %dma_start3A_200 = tpu.memref_squeeze %dma_start3A_199 : memref<1x512xi32, #tpu.memory_space<vmem>> -> memref<512xi32, #tpu.memory_space<vmem>>
      %dma_start3A_201 = arith.constant 0 : i32
      %dma_start3A_202 = arith.constant 0 : i32
      %dma_start3A_203 = tpu.memref_slice %arg15[%dma_start3A_201, %dma_start3A_202] : memref<10112x16xf32, #tpu.memory_space<vmem_shared>> -> memref<10112x16xf32, #tpu.memory_space<vmem_shared>>
      tpu.enqueue_indirect_dma source(%arg12 : memref<512x16xf32, #tpu.memory_space<vmem>>) target(%dma_start3A_203 : memref<10112x16xf32, #tpu.memory_space<vmem_shared>>) offsets(%dma_start3A_200 : memref<512xi32, #tpu.memory_space<vmem>>) semaphore(%arg18 : memref<!tpu.dma_semaphore, #tpu.memory_space<semaphore_mem>>) {add = true}
      %mul3A_204 = arith.constant 4 : i32
      %mul3A_205 = arith.muli %scan3A_96, %mul3A_204 : i32
      %add3A_206 = arith.constant 3 : i32
      %add3A_207 = arith.addi %mul3A_205, %add3A_206 : i32
      %dma_wait3A_208 = arith.constant 0 : i32
      %dma_wait3A_209 = tpu.memref_slice %arg8[%add3A_207, %dma_wait3A_208] : memref<20x512xi32, #tpu.memory_space<vmem>> -> memref<1x512xi32, #tpu.memory_space<vmem>>
      %dma_wait3A_210 = tpu.memref_squeeze %dma_wait3A_209 : memref<1x512xi32, #tpu.memory_space<vmem>> -> memref<512xi32, #tpu.memory_space<vmem>>
      %dma_wait3A_211 = arith.constant 0 : i32
      %dma_wait3A_212 = arith.constant 0 : i32
      %dma_wait3A_213 = tpu.memref_slice %arg14[%dma_wait3A_211, %dma_wait3A_212] : memref<10112x16xf32, #tpu.memory_space<vmem_shared>> -> memref<10112x16xf32, #tpu.memory_space<vmem_shared>>
      tpu.wait_indirect_dma semaphore(%arg23 : memref<!tpu.dma_semaphore, #tpu.memory_space<semaphore_mem>>) src(%dma_wait3A_213 : memref<10112x16xf32, #tpu.memory_space<vmem_shared>>) dst(%arg13 : memref<512x16xf32, #tpu.memory_space<vmem>>)
      %dma_start3A_214 = arith.constant 0 : i32
      %dma_start3A_215 = tpu.memref_slice %arg9[%add3A_207, %dma_start3A_214] : memref<20x512xi32, #tpu.memory_space<vmem>> -> memref<1x512xi32, #tpu.memory_space<vmem>>
      %dma_start3A_216 = tpu.memref_squeeze %dma_start3A_215 : memref<1x512xi32, #tpu.memory_space<vmem>> -> memref<512xi32, #tpu.memory_space<vmem>>
      %dma_start3A_217 = arith.constant 0 : i32
      %dma_start3A_218 = arith.constant 0 : i32
      %dma_start3A_219 = tpu.memref_slice %arg15[%dma_start3A_217, %dma_start3A_218] : memref<10112x16xf32, #tpu.memory_space<vmem_shared>> -> memref<10112x16xf32, #tpu.memory_space<vmem_shared>>
      tpu.enqueue_indirect_dma source(%arg13 : memref<512x16xf32, #tpu.memory_space<vmem>>) target(%dma_start3A_219 : memref<10112x16xf32, #tpu.memory_space<vmem_shared>>) offsets(%dma_start3A_216 : memref<512xi32, #tpu.memory_space<vmem>>) semaphore(%arg19 : memref<!tpu.dma_semaphore, #tpu.memory_space<semaphore_mem>>) {add = true}
    }
    %scan3A_56 = arith.constant 5 : i32
    %dma_wait3A_57 = arith.constant 0 : i32
    %dma_wait3A_58 = arith.constant 0 : i32
    %dma_wait3A_59 = tpu.memref_slice %arg9[%dma_wait3A_57, %dma_wait3A_58] : memref<20x512xi32, #tpu.memory_space<vmem>> -> memref<1x512xi32, #tpu.memory_space<vmem>>
    %dma_wait3A_60 = tpu.memref_squeeze %dma_wait3A_59 : memref<1x512xi32, #tpu.memory_space<vmem>> -> memref<512xi32, #tpu.memory_space<vmem>>
    %dma_wait3A_61 = arith.constant 0 : i32
    %dma_wait3A_62 = arith.constant 0 : i32
    %dma_wait3A_63 = tpu.memref_slice %arg15[%dma_wait3A_61, %dma_wait3A_62] : memref<10112x16xf32, #tpu.memory_space<vmem_shared>> -> memref<10112x16xf32, #tpu.memory_space<vmem_shared>>
    tpu.wait_indirect_dma semaphore(%arg16 : memref<!tpu.dma_semaphore, #tpu.memory_space<semaphore_mem>>) src(%arg10 : memref<512x16xf32, #tpu.memory_space<vmem>>) dst(%dma_wait3A_63 : memref<10112x16xf32, #tpu.memory_space<vmem_shared>>)
    %dma_wait3A_64 = arith.constant 0 : i32
    %dma_wait3A_65 = arith.constant 0 : i32
    %dma_wait3A_66 = tpu.memref_slice %arg9[%dma_wait3A_64, %dma_wait3A_65] : memref<20x512xi32, #tpu.memory_space<vmem>> -> memref<1x512xi32, #tpu.memory_space<vmem>>
    %dma_wait3A_67 = tpu.memref_squeeze %dma_wait3A_66 : memref<1x512xi32, #tpu.memory_space<vmem>> -> memref<512xi32, #tpu.memory_space<vmem>>
    %dma_wait3A_68 = arith.constant 0 : i32
    %dma_wait3A_69 = arith.constant 0 : i32
    %dma_wait3A_70 = tpu.memref_slice %arg15[%dma_wait3A_68, %dma_wait3A_69] : memref<10112x16xf32, #tpu.memory_space<vmem_shared>> -> memref<10112x16xf32, #tpu.memory_space<vmem_shared>>
    tpu.wait_indirect_dma semaphore(%arg17 : memref<!tpu.dma_semaphore, #tpu.memory_space<semaphore_mem>>) src(%arg11 : memref<512x16xf32, #tpu.memory_space<vmem>>) dst(%dma_wait3A_70 : memref<10112x16xf32, #tpu.memory_space<vmem_shared>>)
    %dma_wait3A_71 = arith.constant 0 : i32
    %dma_wait3A_72 = arith.constant 0 : i32
    %dma_wait3A_73 = tpu.memref_slice %arg9[%dma_wait3A_71, %dma_wait3A_72] : memref<20x512xi32, #tpu.memory_space<vmem>> -> memref<1x512xi32, #tpu.memory_space<vmem>>
    %dma_wait3A_74 = tpu.memref_squeeze %dma_wait3A_73 : memref<1x512xi32, #tpu.memory_space<vmem>> -> memref<512xi32, #tpu.memory_space<vmem>>
    %dma_wait3A_75 = arith.constant 0 : i32
    %dma_wait3A_76 = arith.constant 0 : i32
    %dma_wait3A_77 = tpu.memref_slice %arg15[%dma_wait3A_75, %dma_wait3A_76] : memref<10112x16xf32, #tpu.memory_space<vmem_shared>> -> memref<10112x16xf32, #tpu.memory_space<vmem_shared>>
    tpu.wait_indirect_dma semaphore(%arg18 : memref<!tpu.dma_semaphore, #tpu.memory_space<semaphore_mem>>) src(%arg12 : memref<512x16xf32, #tpu.memory_space<vmem>>) dst(%dma_wait3A_77 : memref<10112x16xf32, #tpu.memory_space<vmem_shared>>)
    %dma_wait3A_78 = arith.constant 0 : i32
    %dma_wait3A_79 = arith.constant 0 : i32
    %dma_wait3A_80 = tpu.memref_slice %arg9[%dma_wait3A_78, %dma_wait3A_79] : memref<20x512xi32, #tpu.memory_space<vmem>> -> memref<1x512xi32, #tpu.memory_space<vmem>>
    %dma_wait3A_81 = tpu.memref_squeeze %dma_wait3A_80 : memref<1x512xi32, #tpu.memory_space<vmem>> -> memref<512xi32, #tpu.memory_space<vmem>>
    %dma_wait3A_82 = arith.constant 0 : i32
    %dma_wait3A_83 = arith.constant 0 : i32
    %dma_wait3A_84 = tpu.memref_slice %arg15[%dma_wait3A_82, %dma_wait3A_83] : memref<10112x16xf32, #tpu.memory_space<vmem_shared>> -> memref<10112x16xf32, #tpu.memory_space<vmem_shared>>
    tpu.wait_indirect_dma semaphore(%arg19 : memref<!tpu.dma_semaphore, #tpu.memory_space<semaphore_mem>>) src(%arg13 : memref<512x16xf32, #tpu.memory_space<vmem>>) dst(%dma_wait3A_84 : memref<10112x16xf32, #tpu.memory_space<vmem_shared>>)
    %barrier3A_85 = arith.constant 0 : index
    tpu.barrier barrier_id(%barrier3A_85)
    %eq3A_86 = arith.constant 0 : i32
    %eq3A_87 = arith.cmpi eq, %arg0, %eq3A_86 : i32
    %convert_element_type3A_88 = arith.extui %eq3A_87 : i1 to i32
    %cond3A_89 = arith.constant 0 : i32
    %cond3A_90 = arith.cmpi ne, %convert_element_type3A_88, %cond3A_89 : i32
    scf.if %cond3A_90 {
      "tpu.region"() ({
        %run_scoped3A = tpu.sem_alloc : memref<!tpu.dma_semaphore, #tpu.memory_space<semaphore_mem>>
        %dma_start3A_96 = arith.constant 0 : i32
        %dma_start3A_97 = tpu.memref_slice %arg6[%multiple_of3A, %dma_start3A_96] : memref<10112x16xf32, #tpu.memory_space<hbm>> -> memref<632x16xf32, #tpu.memory_space<hbm>>
        %dma_start3A_98 = arith.constant 0 : i32
        %dma_start3A_99 = tpu.memref_slice %arg15[%multiple_of3A, %dma_start3A_98] : memref<10112x16xf32, #tpu.memory_space<vmem_shared>> -> memref<632x16xf32, #tpu.memory_space<vmem_shared>>
        tpu.enqueue_dma source(%dma_start3A_99 : memref<632x16xf32, #tpu.memory_space<vmem_shared>>) target(%dma_start3A_97 : memref<632x16xf32, #tpu.memory_space<hbm>>) target_semaphore(%run_scoped3A : memref<!tpu.dma_semaphore, #tpu.memory_space<semaphore_mem>>)
        %dma_wait3A_100 = arith.constant 0 : i32
        %dma_wait3A_101 = tpu.memref_slice %arg6[%multiple_of3A, %dma_wait3A_100] : memref<10112x16xf32, #tpu.memory_space<hbm>> -> memref<632x16xf32, #tpu.memory_space<hbm>>
        %dma_wait3A_102 = arith.constant 0 : i32
        %dma_wait3A_103 = tpu.memref_slice %arg15[%multiple_of3A, %dma_wait3A_102] : memref<10112x16xf32, #tpu.memory_space<vmem_shared>> -> memref<632x16xf32, #tpu.memory_space<vmem_shared>>
        tpu.wait_dma2 semaphore(%run_scoped3A : memref<!tpu.dma_semaphore, #tpu.memory_space<semaphore_mem>>) src(%dma_wait3A_103 : memref<632x16xf32, #tpu.memory_space<vmem_shared>>) dst(%dma_wait3A_101 : memref<632x16xf32, #tpu.memory_space<hbm>>)
        tpu.yield
      }) : () -> ()
    } else {
    }
    %eq3A_91 = arith.constant 1 : i32
    %eq3A_92 = arith.cmpi eq, %arg0, %eq3A_91 : i32
    %convert_element_type3A_93 = arith.extui %eq3A_92 : i1 to i32
    %cond3A_94 = arith.constant 0 : i32
    %cond3A_95 = arith.cmpi ne, %convert_element_type3A_93, %cond3A_94 : i32
    scf.if %cond3A_95 {
      "tpu.region"() ({
        %run_scoped3A = tpu.sem_alloc : memref<!tpu.dma_semaphore, #tpu.memory_space<semaphore_mem>>
        %dma_start3A_96 = arith.constant 0 : i32
        %dma_start3A_97 = tpu.memref_slice %arg7[%multiple_of3A, %dma_start3A_96] : memref<10112x16xf32, #tpu.memory_space<hbm>> -> memref<632x16xf32, #tpu.memory_space<hbm>>
        %dma_start3A_98 = arith.constant 0 : i32
        %dma_start3A_99 = tpu.memref_slice %arg15[%multiple_of3A, %dma_start3A_98] : memref<10112x16xf32, #tpu.memory_space<vmem_shared>> -> memref<632x16xf32, #tpu.memory_space<vmem_shared>>
        tpu.enqueue_dma source(%dma_start3A_99 : memref<632x16xf32, #tpu.memory_space<vmem_shared>>) target(%dma_start3A_97 : memref<632x16xf32, #tpu.memory_space<hbm>>) target_semaphore(%run_scoped3A : memref<!tpu.dma_semaphore, #tpu.memory_space<semaphore_mem>>)
        %dma_wait3A_100 = arith.constant 0 : i32
        %dma_wait3A_101 = tpu.memref_slice %arg7[%multiple_of3A, %dma_wait3A_100] : memref<10112x16xf32, #tpu.memory_space<hbm>> -> memref<632x16xf32, #tpu.memory_space<hbm>>
        %dma_wait3A_102 = arith.constant 0 : i32
        %dma_wait3A_103 = tpu.memref_slice %arg15[%multiple_of3A, %dma_wait3A_102] : memref<10112x16xf32, #tpu.memory_space<vmem_shared>> -> memref<632x16xf32, #tpu.memory_space<vmem_shared>>
        tpu.wait_dma2 semaphore(%run_scoped3A : memref<!tpu.dma_semaphore, #tpu.memory_space<semaphore_mem>>) src(%dma_wait3A_103 : memref<632x16xf32, #tpu.memory_space<vmem_shared>>) dst(%dma_wait3A_101 : memref<632x16xf32, #tpu.memory_space<hbm>>)
        tpu.yield
      }) : () -> ()
    } else {
    }
    return
  }
}

#map = affine_map<(d0, d1) -> (0, 0)>
#map1 = affine_map<(d0, d1) -> (0, 0, 0)>
module attributes {stable_mosaic.version = 14 : i64} {
  func.func @_edge_scatter(%arg0: i32, %arg1: i32, %arg2: memref<10112x16xf32, #tpu.memory_space<hbm>>, %arg3: memref<10112x16xf32, #tpu.memory_space<hbm>>, %arg4: memref<32x20x512xi32, #tpu.memory_space<hbm>>, %arg5: memref<32x20x512xi32, #tpu.memory_space<hbm>>, %arg6: memref<10112x16xf32, #tpu.memory_space<hbm>>, %arg7: memref<10112x16xf32, #tpu.memory_space<hbm>>, %arg8: memref<20x512xi32, #tpu.memory_space<vmem>>, %arg9: memref<20x512xi32, #tpu.memory_space<vmem>>, %arg10: memref<512x16xf32, #tpu.memory_space<vmem>>, %arg11: memref<512x16xf32, #tpu.memory_space<vmem>>, %arg12: memref<512x16xf32, #tpu.memory_space<vmem>>, %arg13: memref<512x16xf32, #tpu.memory_space<vmem>>, %arg14: memref<10112x16xf32, #tpu.memory_space<vmem_shared>>, %arg15: memref<10112x16xf32, #tpu.memory_space<vmem_shared>>, %arg16: memref<!tpu.dma_semaphore, #tpu.memory_space<semaphore_mem>>, %arg17: memref<!tpu.dma_semaphore, #tpu.memory_space<semaphore_mem>>, %arg18: memref<!tpu.dma_semaphore, #tpu.memory_space<semaphore_mem>>, %arg19: memref<!tpu.dma_semaphore, #tpu.memory_space<semaphore_mem>>, %arg20: memref<!tpu.dma_semaphore, #tpu.memory_space<semaphore_mem>>, %arg21: memref<!tpu.dma_semaphore, #tpu.memory_space<semaphore_mem>>, %arg22: memref<!tpu.dma_semaphore, #tpu.memory_space<semaphore_mem>>, %arg23: memref<!tpu.dma_semaphore, #tpu.memory_space<semaphore_mem>>) attributes {dimension_semantics = [#tpu.dimension_semantics<core_parallel>, #tpu.dimension_semantics<subcore_parallel>], iteration_bounds = array<i64: 2, 16>, scalar_prefetch = 0 : i64, scratch_operands = 16 : i64, tpu.core_type = #tpu.core_type<sc_vector_subcore>, window_params = [{transform_indices = #map}, {transform_indices = #map}, {transform_indices = #map1}, {transform_indices = #map1}, {transform_indices = #map}, {transform_indices = #map}]} {
    %mul3A = arith.constant 16 : i32
    %mul3A_0 = arith.muli %arg0, %mul3A : i32
    %add3A = arith.addi %mul3A_0, %arg1 : i32
    %mul3A_1 = arith.constant 632 : i32
    %mul3A_2 = arith.muli %arg1, %mul3A_1 : i32
    %multiple_of3A = tpu.assume_multiple %mul3A_2, 8 : i32
    %dma_start3A = arith.constant 0 : i32
    %dma_start3A_3 = tpu.memref_slice %arg14[%multiple_of3A, %dma_start3A] : memref<10112x16xf32, #tpu.memory_space<vmem_shared>> -> memref<632x16xf32, #tpu.memory_space<vmem_shared>>
    %dma_start3A_4 = arith.constant 0 : i32
    %dma_start3A_5 = tpu.memref_slice %arg2[%multiple_of3A, %dma_start3A_4] : memref<10112x16xf32, #tpu.memory_space<hbm>> -> memref<632x16xf32, #tpu.memory_space<hbm>>
    tpu.enqueue_dma source(%dma_start3A_5 : memref<632x16xf32, #tpu.memory_space<hbm>>) target(%dma_start3A_3 : memref<632x16xf32, #tpu.memory_space<vmem_shared>>) target_semaphore(%arg20 : memref<!tpu.dma_semaphore, #tpu.memory_space<semaphore_mem>>)
    %eq3A = arith.constant 0 : i32
    %eq3A_6 = arith.cmpi eq, %arg0, %eq3A : i32
    %convert_element_type3A = arith.extui %eq3A_6 : i1 to i32
    %cond3A = arith.constant 0 : i32
    %cond3A_7 = arith.cmpi ne, %convert_element_type3A, %cond3A : i32
    scf.if %cond3A_7 {
      %dma_start3A_96 = arith.constant 0 : i32
      %dma_start3A_97 = tpu.memref_slice %arg15[%multiple_of3A, %dma_start3A_96] : memref<10112x16xf32, #tpu.memory_space<vmem_shared>> -> memref<632x16xf32, #tpu.memory_space<vmem_shared>>
      %dma_start3A_98 = arith.constant 0 : i32
      %dma_start3A_99 = tpu.memref_slice %arg2[%multiple_of3A, %dma_start3A_98] : memref<10112x16xf32, #tpu.memory_space<hbm>> -> memref<632x16xf32, #tpu.memory_space<hbm>>
      tpu.enqueue_dma source(%dma_start3A_99 : memref<632x16xf32, #tpu.memory_space<hbm>>) target(%dma_start3A_97 : memref<632x16xf32, #tpu.memory_space<vmem_shared>>) target_semaphore(%arg21 : memref<!tpu.dma_semaphore, #tpu.memory_space<semaphore_mem>>)
    } else {
    }
    %eq3A_8 = arith.constant 1 : i32
    %eq3A_9 = arith.cmpi eq, %arg0, %eq3A_8 : i32
    %convert_element_type3A_10 = arith.extui %eq3A_9 : i1 to i32
    %cond3A_11 = arith.constant 0 : i32
    %cond3A_12 = arith.cmpi ne, %convert_element_type3A_10, %cond3A_11 : i32
    scf.if %cond3A_12 {
      %dma_start3A_96 = arith.constant 0 : i32
      %dma_start3A_97 = tpu.memref_slice %arg15[%multiple_of3A, %dma_start3A_96] : memref<10112x16xf32, #tpu.memory_space<vmem_shared>> -> memref<632x16xf32, #tpu.memory_space<vmem_shared>>
      %dma_start3A_98 = arith.constant 0 : i32
      %dma_start3A_99 = tpu.memref_slice %arg3[%multiple_of3A, %dma_start3A_98] : memref<10112x16xf32, #tpu.memory_space<hbm>> -> memref<632x16xf32, #tpu.memory_space<hbm>>
      tpu.enqueue_dma source(%dma_start3A_99 : memref<632x16xf32, #tpu.memory_space<hbm>>) target(%dma_start3A_97 : memref<632x16xf32, #tpu.memory_space<vmem_shared>>) target_semaphore(%arg21 : memref<!tpu.dma_semaphore, #tpu.memory_space<semaphore_mem>>)
    } else {
    }
    %dma_start3A_13 = arith.constant 0 : i32
    %dma_start3A_14 = arith.constant 0 : i32
    %dma_start3A_15 = tpu.memref_slice %arg4[%add3A, %dma_start3A_13, %dma_start3A_14] : memref<32x20x512xi32, #tpu.memory_space<hbm>> -> memref<1x20x512xi32, #tpu.memory_space<hbm>>
    %dma_start3A_16 = tpu.memref_squeeze %dma_start3A_15 : memref<1x20x512xi32, #tpu.memory_space<hbm>> -> memref<20x512xi32, #tpu.memory_space<hbm>>
    %dma_start3A_17 = arith.constant 0 : i32
    %dma_start3A_18 = arith.constant 0 : i32
    %dma_start3A_19 = tpu.memref_slice %arg4[%add3A, %dma_start3A_17, %dma_start3A_18] : memref<32x20x512xi32, #tpu.memory_space<hbm>> -> memref<1x20x512xi32, #tpu.memory_space<hbm>>
    %dma_start3A_20 = tpu.memref_squeeze %dma_start3A_19 : memref<1x20x512xi32, #tpu.memory_space<hbm>> -> memref<20x512xi32, #tpu.memory_space<hbm>>
    tpu.enqueue_dma source(%dma_start3A_20 : memref<20x512xi32, #tpu.memory_space<hbm>>) target(%arg8 : memref<20x512xi32, #tpu.memory_space<vmem>>) target_semaphore(%arg22 : memref<!tpu.dma_semaphore, #tpu.memory_space<semaphore_mem>>)
    %dma_start3A_21 = arith.constant 0 : i32
    %dma_start3A_22 = arith.constant 0 : i32
    %dma_start3A_23 = tpu.memref_slice %arg5[%add3A, %dma_start3A_21, %dma_start3A_22] : memref<32x20x512xi32, #tpu.memory_space<hbm>> -> memref<1x20x512xi32, #tpu.memory_space<hbm>>
    %dma_start3A_24 = tpu.memref_squeeze %dma_start3A_23 : memref<1x20x512xi32, #tpu.memory_space<hbm>> -> memref<20x512xi32, #tpu.memory_space<hbm>>
    %dma_start3A_25 = arith.constant 0 : i32
    %dma_start3A_26 = arith.constant 0 : i32
    %dma_start3A_27 = tpu.memref_slice %arg5[%add3A, %dma_start3A_25, %dma_start3A_26] : memref<32x20x512xi32, #tpu.memory_space<hbm>> -> memref<1x20x512xi32, #tpu.memory_space<hbm>>
    %dma_start3A_28 = tpu.memref_squeeze %dma_start3A_27 : memref<1x20x512xi32, #tpu.memory_space<hbm>> -> memref<20x512xi32, #tpu.memory_space<hbm>>
    tpu.enqueue_dma source(%dma_start3A_28 : memref<20x512xi32, #tpu.memory_space<hbm>>) target(%arg9 : memref<20x512xi32, #tpu.memory_space<vmem>>) target_semaphore(%arg23 : memref<!tpu.dma_semaphore, #tpu.memory_space<semaphore_mem>>)
    %dma_wait3A = arith.constant 0 : i32
    %dma_wait3A_29 = tpu.memref_slice %arg14[%multiple_of3A, %dma_wait3A] : memref<10112x16xf32, #tpu.memory_space<vmem_shared>> -> memref<632x16xf32, #tpu.memory_space<vmem_shared>>
    %dma_wait3A_30 = arith.constant 0 : i32
    %dma_wait3A_31 = tpu.memref_slice %arg2[%multiple_of3A, %dma_wait3A_30] : memref<10112x16xf32, #tpu.memory_space<hbm>> -> memref<632x16xf32, #tpu.memory_space<hbm>>
    tpu.wait_dma2 semaphore(%arg20 : memref<!tpu.dma_semaphore, #tpu.memory_space<semaphore_mem>>) src(%dma_wait3A_31 : memref<632x16xf32, #tpu.memory_space<hbm>>) dst(%dma_wait3A_29 : memref<632x16xf32, #tpu.memory_space<vmem_shared>>)
    %dma_wait3A_32 = arith.constant 0 : i32
    %dma_wait3A_33 = tpu.memref_slice %arg15[%multiple_of3A, %dma_wait3A_32] : memref<10112x16xf32, #tpu.memory_space<vmem_shared>> -> memref<632x16xf32, #tpu.memory_space<vmem_shared>>
    %dma_wait3A_34 = arith.constant 0 : i32
    %dma_wait3A_35 = tpu.memref_slice %arg3[%multiple_of3A, %dma_wait3A_34] : memref<10112x16xf32, #tpu.memory_space<hbm>> -> memref<632x16xf32, #tpu.memory_space<hbm>>
    tpu.wait_dma2 semaphore(%arg21 : memref<!tpu.dma_semaphore, #tpu.memory_space<semaphore_mem>>) src(%dma_wait3A_35 : memref<632x16xf32, #tpu.memory_space<hbm>>) dst(%dma_wait3A_33 : memref<632x16xf32, #tpu.memory_space<vmem_shared>>)
    %dma_wait3A_36 = arith.constant 0 : i32
    %dma_wait3A_37 = arith.constant 0 : i32
    %dma_wait3A_38 = tpu.memref_slice %arg4[%add3A, %dma_wait3A_36, %dma_wait3A_37] : memref<32x20x512xi32, #tpu.memory_space<hbm>> -> memref<1x20x512xi32, #tpu.memory_space<hbm>>
    %dma_wait3A_39 = tpu.memref_squeeze %dma_wait3A_38 : memref<1x20x512xi32, #tpu.memory_space<hbm>> -> memref<20x512xi32, #tpu.memory_space<hbm>>
    %dma_wait3A_40 = arith.constant 0 : i32
    %dma_wait3A_41 = arith.constant 0 : i32
    %dma_wait3A_42 = tpu.memref_slice %arg4[%add3A, %dma_wait3A_40, %dma_wait3A_41] : memref<32x20x512xi32, #tpu.memory_space<hbm>> -> memref<1x20x512xi32, #tpu.memory_space<hbm>>
    %dma_wait3A_43 = tpu.memref_squeeze %dma_wait3A_42 : memref<1x20x512xi32, #tpu.memory_space<hbm>> -> memref<20x512xi32, #tpu.memory_space<hbm>>
    tpu.wait_dma2 semaphore(%arg22 : memref<!tpu.dma_semaphore, #tpu.memory_space<semaphore_mem>>) src(%dma_wait3A_43 : memref<20x512xi32, #tpu.memory_space<hbm>>) dst(%arg8 : memref<20x512xi32, #tpu.memory_space<vmem>>)
    %dma_wait3A_44 = arith.constant 0 : i32
    %dma_wait3A_45 = arith.constant 0 : i32
    %dma_wait3A_46 = tpu.memref_slice %arg5[%add3A, %dma_wait3A_44, %dma_wait3A_45] : memref<32x20x512xi32, #tpu.memory_space<hbm>> -> memref<1x20x512xi32, #tpu.memory_space<hbm>>
    %dma_wait3A_47 = tpu.memref_squeeze %dma_wait3A_46 : memref<1x20x512xi32, #tpu.memory_space<hbm>> -> memref<20x512xi32, #tpu.memory_space<hbm>>
    %dma_wait3A_48 = arith.constant 0 : i32
    %dma_wait3A_49 = arith.constant 0 : i32
    %dma_wait3A_50 = tpu.memref_slice %arg5[%add3A, %dma_wait3A_48, %dma_wait3A_49] : memref<32x20x512xi32, #tpu.memory_space<hbm>> -> memref<1x20x512xi32, #tpu.memory_space<hbm>>
    %dma_wait3A_51 = tpu.memref_squeeze %dma_wait3A_50 : memref<1x20x512xi32, #tpu.memory_space<hbm>> -> memref<20x512xi32, #tpu.memory_space<hbm>>
    tpu.wait_dma2 semaphore(%arg23 : memref<!tpu.dma_semaphore, #tpu.memory_space<semaphore_mem>>) src(%dma_wait3A_51 : memref<20x512xi32, #tpu.memory_space<hbm>>) dst(%arg9 : memref<20x512xi32, #tpu.memory_space<vmem>>)
    %barrier3A = arith.constant 0 : index
    tpu.barrier barrier_id(%barrier3A)
    %scan3A = arith.constant 0 : i32
    %scan3A_52 = arith.constant 0 : i32
    %scan3A_53 = arith.constant 5 : i32
    %scan3A_54 = arith.addi %scan3A_52, %scan3A_53 : i32
    %scan3A_55 = arith.constant 1 : i32
    scf.for %scan3A_96 = %scan3A_52 to %scan3A_54 step %scan3A_55  : i32 {
      %mul3A_97 = arith.constant 4 : i32
      %mul3A_98 = arith.muli %scan3A_96, %mul3A_97 : i32
      %add3A_99 = arith.constant 0 : i32
      %add3A_100 = arith.addi %mul3A_98, %add3A_99 : i32
      %gt3A = arith.constant 0 : i32
      %gt3A_101 = arith.cmpi sgt, %scan3A_96, %gt3A : i32
      %convert_element_type3A_102 = arith.extui %gt3A_101 : i1 to i32
      %cond3A_103 = arith.constant 0 : i32
      %cond3A_104 = arith.cmpi ne, %convert_element_type3A_102, %cond3A_103 : i32
      scf.if %cond3A_104 {
        %dma_wait3A_220 = arith.constant 0 : i32
        %dma_wait3A_221 = tpu.memref_slice %arg9[%add3A_100, %dma_wait3A_220] : memref<20x512xi32, #tpu.memory_space<vmem>> -> memref<1x512xi32, #tpu.memory_space<vmem>>
        %dma_wait3A_222 = tpu.memref_squeeze %dma_wait3A_221 : memref<1x512xi32, #tpu.memory_space<vmem>> -> memref<512xi32, #tpu.memory_space<vmem>>
        %dma_wait3A_223 = arith.constant 0 : i32
        %dma_wait3A_224 = arith.constant 0 : i32
        %dma_wait3A_225 = tpu.memref_slice %arg15[%dma_wait3A_223, %dma_wait3A_224] : memref<10112x16xf32, #tpu.memory_space<vmem_shared>> -> memref<10112x16xf32, #tpu.memory_space<vmem_shared>>
        tpu.wait_indirect_dma semaphore(%arg16 : memref<!tpu.dma_semaphore, #tpu.memory_space<semaphore_mem>>) src(%arg10 : memref<512x16xf32, #tpu.memory_space<vmem>>) dst(%dma_wait3A_225 : memref<10112x16xf32, #tpu.memory_space<vmem_shared>>)
      } else {
      }
      %dma_start3A_105 = arith.constant 0 : i32
      %dma_start3A_106 = tpu.memref_slice %arg8[%add3A_100, %dma_start3A_105] : memref<20x512xi32, #tpu.memory_space<vmem>> -> memref<1x512xi32, #tpu.memory_space<vmem>>
      %dma_start3A_107 = tpu.memref_squeeze %dma_start3A_106 : memref<1x512xi32, #tpu.memory_space<vmem>> -> memref<512xi32, #tpu.memory_space<vmem>>
      %dma_start3A_108 = arith.constant 0 : i32
      %dma_start3A_109 = arith.constant 0 : i32
      %dma_start3A_110 = tpu.memref_slice %arg14[%dma_start3A_108, %dma_start3A_109] : memref<10112x16xf32, #tpu.memory_space<vmem_shared>> -> memref<10112x16xf32, #tpu.memory_space<vmem_shared>>
      tpu.enqueue_indirect_dma source(%dma_start3A_110 : memref<10112x16xf32, #tpu.memory_space<vmem_shared>>) target(%arg10 : memref<512x16xf32, #tpu.memory_space<vmem>>) offsets(%dma_start3A_107 : memref<512xi32, #tpu.memory_space<vmem>>) semaphore(%arg20 : memref<!tpu.dma_semaphore, #tpu.memory_space<semaphore_mem>>)
      %mul3A_111 = arith.constant 4 : i32
      %mul3A_112 = arith.muli %scan3A_96, %mul3A_111 : i32
      %add3A_113 = arith.constant 1 : i32
      %add3A_114 = arith.addi %mul3A_112, %add3A_113 : i32
      %gt3A_115 = arith.constant 0 : i32
      %gt3A_116 = arith.cmpi sgt, %scan3A_96, %gt3A_115 : i32
      %convert_element_type3A_117 = arith.extui %gt3A_116 : i1 to i32
      %cond3A_118 = arith.constant 0 : i32
      %cond3A_119 = arith.cmpi ne, %convert_element_type3A_117, %cond3A_118 : i32
      scf.if %cond3A_119 {
        %dma_wait3A_220 = arith.constant 0 : i32
        %dma_wait3A_221 = tpu.memref_slice %arg9[%add3A_114, %dma_wait3A_220] : memref<20x512xi32, #tpu.memory_space<vmem>> -> memref<1x512xi32, #tpu.memory_space<vmem>>
        %dma_wait3A_222 = tpu.memref_squeeze %dma_wait3A_221 : memref<1x512xi32, #tpu.memory_space<vmem>> -> memref<512xi32, #tpu.memory_space<vmem>>
        %dma_wait3A_223 = arith.constant 0 : i32
        %dma_wait3A_224 = arith.constant 0 : i32
        %dma_wait3A_225 = tpu.memref_slice %arg15[%dma_wait3A_223, %dma_wait3A_224] : memref<10112x16xf32, #tpu.memory_space<vmem_shared>> -> memref<10112x16xf32, #tpu.memory_space<vmem_shared>>
        tpu.wait_indirect_dma semaphore(%arg17 : memref<!tpu.dma_semaphore, #tpu.memory_space<semaphore_mem>>) src(%arg11 : memref<512x16xf32, #tpu.memory_space<vmem>>) dst(%dma_wait3A_225 : memref<10112x16xf32, #tpu.memory_space<vmem_shared>>)
      } else {
      }
      %dma_start3A_120 = arith.constant 0 : i32
      %dma_start3A_121 = tpu.memref_slice %arg8[%add3A_114, %dma_start3A_120] : memref<20x512xi32, #tpu.memory_space<vmem>> -> memref<1x512xi32, #tpu.memory_space<vmem>>
      %dma_start3A_122 = tpu.memref_squeeze %dma_start3A_121 : memref<1x512xi32, #tpu.memory_space<vmem>> -> memref<512xi32, #tpu.memory_space<vmem>>
      %dma_start3A_123 = arith.constant 0 : i32
      %dma_start3A_124 = arith.constant 0 : i32
      %dma_start3A_125 = tpu.memref_slice %arg14[%dma_start3A_123, %dma_start3A_124] : memref<10112x16xf32, #tpu.memory_space<vmem_shared>> -> memref<10112x16xf32, #tpu.memory_space<vmem_shared>>
      tpu.enqueue_indirect_dma source(%dma_start3A_125 : memref<10112x16xf32, #tpu.memory_space<vmem_shared>>) target(%arg11 : memref<512x16xf32, #tpu.memory_space<vmem>>) offsets(%dma_start3A_122 : memref<512xi32, #tpu.memory_space<vmem>>) semaphore(%arg21 : memref<!tpu.dma_semaphore, #tpu.memory_space<semaphore_mem>>)
      %mul3A_126 = arith.constant 4 : i32
      %mul3A_127 = arith.muli %scan3A_96, %mul3A_126 : i32
      %add3A_128 = arith.constant 2 : i32
      %add3A_129 = arith.addi %mul3A_127, %add3A_128 : i32
      %gt3A_130 = arith.constant 0 : i32
      %gt3A_131 = arith.cmpi sgt, %scan3A_96, %gt3A_130 : i32
      %convert_element_type3A_132 = arith.extui %gt3A_131 : i1 to i32
      %cond3A_133 = arith.constant 0 : i32
      %cond3A_134 = arith.cmpi ne, %convert_element_type3A_132, %cond3A_133 : i32
      scf.if %cond3A_134 {
        %dma_wait3A_220 = arith.constant 0 : i32
        %dma_wait3A_221 = tpu.memref_slice %arg9[%add3A_129, %dma_wait3A_220] : memref<20x512xi32, #tpu.memory_space<vmem>> -> memref<1x512xi32, #tpu.memory_space<vmem>>
        %dma_wait3A_222 = tpu.memref_squeeze %dma_wait3A_221 : memref<1x512xi32, #tpu.memory_space<vmem>> -> memref<512xi32, #tpu.memory_space<vmem>>
        %dma_wait3A_223 = arith.constant 0 : i32
        %dma_wait3A_224 = arith.constant 0 : i32
        %dma_wait3A_225 = tpu.memref_slice %arg15[%dma_wait3A_223, %dma_wait3A_224] : memref<10112x16xf32, #tpu.memory_space<vmem_shared>> -> memref<10112x16xf32, #tpu.memory_space<vmem_shared>>
        tpu.wait_indirect_dma semaphore(%arg18 : memref<!tpu.dma_semaphore, #tpu.memory_space<semaphore_mem>>) src(%arg12 : memref<512x16xf32, #tpu.memory_space<vmem>>) dst(%dma_wait3A_225 : memref<10112x16xf32, #tpu.memory_space<vmem_shared>>)
      } else {
      }
      %dma_start3A_135 = arith.constant 0 : i32
      %dma_start3A_136 = tpu.memref_slice %arg8[%add3A_129, %dma_start3A_135] : memref<20x512xi32, #tpu.memory_space<vmem>> -> memref<1x512xi32, #tpu.memory_space<vmem>>
      %dma_start3A_137 = tpu.memref_squeeze %dma_start3A_136 : memref<1x512xi32, #tpu.memory_space<vmem>> -> memref<512xi32, #tpu.memory_space<vmem>>
      %dma_start3A_138 = arith.constant 0 : i32
      %dma_start3A_139 = arith.constant 0 : i32
      %dma_start3A_140 = tpu.memref_slice %arg14[%dma_start3A_138, %dma_start3A_139] : memref<10112x16xf32, #tpu.memory_space<vmem_shared>> -> memref<10112x16xf32, #tpu.memory_space<vmem_shared>>
      tpu.enqueue_indirect_dma source(%dma_start3A_140 : memref<10112x16xf32, #tpu.memory_space<vmem_shared>>) target(%arg12 : memref<512x16xf32, #tpu.memory_space<vmem>>) offsets(%dma_start3A_137 : memref<512xi32, #tpu.memory_space<vmem>>) semaphore(%arg22 : memref<!tpu.dma_semaphore, #tpu.memory_space<semaphore_mem>>)
      %mul3A_141 = arith.constant 4 : i32
      %mul3A_142 = arith.muli %scan3A_96, %mul3A_141 : i32
      %add3A_143 = arith.constant 3 : i32
      %add3A_144 = arith.addi %mul3A_142, %add3A_143 : i32
      %gt3A_145 = arith.constant 0 : i32
      %gt3A_146 = arith.cmpi sgt, %scan3A_96, %gt3A_145 : i32
      %convert_element_type3A_147 = arith.extui %gt3A_146 : i1 to i32
      %cond3A_148 = arith.constant 0 : i32
      %cond3A_149 = arith.cmpi ne, %convert_element_type3A_147, %cond3A_148 : i32
      scf.if %cond3A_149 {
        %dma_wait3A_220 = arith.constant 0 : i32
        %dma_wait3A_221 = tpu.memref_slice %arg9[%add3A_144, %dma_wait3A_220] : memref<20x512xi32, #tpu.memory_space<vmem>> -> memref<1x512xi32, #tpu.memory_space<vmem>>
        %dma_wait3A_222 = tpu.memref_squeeze %dma_wait3A_221 : memref<1x512xi32, #tpu.memory_space<vmem>> -> memref<512xi32, #tpu.memory_space<vmem>>
        %dma_wait3A_223 = arith.constant 0 : i32
        %dma_wait3A_224 = arith.constant 0 : i32
        %dma_wait3A_225 = tpu.memref_slice %arg15[%dma_wait3A_223, %dma_wait3A_224] : memref<10112x16xf32, #tpu.memory_space<vmem_shared>> -> memref<10112x16xf32, #tpu.memory_space<vmem_shared>>
        tpu.wait_indirect_dma semaphore(%arg19 : memref<!tpu.dma_semaphore, #tpu.memory_space<semaphore_mem>>) src(%arg13 : memref<512x16xf32, #tpu.memory_space<vmem>>) dst(%dma_wait3A_225 : memref<10112x16xf32, #tpu.memory_space<vmem_shared>>)
      } else {
      }
      %dma_start3A_150 = arith.constant 0 : i32
      %dma_start3A_151 = tpu.memref_slice %arg8[%add3A_144, %dma_start3A_150] : memref<20x512xi32, #tpu.memory_space<vmem>> -> memref<1x512xi32, #tpu.memory_space<vmem>>
      %dma_start3A_152 = tpu.memref_squeeze %dma_start3A_151 : memref<1x512xi32, #tpu.memory_space<vmem>> -> memref<512xi32, #tpu.memory_space<vmem>>
      %dma_start3A_153 = arith.constant 0 : i32
      %dma_start3A_154 = arith.constant 0 : i32
      %dma_start3A_155 = tpu.memref_slice %arg14[%dma_start3A_153, %dma_start3A_154] : memref<10112x16xf32, #tpu.memory_space<vmem_shared>> -> memref<10112x16xf32, #tpu.memory_space<vmem_shared>>
      tpu.enqueue_indirect_dma source(%dma_start3A_155 : memref<10112x16xf32, #tpu.memory_space<vmem_shared>>) target(%arg13 : memref<512x16xf32, #tpu.memory_space<vmem>>) offsets(%dma_start3A_152 : memref<512xi32, #tpu.memory_space<vmem>>) semaphore(%arg23 : memref<!tpu.dma_semaphore, #tpu.memory_space<semaphore_mem>>)
      %mul3A_156 = arith.constant 4 : i32
      %mul3A_157 = arith.muli %scan3A_96, %mul3A_156 : i32
      %add3A_158 = arith.constant 0 : i32
      %add3A_159 = arith.addi %mul3A_157, %add3A_158 : i32
      %dma_wait3A_160 = arith.constant 0 : i32
      %dma_wait3A_161 = tpu.memref_slice %arg8[%add3A_159, %dma_wait3A_160] : memref<20x512xi32, #tpu.memory_space<vmem>> -> memref<1x512xi32, #tpu.memory_space<vmem>>
      %dma_wait3A_162 = tpu.memref_squeeze %dma_wait3A_161 : memref<1x512xi32, #tpu.memory_space<vmem>> -> memref<512xi32, #tpu.memory_space<vmem>>
      %dma_wait3A_163 = arith.constant 0 : i32
      %dma_wait3A_164 = arith.constant 0 : i32
      %dma_wait3A_165 = tpu.memref_slice %arg14[%dma_wait3A_163, %dma_wait3A_164] : memref<10112x16xf32, #tpu.memory_space<vmem_shared>> -> memref<10112x16xf32, #tpu.memory_space<vmem_shared>>
      tpu.wait_indirect_dma semaphore(%arg20 : memref<!tpu.dma_semaphore, #tpu.memory_space<semaphore_mem>>) src(%dma_wait3A_165 : memref<10112x16xf32, #tpu.memory_space<vmem_shared>>) dst(%arg10 : memref<512x16xf32, #tpu.memory_space<vmem>>)
      %dma_start3A_166 = arith.constant 0 : i32
      %dma_start3A_167 = tpu.memref_slice %arg9[%add3A_159, %dma_start3A_166] : memref<20x512xi32, #tpu.memory_space<vmem>> -> memref<1x512xi32, #tpu.memory_space<vmem>>
      %dma_start3A_168 = tpu.memref_squeeze %dma_start3A_167 : memref<1x512xi32, #tpu.memory_space<vmem>> -> memref<512xi32, #tpu.memory_space<vmem>>
      %dma_start3A_169 = arith.constant 0 : i32
      %dma_start3A_170 = arith.constant 0 : i32
      %dma_start3A_171 = tpu.memref_slice %arg15[%dma_start3A_169, %dma_start3A_170] : memref<10112x16xf32, #tpu.memory_space<vmem_shared>> -> memref<10112x16xf32, #tpu.memory_space<vmem_shared>>
      tpu.enqueue_indirect_dma source(%arg10 : memref<512x16xf32, #tpu.memory_space<vmem>>) target(%dma_start3A_171 : memref<10112x16xf32, #tpu.memory_space<vmem_shared>>) offsets(%dma_start3A_168 : memref<512xi32, #tpu.memory_space<vmem>>) semaphore(%arg16 : memref<!tpu.dma_semaphore, #tpu.memory_space<semaphore_mem>>) {add = true}
      %mul3A_172 = arith.constant 4 : i32
      %mul3A_173 = arith.muli %scan3A_96, %mul3A_172 : i32
      %add3A_174 = arith.constant 1 : i32
      %add3A_175 = arith.addi %mul3A_173, %add3A_174 : i32
      %dma_wait3A_176 = arith.constant 0 : i32
      %dma_wait3A_177 = tpu.memref_slice %arg8[%add3A_175, %dma_wait3A_176] : memref<20x512xi32, #tpu.memory_space<vmem>> -> memref<1x512xi32, #tpu.memory_space<vmem>>
      %dma_wait3A_178 = tpu.memref_squeeze %dma_wait3A_177 : memref<1x512xi32, #tpu.memory_space<vmem>> -> memref<512xi32, #tpu.memory_space<vmem>>
      %dma_wait3A_179 = arith.constant 0 : i32
      %dma_wait3A_180 = arith.constant 0 : i32
      %dma_wait3A_181 = tpu.memref_slice %arg14[%dma_wait3A_179, %dma_wait3A_180] : memref<10112x16xf32, #tpu.memory_space<vmem_shared>> -> memref<10112x16xf32, #tpu.memory_space<vmem_shared>>
      tpu.wait_indirect_dma semaphore(%arg21 : memref<!tpu.dma_semaphore, #tpu.memory_space<semaphore_mem>>) src(%dma_wait3A_181 : memref<10112x16xf32, #tpu.memory_space<vmem_shared>>) dst(%arg11 : memref<512x16xf32, #tpu.memory_space<vmem>>)
      %dma_start3A_182 = arith.constant 0 : i32
      %dma_start3A_183 = tpu.memref_slice %arg9[%add3A_175, %dma_start3A_182] : memref<20x512xi32, #tpu.memory_space<vmem>> -> memref<1x512xi32, #tpu.memory_space<vmem>>
      %dma_start3A_184 = tpu.memref_squeeze %dma_start3A_183 : memref<1x512xi32, #tpu.memory_space<vmem>> -> memref<512xi32, #tpu.memory_space<vmem>>
      %dma_start3A_185 = arith.constant 0 : i32
      %dma_start3A_186 = arith.constant 0 : i32
      %dma_start3A_187 = tpu.memref_slice %arg15[%dma_start3A_185, %dma_start3A_186] : memref<10112x16xf32, #tpu.memory_space<vmem_shared>> -> memref<10112x16xf32, #tpu.memory_space<vmem_shared>>
      tpu.enqueue_indirect_dma source(%arg11 : memref<512x16xf32, #tpu.memory_space<vmem>>) target(%dma_start3A_187 : memref<10112x16xf32, #tpu.memory_space<vmem_shared>>) offsets(%dma_start3A_184 : memref<512xi32, #tpu.memory_space<vmem>>) semaphore(%arg17 : memref<!tpu.dma_semaphore, #tpu.memory_space<semaphore_mem>>) {add = true}
      %mul3A_188 = arith.constant 4 : i32
      %mul3A_189 = arith.muli %scan3A_96, %mul3A_188 : i32
      %add3A_190 = arith.constant 2 : i32
      %add3A_191 = arith.addi %mul3A_189, %add3A_190 : i32
      %dma_wait3A_192 = arith.constant 0 : i32
      %dma_wait3A_193 = tpu.memref_slice %arg8[%add3A_191, %dma_wait3A_192] : memref<20x512xi32, #tpu.memory_space<vmem>> -> memref<1x512xi32, #tpu.memory_space<vmem>>
      %dma_wait3A_194 = tpu.memref_squeeze %dma_wait3A_193 : memref<1x512xi32, #tpu.memory_space<vmem>> -> memref<512xi32, #tpu.memory_space<vmem>>
      %dma_wait3A_195 = arith.constant 0 : i32
      %dma_wait3A_196 = arith.constant 0 : i32
      %dma_wait3A_197 = tpu.memref_slice %arg14[%dma_wait3A_195, %dma_wait3A_196] : memref<10112x16xf32, #tpu.memory_space<vmem_shared>> -> memref<10112x16xf32, #tpu.memory_space<vmem_shared>>
      tpu.wait_indirect_dma semaphore(%arg22 : memref<!tpu.dma_semaphore, #tpu.memory_space<semaphore_mem>>) src(%dma_wait3A_197 : memref<10112x16xf32, #tpu.memory_space<vmem_shared>>) dst(%arg12 : memref<512x16xf32, #tpu.memory_space<vmem>>)
      %dma_start3A_198 = arith.constant 0 : i32
      %dma_start3A_199 = tpu.memref_slice %arg9[%add3A_191, %dma_start3A_198] : memref<20x512xi32, #tpu.memory_space<vmem>> -> memref<1x512xi32, #tpu.memory_space<vmem>>
      %dma_start3A_200 = tpu.memref_squeeze %dma_start3A_199 : memref<1x512xi32, #tpu.memory_space<vmem>> -> memref<512xi32, #tpu.memory_space<vmem>>
      %dma_start3A_201 = arith.constant 0 : i32
      %dma_start3A_202 = arith.constant 0 : i32
      %dma_start3A_203 = tpu.memref_slice %arg15[%dma_start3A_201, %dma_start3A_202] : memref<10112x16xf32, #tpu.memory_space<vmem_shared>> -> memref<10112x16xf32, #tpu.memory_space<vmem_shared>>
      tpu.enqueue_indirect_dma source(%arg12 : memref<512x16xf32, #tpu.memory_space<vmem>>) target(%dma_start3A_203 : memref<10112x16xf32, #tpu.memory_space<vmem_shared>>) offsets(%dma_start3A_200 : memref<512xi32, #tpu.memory_space<vmem>>) semaphore(%arg18 : memref<!tpu.dma_semaphore, #tpu.memory_space<semaphore_mem>>) {add = true}
      %mul3A_204 = arith.constant 4 : i32
      %mul3A_205 = arith.muli %scan3A_96, %mul3A_204 : i32
      %add3A_206 = arith.constant 3 : i32
      %add3A_207 = arith.addi %mul3A_205, %add3A_206 : i32
      %dma_wait3A_208 = arith.constant 0 : i32
      %dma_wait3A_209 = tpu.memref_slice %arg8[%add3A_207, %dma_wait3A_208] : memref<20x512xi32, #tpu.memory_space<vmem>> -> memref<1x512xi32, #tpu.memory_space<vmem>>
      %dma_wait3A_210 = tpu.memref_squeeze %dma_wait3A_209 : memref<1x512xi32, #tpu.memory_space<vmem>> -> memref<512xi32, #tpu.memory_space<vmem>>
      %dma_wait3A_211 = arith.constant 0 : i32
      %dma_wait3A_212 = arith.constant 0 : i32
      %dma_wait3A_213 = tpu.memref_slice %arg14[%dma_wait3A_211, %dma_wait3A_212] : memref<10112x16xf32, #tpu.memory_space<vmem_shared>> -> memref<10112x16xf32, #tpu.memory_space<vmem_shared>>
      tpu.wait_indirect_dma semaphore(%arg23 : memref<!tpu.dma_semaphore, #tpu.memory_space<semaphore_mem>>) src(%dma_wait3A_213 : memref<10112x16xf32, #tpu.memory_space<vmem_shared>>) dst(%arg13 : memref<512x16xf32, #tpu.memory_space<vmem>>)
      %dma_start3A_214 = arith.constant 0 : i32
      %dma_start3A_215 = tpu.memref_slice %arg9[%add3A_207, %dma_start3A_214] : memref<20x512xi32, #tpu.memory_space<vmem>> -> memref<1x512xi32, #tpu.memory_space<vmem>>
      %dma_start3A_216 = tpu.memref_squeeze %dma_start3A_215 : memref<1x512xi32, #tpu.memory_space<vmem>> -> memref<512xi32, #tpu.memory_space<vmem>>
      %dma_start3A_217 = arith.constant 0 : i32
      %dma_start3A_218 = arith.constant 0 : i32
      %dma_start3A_219 = tpu.memref_slice %arg15[%dma_start3A_217, %dma_start3A_218] : memref<10112x16xf32, #tpu.memory_space<vmem_shared>> -> memref<10112x16xf32, #tpu.memory_space<vmem_shared>>
      tpu.enqueue_indirect_dma source(%arg13 : memref<512x16xf32, #tpu.memory_space<vmem>>) target(%dma_start3A_219 : memref<10112x16xf32, #tpu.memory_space<vmem_shared>>) offsets(%dma_start3A_216 : memref<512xi32, #tpu.memory_space<vmem>>) semaphore(%arg19 : memref<!tpu.dma_semaphore, #tpu.memory_space<semaphore_mem>>) {add = true}
    }
    %scan3A_56 = arith.constant 5 : i32
    %dma_wait3A_57 = arith.constant 0 : i32
    %dma_wait3A_58 = arith.constant 0 : i32
    %dma_wait3A_59 = tpu.memref_slice %arg9[%dma_wait3A_57, %dma_wait3A_58] : memref<20x512xi32, #tpu.memory_space<vmem>> -> memref<1x512xi32, #tpu.memory_space<vmem>>
    %dma_wait3A_60 = tpu.memref_squeeze %dma_wait3A_59 : memref<1x512xi32, #tpu.memory_space<vmem>> -> memref<512xi32, #tpu.memory_space<vmem>>
    %dma_wait3A_61 = arith.constant 0 : i32
    %dma_wait3A_62 = arith.constant 0 : i32
    %dma_wait3A_63 = tpu.memref_slice %arg15[%dma_wait3A_61, %dma_wait3A_62] : memref<10112x16xf32, #tpu.memory_space<vmem_shared>> -> memref<10112x16xf32, #tpu.memory_space<vmem_shared>>
    tpu.wait_indirect_dma semaphore(%arg16 : memref<!tpu.dma_semaphore, #tpu.memory_space<semaphore_mem>>) src(%arg10 : memref<512x16xf32, #tpu.memory_space<vmem>>) dst(%dma_wait3A_63 : memref<10112x16xf32, #tpu.memory_space<vmem_shared>>)
    %dma_wait3A_64 = arith.constant 0 : i32
    %dma_wait3A_65 = arith.constant 0 : i32
    %dma_wait3A_66 = tpu.memref_slice %arg9[%dma_wait3A_64, %dma_wait3A_65] : memref<20x512xi32, #tpu.memory_space<vmem>> -> memref<1x512xi32, #tpu.memory_space<vmem>>
    %dma_wait3A_67 = tpu.memref_squeeze %dma_wait3A_66 : memref<1x512xi32, #tpu.memory_space<vmem>> -> memref<512xi32, #tpu.memory_space<vmem>>
    %dma_wait3A_68 = arith.constant 0 : i32
    %dma_wait3A_69 = arith.constant 0 : i32
    %dma_wait3A_70 = tpu.memref_slice %arg15[%dma_wait3A_68, %dma_wait3A_69] : memref<10112x16xf32, #tpu.memory_space<vmem_shared>> -> memref<10112x16xf32, #tpu.memory_space<vmem_shared>>
    tpu.wait_indirect_dma semaphore(%arg17 : memref<!tpu.dma_semaphore, #tpu.memory_space<semaphore_mem>>) src(%arg11 : memref<512x16xf32, #tpu.memory_space<vmem>>) dst(%dma_wait3A_70 : memref<10112x16xf32, #tpu.memory_space<vmem_shared>>)
    %dma_wait3A_71 = arith.constant 0 : i32
    %dma_wait3A_72 = arith.constant 0 : i32
    %dma_wait3A_73 = tpu.memref_slice %arg9[%dma_wait3A_71, %dma_wait3A_72] : memref<20x512xi32, #tpu.memory_space<vmem>> -> memref<1x512xi32, #tpu.memory_space<vmem>>
    %dma_wait3A_74 = tpu.memref_squeeze %dma_wait3A_73 : memref<1x512xi32, #tpu.memory_space<vmem>> -> memref<512xi32, #tpu.memory_space<vmem>>
    %dma_wait3A_75 = arith.constant 0 : i32
    %dma_wait3A_76 = arith.constant 0 : i32
    %dma_wait3A_77 = tpu.memref_slice %arg15[%dma_wait3A_75, %dma_wait3A_76] : memref<10112x16xf32, #tpu.memory_space<vmem_shared>> -> memref<10112x16xf32, #tpu.memory_space<vmem_shared>>
    tpu.wait_indirect_dma semaphore(%arg18 : memref<!tpu.dma_semaphore, #tpu.memory_space<semaphore_mem>>) src(%arg12 : memref<512x16xf32, #tpu.memory_space<vmem>>) dst(%dma_wait3A_77 : memref<10112x16xf32, #tpu.memory_space<vmem_shared>>)
    %dma_wait3A_78 = arith.constant 0 : i32
    %dma_wait3A_79 = arith.constant 0 : i32
    %dma_wait3A_80 = tpu.memref_slice %arg9[%dma_wait3A_78, %dma_wait3A_79] : memref<20x512xi32, #tpu.memory_space<vmem>> -> memref<1x512xi32, #tpu.memory_space<vmem>>
    %dma_wait3A_81 = tpu.memref_squeeze %dma_wait3A_80 : memref<1x512xi32, #tpu.memory_space<vmem>> -> memref<512xi32, #tpu.memory_space<vmem>>
    %dma_wait3A_82 = arith.constant 0 : i32
    %dma_wait3A_83 = arith.constant 0 : i32
    %dma_wait3A_84 = tpu.memref_slice %arg15[%dma_wait3A_82, %dma_wait3A_83] : memref<10112x16xf32, #tpu.memory_space<vmem_shared>> -> memref<10112x16xf32, #tpu.memory_space<vmem_shared>>
    tpu.wait_indirect_dma semaphore(%arg19 : memref<!tpu.dma_semaphore, #tpu.memory_space<semaphore_mem>>) src(%arg13 : memref<512x16xf32, #tpu.memory_space<vmem>>) dst(%dma_wait3A_84 : memref<10112x16xf32, #tpu.memory_space<vmem_shared>>)
    %barrier3A_85 = arith.constant 0 : index
    tpu.barrier barrier_id(%barrier3A_85)
    %eq3A_86 = arith.constant 0 : i32
    %eq3A_87 = arith.cmpi eq, %arg0, %eq3A_86 : i32
    %convert_element_type3A_88 = arith.extui %eq3A_87 : i1 to i32
    %cond3A_89 = arith.constant 0 : i32
    %cond3A_90 = arith.cmpi ne, %convert_element_type3A_88, %cond3A_89 : i32
    scf.if %cond3A_90 {
      "tpu.region"() ({
        %run_scoped3A = tpu.sem_alloc : memref<!tpu.dma_semaphore, #tpu.memory_space<semaphore_mem>>
        %dma_start3A_96 = arith.constant 0 : i32
        %dma_start3A_97 = tpu.memref_slice %arg6[%multiple_of3A, %dma_start3A_96] : memref<10112x16xf32, #tpu.memory_space<hbm>> -> memref<632x16xf32, #tpu.memory_space<hbm>>
        %dma_start3A_98 = arith.constant 0 : i32
        %dma_start3A_99 = tpu.memref_slice %arg15[%multiple_of3A, %dma_start3A_98] : memref<10112x16xf32, #tpu.memory_space<vmem_shared>> -> memref<632x16xf32, #tpu.memory_space<vmem_shared>>
        tpu.enqueue_dma source(%dma_start3A_99 : memref<632x16xf32, #tpu.memory_space<vmem_shared>>) target(%dma_start3A_97 : memref<632x16xf32, #tpu.memory_space<hbm>>) target_semaphore(%run_scoped3A : memref<!tpu.dma_semaphore, #tpu.memory_space<semaphore_mem>>)
        %dma_wait3A_100 = arith.constant 0 : i32
        %dma_wait3A_101 = tpu.memref_slice %arg6[%multiple_of3A, %dma_wait3A_100] : memref<10112x16xf32, #tpu.memory_space<hbm>> -> memref<632x16xf32, #tpu.memory_space<hbm>>
        %dma_wait3A_102 = arith.constant 0 : i32
        %dma_wait3A_103 = tpu.memref_slice %arg15[%multiple_of3A, %dma_wait3A_102] : memref<10112x16xf32, #tpu.memory_space<vmem_shared>> -> memref<632x16xf32, #tpu.memory_space<vmem_shared>>
        tpu.wait_dma2 semaphore(%run_scoped3A : memref<!tpu.dma_semaphore, #tpu.memory_space<semaphore_mem>>) src(%dma_wait3A_103 : memref<632x16xf32, #tpu.memory_space<vmem_shared>>) dst(%dma_wait3A_101 : memref<632x16xf32, #tpu.memory_space<hbm>>)
        tpu.yield
      }) : () -> ()
    } else {
    }
    %eq3A_91 = arith.constant 1 : i32
    %eq3A_92 = arith.cmpi eq, %arg0, %eq3A_91 : i32
    %convert_element_type3A_93 = arith.extui %eq3A_92 : i1 to i32
    %cond3A_94 = arith.constant 0 : i32
    %cond3A_95 = arith.cmpi ne, %convert_element_type3A_93, %cond3A_94 : i32
    scf.if %cond3A_95 {
      "tpu.region"() ({
        %run_scoped3A = tpu.sem_alloc : memref<!tpu.dma_semaphore, #tpu.memory_space<semaphore_mem>>
        %dma_start3A_96 = arith.constant 0 : i32
        %dma_start3A_97 = tpu.memref_slice %arg7[%multiple_of3A, %dma_start3A_96] : memref<10112x16xf32, #tpu.memory_space<hbm>> -> memref<632x16xf32, #tpu.memory_space<hbm>>
        %dma_start3A_98 = arith.constant 0 : i32
        %dma_start3A_99 = tpu.memref_slice %arg15[%multiple_of3A, %dma_start3A_98] : memref<10112x16xf32, #tpu.memory_space<vmem_shared>> -> memref<632x16xf32, #tpu.memory_space<vmem_shared>>
        tpu.enqueue_dma source(%dma_start3A_99 : memref<632x16xf32, #tpu.memory_space<vmem_shared>>) target(%dma_start3A_97 : memref<632x16xf32, #tpu.memory_space<hbm>>) target_semaphore(%run_scoped3A : memref<!tpu.dma_semaphore, #tpu.memory_space<semaphore_mem>>)
        %dma_wait3A_100 = arith.constant 0 : i32
        %dma_wait3A_101 = tpu.memref_slice %arg7[%multiple_of3A, %dma_wait3A_100] : memref<10112x16xf32, #tpu.memory_space<hbm>> -> memref<632x16xf32, #tpu.memory_space<hbm>>
        %dma_wait3A_102 = arith.constant 0 : i32
        %dma_wait3A_103 = tpu.memref_slice %arg15[%multiple_of3A, %dma_wait3A_102] : memref<10112x16xf32, #tpu.memory_space<vmem_shared>> -> memref<632x16xf32, #tpu.memory_space<vmem_shared>>
        tpu.wait_dma2 semaphore(%run_scoped3A : memref<!tpu.dma_semaphore, #tpu.memory_space<semaphore_mem>>) src(%dma_wait3A_103 : memref<632x16xf32, #tpu.memory_space<vmem_shared>>) dst(%dma_wait3A_101 : memref<632x16xf32, #tpu.memory_space<hbm>>)
        tpu.yield
      }) : () -> ()
    } else {
    }
    return
  }
}

#map = affine_map<(d0, d1) -> (0, 0)>
#map1 = affine_map<(d0, d1) -> (0, 0, 0)>
module attributes {stable_mosaic.version = 14 : i64} {
  func.func @_edge_scatter(%arg0: i32, %arg1: i32, %arg2: memref<10112x16xf32, #tpu.memory_space<hbm>>, %arg3: memref<10112x16xf32, #tpu.memory_space<hbm>>, %arg4: memref<32x20x512xi32, #tpu.memory_space<hbm>>, %arg5: memref<32x20x512xi32, #tpu.memory_space<hbm>>, %arg6: memref<10112x16xf32, #tpu.memory_space<hbm>>, %arg7: memref<10112x16xf32, #tpu.memory_space<hbm>>, %arg8: memref<20x512xi32, #tpu.memory_space<vmem>>, %arg9: memref<20x512xi32, #tpu.memory_space<vmem>>, %arg10: memref<512x16xf32, #tpu.memory_space<vmem>>, %arg11: memref<512x16xf32, #tpu.memory_space<vmem>>, %arg12: memref<512x16xf32, #tpu.memory_space<vmem>>, %arg13: memref<512x16xf32, #tpu.memory_space<vmem>>, %arg14: memref<10112x16xf32, #tpu.memory_space<vmem_shared>>, %arg15: memref<10112x16xf32, #tpu.memory_space<vmem_shared>>, %arg16: memref<!tpu.dma_semaphore, #tpu.memory_space<semaphore_mem>>, %arg17: memref<!tpu.dma_semaphore, #tpu.memory_space<semaphore_mem>>, %arg18: memref<!tpu.dma_semaphore, #tpu.memory_space<semaphore_mem>>, %arg19: memref<!tpu.dma_semaphore, #tpu.memory_space<semaphore_mem>>, %arg20: memref<!tpu.dma_semaphore, #tpu.memory_space<semaphore_mem>>, %arg21: memref<!tpu.dma_semaphore, #tpu.memory_space<semaphore_mem>>, %arg22: memref<!tpu.dma_semaphore, #tpu.memory_space<semaphore_mem>>, %arg23: memref<!tpu.dma_semaphore, #tpu.memory_space<semaphore_mem>>) attributes {dimension_semantics = [#tpu.dimension_semantics<core_parallel>, #tpu.dimension_semantics<subcore_parallel>], iteration_bounds = array<i64: 2, 16>, scalar_prefetch = 0 : i64, scratch_operands = 16 : i64, tpu.core_type = #tpu.core_type<sc_vector_subcore>, window_params = [{transform_indices = #map}, {transform_indices = #map}, {transform_indices = #map1}, {transform_indices = #map1}, {transform_indices = #map}, {transform_indices = #map}]} {
    %mul3A = arith.constant 16 : i32
    %mul3A_0 = arith.muli %arg0, %mul3A : i32
    %add3A = arith.addi %mul3A_0, %arg1 : i32
    %mul3A_1 = arith.constant 632 : i32
    %mul3A_2 = arith.muli %arg1, %mul3A_1 : i32
    %multiple_of3A = tpu.assume_multiple %mul3A_2, 8 : i32
    %dma_start3A = arith.constant 0 : i32
    %dma_start3A_3 = tpu.memref_slice %arg14[%multiple_of3A, %dma_start3A] : memref<10112x16xf32, #tpu.memory_space<vmem_shared>> -> memref<632x16xf32, #tpu.memory_space<vmem_shared>>
    %dma_start3A_4 = arith.constant 0 : i32
    %dma_start3A_5 = tpu.memref_slice %arg2[%multiple_of3A, %dma_start3A_4] : memref<10112x16xf32, #tpu.memory_space<hbm>> -> memref<632x16xf32, #tpu.memory_space<hbm>>
    tpu.enqueue_dma source(%dma_start3A_5 : memref<632x16xf32, #tpu.memory_space<hbm>>) target(%dma_start3A_3 : memref<632x16xf32, #tpu.memory_space<vmem_shared>>) target_semaphore(%arg20 : memref<!tpu.dma_semaphore, #tpu.memory_space<semaphore_mem>>)
    %eq3A = arith.constant 0 : i32
    %eq3A_6 = arith.cmpi eq, %arg0, %eq3A : i32
    %convert_element_type3A = arith.extui %eq3A_6 : i1 to i32
    %cond3A = arith.constant 0 : i32
    %cond3A_7 = arith.cmpi ne, %convert_element_type3A, %cond3A : i32
    scf.if %cond3A_7 {
      %dma_start3A_96 = arith.constant 0 : i32
      %dma_start3A_97 = tpu.memref_slice %arg15[%multiple_of3A, %dma_start3A_96] : memref<10112x16xf32, #tpu.memory_space<vmem_shared>> -> memref<632x16xf32, #tpu.memory_space<vmem_shared>>
      %dma_start3A_98 = arith.constant 0 : i32
      %dma_start3A_99 = tpu.memref_slice %arg2[%multiple_of3A, %dma_start3A_98] : memref<10112x16xf32, #tpu.memory_space<hbm>> -> memref<632x16xf32, #tpu.memory_space<hbm>>
      tpu.enqueue_dma source(%dma_start3A_99 : memref<632x16xf32, #tpu.memory_space<hbm>>) target(%dma_start3A_97 : memref<632x16xf32, #tpu.memory_space<vmem_shared>>) target_semaphore(%arg21 : memref<!tpu.dma_semaphore, #tpu.memory_space<semaphore_mem>>)
    } else {
    }
    %eq3A_8 = arith.constant 1 : i32
    %eq3A_9 = arith.cmpi eq, %arg0, %eq3A_8 : i32
    %convert_element_type3A_10 = arith.extui %eq3A_9 : i1 to i32
    %cond3A_11 = arith.constant 0 : i32
    %cond3A_12 = arith.cmpi ne, %convert_element_type3A_10, %cond3A_11 : i32
    scf.if %cond3A_12 {
      %dma_start3A_96 = arith.constant 0 : i32
      %dma_start3A_97 = tpu.memref_slice %arg15[%multiple_of3A, %dma_start3A_96] : memref<10112x16xf32, #tpu.memory_space<vmem_shared>> -> memref<632x16xf32, #tpu.memory_space<vmem_shared>>
      %dma_start3A_98 = arith.constant 0 : i32
      %dma_start3A_99 = tpu.memref_slice %arg3[%multiple_of3A, %dma_start3A_98] : memref<10112x16xf32, #tpu.memory_space<hbm>> -> memref<632x16xf32, #tpu.memory_space<hbm>>
      tpu.enqueue_dma source(%dma_start3A_99 : memref<632x16xf32, #tpu.memory_space<hbm>>) target(%dma_start3A_97 : memref<632x16xf32, #tpu.memory_space<vmem_shared>>) target_semaphore(%arg21 : memref<!tpu.dma_semaphore, #tpu.memory_space<semaphore_mem>>)
    } else {
    }
    %dma_start3A_13 = arith.constant 0 : i32
    %dma_start3A_14 = arith.constant 0 : i32
    %dma_start3A_15 = tpu.memref_slice %arg4[%add3A, %dma_start3A_13, %dma_start3A_14] : memref<32x20x512xi32, #tpu.memory_space<hbm>> -> memref<1x20x512xi32, #tpu.memory_space<hbm>>
    %dma_start3A_16 = tpu.memref_squeeze %dma_start3A_15 : memref<1x20x512xi32, #tpu.memory_space<hbm>> -> memref<20x512xi32, #tpu.memory_space<hbm>>
    %dma_start3A_17 = arith.constant 0 : i32
    %dma_start3A_18 = arith.constant 0 : i32
    %dma_start3A_19 = tpu.memref_slice %arg4[%add3A, %dma_start3A_17, %dma_start3A_18] : memref<32x20x512xi32, #tpu.memory_space<hbm>> -> memref<1x20x512xi32, #tpu.memory_space<hbm>>
    %dma_start3A_20 = tpu.memref_squeeze %dma_start3A_19 : memref<1x20x512xi32, #tpu.memory_space<hbm>> -> memref<20x512xi32, #tpu.memory_space<hbm>>
    tpu.enqueue_dma source(%dma_start3A_20 : memref<20x512xi32, #tpu.memory_space<hbm>>) target(%arg8 : memref<20x512xi32, #tpu.memory_space<vmem>>) target_semaphore(%arg22 : memref<!tpu.dma_semaphore, #tpu.memory_space<semaphore_mem>>)
    %dma_start3A_21 = arith.constant 0 : i32
    %dma_start3A_22 = arith.constant 0 : i32
    %dma_start3A_23 = tpu.memref_slice %arg5[%add3A, %dma_start3A_21, %dma_start3A_22] : memref<32x20x512xi32, #tpu.memory_space<hbm>> -> memref<1x20x512xi32, #tpu.memory_space<hbm>>
    %dma_start3A_24 = tpu.memref_squeeze %dma_start3A_23 : memref<1x20x512xi32, #tpu.memory_space<hbm>> -> memref<20x512xi32, #tpu.memory_space<hbm>>
    %dma_start3A_25 = arith.constant 0 : i32
    %dma_start3A_26 = arith.constant 0 : i32
    %dma_start3A_27 = tpu.memref_slice %arg5[%add3A, %dma_start3A_25, %dma_start3A_26] : memref<32x20x512xi32, #tpu.memory_space<hbm>> -> memref<1x20x512xi32, #tpu.memory_space<hbm>>
    %dma_start3A_28 = tpu.memref_squeeze %dma_start3A_27 : memref<1x20x512xi32, #tpu.memory_space<hbm>> -> memref<20x512xi32, #tpu.memory_space<hbm>>
    tpu.enqueue_dma source(%dma_start3A_28 : memref<20x512xi32, #tpu.memory_space<hbm>>) target(%arg9 : memref<20x512xi32, #tpu.memory_space<vmem>>) target_semaphore(%arg23 : memref<!tpu.dma_semaphore, #tpu.memory_space<semaphore_mem>>)
    %dma_wait3A = arith.constant 0 : i32
    %dma_wait3A_29 = tpu.memref_slice %arg14[%multiple_of3A, %dma_wait3A] : memref<10112x16xf32, #tpu.memory_space<vmem_shared>> -> memref<632x16xf32, #tpu.memory_space<vmem_shared>>
    %dma_wait3A_30 = arith.constant 0 : i32
    %dma_wait3A_31 = tpu.memref_slice %arg2[%multiple_of3A, %dma_wait3A_30] : memref<10112x16xf32, #tpu.memory_space<hbm>> -> memref<632x16xf32, #tpu.memory_space<hbm>>
    tpu.wait_dma2 semaphore(%arg20 : memref<!tpu.dma_semaphore, #tpu.memory_space<semaphore_mem>>) src(%dma_wait3A_31 : memref<632x16xf32, #tpu.memory_space<hbm>>) dst(%dma_wait3A_29 : memref<632x16xf32, #tpu.memory_space<vmem_shared>>)
    %dma_wait3A_32 = arith.constant 0 : i32
    %dma_wait3A_33 = tpu.memref_slice %arg15[%multiple_of3A, %dma_wait3A_32] : memref<10112x16xf32, #tpu.memory_space<vmem_shared>> -> memref<632x16xf32, #tpu.memory_space<vmem_shared>>
    %dma_wait3A_34 = arith.constant 0 : i32
    %dma_wait3A_35 = tpu.memref_slice %arg3[%multiple_of3A, %dma_wait3A_34] : memref<10112x16xf32, #tpu.memory_space<hbm>> -> memref<632x16xf32, #tpu.memory_space<hbm>>
    tpu.wait_dma2 semaphore(%arg21 : memref<!tpu.dma_semaphore, #tpu.memory_space<semaphore_mem>>) src(%dma_wait3A_35 : memref<632x16xf32, #tpu.memory_space<hbm>>) dst(%dma_wait3A_33 : memref<632x16xf32, #tpu.memory_space<vmem_shared>>)
    %dma_wait3A_36 = arith.constant 0 : i32
    %dma_wait3A_37 = arith.constant 0 : i32
    %dma_wait3A_38 = tpu.memref_slice %arg4[%add3A, %dma_wait3A_36, %dma_wait3A_37] : memref<32x20x512xi32, #tpu.memory_space<hbm>> -> memref<1x20x512xi32, #tpu.memory_space<hbm>>
    %dma_wait3A_39 = tpu.memref_squeeze %dma_wait3A_38 : memref<1x20x512xi32, #tpu.memory_space<hbm>> -> memref<20x512xi32, #tpu.memory_space<hbm>>
    %dma_wait3A_40 = arith.constant 0 : i32
    %dma_wait3A_41 = arith.constant 0 : i32
    %dma_wait3A_42 = tpu.memref_slice %arg4[%add3A, %dma_wait3A_40, %dma_wait3A_41] : memref<32x20x512xi32, #tpu.memory_space<hbm>> -> memref<1x20x512xi32, #tpu.memory_space<hbm>>
    %dma_wait3A_43 = tpu.memref_squeeze %dma_wait3A_42 : memref<1x20x512xi32, #tpu.memory_space<hbm>> -> memref<20x512xi32, #tpu.memory_space<hbm>>
    tpu.wait_dma2 semaphore(%arg22 : memref<!tpu.dma_semaphore, #tpu.memory_space<semaphore_mem>>) src(%dma_wait3A_43 : memref<20x512xi32, #tpu.memory_space<hbm>>) dst(%arg8 : memref<20x512xi32, #tpu.memory_space<vmem>>)
    %dma_wait3A_44 = arith.constant 0 : i32
    %dma_wait3A_45 = arith.constant 0 : i32
    %dma_wait3A_46 = tpu.memref_slice %arg5[%add3A, %dma_wait3A_44, %dma_wait3A_45] : memref<32x20x512xi32, #tpu.memory_space<hbm>> -> memref<1x20x512xi32, #tpu.memory_space<hbm>>
    %dma_wait3A_47 = tpu.memref_squeeze %dma_wait3A_46 : memref<1x20x512xi32, #tpu.memory_space<hbm>> -> memref<20x512xi32, #tpu.memory_space<hbm>>
    %dma_wait3A_48 = arith.constant 0 : i32
    %dma_wait3A_49 = arith.constant 0 : i32
    %dma_wait3A_50 = tpu.memref_slice %arg5[%add3A, %dma_wait3A_48, %dma_wait3A_49] : memref<32x20x512xi32, #tpu.memory_space<hbm>> -> memref<1x20x512xi32, #tpu.memory_space<hbm>>
    %dma_wait3A_51 = tpu.memref_squeeze %dma_wait3A_50 : memref<1x20x512xi32, #tpu.memory_space<hbm>> -> memref<20x512xi32, #tpu.memory_space<hbm>>
    tpu.wait_dma2 semaphore(%arg23 : memref<!tpu.dma_semaphore, #tpu.memory_space<semaphore_mem>>) src(%dma_wait3A_51 : memref<20x512xi32, #tpu.memory_space<hbm>>) dst(%arg9 : memref<20x512xi32, #tpu.memory_space<vmem>>)
    %barrier3A = arith.constant 0 : index
    tpu.barrier barrier_id(%barrier3A)
    %scan3A = arith.constant 0 : i32
    %scan3A_52 = arith.constant 0 : i32
    %scan3A_53 = arith.constant 5 : i32
    %scan3A_54 = arith.addi %scan3A_52, %scan3A_53 : i32
    %scan3A_55 = arith.constant 1 : i32
    scf.for %scan3A_96 = %scan3A_52 to %scan3A_54 step %scan3A_55  : i32 {
      %mul3A_97 = arith.constant 4 : i32
      %mul3A_98 = arith.muli %scan3A_96, %mul3A_97 : i32
      %add3A_99 = arith.constant 0 : i32
      %add3A_100 = arith.addi %mul3A_98, %add3A_99 : i32
      %gt3A = arith.constant 0 : i32
      %gt3A_101 = arith.cmpi sgt, %scan3A_96, %gt3A : i32
      %convert_element_type3A_102 = arith.extui %gt3A_101 : i1 to i32
      %cond3A_103 = arith.constant 0 : i32
      %cond3A_104 = arith.cmpi ne, %convert_element_type3A_102, %cond3A_103 : i32
      scf.if %cond3A_104 {
        %dma_wait3A_220 = arith.constant 0 : i32
        %dma_wait3A_221 = tpu.memref_slice %arg9[%add3A_100, %dma_wait3A_220] : memref<20x512xi32, #tpu.memory_space<vmem>> -> memref<1x512xi32, #tpu.memory_space<vmem>>
        %dma_wait3A_222 = tpu.memref_squeeze %dma_wait3A_221 : memref<1x512xi32, #tpu.memory_space<vmem>> -> memref<512xi32, #tpu.memory_space<vmem>>
        %dma_wait3A_223 = arith.constant 0 : i32
        %dma_wait3A_224 = arith.constant 0 : i32
        %dma_wait3A_225 = tpu.memref_slice %arg15[%dma_wait3A_223, %dma_wait3A_224] : memref<10112x16xf32, #tpu.memory_space<vmem_shared>> -> memref<10112x16xf32, #tpu.memory_space<vmem_shared>>
        tpu.wait_indirect_dma semaphore(%arg16 : memref<!tpu.dma_semaphore, #tpu.memory_space<semaphore_mem>>) src(%arg10 : memref<512x16xf32, #tpu.memory_space<vmem>>) dst(%dma_wait3A_225 : memref<10112x16xf32, #tpu.memory_space<vmem_shared>>)
      } else {
      }
      %dma_start3A_105 = arith.constant 0 : i32
      %dma_start3A_106 = tpu.memref_slice %arg8[%add3A_100, %dma_start3A_105] : memref<20x512xi32, #tpu.memory_space<vmem>> -> memref<1x512xi32, #tpu.memory_space<vmem>>
      %dma_start3A_107 = tpu.memref_squeeze %dma_start3A_106 : memref<1x512xi32, #tpu.memory_space<vmem>> -> memref<512xi32, #tpu.memory_space<vmem>>
      %dma_start3A_108 = arith.constant 0 : i32
      %dma_start3A_109 = arith.constant 0 : i32
      %dma_start3A_110 = tpu.memref_slice %arg14[%dma_start3A_108, %dma_start3A_109] : memref<10112x16xf32, #tpu.memory_space<vmem_shared>> -> memref<10112x16xf32, #tpu.memory_space<vmem_shared>>
      tpu.enqueue_indirect_dma source(%dma_start3A_110 : memref<10112x16xf32, #tpu.memory_space<vmem_shared>>) target(%arg10 : memref<512x16xf32, #tpu.memory_space<vmem>>) offsets(%dma_start3A_107 : memref<512xi32, #tpu.memory_space<vmem>>) semaphore(%arg20 : memref<!tpu.dma_semaphore, #tpu.memory_space<semaphore_mem>>)
      %mul3A_111 = arith.constant 4 : i32
      %mul3A_112 = arith.muli %scan3A_96, %mul3A_111 : i32
      %add3A_113 = arith.constant 1 : i32
      %add3A_114 = arith.addi %mul3A_112, %add3A_113 : i32
      %gt3A_115 = arith.constant 0 : i32
      %gt3A_116 = arith.cmpi sgt, %scan3A_96, %gt3A_115 : i32
      %convert_element_type3A_117 = arith.extui %gt3A_116 : i1 to i32
      %cond3A_118 = arith.constant 0 : i32
      %cond3A_119 = arith.cmpi ne, %convert_element_type3A_117, %cond3A_118 : i32
      scf.if %cond3A_119 {
        %dma_wait3A_220 = arith.constant 0 : i32
        %dma_wait3A_221 = tpu.memref_slice %arg9[%add3A_114, %dma_wait3A_220] : memref<20x512xi32, #tpu.memory_space<vmem>> -> memref<1x512xi32, #tpu.memory_space<vmem>>
        %dma_wait3A_222 = tpu.memref_squeeze %dma_wait3A_221 : memref<1x512xi32, #tpu.memory_space<vmem>> -> memref<512xi32, #tpu.memory_space<vmem>>
        %dma_wait3A_223 = arith.constant 0 : i32
        %dma_wait3A_224 = arith.constant 0 : i32
        %dma_wait3A_225 = tpu.memref_slice %arg15[%dma_wait3A_223, %dma_wait3A_224] : memref<10112x16xf32, #tpu.memory_space<vmem_shared>> -> memref<10112x16xf32, #tpu.memory_space<vmem_shared>>
        tpu.wait_indirect_dma semaphore(%arg17 : memref<!tpu.dma_semaphore, #tpu.memory_space<semaphore_mem>>) src(%arg11 : memref<512x16xf32, #tpu.memory_space<vmem>>) dst(%dma_wait3A_225 : memref<10112x16xf32, #tpu.memory_space<vmem_shared>>)
      } else {
      }
      %dma_start3A_120 = arith.constant 0 : i32
      %dma_start3A_121 = tpu.memref_slice %arg8[%add3A_114, %dma_start3A_120] : memref<20x512xi32, #tpu.memory_space<vmem>> -> memref<1x512xi32, #tpu.memory_space<vmem>>
      %dma_start3A_122 = tpu.memref_squeeze %dma_start3A_121 : memref<1x512xi32, #tpu.memory_space<vmem>> -> memref<512xi32, #tpu.memory_space<vmem>>
      %dma_start3A_123 = arith.constant 0 : i32
      %dma_start3A_124 = arith.constant 0 : i32
      %dma_start3A_125 = tpu.memref_slice %arg14[%dma_start3A_123, %dma_start3A_124] : memref<10112x16xf32, #tpu.memory_space<vmem_shared>> -> memref<10112x16xf32, #tpu.memory_space<vmem_shared>>
      tpu.enqueue_indirect_dma source(%dma_start3A_125 : memref<10112x16xf32, #tpu.memory_space<vmem_shared>>) target(%arg11 : memref<512x16xf32, #tpu.memory_space<vmem>>) offsets(%dma_start3A_122 : memref<512xi32, #tpu.memory_space<vmem>>) semaphore(%arg21 : memref<!tpu.dma_semaphore, #tpu.memory_space<semaphore_mem>>)
      %mul3A_126 = arith.constant 4 : i32
      %mul3A_127 = arith.muli %scan3A_96, %mul3A_126 : i32
      %add3A_128 = arith.constant 2 : i32
      %add3A_129 = arith.addi %mul3A_127, %add3A_128 : i32
      %gt3A_130 = arith.constant 0 : i32
      %gt3A_131 = arith.cmpi sgt, %scan3A_96, %gt3A_130 : i32
      %convert_element_type3A_132 = arith.extui %gt3A_131 : i1 to i32
      %cond3A_133 = arith.constant 0 : i32
      %cond3A_134 = arith.cmpi ne, %convert_element_type3A_132, %cond3A_133 : i32
      scf.if %cond3A_134 {
        %dma_wait3A_220 = arith.constant 0 : i32
        %dma_wait3A_221 = tpu.memref_slice %arg9[%add3A_129, %dma_wait3A_220] : memref<20x512xi32, #tpu.memory_space<vmem>> -> memref<1x512xi32, #tpu.memory_space<vmem>>
        %dma_wait3A_222 = tpu.memref_squeeze %dma_wait3A_221 : memref<1x512xi32, #tpu.memory_space<vmem>> -> memref<512xi32, #tpu.memory_space<vmem>>
        %dma_wait3A_223 = arith.constant 0 : i32
        %dma_wait3A_224 = arith.constant 0 : i32
        %dma_wait3A_225 = tpu.memref_slice %arg15[%dma_wait3A_223, %dma_wait3A_224] : memref<10112x16xf32, #tpu.memory_space<vmem_shared>> -> memref<10112x16xf32, #tpu.memory_space<vmem_shared>>
        tpu.wait_indirect_dma semaphore(%arg18 : memref<!tpu.dma_semaphore, #tpu.memory_space<semaphore_mem>>) src(%arg12 : memref<512x16xf32, #tpu.memory_space<vmem>>) dst(%dma_wait3A_225 : memref<10112x16xf32, #tpu.memory_space<vmem_shared>>)
      } else {
      }
      %dma_start3A_135 = arith.constant 0 : i32
      %dma_start3A_136 = tpu.memref_slice %arg8[%add3A_129, %dma_start3A_135] : memref<20x512xi32, #tpu.memory_space<vmem>> -> memref<1x512xi32, #tpu.memory_space<vmem>>
      %dma_start3A_137 = tpu.memref_squeeze %dma_start3A_136 : memref<1x512xi32, #tpu.memory_space<vmem>> -> memref<512xi32, #tpu.memory_space<vmem>>
      %dma_start3A_138 = arith.constant 0 : i32
      %dma_start3A_139 = arith.constant 0 : i32
      %dma_start3A_140 = tpu.memref_slice %arg14[%dma_start3A_138, %dma_start3A_139] : memref<10112x16xf32, #tpu.memory_space<vmem_shared>> -> memref<10112x16xf32, #tpu.memory_space<vmem_shared>>
      tpu.enqueue_indirect_dma source(%dma_start3A_140 : memref<10112x16xf32, #tpu.memory_space<vmem_shared>>) target(%arg12 : memref<512x16xf32, #tpu.memory_space<vmem>>) offsets(%dma_start3A_137 : memref<512xi32, #tpu.memory_space<vmem>>) semaphore(%arg22 : memref<!tpu.dma_semaphore, #tpu.memory_space<semaphore_mem>>)
      %mul3A_141 = arith.constant 4 : i32
      %mul3A_142 = arith.muli %scan3A_96, %mul3A_141 : i32
      %add3A_143 = arith.constant 3 : i32
      %add3A_144 = arith.addi %mul3A_142, %add3A_143 : i32
      %gt3A_145 = arith.constant 0 : i32
      %gt3A_146 = arith.cmpi sgt, %scan3A_96, %gt3A_145 : i32
      %convert_element_type3A_147 = arith.extui %gt3A_146 : i1 to i32
      %cond3A_148 = arith.constant 0 : i32
      %cond3A_149 = arith.cmpi ne, %convert_element_type3A_147, %cond3A_148 : i32
      scf.if %cond3A_149 {
        %dma_wait3A_220 = arith.constant 0 : i32
        %dma_wait3A_221 = tpu.memref_slice %arg9[%add3A_144, %dma_wait3A_220] : memref<20x512xi32, #tpu.memory_space<vmem>> -> memref<1x512xi32, #tpu.memory_space<vmem>>
        %dma_wait3A_222 = tpu.memref_squeeze %dma_wait3A_221 : memref<1x512xi32, #tpu.memory_space<vmem>> -> memref<512xi32, #tpu.memory_space<vmem>>
        %dma_wait3A_223 = arith.constant 0 : i32
        %dma_wait3A_224 = arith.constant 0 : i32
        %dma_wait3A_225 = tpu.memref_slice %arg15[%dma_wait3A_223, %dma_wait3A_224] : memref<10112x16xf32, #tpu.memory_space<vmem_shared>> -> memref<10112x16xf32, #tpu.memory_space<vmem_shared>>
        tpu.wait_indirect_dma semaphore(%arg19 : memref<!tpu.dma_semaphore, #tpu.memory_space<semaphore_mem>>) src(%arg13 : memref<512x16xf32, #tpu.memory_space<vmem>>) dst(%dma_wait3A_225 : memref<10112x16xf32, #tpu.memory_space<vmem_shared>>)
      } else {
      }
      %dma_start3A_150 = arith.constant 0 : i32
      %dma_start3A_151 = tpu.memref_slice %arg8[%add3A_144, %dma_start3A_150] : memref<20x512xi32, #tpu.memory_space<vmem>> -> memref<1x512xi32, #tpu.memory_space<vmem>>
      %dma_start3A_152 = tpu.memref_squeeze %dma_start3A_151 : memref<1x512xi32, #tpu.memory_space<vmem>> -> memref<512xi32, #tpu.memory_space<vmem>>
      %dma_start3A_153 = arith.constant 0 : i32
      %dma_start3A_154 = arith.constant 0 : i32
      %dma_start3A_155 = tpu.memref_slice %arg14[%dma_start3A_153, %dma_start3A_154] : memref<10112x16xf32, #tpu.memory_space<vmem_shared>> -> memref<10112x16xf32, #tpu.memory_space<vmem_shared>>
      tpu.enqueue_indirect_dma source(%dma_start3A_155 : memref<10112x16xf32, #tpu.memory_space<vmem_shared>>) target(%arg13 : memref<512x16xf32, #tpu.memory_space<vmem>>) offsets(%dma_start3A_152 : memref<512xi32, #tpu.memory_space<vmem>>) semaphore(%arg23 : memref<!tpu.dma_semaphore, #tpu.memory_space<semaphore_mem>>)
      %mul3A_156 = arith.constant 4 : i32
      %mul3A_157 = arith.muli %scan3A_96, %mul3A_156 : i32
      %add3A_158 = arith.constant 0 : i32
      %add3A_159 = arith.addi %mul3A_157, %add3A_158 : i32
      %dma_wait3A_160 = arith.constant 0 : i32
      %dma_wait3A_161 = tpu.memref_slice %arg8[%add3A_159, %dma_wait3A_160] : memref<20x512xi32, #tpu.memory_space<vmem>> -> memref<1x512xi32, #tpu.memory_space<vmem>>
      %dma_wait3A_162 = tpu.memref_squeeze %dma_wait3A_161 : memref<1x512xi32, #tpu.memory_space<vmem>> -> memref<512xi32, #tpu.memory_space<vmem>>
      %dma_wait3A_163 = arith.constant 0 : i32
      %dma_wait3A_164 = arith.constant 0 : i32
      %dma_wait3A_165 = tpu.memref_slice %arg14[%dma_wait3A_163, %dma_wait3A_164] : memref<10112x16xf32, #tpu.memory_space<vmem_shared>> -> memref<10112x16xf32, #tpu.memory_space<vmem_shared>>
      tpu.wait_indirect_dma semaphore(%arg20 : memref<!tpu.dma_semaphore, #tpu.memory_space<semaphore_mem>>) src(%dma_wait3A_165 : memref<10112x16xf32, #tpu.memory_space<vmem_shared>>) dst(%arg10 : memref<512x16xf32, #tpu.memory_space<vmem>>)
      %dma_start3A_166 = arith.constant 0 : i32
      %dma_start3A_167 = tpu.memref_slice %arg9[%add3A_159, %dma_start3A_166] : memref<20x512xi32, #tpu.memory_space<vmem>> -> memref<1x512xi32, #tpu.memory_space<vmem>>
      %dma_start3A_168 = tpu.memref_squeeze %dma_start3A_167 : memref<1x512xi32, #tpu.memory_space<vmem>> -> memref<512xi32, #tpu.memory_space<vmem>>
      %dma_start3A_169 = arith.constant 0 : i32
      %dma_start3A_170 = arith.constant 0 : i32
      %dma_start3A_171 = tpu.memref_slice %arg15[%dma_start3A_169, %dma_start3A_170] : memref<10112x16xf32, #tpu.memory_space<vmem_shared>> -> memref<10112x16xf32, #tpu.memory_space<vmem_shared>>
      tpu.enqueue_indirect_dma source(%arg10 : memref<512x16xf32, #tpu.memory_space<vmem>>) target(%dma_start3A_171 : memref<10112x16xf32, #tpu.memory_space<vmem_shared>>) offsets(%dma_start3A_168 : memref<512xi32, #tpu.memory_space<vmem>>) semaphore(%arg16 : memref<!tpu.dma_semaphore, #tpu.memory_space<semaphore_mem>>) {add = true}
      %mul3A_172 = arith.constant 4 : i32
      %mul3A_173 = arith.muli %scan3A_96, %mul3A_172 : i32
      %add3A_174 = arith.constant 1 : i32
      %add3A_175 = arith.addi %mul3A_173, %add3A_174 : i32
      %dma_wait3A_176 = arith.constant 0 : i32
      %dma_wait3A_177 = tpu.memref_slice %arg8[%add3A_175, %dma_wait3A_176] : memref<20x512xi32, #tpu.memory_space<vmem>> -> memref<1x512xi32, #tpu.memory_space<vmem>>
      %dma_wait3A_178 = tpu.memref_squeeze %dma_wait3A_177 : memref<1x512xi32, #tpu.memory_space<vmem>> -> memref<512xi32, #tpu.memory_space<vmem>>
      %dma_wait3A_179 = arith.constant 0 : i32
      %dma_wait3A_180 = arith.constant 0 : i32
      %dma_wait3A_181 = tpu.memref_slice %arg14[%dma_wait3A_179, %dma_wait3A_180] : memref<10112x16xf32, #tpu.memory_space<vmem_shared>> -> memref<10112x16xf32, #tpu.memory_space<vmem_shared>>
      tpu.wait_indirect_dma semaphore(%arg21 : memref<!tpu.dma_semaphore, #tpu.memory_space<semaphore_mem>>) src(%dma_wait3A_181 : memref<10112x16xf32, #tpu.memory_space<vmem_shared>>) dst(%arg11 : memref<512x16xf32, #tpu.memory_space<vmem>>)
      %dma_start3A_182 = arith.constant 0 : i32
      %dma_start3A_183 = tpu.memref_slice %arg9[%add3A_175, %dma_start3A_182] : memref<20x512xi32, #tpu.memory_space<vmem>> -> memref<1x512xi32, #tpu.memory_space<vmem>>
      %dma_start3A_184 = tpu.memref_squeeze %dma_start3A_183 : memref<1x512xi32, #tpu.memory_space<vmem>> -> memref<512xi32, #tpu.memory_space<vmem>>
      %dma_start3A_185 = arith.constant 0 : i32
      %dma_start3A_186 = arith.constant 0 : i32
      %dma_start3A_187 = tpu.memref_slice %arg15[%dma_start3A_185, %dma_start3A_186] : memref<10112x16xf32, #tpu.memory_space<vmem_shared>> -> memref<10112x16xf32, #tpu.memory_space<vmem_shared>>
      tpu.enqueue_indirect_dma source(%arg11 : memref<512x16xf32, #tpu.memory_space<vmem>>) target(%dma_start3A_187 : memref<10112x16xf32, #tpu.memory_space<vmem_shared>>) offsets(%dma_start3A_184 : memref<512xi32, #tpu.memory_space<vmem>>) semaphore(%arg17 : memref<!tpu.dma_semaphore, #tpu.memory_space<semaphore_mem>>) {add = true}
      %mul3A_188 = arith.constant 4 : i32
      %mul3A_189 = arith.muli %scan3A_96, %mul3A_188 : i32
      %add3A_190 = arith.constant 2 : i32
      %add3A_191 = arith.addi %mul3A_189, %add3A_190 : i32
      %dma_wait3A_192 = arith.constant 0 : i32
      %dma_wait3A_193 = tpu.memref_slice %arg8[%add3A_191, %dma_wait3A_192] : memref<20x512xi32, #tpu.memory_space<vmem>> -> memref<1x512xi32, #tpu.memory_space<vmem>>
      %dma_wait3A_194 = tpu.memref_squeeze %dma_wait3A_193 : memref<1x512xi32, #tpu.memory_space<vmem>> -> memref<512xi32, #tpu.memory_space<vmem>>
      %dma_wait3A_195 = arith.constant 0 : i32
      %dma_wait3A_196 = arith.constant 0 : i32
      %dma_wait3A_197 = tpu.memref_slice %arg14[%dma_wait3A_195, %dma_wait3A_196] : memref<10112x16xf32, #tpu.memory_space<vmem_shared>> -> memref<10112x16xf32, #tpu.memory_space<vmem_shared>>
      tpu.wait_indirect_dma semaphore(%arg22 : memref<!tpu.dma_semaphore, #tpu.memory_space<semaphore_mem>>) src(%dma_wait3A_197 : memref<10112x16xf32, #tpu.memory_space<vmem_shared>>) dst(%arg12 : memref<512x16xf32, #tpu.memory_space<vmem>>)
      %dma_start3A_198 = arith.constant 0 : i32
      %dma_start3A_199 = tpu.memref_slice %arg9[%add3A_191, %dma_start3A_198] : memref<20x512xi32, #tpu.memory_space<vmem>> -> memref<1x512xi32, #tpu.memory_space<vmem>>
      %dma_start3A_200 = tpu.memref_squeeze %dma_start3A_199 : memref<1x512xi32, #tpu.memory_space<vmem>> -> memref<512xi32, #tpu.memory_space<vmem>>
      %dma_start3A_201 = arith.constant 0 : i32
      %dma_start3A_202 = arith.constant 0 : i32
      %dma_start3A_203 = tpu.memref_slice %arg15[%dma_start3A_201, %dma_start3A_202] : memref<10112x16xf32, #tpu.memory_space<vmem_shared>> -> memref<10112x16xf32, #tpu.memory_space<vmem_shared>>
      tpu.enqueue_indirect_dma source(%arg12 : memref<512x16xf32, #tpu.memory_space<vmem>>) target(%dma_start3A_203 : memref<10112x16xf32, #tpu.memory_space<vmem_shared>>) offsets(%dma_start3A_200 : memref<512xi32, #tpu.memory_space<vmem>>) semaphore(%arg18 : memref<!tpu.dma_semaphore, #tpu.memory_space<semaphore_mem>>) {add = true}
      %mul3A_204 = arith.constant 4 : i32
      %mul3A_205 = arith.muli %scan3A_96, %mul3A_204 : i32
      %add3A_206 = arith.constant 3 : i32
      %add3A_207 = arith.addi %mul3A_205, %add3A_206 : i32
      %dma_wait3A_208 = arith.constant 0 : i32
      %dma_wait3A_209 = tpu.memref_slice %arg8[%add3A_207, %dma_wait3A_208] : memref<20x512xi32, #tpu.memory_space<vmem>> -> memref<1x512xi32, #tpu.memory_space<vmem>>
      %dma_wait3A_210 = tpu.memref_squeeze %dma_wait3A_209 : memref<1x512xi32, #tpu.memory_space<vmem>> -> memref<512xi32, #tpu.memory_space<vmem>>
      %dma_wait3A_211 = arith.constant 0 : i32
      %dma_wait3A_212 = arith.constant 0 : i32
      %dma_wait3A_213 = tpu.memref_slice %arg14[%dma_wait3A_211, %dma_wait3A_212] : memref<10112x16xf32, #tpu.memory_space<vmem_shared>> -> memref<10112x16xf32, #tpu.memory_space<vmem_shared>>
      tpu.wait_indirect_dma semaphore(%arg23 : memref<!tpu.dma_semaphore, #tpu.memory_space<semaphore_mem>>) src(%dma_wait3A_213 : memref<10112x16xf32, #tpu.memory_space<vmem_shared>>) dst(%arg13 : memref<512x16xf32, #tpu.memory_space<vmem>>)
      %dma_start3A_214 = arith.constant 0 : i32
      %dma_start3A_215 = tpu.memref_slice %arg9[%add3A_207, %dma_start3A_214] : memref<20x512xi32, #tpu.memory_space<vmem>> -> memref<1x512xi32, #tpu.memory_space<vmem>>
      %dma_start3A_216 = tpu.memref_squeeze %dma_start3A_215 : memref<1x512xi32, #tpu.memory_space<vmem>> -> memref<512xi32, #tpu.memory_space<vmem>>
      %dma_start3A_217 = arith.constant 0 : i32
      %dma_start3A_218 = arith.constant 0 : i32
      %dma_start3A_219 = tpu.memref_slice %arg15[%dma_start3A_217, %dma_start3A_218] : memref<10112x16xf32, #tpu.memory_space<vmem_shared>> -> memref<10112x16xf32, #tpu.memory_space<vmem_shared>>
      tpu.enqueue_indirect_dma source(%arg13 : memref<512x16xf32, #tpu.memory_space<vmem>>) target(%dma_start3A_219 : memref<10112x16xf32, #tpu.memory_space<vmem_shared>>) offsets(%dma_start3A_216 : memref<512xi32, #tpu.memory_space<vmem>>) semaphore(%arg19 : memref<!tpu.dma_semaphore, #tpu.memory_space<semaphore_mem>>) {add = true}
    }
    %scan3A_56 = arith.constant 5 : i32
    %dma_wait3A_57 = arith.constant 0 : i32
    %dma_wait3A_58 = arith.constant 0 : i32
    %dma_wait3A_59 = tpu.memref_slice %arg9[%dma_wait3A_57, %dma_wait3A_58] : memref<20x512xi32, #tpu.memory_space<vmem>> -> memref<1x512xi32, #tpu.memory_space<vmem>>
    %dma_wait3A_60 = tpu.memref_squeeze %dma_wait3A_59 : memref<1x512xi32, #tpu.memory_space<vmem>> -> memref<512xi32, #tpu.memory_space<vmem>>
    %dma_wait3A_61 = arith.constant 0 : i32
    %dma_wait3A_62 = arith.constant 0 : i32
    %dma_wait3A_63 = tpu.memref_slice %arg15[%dma_wait3A_61, %dma_wait3A_62] : memref<10112x16xf32, #tpu.memory_space<vmem_shared>> -> memref<10112x16xf32, #tpu.memory_space<vmem_shared>>
    tpu.wait_indirect_dma semaphore(%arg16 : memref<!tpu.dma_semaphore, #tpu.memory_space<semaphore_mem>>) src(%arg10 : memref<512x16xf32, #tpu.memory_space<vmem>>) dst(%dma_wait3A_63 : memref<10112x16xf32, #tpu.memory_space<vmem_shared>>)
    %dma_wait3A_64 = arith.constant 0 : i32
    %dma_wait3A_65 = arith.constant 0 : i32
    %dma_wait3A_66 = tpu.memref_slice %arg9[%dma_wait3A_64, %dma_wait3A_65] : memref<20x512xi32, #tpu.memory_space<vmem>> -> memref<1x512xi32, #tpu.memory_space<vmem>>
    %dma_wait3A_67 = tpu.memref_squeeze %dma_wait3A_66 : memref<1x512xi32, #tpu.memory_space<vmem>> -> memref<512xi32, #tpu.memory_space<vmem>>
    %dma_wait3A_68 = arith.constant 0 : i32
    %dma_wait3A_69 = arith.constant 0 : i32
    %dma_wait3A_70 = tpu.memref_slice %arg15[%dma_wait3A_68, %dma_wait3A_69] : memref<10112x16xf32, #tpu.memory_space<vmem_shared>> -> memref<10112x16xf32, #tpu.memory_space<vmem_shared>>
    tpu.wait_indirect_dma semaphore(%arg17 : memref<!tpu.dma_semaphore, #tpu.memory_space<semaphore_mem>>) src(%arg11 : memref<512x16xf32, #tpu.memory_space<vmem>>) dst(%dma_wait3A_70 : memref<10112x16xf32, #tpu.memory_space<vmem_shared>>)
    %dma_wait3A_71 = arith.constant 0 : i32
    %dma_wait3A_72 = arith.constant 0 : i32
    %dma_wait3A_73 = tpu.memref_slice %arg9[%dma_wait3A_71, %dma_wait3A_72] : memref<20x512xi32, #tpu.memory_space<vmem>> -> memref<1x512xi32, #tpu.memory_space<vmem>>
    %dma_wait3A_74 = tpu.memref_squeeze %dma_wait3A_73 : memref<1x512xi32, #tpu.memory_space<vmem>> -> memref<512xi32, #tpu.memory_space<vmem>>
    %dma_wait3A_75 = arith.constant 0 : i32
    %dma_wait3A_76 = arith.constant 0 : i32
    %dma_wait3A_77 = tpu.memref_slice %arg15[%dma_wait3A_75, %dma_wait3A_76] : memref<10112x16xf32, #tpu.memory_space<vmem_shared>> -> memref<10112x16xf32, #tpu.memory_space<vmem_shared>>
    tpu.wait_indirect_dma semaphore(%arg18 : memref<!tpu.dma_semaphore, #tpu.memory_space<semaphore_mem>>) src(%arg12 : memref<512x16xf32, #tpu.memory_space<vmem>>) dst(%dma_wait3A_77 : memref<10112x16xf32, #tpu.memory_space<vmem_shared>>)
    %dma_wait3A_78 = arith.constant 0 : i32
    %dma_wait3A_79 = arith.constant 0 : i32
    %dma_wait3A_80 = tpu.memref_slice %arg9[%dma_wait3A_78, %dma_wait3A_79] : memref<20x512xi32, #tpu.memory_space<vmem>> -> memref<1x512xi32, #tpu.memory_space<vmem>>
    %dma_wait3A_81 = tpu.memref_squeeze %dma_wait3A_80 : memref<1x512xi32, #tpu.memory_space<vmem>> -> memref<512xi32, #tpu.memory_space<vmem>>
    %dma_wait3A_82 = arith.constant 0 : i32
    %dma_wait3A_83 = arith.constant 0 : i32
    %dma_wait3A_84 = tpu.memref_slice %arg15[%dma_wait3A_82, %dma_wait3A_83] : memref<10112x16xf32, #tpu.memory_space<vmem_shared>> -> memref<10112x16xf32, #tpu.memory_space<vmem_shared>>
    tpu.wait_indirect_dma semaphore(%arg19 : memref<!tpu.dma_semaphore, #tpu.memory_space<semaphore_mem>>) src(%arg13 : memref<512x16xf32, #tpu.memory_space<vmem>>) dst(%dma_wait3A_84 : memref<10112x16xf32, #tpu.memory_space<vmem_shared>>)
    %barrier3A_85 = arith.constant 0 : index
    tpu.barrier barrier_id(%barrier3A_85)
    %eq3A_86 = arith.constant 0 : i32
    %eq3A_87 = arith.cmpi eq, %arg0, %eq3A_86 : i32
    %convert_element_type3A_88 = arith.extui %eq3A_87 : i1 to i32
    %cond3A_89 = arith.constant 0 : i32
    %cond3A_90 = arith.cmpi ne, %convert_element_type3A_88, %cond3A_89 : i32
    scf.if %cond3A_90 {
      "tpu.region"() ({
        %run_scoped3A = tpu.sem_alloc : memref<!tpu.dma_semaphore, #tpu.memory_space<semaphore_mem>>
        %dma_start3A_96 = arith.constant 0 : i32
        %dma_start3A_97 = tpu.memref_slice %arg6[%multiple_of3A, %dma_start3A_96] : memref<10112x16xf32, #tpu.memory_space<hbm>> -> memref<632x16xf32, #tpu.memory_space<hbm>>
        %dma_start3A_98 = arith.constant 0 : i32
        %dma_start3A_99 = tpu.memref_slice %arg15[%multiple_of3A, %dma_start3A_98] : memref<10112x16xf32, #tpu.memory_space<vmem_shared>> -> memref<632x16xf32, #tpu.memory_space<vmem_shared>>
        tpu.enqueue_dma source(%dma_start3A_99 : memref<632x16xf32, #tpu.memory_space<vmem_shared>>) target(%dma_start3A_97 : memref<632x16xf32, #tpu.memory_space<hbm>>) target_semaphore(%run_scoped3A : memref<!tpu.dma_semaphore, #tpu.memory_space<semaphore_mem>>)
        %dma_wait3A_100 = arith.constant 0 : i32
        %dma_wait3A_101 = tpu.memref_slice %arg6[%multiple_of3A, %dma_wait3A_100] : memref<10112x16xf32, #tpu.memory_space<hbm>> -> memref<632x16xf32, #tpu.memory_space<hbm>>
        %dma_wait3A_102 = arith.constant 0 : i32
        %dma_wait3A_103 = tpu.memref_slice %arg15[%multiple_of3A, %dma_wait3A_102] : memref<10112x16xf32, #tpu.memory_space<vmem_shared>> -> memref<632x16xf32, #tpu.memory_space<vmem_shared>>
        tpu.wait_dma2 semaphore(%run_scoped3A : memref<!tpu.dma_semaphore, #tpu.memory_space<semaphore_mem>>) src(%dma_wait3A_103 : memref<632x16xf32, #tpu.memory_space<vmem_shared>>) dst(%dma_wait3A_101 : memref<632x16xf32, #tpu.memory_space<hbm>>)
        tpu.yield
      }) : () -> ()
    } else {
    }
    %eq3A_91 = arith.constant 1 : i32
    %eq3A_92 = arith.cmpi eq, %arg0, %eq3A_91 : i32
    %convert_element_type3A_93 = arith.extui %eq3A_92 : i1 to i32
    %cond3A_94 = arith.constant 0 : i32
    %cond3A_95 = arith.cmpi ne, %convert_element_type3A_93, %cond3A_94 : i32
    scf.if %cond3A_95 {
      "tpu.region"() ({
        %run_scoped3A = tpu.sem_alloc : memref<!tpu.dma_semaphore, #tpu.memory_space<semaphore_mem>>
        %dma_start3A_96 = arith.constant 0 : i32
        %dma_start3A_97 = tpu.memref_slice %arg7[%multiple_of3A, %dma_start3A_96] : memref<10112x16xf32, #tpu.memory_space<hbm>> -> memref<632x16xf32, #tpu.memory_space<hbm>>
        %dma_start3A_98 = arith.constant 0 : i32
        %dma_start3A_99 = tpu.memref_slice %arg15[%multiple_of3A, %dma_start3A_98] : memref<10112x16xf32, #tpu.memory_space<vmem_shared>> -> memref<632x16xf32, #tpu.memory_space<vmem_shared>>
        tpu.enqueue_dma source(%dma_start3A_99 : memref<632x16xf32, #tpu.memory_space<vmem_shared>>) target(%dma_start3A_97 : memref<632x16xf32, #tpu.memory_space<hbm>>) target_semaphore(%run_scoped3A : memref<!tpu.dma_semaphore, #tpu.memory_space<semaphore_mem>>)
        %dma_wait3A_100 = arith.constant 0 : i32
        %dma_wait3A_101 = tpu.memref_slice %arg7[%multiple_of3A, %dma_wait3A_100] : memref<10112x16xf32, #tpu.memory_space<hbm>> -> memref<632x16xf32, #tpu.memory_space<hbm>>
        %dma_wait3A_102 = arith.constant 0 : i32
        %dma_wait3A_103 = tpu.memref_slice %arg15[%multiple_of3A, %dma_wait3A_102] : memref<10112x16xf32, #tpu.memory_space<vmem_shared>> -> memref<632x16xf32, #tpu.memory_space<vmem_shared>>
        tpu.wait_dma2 semaphore(%run_scoped3A : memref<!tpu.dma_semaphore, #tpu.memory_space<semaphore_mem>>) src(%dma_wait3A_103 : memref<632x16xf32, #tpu.memory_space<vmem_shared>>) dst(%dma_wait3A_101 : memref<632x16xf32, #tpu.memory_space<hbm>>)
        tpu.yield
      }) : () -> ()
    } else {
    }
    return
  }
}

#map = affine_map<(d0, d1) -> (0, 0)>
#map1 = affine_map<(d0, d1) -> (0, 0, 0)>
module attributes {stable_mosaic.version = 14 : i64} {
  func.func @_edge_scatter(%arg0: i32, %arg1: i32, %arg2: memref<10112x16xf32, #tpu.memory_space<hbm>>, %arg3: memref<10112x16xf32, #tpu.memory_space<hbm>>, %arg4: memref<32x20x512xi32, #tpu.memory_space<hbm>>, %arg5: memref<32x20x512xi32, #tpu.memory_space<hbm>>, %arg6: memref<10112x16xf32, #tpu.memory_space<hbm>>, %arg7: memref<10112x16xf32, #tpu.memory_space<hbm>>, %arg8: memref<20x512xi32, #tpu.memory_space<vmem>>, %arg9: memref<20x512xi32, #tpu.memory_space<vmem>>, %arg10: memref<512x16xf32, #tpu.memory_space<vmem>>, %arg11: memref<512x16xf32, #tpu.memory_space<vmem>>, %arg12: memref<512x16xf32, #tpu.memory_space<vmem>>, %arg13: memref<512x16xf32, #tpu.memory_space<vmem>>, %arg14: memref<10112x16xf32, #tpu.memory_space<vmem_shared>>, %arg15: memref<10112x16xf32, #tpu.memory_space<vmem_shared>>, %arg16: memref<!tpu.dma_semaphore, #tpu.memory_space<semaphore_mem>>, %arg17: memref<!tpu.dma_semaphore, #tpu.memory_space<semaphore_mem>>, %arg18: memref<!tpu.dma_semaphore, #tpu.memory_space<semaphore_mem>>, %arg19: memref<!tpu.dma_semaphore, #tpu.memory_space<semaphore_mem>>, %arg20: memref<!tpu.dma_semaphore, #tpu.memory_space<semaphore_mem>>, %arg21: memref<!tpu.dma_semaphore, #tpu.memory_space<semaphore_mem>>, %arg22: memref<!tpu.dma_semaphore, #tpu.memory_space<semaphore_mem>>, %arg23: memref<!tpu.dma_semaphore, #tpu.memory_space<semaphore_mem>>) attributes {dimension_semantics = [#tpu.dimension_semantics<core_parallel>, #tpu.dimension_semantics<subcore_parallel>], iteration_bounds = array<i64: 2, 16>, scalar_prefetch = 0 : i64, scratch_operands = 16 : i64, tpu.core_type = #tpu.core_type<sc_vector_subcore>, window_params = [{transform_indices = #map}, {transform_indices = #map}, {transform_indices = #map1}, {transform_indices = #map1}, {transform_indices = #map}, {transform_indices = #map}]} {
    %mul3A = arith.constant 16 : i32
    %mul3A_0 = arith.muli %arg0, %mul3A : i32
    %add3A = arith.addi %mul3A_0, %arg1 : i32
    %mul3A_1 = arith.constant 632 : i32
    %mul3A_2 = arith.muli %arg1, %mul3A_1 : i32
    %multiple_of3A = tpu.assume_multiple %mul3A_2, 8 : i32
    %dma_start3A = arith.constant 0 : i32
    %dma_start3A_3 = tpu.memref_slice %arg14[%multiple_of3A, %dma_start3A] : memref<10112x16xf32, #tpu.memory_space<vmem_shared>> -> memref<632x16xf32, #tpu.memory_space<vmem_shared>>
    %dma_start3A_4 = arith.constant 0 : i32
    %dma_start3A_5 = tpu.memref_slice %arg2[%multiple_of3A, %dma_start3A_4] : memref<10112x16xf32, #tpu.memory_space<hbm>> -> memref<632x16xf32, #tpu.memory_space<hbm>>
    tpu.enqueue_dma source(%dma_start3A_5 : memref<632x16xf32, #tpu.memory_space<hbm>>) target(%dma_start3A_3 : memref<632x16xf32, #tpu.memory_space<vmem_shared>>) target_semaphore(%arg20 : memref<!tpu.dma_semaphore, #tpu.memory_space<semaphore_mem>>)
    %eq3A = arith.constant 0 : i32
    %eq3A_6 = arith.cmpi eq, %arg0, %eq3A : i32
    %convert_element_type3A = arith.extui %eq3A_6 : i1 to i32
    %cond3A = arith.constant 0 : i32
    %cond3A_7 = arith.cmpi ne, %convert_element_type3A, %cond3A : i32
    scf.if %cond3A_7 {
      %dma_start3A_96 = arith.constant 0 : i32
      %dma_start3A_97 = tpu.memref_slice %arg15[%multiple_of3A, %dma_start3A_96] : memref<10112x16xf32, #tpu.memory_space<vmem_shared>> -> memref<632x16xf32, #tpu.memory_space<vmem_shared>>
      %dma_start3A_98 = arith.constant 0 : i32
      %dma_start3A_99 = tpu.memref_slice %arg2[%multiple_of3A, %dma_start3A_98] : memref<10112x16xf32, #tpu.memory_space<hbm>> -> memref<632x16xf32, #tpu.memory_space<hbm>>
      tpu.enqueue_dma source(%dma_start3A_99 : memref<632x16xf32, #tpu.memory_space<hbm>>) target(%dma_start3A_97 : memref<632x16xf32, #tpu.memory_space<vmem_shared>>) target_semaphore(%arg21 : memref<!tpu.dma_semaphore, #tpu.memory_space<semaphore_mem>>)
    } else {
    }
    %eq3A_8 = arith.constant 1 : i32
    %eq3A_9 = arith.cmpi eq, %arg0, %eq3A_8 : i32
    %convert_element_type3A_10 = arith.extui %eq3A_9 : i1 to i32
    %cond3A_11 = arith.constant 0 : i32
    %cond3A_12 = arith.cmpi ne, %convert_element_type3A_10, %cond3A_11 : i32
    scf.if %cond3A_12 {
      %dma_start3A_96 = arith.constant 0 : i32
      %dma_start3A_97 = tpu.memref_slice %arg15[%multiple_of3A, %dma_start3A_96] : memref<10112x16xf32, #tpu.memory_space<vmem_shared>> -> memref<632x16xf32, #tpu.memory_space<vmem_shared>>
      %dma_start3A_98 = arith.constant 0 : i32
      %dma_start3A_99 = tpu.memref_slice %arg3[%multiple_of3A, %dma_start3A_98] : memref<10112x16xf32, #tpu.memory_space<hbm>> -> memref<632x16xf32, #tpu.memory_space<hbm>>
      tpu.enqueue_dma source(%dma_start3A_99 : memref<632x16xf32, #tpu.memory_space<hbm>>) target(%dma_start3A_97 : memref<632x16xf32, #tpu.memory_space<vmem_shared>>) target_semaphore(%arg21 : memref<!tpu.dma_semaphore, #tpu.memory_space<semaphore_mem>>)
    } else {
    }
    %dma_start3A_13 = arith.constant 0 : i32
    %dma_start3A_14 = arith.constant 0 : i32
    %dma_start3A_15 = tpu.memref_slice %arg4[%add3A, %dma_start3A_13, %dma_start3A_14] : memref<32x20x512xi32, #tpu.memory_space<hbm>> -> memref<1x20x512xi32, #tpu.memory_space<hbm>>
    %dma_start3A_16 = tpu.memref_squeeze %dma_start3A_15 : memref<1x20x512xi32, #tpu.memory_space<hbm>> -> memref<20x512xi32, #tpu.memory_space<hbm>>
    %dma_start3A_17 = arith.constant 0 : i32
    %dma_start3A_18 = arith.constant 0 : i32
    %dma_start3A_19 = tpu.memref_slice %arg4[%add3A, %dma_start3A_17, %dma_start3A_18] : memref<32x20x512xi32, #tpu.memory_space<hbm>> -> memref<1x20x512xi32, #tpu.memory_space<hbm>>
    %dma_start3A_20 = tpu.memref_squeeze %dma_start3A_19 : memref<1x20x512xi32, #tpu.memory_space<hbm>> -> memref<20x512xi32, #tpu.memory_space<hbm>>
    tpu.enqueue_dma source(%dma_start3A_20 : memref<20x512xi32, #tpu.memory_space<hbm>>) target(%arg8 : memref<20x512xi32, #tpu.memory_space<vmem>>) target_semaphore(%arg22 : memref<!tpu.dma_semaphore, #tpu.memory_space<semaphore_mem>>)
    %dma_start3A_21 = arith.constant 0 : i32
    %dma_start3A_22 = arith.constant 0 : i32
    %dma_start3A_23 = tpu.memref_slice %arg5[%add3A, %dma_start3A_21, %dma_start3A_22] : memref<32x20x512xi32, #tpu.memory_space<hbm>> -> memref<1x20x512xi32, #tpu.memory_space<hbm>>
    %dma_start3A_24 = tpu.memref_squeeze %dma_start3A_23 : memref<1x20x512xi32, #tpu.memory_space<hbm>> -> memref<20x512xi32, #tpu.memory_space<hbm>>
    %dma_start3A_25 = arith.constant 0 : i32
    %dma_start3A_26 = arith.constant 0 : i32
    %dma_start3A_27 = tpu.memref_slice %arg5[%add3A, %dma_start3A_25, %dma_start3A_26] : memref<32x20x512xi32, #tpu.memory_space<hbm>> -> memref<1x20x512xi32, #tpu.memory_space<hbm>>
    %dma_start3A_28 = tpu.memref_squeeze %dma_start3A_27 : memref<1x20x512xi32, #tpu.memory_space<hbm>> -> memref<20x512xi32, #tpu.memory_space<hbm>>
    tpu.enqueue_dma source(%dma_start3A_28 : memref<20x512xi32, #tpu.memory_space<hbm>>) target(%arg9 : memref<20x512xi32, #tpu.memory_space<vmem>>) target_semaphore(%arg23 : memref<!tpu.dma_semaphore, #tpu.memory_space<semaphore_mem>>)
    %dma_wait3A = arith.constant 0 : i32
    %dma_wait3A_29 = tpu.memref_slice %arg14[%multiple_of3A, %dma_wait3A] : memref<10112x16xf32, #tpu.memory_space<vmem_shared>> -> memref<632x16xf32, #tpu.memory_space<vmem_shared>>
    %dma_wait3A_30 = arith.constant 0 : i32
    %dma_wait3A_31 = tpu.memref_slice %arg2[%multiple_of3A, %dma_wait3A_30] : memref<10112x16xf32, #tpu.memory_space<hbm>> -> memref<632x16xf32, #tpu.memory_space<hbm>>
    tpu.wait_dma2 semaphore(%arg20 : memref<!tpu.dma_semaphore, #tpu.memory_space<semaphore_mem>>) src(%dma_wait3A_31 : memref<632x16xf32, #tpu.memory_space<hbm>>) dst(%dma_wait3A_29 : memref<632x16xf32, #tpu.memory_space<vmem_shared>>)
    %dma_wait3A_32 = arith.constant 0 : i32
    %dma_wait3A_33 = tpu.memref_slice %arg15[%multiple_of3A, %dma_wait3A_32] : memref<10112x16xf32, #tpu.memory_space<vmem_shared>> -> memref<632x16xf32, #tpu.memory_space<vmem_shared>>
    %dma_wait3A_34 = arith.constant 0 : i32
    %dma_wait3A_35 = tpu.memref_slice %arg3[%multiple_of3A, %dma_wait3A_34] : memref<10112x16xf32, #tpu.memory_space<hbm>> -> memref<632x16xf32, #tpu.memory_space<hbm>>
    tpu.wait_dma2 semaphore(%arg21 : memref<!tpu.dma_semaphore, #tpu.memory_space<semaphore_mem>>) src(%dma_wait3A_35 : memref<632x16xf32, #tpu.memory_space<hbm>>) dst(%dma_wait3A_33 : memref<632x16xf32, #tpu.memory_space<vmem_shared>>)
    %dma_wait3A_36 = arith.constant 0 : i32
    %dma_wait3A_37 = arith.constant 0 : i32
    %dma_wait3A_38 = tpu.memref_slice %arg4[%add3A, %dma_wait3A_36, %dma_wait3A_37] : memref<32x20x512xi32, #tpu.memory_space<hbm>> -> memref<1x20x512xi32, #tpu.memory_space<hbm>>
    %dma_wait3A_39 = tpu.memref_squeeze %dma_wait3A_38 : memref<1x20x512xi32, #tpu.memory_space<hbm>> -> memref<20x512xi32, #tpu.memory_space<hbm>>
    %dma_wait3A_40 = arith.constant 0 : i32
    %dma_wait3A_41 = arith.constant 0 : i32
    %dma_wait3A_42 = tpu.memref_slice %arg4[%add3A, %dma_wait3A_40, %dma_wait3A_41] : memref<32x20x512xi32, #tpu.memory_space<hbm>> -> memref<1x20x512xi32, #tpu.memory_space<hbm>>
    %dma_wait3A_43 = tpu.memref_squeeze %dma_wait3A_42 : memref<1x20x512xi32, #tpu.memory_space<hbm>> -> memref<20x512xi32, #tpu.memory_space<hbm>>
    tpu.wait_dma2 semaphore(%arg22 : memref<!tpu.dma_semaphore, #tpu.memory_space<semaphore_mem>>) src(%dma_wait3A_43 : memref<20x512xi32, #tpu.memory_space<hbm>>) dst(%arg8 : memref<20x512xi32, #tpu.memory_space<vmem>>)
    %dma_wait3A_44 = arith.constant 0 : i32
    %dma_wait3A_45 = arith.constant 0 : i32
    %dma_wait3A_46 = tpu.memref_slice %arg5[%add3A, %dma_wait3A_44, %dma_wait3A_45] : memref<32x20x512xi32, #tpu.memory_space<hbm>> -> memref<1x20x512xi32, #tpu.memory_space<hbm>>
    %dma_wait3A_47 = tpu.memref_squeeze %dma_wait3A_46 : memref<1x20x512xi32, #tpu.memory_space<hbm>> -> memref<20x512xi32, #tpu.memory_space<hbm>>
    %dma_wait3A_48 = arith.constant 0 : i32
    %dma_wait3A_49 = arith.constant 0 : i32
    %dma_wait3A_50 = tpu.memref_slice %arg5[%add3A, %dma_wait3A_48, %dma_wait3A_49] : memref<32x20x512xi32, #tpu.memory_space<hbm>> -> memref<1x20x512xi32, #tpu.memory_space<hbm>>
    %dma_wait3A_51 = tpu.memref_squeeze %dma_wait3A_50 : memref<1x20x512xi32, #tpu.memory_space<hbm>> -> memref<20x512xi32, #tpu.memory_space<hbm>>
    tpu.wait_dma2 semaphore(%arg23 : memref<!tpu.dma_semaphore, #tpu.memory_space<semaphore_mem>>) src(%dma_wait3A_51 : memref<20x512xi32, #tpu.memory_space<hbm>>) dst(%arg9 : memref<20x512xi32, #tpu.memory_space<vmem>>)
    %barrier3A = arith.constant 0 : index
    tpu.barrier barrier_id(%barrier3A)
    %scan3A = arith.constant 0 : i32
    %scan3A_52 = arith.constant 0 : i32
    %scan3A_53 = arith.constant 5 : i32
    %scan3A_54 = arith.addi %scan3A_52, %scan3A_53 : i32
    %scan3A_55 = arith.constant 1 : i32
    scf.for %scan3A_96 = %scan3A_52 to %scan3A_54 step %scan3A_55  : i32 {
      %mul3A_97 = arith.constant 4 : i32
      %mul3A_98 = arith.muli %scan3A_96, %mul3A_97 : i32
      %add3A_99 = arith.constant 0 : i32
      %add3A_100 = arith.addi %mul3A_98, %add3A_99 : i32
      %gt3A = arith.constant 0 : i32
      %gt3A_101 = arith.cmpi sgt, %scan3A_96, %gt3A : i32
      %convert_element_type3A_102 = arith.extui %gt3A_101 : i1 to i32
      %cond3A_103 = arith.constant 0 : i32
      %cond3A_104 = arith.cmpi ne, %convert_element_type3A_102, %cond3A_103 : i32
      scf.if %cond3A_104 {
        %dma_wait3A_220 = arith.constant 0 : i32
        %dma_wait3A_221 = tpu.memref_slice %arg9[%add3A_100, %dma_wait3A_220] : memref<20x512xi32, #tpu.memory_space<vmem>> -> memref<1x512xi32, #tpu.memory_space<vmem>>
        %dma_wait3A_222 = tpu.memref_squeeze %dma_wait3A_221 : memref<1x512xi32, #tpu.memory_space<vmem>> -> memref<512xi32, #tpu.memory_space<vmem>>
        %dma_wait3A_223 = arith.constant 0 : i32
        %dma_wait3A_224 = arith.constant 0 : i32
        %dma_wait3A_225 = tpu.memref_slice %arg15[%dma_wait3A_223, %dma_wait3A_224] : memref<10112x16xf32, #tpu.memory_space<vmem_shared>> -> memref<10112x16xf32, #tpu.memory_space<vmem_shared>>
        tpu.wait_indirect_dma semaphore(%arg16 : memref<!tpu.dma_semaphore, #tpu.memory_space<semaphore_mem>>) src(%arg10 : memref<512x16xf32, #tpu.memory_space<vmem>>) dst(%dma_wait3A_225 : memref<10112x16xf32, #tpu.memory_space<vmem_shared>>)
      } else {
      }
      %dma_start3A_105 = arith.constant 0 : i32
      %dma_start3A_106 = tpu.memref_slice %arg8[%add3A_100, %dma_start3A_105] : memref<20x512xi32, #tpu.memory_space<vmem>> -> memref<1x512xi32, #tpu.memory_space<vmem>>
      %dma_start3A_107 = tpu.memref_squeeze %dma_start3A_106 : memref<1x512xi32, #tpu.memory_space<vmem>> -> memref<512xi32, #tpu.memory_space<vmem>>
      %dma_start3A_108 = arith.constant 0 : i32
      %dma_start3A_109 = arith.constant 0 : i32
      %dma_start3A_110 = tpu.memref_slice %arg14[%dma_start3A_108, %dma_start3A_109] : memref<10112x16xf32, #tpu.memory_space<vmem_shared>> -> memref<10112x16xf32, #tpu.memory_space<vmem_shared>>
      tpu.enqueue_indirect_dma source(%dma_start3A_110 : memref<10112x16xf32, #tpu.memory_space<vmem_shared>>) target(%arg10 : memref<512x16xf32, #tpu.memory_space<vmem>>) offsets(%dma_start3A_107 : memref<512xi32, #tpu.memory_space<vmem>>) semaphore(%arg20 : memref<!tpu.dma_semaphore, #tpu.memory_space<semaphore_mem>>)
      %mul3A_111 = arith.constant 4 : i32
      %mul3A_112 = arith.muli %scan3A_96, %mul3A_111 : i32
      %add3A_113 = arith.constant 1 : i32
      %add3A_114 = arith.addi %mul3A_112, %add3A_113 : i32
      %gt3A_115 = arith.constant 0 : i32
      %gt3A_116 = arith.cmpi sgt, %scan3A_96, %gt3A_115 : i32
      %convert_element_type3A_117 = arith.extui %gt3A_116 : i1 to i32
      %cond3A_118 = arith.constant 0 : i32
      %cond3A_119 = arith.cmpi ne, %convert_element_type3A_117, %cond3A_118 : i32
      scf.if %cond3A_119 {
        %dma_wait3A_220 = arith.constant 0 : i32
        %dma_wait3A_221 = tpu.memref_slice %arg9[%add3A_114, %dma_wait3A_220] : memref<20x512xi32, #tpu.memory_space<vmem>> -> memref<1x512xi32, #tpu.memory_space<vmem>>
        %dma_wait3A_222 = tpu.memref_squeeze %dma_wait3A_221 : memref<1x512xi32, #tpu.memory_space<vmem>> -> memref<512xi32, #tpu.memory_space<vmem>>
        %dma_wait3A_223 = arith.constant 0 : i32
        %dma_wait3A_224 = arith.constant 0 : i32
        %dma_wait3A_225 = tpu.memref_slice %arg15[%dma_wait3A_223, %dma_wait3A_224] : memref<10112x16xf32, #tpu.memory_space<vmem_shared>> -> memref<10112x16xf32, #tpu.memory_space<vmem_shared>>
        tpu.wait_indirect_dma semaphore(%arg17 : memref<!tpu.dma_semaphore, #tpu.memory_space<semaphore_mem>>) src(%arg11 : memref<512x16xf32, #tpu.memory_space<vmem>>) dst(%dma_wait3A_225 : memref<10112x16xf32, #tpu.memory_space<vmem_shared>>)
      } else {
      }
      %dma_start3A_120 = arith.constant 0 : i32
      %dma_start3A_121 = tpu.memref_slice %arg8[%add3A_114, %dma_start3A_120] : memref<20x512xi32, #tpu.memory_space<vmem>> -> memref<1x512xi32, #tpu.memory_space<vmem>>
      %dma_start3A_122 = tpu.memref_squeeze %dma_start3A_121 : memref<1x512xi32, #tpu.memory_space<vmem>> -> memref<512xi32, #tpu.memory_space<vmem>>
      %dma_start3A_123 = arith.constant 0 : i32
      %dma_start3A_124 = arith.constant 0 : i32
      %dma_start3A_125 = tpu.memref_slice %arg14[%dma_start3A_123, %dma_start3A_124] : memref<10112x16xf32, #tpu.memory_space<vmem_shared>> -> memref<10112x16xf32, #tpu.memory_space<vmem_shared>>
      tpu.enqueue_indirect_dma source(%dma_start3A_125 : memref<10112x16xf32, #tpu.memory_space<vmem_shared>>) target(%arg11 : memref<512x16xf32, #tpu.memory_space<vmem>>) offsets(%dma_start3A_122 : memref<512xi32, #tpu.memory_space<vmem>>) semaphore(%arg21 : memref<!tpu.dma_semaphore, #tpu.memory_space<semaphore_mem>>)
      %mul3A_126 = arith.constant 4 : i32
      %mul3A_127 = arith.muli %scan3A_96, %mul3A_126 : i32
      %add3A_128 = arith.constant 2 : i32
      %add3A_129 = arith.addi %mul3A_127, %add3A_128 : i32
      %gt3A_130 = arith.constant 0 : i32
      %gt3A_131 = arith.cmpi sgt, %scan3A_96, %gt3A_130 : i32
      %convert_element_type3A_132 = arith.extui %gt3A_131 : i1 to i32
      %cond3A_133 = arith.constant 0 : i32
      %cond3A_134 = arith.cmpi ne, %convert_element_type3A_132, %cond3A_133 : i32
      scf.if %cond3A_134 {
        %dma_wait3A_220 = arith.constant 0 : i32
        %dma_wait3A_221 = tpu.memref_slice %arg9[%add3A_129, %dma_wait3A_220] : memref<20x512xi32, #tpu.memory_space<vmem>> -> memref<1x512xi32, #tpu.memory_space<vmem>>
        %dma_wait3A_222 = tpu.memref_squeeze %dma_wait3A_221 : memref<1x512xi32, #tpu.memory_space<vmem>> -> memref<512xi32, #tpu.memory_space<vmem>>
        %dma_wait3A_223 = arith.constant 0 : i32
        %dma_wait3A_224 = arith.constant 0 : i32
        %dma_wait3A_225 = tpu.memref_slice %arg15[%dma_wait3A_223, %dma_wait3A_224] : memref<10112x16xf32, #tpu.memory_space<vmem_shared>> -> memref<10112x16xf32, #tpu.memory_space<vmem_shared>>
        tpu.wait_indirect_dma semaphore(%arg18 : memref<!tpu.dma_semaphore, #tpu.memory_space<semaphore_mem>>) src(%arg12 : memref<512x16xf32, #tpu.memory_space<vmem>>) dst(%dma_wait3A_225 : memref<10112x16xf32, #tpu.memory_space<vmem_shared>>)
      } else {
      }
      %dma_start3A_135 = arith.constant 0 : i32
      %dma_start3A_136 = tpu.memref_slice %arg8[%add3A_129, %dma_start3A_135] : memref<20x512xi32, #tpu.memory_space<vmem>> -> memref<1x512xi32, #tpu.memory_space<vmem>>
      %dma_start3A_137 = tpu.memref_squeeze %dma_start3A_136 : memref<1x512xi32, #tpu.memory_space<vmem>> -> memref<512xi32, #tpu.memory_space<vmem>>
      %dma_start3A_138 = arith.constant 0 : i32
      %dma_start3A_139 = arith.constant 0 : i32
      %dma_start3A_140 = tpu.memref_slice %arg14[%dma_start3A_138, %dma_start3A_139] : memref<10112x16xf32, #tpu.memory_space<vmem_shared>> -> memref<10112x16xf32, #tpu.memory_space<vmem_shared>>
      tpu.enqueue_indirect_dma source(%dma_start3A_140 : memref<10112x16xf32, #tpu.memory_space<vmem_shared>>) target(%arg12 : memref<512x16xf32, #tpu.memory_space<vmem>>) offsets(%dma_start3A_137 : memref<512xi32, #tpu.memory_space<vmem>>) semaphore(%arg22 : memref<!tpu.dma_semaphore, #tpu.memory_space<semaphore_mem>>)
      %mul3A_141 = arith.constant 4 : i32
      %mul3A_142 = arith.muli %scan3A_96, %mul3A_141 : i32
      %add3A_143 = arith.constant 3 : i32
      %add3A_144 = arith.addi %mul3A_142, %add3A_143 : i32
      %gt3A_145 = arith.constant 0 : i32
      %gt3A_146 = arith.cmpi sgt, %scan3A_96, %gt3A_145 : i32
      %convert_element_type3A_147 = arith.extui %gt3A_146 : i1 to i32
      %cond3A_148 = arith.constant 0 : i32
      %cond3A_149 = arith.cmpi ne, %convert_element_type3A_147, %cond3A_148 : i32
      scf.if %cond3A_149 {
        %dma_wait3A_220 = arith.constant 0 : i32
        %dma_wait3A_221 = tpu.memref_slice %arg9[%add3A_144, %dma_wait3A_220] : memref<20x512xi32, #tpu.memory_space<vmem>> -> memref<1x512xi32, #tpu.memory_space<vmem>>
        %dma_wait3A_222 = tpu.memref_squeeze %dma_wait3A_221 : memref<1x512xi32, #tpu.memory_space<vmem>> -> memref<512xi32, #tpu.memory_space<vmem>>
        %dma_wait3A_223 = arith.constant 0 : i32
        %dma_wait3A_224 = arith.constant 0 : i32
        %dma_wait3A_225 = tpu.memref_slice %arg15[%dma_wait3A_223, %dma_wait3A_224] : memref<10112x16xf32, #tpu.memory_space<vmem_shared>> -> memref<10112x16xf32, #tpu.memory_space<vmem_shared>>
        tpu.wait_indirect_dma semaphore(%arg19 : memref<!tpu.dma_semaphore, #tpu.memory_space<semaphore_mem>>) src(%arg13 : memref<512x16xf32, #tpu.memory_space<vmem>>) dst(%dma_wait3A_225 : memref<10112x16xf32, #tpu.memory_space<vmem_shared>>)
      } else {
      }
      %dma_start3A_150 = arith.constant 0 : i32
      %dma_start3A_151 = tpu.memref_slice %arg8[%add3A_144, %dma_start3A_150] : memref<20x512xi32, #tpu.memory_space<vmem>> -> memref<1x512xi32, #tpu.memory_space<vmem>>
      %dma_start3A_152 = tpu.memref_squeeze %dma_start3A_151 : memref<1x512xi32, #tpu.memory_space<vmem>> -> memref<512xi32, #tpu.memory_space<vmem>>
      %dma_start3A_153 = arith.constant 0 : i32
      %dma_start3A_154 = arith.constant 0 : i32
      %dma_start3A_155 = tpu.memref_slice %arg14[%dma_start3A_153, %dma_start3A_154] : memref<10112x16xf32, #tpu.memory_space<vmem_shared>> -> memref<10112x16xf32, #tpu.memory_space<vmem_shared>>
      tpu.enqueue_indirect_dma source(%dma_start3A_155 : memref<10112x16xf32, #tpu.memory_space<vmem_shared>>) target(%arg13 : memref<512x16xf32, #tpu.memory_space<vmem>>) offsets(%dma_start3A_152 : memref<512xi32, #tpu.memory_space<vmem>>) semaphore(%arg23 : memref<!tpu.dma_semaphore, #tpu.memory_space<semaphore_mem>>)
      %mul3A_156 = arith.constant 4 : i32
      %mul3A_157 = arith.muli %scan3A_96, %mul3A_156 : i32
      %add3A_158 = arith.constant 0 : i32
      %add3A_159 = arith.addi %mul3A_157, %add3A_158 : i32
      %dma_wait3A_160 = arith.constant 0 : i32
      %dma_wait3A_161 = tpu.memref_slice %arg8[%add3A_159, %dma_wait3A_160] : memref<20x512xi32, #tpu.memory_space<vmem>> -> memref<1x512xi32, #tpu.memory_space<vmem>>
      %dma_wait3A_162 = tpu.memref_squeeze %dma_wait3A_161 : memref<1x512xi32, #tpu.memory_space<vmem>> -> memref<512xi32, #tpu.memory_space<vmem>>
      %dma_wait3A_163 = arith.constant 0 : i32
      %dma_wait3A_164 = arith.constant 0 : i32
      %dma_wait3A_165 = tpu.memref_slice %arg14[%dma_wait3A_163, %dma_wait3A_164] : memref<10112x16xf32, #tpu.memory_space<vmem_shared>> -> memref<10112x16xf32, #tpu.memory_space<vmem_shared>>
      tpu.wait_indirect_dma semaphore(%arg20 : memref<!tpu.dma_semaphore, #tpu.memory_space<semaphore_mem>>) src(%dma_wait3A_165 : memref<10112x16xf32, #tpu.memory_space<vmem_shared>>) dst(%arg10 : memref<512x16xf32, #tpu.memory_space<vmem>>)
      %dma_start3A_166 = arith.constant 0 : i32
      %dma_start3A_167 = tpu.memref_slice %arg9[%add3A_159, %dma_start3A_166] : memref<20x512xi32, #tpu.memory_space<vmem>> -> memref<1x512xi32, #tpu.memory_space<vmem>>
      %dma_start3A_168 = tpu.memref_squeeze %dma_start3A_167 : memref<1x512xi32, #tpu.memory_space<vmem>> -> memref<512xi32, #tpu.memory_space<vmem>>
      %dma_start3A_169 = arith.constant 0 : i32
      %dma_start3A_170 = arith.constant 0 : i32
      %dma_start3A_171 = tpu.memref_slice %arg15[%dma_start3A_169, %dma_start3A_170] : memref<10112x16xf32, #tpu.memory_space<vmem_shared>> -> memref<10112x16xf32, #tpu.memory_space<vmem_shared>>
      tpu.enqueue_indirect_dma source(%arg10 : memref<512x16xf32, #tpu.memory_space<vmem>>) target(%dma_start3A_171 : memref<10112x16xf32, #tpu.memory_space<vmem_shared>>) offsets(%dma_start3A_168 : memref<512xi32, #tpu.memory_space<vmem>>) semaphore(%arg16 : memref<!tpu.dma_semaphore, #tpu.memory_space<semaphore_mem>>) {add = true}
      %mul3A_172 = arith.constant 4 : i32
      %mul3A_173 = arith.muli %scan3A_96, %mul3A_172 : i32
      %add3A_174 = arith.constant 1 : i32
      %add3A_175 = arith.addi %mul3A_173, %add3A_174 : i32
      %dma_wait3A_176 = arith.constant 0 : i32
      %dma_wait3A_177 = tpu.memref_slice %arg8[%add3A_175, %dma_wait3A_176] : memref<20x512xi32, #tpu.memory_space<vmem>> -> memref<1x512xi32, #tpu.memory_space<vmem>>
      %dma_wait3A_178 = tpu.memref_squeeze %dma_wait3A_177 : memref<1x512xi32, #tpu.memory_space<vmem>> -> memref<512xi32, #tpu.memory_space<vmem>>
      %dma_wait3A_179 = arith.constant 0 : i32
      %dma_wait3A_180 = arith.constant 0 : i32
      %dma_wait3A_181 = tpu.memref_slice %arg14[%dma_wait3A_179, %dma_wait3A_180] : memref<10112x16xf32, #tpu.memory_space<vmem_shared>> -> memref<10112x16xf32, #tpu.memory_space<vmem_shared>>
      tpu.wait_indirect_dma semaphore(%arg21 : memref<!tpu.dma_semaphore, #tpu.memory_space<semaphore_mem>>) src(%dma_wait3A_181 : memref<10112x16xf32, #tpu.memory_space<vmem_shared>>) dst(%arg11 : memref<512x16xf32, #tpu.memory_space<vmem>>)
      %dma_start3A_182 = arith.constant 0 : i32
      %dma_start3A_183 = tpu.memref_slice %arg9[%add3A_175, %dma_start3A_182] : memref<20x512xi32, #tpu.memory_space<vmem>> -> memref<1x512xi32, #tpu.memory_space<vmem>>
      %dma_start3A_184 = tpu.memref_squeeze %dma_start3A_183 : memref<1x512xi32, #tpu.memory_space<vmem>> -> memref<512xi32, #tpu.memory_space<vmem>>
      %dma_start3A_185 = arith.constant 0 : i32
      %dma_start3A_186 = arith.constant 0 : i32
      %dma_start3A_187 = tpu.memref_slice %arg15[%dma_start3A_185, %dma_start3A_186] : memref<10112x16xf32, #tpu.memory_space<vmem_shared>> -> memref<10112x16xf32, #tpu.memory_space<vmem_shared>>
      tpu.enqueue_indirect_dma source(%arg11 : memref<512x16xf32, #tpu.memory_space<vmem>>) target(%dma_start3A_187 : memref<10112x16xf32, #tpu.memory_space<vmem_shared>>) offsets(%dma_start3A_184 : memref<512xi32, #tpu.memory_space<vmem>>) semaphore(%arg17 : memref<!tpu.dma_semaphore, #tpu.memory_space<semaphore_mem>>) {add = true}
      %mul3A_188 = arith.constant 4 : i32
      %mul3A_189 = arith.muli %scan3A_96, %mul3A_188 : i32
      %add3A_190 = arith.constant 2 : i32
      %add3A_191 = arith.addi %mul3A_189, %add3A_190 : i32
      %dma_wait3A_192 = arith.constant 0 : i32
      %dma_wait3A_193 = tpu.memref_slice %arg8[%add3A_191, %dma_wait3A_192] : memref<20x512xi32, #tpu.memory_space<vmem>> -> memref<1x512xi32, #tpu.memory_space<vmem>>
      %dma_wait3A_194 = tpu.memref_squeeze %dma_wait3A_193 : memref<1x512xi32, #tpu.memory_space<vmem>> -> memref<512xi32, #tpu.memory_space<vmem>>
      %dma_wait3A_195 = arith.constant 0 : i32
      %dma_wait3A_196 = arith.constant 0 : i32
      %dma_wait3A_197 = tpu.memref_slice %arg14[%dma_wait3A_195, %dma_wait3A_196] : memref<10112x16xf32, #tpu.memory_space<vmem_shared>> -> memref<10112x16xf32, #tpu.memory_space<vmem_shared>>
      tpu.wait_indirect_dma semaphore(%arg22 : memref<!tpu.dma_semaphore, #tpu.memory_space<semaphore_mem>>) src(%dma_wait3A_197 : memref<10112x16xf32, #tpu.memory_space<vmem_shared>>) dst(%arg12 : memref<512x16xf32, #tpu.memory_space<vmem>>)
      %dma_start3A_198 = arith.constant 0 : i32
      %dma_start3A_199 = tpu.memref_slice %arg9[%add3A_191, %dma_start3A_198] : memref<20x512xi32, #tpu.memory_space<vmem>> -> memref<1x512xi32, #tpu.memory_space<vmem>>
      %dma_start3A_200 = tpu.memref_squeeze %dma_start3A_199 : memref<1x512xi32, #tpu.memory_space<vmem>> -> memref<512xi32, #tpu.memory_space<vmem>>
      %dma_start3A_201 = arith.constant 0 : i32
      %dma_start3A_202 = arith.constant 0 : i32
      %dma_start3A_203 = tpu.memref_slice %arg15[%dma_start3A_201, %dma_start3A_202] : memref<10112x16xf32, #tpu.memory_space<vmem_shared>> -> memref<10112x16xf32, #tpu.memory_space<vmem_shared>>
      tpu.enqueue_indirect_dma source(%arg12 : memref<512x16xf32, #tpu.memory_space<vmem>>) target(%dma_start3A_203 : memref<10112x16xf32, #tpu.memory_space<vmem_shared>>) offsets(%dma_start3A_200 : memref<512xi32, #tpu.memory_space<vmem>>) semaphore(%arg18 : memref<!tpu.dma_semaphore, #tpu.memory_space<semaphore_mem>>) {add = true}
      %mul3A_204 = arith.constant 4 : i32
      %mul3A_205 = arith.muli %scan3A_96, %mul3A_204 : i32
      %add3A_206 = arith.constant 3 : i32
      %add3A_207 = arith.addi %mul3A_205, %add3A_206 : i32
      %dma_wait3A_208 = arith.constant 0 : i32
      %dma_wait3A_209 = tpu.memref_slice %arg8[%add3A_207, %dma_wait3A_208] : memref<20x512xi32, #tpu.memory_space<vmem>> -> memref<1x512xi32, #tpu.memory_space<vmem>>
      %dma_wait3A_210 = tpu.memref_squeeze %dma_wait3A_209 : memref<1x512xi32, #tpu.memory_space<vmem>> -> memref<512xi32, #tpu.memory_space<vmem>>
      %dma_wait3A_211 = arith.constant 0 : i32
      %dma_wait3A_212 = arith.constant 0 : i32
      %dma_wait3A_213 = tpu.memref_slice %arg14[%dma_wait3A_211, %dma_wait3A_212] : memref<10112x16xf32, #tpu.memory_space<vmem_shared>> -> memref<10112x16xf32, #tpu.memory_space<vmem_shared>>
      tpu.wait_indirect_dma semaphore(%arg23 : memref<!tpu.dma_semaphore, #tpu.memory_space<semaphore_mem>>) src(%dma_wait3A_213 : memref<10112x16xf32, #tpu.memory_space<vmem_shared>>) dst(%arg13 : memref<512x16xf32, #tpu.memory_space<vmem>>)
      %dma_start3A_214 = arith.constant 0 : i32
      %dma_start3A_215 = tpu.memref_slice %arg9[%add3A_207, %dma_start3A_214] : memref<20x512xi32, #tpu.memory_space<vmem>> -> memref<1x512xi32, #tpu.memory_space<vmem>>
      %dma_start3A_216 = tpu.memref_squeeze %dma_start3A_215 : memref<1x512xi32, #tpu.memory_space<vmem>> -> memref<512xi32, #tpu.memory_space<vmem>>
      %dma_start3A_217 = arith.constant 0 : i32
      %dma_start3A_218 = arith.constant 0 : i32
      %dma_start3A_219 = tpu.memref_slice %arg15[%dma_start3A_217, %dma_start3A_218] : memref<10112x16xf32, #tpu.memory_space<vmem_shared>> -> memref<10112x16xf32, #tpu.memory_space<vmem_shared>>
      tpu.enqueue_indirect_dma source(%arg13 : memref<512x16xf32, #tpu.memory_space<vmem>>) target(%dma_start3A_219 : memref<10112x16xf32, #tpu.memory_space<vmem_shared>>) offsets(%dma_start3A_216 : memref<512xi32, #tpu.memory_space<vmem>>) semaphore(%arg19 : memref<!tpu.dma_semaphore, #tpu.memory_space<semaphore_mem>>) {add = true}
    }
    %scan3A_56 = arith.constant 5 : i32
    %dma_wait3A_57 = arith.constant 0 : i32
    %dma_wait3A_58 = arith.constant 0 : i32
    %dma_wait3A_59 = tpu.memref_slice %arg9[%dma_wait3A_57, %dma_wait3A_58] : memref<20x512xi32, #tpu.memory_space<vmem>> -> memref<1x512xi32, #tpu.memory_space<vmem>>
    %dma_wait3A_60 = tpu.memref_squeeze %dma_wait3A_59 : memref<1x512xi32, #tpu.memory_space<vmem>> -> memref<512xi32, #tpu.memory_space<vmem>>
    %dma_wait3A_61 = arith.constant 0 : i32
    %dma_wait3A_62 = arith.constant 0 : i32
    %dma_wait3A_63 = tpu.memref_slice %arg15[%dma_wait3A_61, %dma_wait3A_62] : memref<10112x16xf32, #tpu.memory_space<vmem_shared>> -> memref<10112x16xf32, #tpu.memory_space<vmem_shared>>
    tpu.wait_indirect_dma semaphore(%arg16 : memref<!tpu.dma_semaphore, #tpu.memory_space<semaphore_mem>>) src(%arg10 : memref<512x16xf32, #tpu.memory_space<vmem>>) dst(%dma_wait3A_63 : memref<10112x16xf32, #tpu.memory_space<vmem_shared>>)
    %dma_wait3A_64 = arith.constant 0 : i32
    %dma_wait3A_65 = arith.constant 0 : i32
    %dma_wait3A_66 = tpu.memref_slice %arg9[%dma_wait3A_64, %dma_wait3A_65] : memref<20x512xi32, #tpu.memory_space<vmem>> -> memref<1x512xi32, #tpu.memory_space<vmem>>
    %dma_wait3A_67 = tpu.memref_squeeze %dma_wait3A_66 : memref<1x512xi32, #tpu.memory_space<vmem>> -> memref<512xi32, #tpu.memory_space<vmem>>
    %dma_wait3A_68 = arith.constant 0 : i32
    %dma_wait3A_69 = arith.constant 0 : i32
    %dma_wait3A_70 = tpu.memref_slice %arg15[%dma_wait3A_68, %dma_wait3A_69] : memref<10112x16xf32, #tpu.memory_space<vmem_shared>> -> memref<10112x16xf32, #tpu.memory_space<vmem_shared>>
    tpu.wait_indirect_dma semaphore(%arg17 : memref<!tpu.dma_semaphore, #tpu.memory_space<semaphore_mem>>) src(%arg11 : memref<512x16xf32, #tpu.memory_space<vmem>>) dst(%dma_wait3A_70 : memref<10112x16xf32, #tpu.memory_space<vmem_shared>>)
    %dma_wait3A_71 = arith.constant 0 : i32
    %dma_wait3A_72 = arith.constant 0 : i32
    %dma_wait3A_73 = tpu.memref_slice %arg9[%dma_wait3A_71, %dma_wait3A_72] : memref<20x512xi32, #tpu.memory_space<vmem>> -> memref<1x512xi32, #tpu.memory_space<vmem>>
    %dma_wait3A_74 = tpu.memref_squeeze %dma_wait3A_73 : memref<1x512xi32, #tpu.memory_space<vmem>> -> memref<512xi32, #tpu.memory_space<vmem>>
    %dma_wait3A_75 = arith.constant 0 : i32
    %dma_wait3A_76 = arith.constant 0 : i32
    %dma_wait3A_77 = tpu.memref_slice %arg15[%dma_wait3A_75, %dma_wait3A_76] : memref<10112x16xf32, #tpu.memory_space<vmem_shared>> -> memref<10112x16xf32, #tpu.memory_space<vmem_shared>>
    tpu.wait_indirect_dma semaphore(%arg18 : memref<!tpu.dma_semaphore, #tpu.memory_space<semaphore_mem>>) src(%arg12 : memref<512x16xf32, #tpu.memory_space<vmem>>) dst(%dma_wait3A_77 : memref<10112x16xf32, #tpu.memory_space<vmem_shared>>)
    %dma_wait3A_78 = arith.constant 0 : i32
    %dma_wait3A_79 = arith.constant 0 : i32
    %dma_wait3A_80 = tpu.memref_slice %arg9[%dma_wait3A_78, %dma_wait3A_79] : memref<20x512xi32, #tpu.memory_space<vmem>> -> memref<1x512xi32, #tpu.memory_space<vmem>>
    %dma_wait3A_81 = tpu.memref_squeeze %dma_wait3A_80 : memref<1x512xi32, #tpu.memory_space<vmem>> -> memref<512xi32, #tpu.memory_space<vmem>>
    %dma_wait3A_82 = arith.constant 0 : i32
    %dma_wait3A_83 = arith.constant 0 : i32
    %dma_wait3A_84 = tpu.memref_slice %arg15[%dma_wait3A_82, %dma_wait3A_83] : memref<10112x16xf32, #tpu.memory_space<vmem_shared>> -> memref<10112x16xf32, #tpu.memory_space<vmem_shared>>
    tpu.wait_indirect_dma semaphore(%arg19 : memref<!tpu.dma_semaphore, #tpu.memory_space<semaphore_mem>>) src(%arg13 : memref<512x16xf32, #tpu.memory_space<vmem>>) dst(%dma_wait3A_84 : memref<10112x16xf32, #tpu.memory_space<vmem_shared>>)
    %barrier3A_85 = arith.constant 0 : index
    tpu.barrier barrier_id(%barrier3A_85)
    %eq3A_86 = arith.constant 0 : i32
    %eq3A_87 = arith.cmpi eq, %arg0, %eq3A_86 : i32
    %convert_element_type3A_88 = arith.extui %eq3A_87 : i1 to i32
    %cond3A_89 = arith.constant 0 : i32
    %cond3A_90 = arith.cmpi ne, %convert_element_type3A_88, %cond3A_89 : i32
    scf.if %cond3A_90 {
      "tpu.region"() ({
        %run_scoped3A = tpu.sem_alloc : memref<!tpu.dma_semaphore, #tpu.memory_space<semaphore_mem>>
        %dma_start3A_96 = arith.constant 0 : i32
        %dma_start3A_97 = tpu.memref_slice %arg6[%multiple_of3A, %dma_start3A_96] : memref<10112x16xf32, #tpu.memory_space<hbm>> -> memref<632x16xf32, #tpu.memory_space<hbm>>
        %dma_start3A_98 = arith.constant 0 : i32
        %dma_start3A_99 = tpu.memref_slice %arg15[%multiple_of3A, %dma_start3A_98] : memref<10112x16xf32, #tpu.memory_space<vmem_shared>> -> memref<632x16xf32, #tpu.memory_space<vmem_shared>>
        tpu.enqueue_dma source(%dma_start3A_99 : memref<632x16xf32, #tpu.memory_space<vmem_shared>>) target(%dma_start3A_97 : memref<632x16xf32, #tpu.memory_space<hbm>>) target_semaphore(%run_scoped3A : memref<!tpu.dma_semaphore, #tpu.memory_space<semaphore_mem>>)
        %dma_wait3A_100 = arith.constant 0 : i32
        %dma_wait3A_101 = tpu.memref_slice %arg6[%multiple_of3A, %dma_wait3A_100] : memref<10112x16xf32, #tpu.memory_space<hbm>> -> memref<632x16xf32, #tpu.memory_space<hbm>>
        %dma_wait3A_102 = arith.constant 0 : i32
        %dma_wait3A_103 = tpu.memref_slice %arg15[%multiple_of3A, %dma_wait3A_102] : memref<10112x16xf32, #tpu.memory_space<vmem_shared>> -> memref<632x16xf32, #tpu.memory_space<vmem_shared>>
        tpu.wait_dma2 semaphore(%run_scoped3A : memref<!tpu.dma_semaphore, #tpu.memory_space<semaphore_mem>>) src(%dma_wait3A_103 : memref<632x16xf32, #tpu.memory_space<vmem_shared>>) dst(%dma_wait3A_101 : memref<632x16xf32, #tpu.memory_space<hbm>>)
        tpu.yield
      }) : () -> ()
    } else {
    }
    %eq3A_91 = arith.constant 1 : i32
    %eq3A_92 = arith.cmpi eq, %arg0, %eq3A_91 : i32
    %convert_element_type3A_93 = arith.extui %eq3A_92 : i1 to i32
    %cond3A_94 = arith.constant 0 : i32
    %cond3A_95 = arith.cmpi ne, %convert_element_type3A_93, %cond3A_94 : i32
    scf.if %cond3A_95 {
      "tpu.region"() ({
        %run_scoped3A = tpu.sem_alloc : memref<!tpu.dma_semaphore, #tpu.memory_space<semaphore_mem>>
        %dma_start3A_96 = arith.constant 0 : i32
        %dma_start3A_97 = tpu.memref_slice %arg7[%multiple_of3A, %dma_start3A_96] : memref<10112x16xf32, #tpu.memory_space<hbm>> -> memref<632x16xf32, #tpu.memory_space<hbm>>
        %dma_start3A_98 = arith.constant 0 : i32
        %dma_start3A_99 = tpu.memref_slice %arg15[%multiple_of3A, %dma_start3A_98] : memref<10112x16xf32, #tpu.memory_space<vmem_shared>> -> memref<632x16xf32, #tpu.memory_space<vmem_shared>>
        tpu.enqueue_dma source(%dma_start3A_99 : memref<632x16xf32, #tpu.memory_space<vmem_shared>>) target(%dma_start3A_97 : memref<632x16xf32, #tpu.memory_space<hbm>>) target_semaphore(%run_scoped3A : memref<!tpu.dma_semaphore, #tpu.memory_space<semaphore_mem>>)
        %dma_wait3A_100 = arith.constant 0 : i32
        %dma_wait3A_101 = tpu.memref_slice %arg7[%multiple_of3A, %dma_wait3A_100] : memref<10112x16xf32, #tpu.memory_space<hbm>> -> memref<632x16xf32, #tpu.memory_space<hbm>>
        %dma_wait3A_102 = arith.constant 0 : i32
        %dma_wait3A_103 = tpu.memref_slice %arg15[%multiple_of3A, %dma_wait3A_102] : memref<10112x16xf32, #tpu.memory_space<vmem_shared>> -> memref<632x16xf32, #tpu.memory_space<vmem_shared>>
        tpu.wait_dma2 semaphore(%run_scoped3A : memref<!tpu.dma_semaphore, #tpu.memory_space<semaphore_mem>>) src(%dma_wait3A_103 : memref<632x16xf32, #tpu.memory_space<vmem_shared>>) dst(%dma_wait3A_101 : memref<632x16xf32, #tpu.memory_space<hbm>>)
        tpu.yield
      }) : () -> ()
    } else {
    }
    return
  }
}

module attributes {stable_mosaic.version = 14 : i64} {
  func.func @_eprep_body(%arg0: memref<2x320000xi32, #tpu.memory_space<vmem>>, %arg1: memref<2560x128xi32, #tpu.memory_space<vmem>>, %arg2: memref<2560x128xi32, #tpu.memory_space<vmem>>) attributes {dimension_semantics = [], scalar_prefetch = 0 : i64, scratch_operands = 0 : i64, tpu.core_type = #tpu.core_type<tc>} {
    %iota3A = tpu.iota {dimensions = array<i32: 1>} : vector<60x128xi32>
    %jit3A = arith.constant 16 : i32
    %eq3A = arith.constant 0 : i32
    %eq3A_0 = arith.cmpi eq, %jit3A, %eq3A : i32
    %jit3A_1 = arith.constant 1 : i32
    %select_n3A = arith.select %eq3A_0, %jit3A_1, %jit3A : i32
    %rem3A = vector.broadcast %select_n3A : i32 to vector<60x128xi32>
    %rem3A_2 = arith.remsi %iota3A, %rem3A : vector<60x128xi32>
    %ne3A = arith.constant 0 : i32
    %ne3A_3 = vector.broadcast %ne3A : i32 to vector<60x128xi32>
    %ne3A_4 = arith.cmpi ne, %rem3A_2, %ne3A_3 : vector<60x128xi32>
    %lt3A = arith.constant 0 : i32
    %lt3A_5 = vector.broadcast %lt3A : i32 to vector<60x128xi32>
    %lt3A_6 = arith.cmpi slt, %rem3A_2, %lt3A_5 : vector<60x128xi32>
    %lt3A_7 = arith.constant 0 : i32
    %lt3A_8 = arith.cmpi slt, %select_n3A, %lt3A_7 : i32
    %ne3A_9 = vector.broadcast %lt3A_8 : i1 to vector<60x128xi1>
    %ne3A_10 = vector.broadcast %ne3A_9 : vector<60x128xi1> to vector<60x128xi1>
    %ne3A_11 = arith.xori %lt3A_6, %ne3A_10 : vector<60x128xi1>
    %and3A = arith.andi %ne3A_11, %ne3A_4 : vector<60x128xi1>
    %add3A = vector.broadcast %select_n3A : i32 to vector<60x128xi32>
    %add3A_12 = arith.addi %rem3A_2, %add3A : vector<60x128xi32>
    %select_n3A_13 = arith.select %and3A, %add3A_12, %rem3A_2 : vector<60x128xi1>, vector<60x128xi32>
    %add3A_14 = arith.constant 10000 : i32
    %add3A_15 = vector.broadcast %add3A_14 : i32 to vector<60x128xi32>
    %add3A_16 = arith.addi %add3A_15, %select_n3A_13 : vector<60x128xi32>
    %get3A = arith.constant 0 : index
    %get3A_17 = arith.constant 0 : index
    %get3A_18 = vector.load %arg0[%get3A, %get3A_17] : memref<2x320000xi32, #tpu.memory_space<vmem>>, vector<1x320000xi32>
    %get3A_19 = vector.shape_cast %get3A_18 : vector<1x320000xi32> to vector<320000xi32>
    %reshape3A = vector.shape_cast %get3A_19 : vector<320000xi32> to vector<2500x128xi32>
    %get3A_20 = arith.constant 1 : index
    %get3A_21 = arith.constant 0 : index
    %get3A_22 = vector.load %arg0[%get3A_20, %get3A_21] : memref<2x320000xi32, #tpu.memory_space<vmem>>, vector<1x320000xi32>
    %get3A_23 = vector.shape_cast %get3A_22 : vector<1x320000xi32> to vector<320000xi32>
    %reshape3A_24 = vector.shape_cast %get3A_23 : vector<320000xi32> to vector<2500x128xi32>
    %concatenate3A = tpu.concatenate %reshape3A, %add3A_16 in 0 : vector<2500x128xi32>, vector<60x128xi32> -> vector<2560x128xi32>
    %swap3A = arith.constant 0 : index
    %swap3A_25 = arith.constant 0 : index
    %swap3A_26 = vector.load %arg1[%swap3A, %swap3A_25] : memref<2560x128xi32, #tpu.memory_space<vmem>>, vector<2560x128xi32>
    tpu.vector_store %arg1[%swap3A, %swap3A_25], %concatenate3A {strides = array<i32>} : memref<2560x128xi32, #tpu.memory_space<vmem>>, vector<2560x128xi32>,
    %concatenate3A_27 = tpu.concatenate %reshape3A_24, %add3A_16 in 0 : vector<2500x128xi32>, vector<60x128xi32> -> vector<2560x128xi32>
    %swap3A_28 = arith.constant 0 : index
    %swap3A_29 = arith.constant 0 : index
    %swap3A_30 = vector.load %arg2[%swap3A_28, %swap3A_29] : memref<2560x128xi32, #tpu.memory_space<vmem>>, vector<2560x128xi32>
    tpu.vector_store %arg2[%swap3A_28, %swap3A_29], %concatenate3A_27 {strides = array<i32>} : memref<2560x128xi32, #tpu.memory_space<vmem>>, vector<2560x128xi32>,
    return
  }
}

module attributes {stable_mosaic.version = 14 : i64} {
  func.func @_k0_body(%arg0: memref<1264x1024xf32, #tpu.memory_space<vmem>>, %arg1: memref<1024x128xf32, #tpu.memory_space<vmem>>, %arg2: memref<1264x128xf32, #tpu.memory_space<vmem>>) attributes {dimension_semantics = [], scalar_prefetch = 0 : i64, scratch_operands = 0 : i64, tpu.core_type = #tpu.core_type<tc>} {
    %get3A = arith.constant 0 : index
    %get3A_0 = arith.constant 0 : index
    %get3A_1 = vector.load %arg0[%get3A, %get3A_0] : memref<1264x1024xf32, #tpu.memory_space<vmem>>, vector<1264x1024xf32>
    %get3A_2 = arith.constant 0 : index
    %get3A_3 = arith.constant 0 : index
    %get3A_4 = vector.load %arg1[%get3A_2, %get3A_3] : memref<1024x128xf32, #tpu.memory_space<vmem>>, vector<1024x128xf32>
    %dot_general3A = arith.constant dense<0.000000e+00> : vector<1264x128xf32>
    %dot_general3A_5 = tpu.matmul %get3A_1, %get3A_4, %dot_general3A {dimension_numbers = #tpu.dot_dimension_numbers<[1], [0], [0], [1], [0, 0, 1, 1], [], []>, transpose_lhs_hint = false} : vector<1264x1024xf32>, vector<1024x128xf32>, vector<1264x128xf32> -> vector<1264x128xf32>
    %swap3A = arith.constant 0 : index
    %swap3A_6 = arith.constant 0 : index
    %swap3A_7 = vector.load %arg2[%swap3A, %swap3A_6] : memref<1264x128xf32, #tpu.memory_space<vmem>>, vector<1264x128xf32>
    tpu.vector_store %arg2[%swap3A, %swap3A_6], %dot_general3A_5 {strides = array<i32>} : memref<1264x128xf32, #tpu.memory_space<vmem>>, vector<1264x128xf32>,
    return
  }
}

module attributes {stable_mosaic.version = 14 : i64} {
  func.func @_k1_body(%arg0: memref<1264x128xf32, #tpu.memory_space<vmem>>, %arg1: memref<1264x128xf32, #tpu.memory_space<vmem>>, %arg2: memref<1264x128xf32, #tpu.memory_space<vmem>>, %arg3: memref<1264x128xf32, #tpu.memory_space<vmem>>, %arg4: memref<1264x128xf32, #tpu.memory_space<vmem>>, %arg5: memref<1264x128xf32, #tpu.memory_space<vmem>>, %arg6: memref<1264x128xf32, #tpu.memory_space<vmem>>, %arg7: memref<1264x128xf32, #tpu.memory_space<vmem>>) attributes {dimension_semantics = [], scalar_prefetch = 0 : i64, scratch_operands = 0 : i64, tpu.core_type = #tpu.core_type<tc>} {
    %iota3A = tpu.iota {dimensions = array<i32: 0>} : vector<1264x128xi32>
    %iota3A_0 = tpu.iota {dimensions = array<i32: 1>} : vector<1264x128xi32>
    %mul3A = arith.constant 8 : i32
    %mul3A_1 = vector.broadcast %mul3A : i32 to vector<1264x128xi32>
    %mul3A_2 = arith.muli %iota3A, %mul3A_1 : vector<1264x128xi32>
    %jit3A = arith.constant 16 : i32
    %div3A = vector.broadcast %jit3A : i32 to vector<1264x128xi32>
    %div3A_3 = arith.divsi %iota3A_0, %div3A : vector<1264x128xi32>
    %sign3A = arith.constant 0 : i32
    %sign3A_4 = vector.broadcast %sign3A : i32 to vector<1264x128xi32>
    %sign3A_5 = arith.cmpi sgt, %iota3A_0, %sign3A_4 : vector<1264x128xi32>
    %sign3A_6 = arith.extui %sign3A_5 : vector<1264x128xi1> to vector<1264x128xi32>
    %sign3A_7 = arith.constant 0 : i32
    %sign3A_8 = vector.broadcast %sign3A_7 : i32 to vector<1264x128xi32>
    %sign3A_9 = arith.cmpi slt, %iota3A_0, %sign3A_8 : vector<1264x128xi32>
    %sign3A_10 = arith.extui %sign3A_9 : vector<1264x128xi1> to vector<1264x128xi32>
    %sign3A_11 = arith.subi %sign3A_6, %sign3A_10 : vector<1264x128xi32>
    %sign3A_12 = arith.constant 0 : i32
    %sign3A_13 = arith.cmpi sgt, %jit3A, %sign3A_12 : i32
    %sign3A_14 = arith.extui %sign3A_13 : i1 to i32
    %sign3A_15 = arith.constant 0 : i32
    %sign3A_16 = arith.cmpi slt, %jit3A, %sign3A_15 : i32
    %sign3A_17 = arith.extui %sign3A_16 : i1 to i32
    %sign3A_18 = arith.subi %sign3A_14, %sign3A_17 : i32
    %ne3A = vector.broadcast %sign3A_18 : i32 to vector<1264x128xi32>
    %ne3A_19 = arith.cmpi ne, %sign3A_11, %ne3A : vector<1264x128xi32>
    %rem3A = vector.broadcast %jit3A : i32 to vector<1264x128xi32>
    %rem3A_20 = arith.remsi %iota3A_0, %rem3A : vector<1264x128xi32>
    %ne3A_21 = arith.constant 0 : i32
    %ne3A_22 = vector.broadcast %ne3A_21 : i32 to vector<1264x128xi32>
    %ne3A_23 = arith.cmpi ne, %rem3A_20, %ne3A_22 : vector<1264x128xi32>
    %and3A = arith.andi %ne3A_19, %ne3A_23 : vector<1264x128xi1>
    %sub3A = arith.constant 1 : i32
    %sub3A_24 = vector.broadcast %sub3A : i32 to vector<1264x128xi32>
    %sub3A_25 = arith.subi %div3A_3, %sub3A_24 : vector<1264x128xi32>
    %select_n3A = arith.select %and3A, %sub3A_25, %div3A_3 : vector<1264x128xi1>, vector<1264x128xi32>
    %add3A = arith.addi %mul3A_2, %select_n3A : vector<1264x128xi32>
    %lt3A = arith.constant 10000 : i32
    %lt3A_26 = vector.broadcast %lt3A : i32 to vector<1264x128xi32>
    %lt3A_27 = arith.cmpi slt, %add3A, %lt3A_26 : vector<1264x128xi32>
    %jit3A_28 = arith.constant 1.000000e+00 : f32
    %jit3A_29 = arith.constant 0.000000e+00 : f32
    %broadcast_in_dim3A = vector.broadcast %jit3A_28 : f32 to vector<1264x128xf32>
    %broadcast_in_dim3A_30 = vector.broadcast %jit3A_29 : f32 to vector<1264x128xf32>
    %select_n3A_31 = arith.select %lt3A_27, %broadcast_in_dim3A, %broadcast_in_dim3A_30 : vector<1264x128xi1>, vector<1264x128xf32>
    %get3A = arith.constant 0 : index
    %get3A_32 = arith.constant 0 : index
    %get3A_33 = vector.load %arg1[%get3A, %get3A_32] : memref<1264x128xf32, #tpu.memory_space<vmem>>, vector<1264x128xf32>
    %get3A_34 = arith.constant 0 : index
    %get3A_35 = arith.constant 0 : index
    %get3A_36 = vector.load %arg2[%get3A_34, %get3A_35] : memref<1264x128xf32, #tpu.memory_space<vmem>>, vector<1264x128xf32>
    %add3A_37 = arith.addf %get3A_33, %get3A_36 : vector<1264x128xf32>
    %add3A_38 = arith.constant 1.000000e+00 : f32
    %add3A_39 = vector.broadcast %add3A_38 : f32 to vector<1264x128xf32>
    %add3A_40 = arith.addf %add3A_37, %add3A_39 : vector<1264x128xf32>
    %rsqrt3A = math.rsqrt %add3A_40 : vector<1264x128xf32>
    %mul3A_41 = arith.mulf %select_n3A_31, %rsqrt3A : vector<1264x128xf32>
    %get3A_42 = arith.constant 0 : index
    %get3A_43 = arith.constant 0 : index
    %get3A_44 = vector.load %arg3[%get3A_42, %get3A_43] : memref<1264x128xf32, #tpu.memory_space<vmem>>, vector<1264x128xf32>
    %get3A_45 = arith.constant 0 : index
    %get3A_46 = arith.constant 0 : index
    %get3A_47 = vector.load %arg4[%get3A_45, %get3A_46] : memref<1264x128xf32, #tpu.memory_space<vmem>>, vector<1264x128xf32>
    %add3A_48 = arith.addf %get3A_44, %get3A_47 : vector<1264x128xf32>
    %add3A_49 = arith.constant 1.000000e+00 : f32
    %add3A_50 = vector.broadcast %add3A_49 : f32 to vector<1264x128xf32>
    %add3A_51 = arith.addf %add3A_48, %add3A_50 : vector<1264x128xf32>
    %rsqrt3A_52 = math.rsqrt %add3A_51 : vector<1264x128xf32>
    %mul3A_53 = arith.mulf %select_n3A_31, %rsqrt3A_52 : vector<1264x128xf32>
    %get3A_54 = arith.constant 0 : index
    %get3A_55 = arith.constant 0 : index
    %get3A_56 = vector.load %arg0[%get3A_54, %get3A_55] : memref<1264x128xf32, #tpu.memory_space<vmem>>, vector<1264x128xf32>
    %mul3A_57 = arith.mulf %mul3A_41, %get3A_56 : vector<1264x128xf32>
    %swap3A = arith.constant 0 : index
    %swap3A_58 = arith.constant 0 : index
    %swap3A_59 = vector.load %arg5[%swap3A, %swap3A_58] : memref<1264x128xf32, #tpu.memory_space<vmem>>, vector<1264x128xf32>
    tpu.vector_store %arg5[%swap3A, %swap3A_58], %mul3A_57 {strides = array<i32>} : memref<1264x128xf32, #tpu.memory_space<vmem>>, vector<1264x128xf32>,
    %swap3A_60 = arith.constant 0 : index
    %swap3A_61 = arith.constant 0 : index
    %swap3A_62 = vector.load %arg6[%swap3A_60, %swap3A_61] : memref<1264x128xf32, #tpu.memory_space<vmem>>, vector<1264x128xf32>
    tpu.vector_store %arg6[%swap3A_60, %swap3A_61], %mul3A_41 {strides = array<i32>} : memref<1264x128xf32, #tpu.memory_space<vmem>>, vector<1264x128xf32>,
    %swap3A_63 = arith.constant 0 : index
    %swap3A_64 = arith.constant 0 : index
    %swap3A_65 = vector.load %arg7[%swap3A_63, %swap3A_64] : memref<1264x128xf32, #tpu.memory_space<vmem>>, vector<1264x128xf32>
    tpu.vector_store %arg7[%swap3A_63, %swap3A_64], %mul3A_53 {strides = array<i32>} : memref<1264x128xf32, #tpu.memory_space<vmem>>, vector<1264x128xf32>,
    return
  }
}

module attributes {stable_mosaic.version = 14 : i64} {
  func.func @_kmid_body(%arg0: memref<1264x128xf32, #tpu.memory_space<vmem>>, %arg1: memref<1264x128xf32, #tpu.memory_space<vmem>>, %arg2: memref<1264x128xf32, #tpu.memory_space<vmem>>, %arg3: memref<1264x128xf32, #tpu.memory_space<vmem>>, %arg4: memref<1x128xf32, #tpu.memory_space<vmem>>, %arg5: memref<128x128xf32, #tpu.memory_space<vmem>>, %arg6: memref<1264x128xf32, #tpu.memory_space<vmem>>) attributes {dimension_semantics = [], scalar_prefetch = 0 : i64, scratch_operands = 0 : i64, tpu.core_type = #tpu.core_type<tc>} {
    %get3A = arith.constant 0 : index
    %get3A_0 = arith.constant 0 : index
    %get3A_1 = vector.load %arg2[%get3A, %get3A_0] : memref<1264x128xf32, #tpu.memory_space<vmem>>, vector<1264x128xf32>
    %get3A_2 = arith.constant 0 : index
    %get3A_3 = arith.constant 0 : index
    %get3A_4 = vector.load %arg0[%get3A_2, %get3A_3] : memref<1264x128xf32, #tpu.memory_space<vmem>>, vector<1264x128xf32>
    %get3A_5 = arith.constant 0 : index
    %get3A_6 = arith.constant 0 : index
    %get3A_7 = vector.load %arg1[%get3A_5, %get3A_6] : memref<1264x128xf32, #tpu.memory_space<vmem>>, vector<1264x128xf32>
    %add3A = arith.addf %get3A_4, %get3A_7 : vector<1264x128xf32>
    %mul3A = arith.mulf %get3A_1, %add3A : vector<1264x128xf32>
    %get3A_8 = arith.constant 0 : index
    %get3A_9 = arith.constant 0 : index
    %get3A_10 = vector.load %arg4[%get3A_8, %get3A_9] : memref<1x128xf32, #tpu.memory_space<vmem>>, vector<1x128xf32>
    %add3A_11 = vector.broadcast %get3A_10 : vector<1x128xf32> to vector<1264x128xf32>
    %add3A_12 = arith.addf %mul3A, %add3A_11 : vector<1264x128xf32>
    %max3A = arith.constant 0.000000e+00 : f32
    %max3A_13 = vector.broadcast %max3A : f32 to vector<1264x128xf32>
    %max3A_14 = arith.maximumf %add3A_12, %max3A_13 : vector<1264x128xf32>
    %get3A_15 = arith.constant 0 : index
    %get3A_16 = arith.constant 0 : index
    %get3A_17 = vector.load %arg3[%get3A_15, %get3A_16] : memref<1264x128xf32, #tpu.memory_space<vmem>>, vector<1264x128xf32>
    %get3A_18 = arith.constant 0 : index
    %get3A_19 = arith.constant 0 : index
    %get3A_20 = vector.load %arg5[%get3A_18, %get3A_19] : memref<128x128xf32, #tpu.memory_space<vmem>>, vector<128x128xf32>
    %dot_general3A = arith.constant dense<0.000000e+00> : vector<1264x128xf32>
    %dot_general3A_21 = tpu.matmul %max3A_14, %get3A_20, %dot_general3A {dimension_numbers = #tpu.dot_dimension_numbers<[1], [0], [0], [1], [0, 0, 1, 1], [], []>, transpose_lhs_hint = false} : vector<1264x128xf32>, vector<128x128xf32>, vector<1264x128xf32> -> vector<1264x128xf32>
    %mul3A_22 = arith.mulf %get3A_17, %dot_general3A_21 : vector<1264x128xf32>
    %swap3A = arith.constant 0 : index
    %swap3A_23 = arith.constant 0 : index
    %swap3A_24 = vector.load %arg6[%swap3A, %swap3A_23] : memref<1264x128xf32, #tpu.memory_space<vmem>>, vector<1264x128xf32>
    tpu.vector_store %arg6[%swap3A, %swap3A_23], %mul3A_22 {strides = array<i32>} : memref<1264x128xf32, #tpu.memory_space<vmem>>, vector<1264x128xf32>,
    return
  }
}

module attributes {stable_mosaic.version = 14 : i64} {
  func.func @_k5_body(%arg0: memref<1264x128xf32, #tpu.memory_space<vmem>>, %arg1: memref<1264x128xf32, #tpu.memory_space<vmem>>, %arg2: memref<1264x128xf32, #tpu.memory_space<vmem>>, %arg3: memref<1x128xf32, #tpu.memory_space<vmem>>, %arg4: memref<128x128xf32, #tpu.memory_space<vmem>>, %arg5: memref<128x16xf32, #tpu.memory_space<vmem>>, %arg6: memref<128x16xf32, #tpu.memory_space<vmem>>, %arg7: memref<1x16xf32, #tpu.memory_space<vmem>>, %arg8: memref<1x16xf32, #tpu.memory_space<vmem>>, %arg9: memref<1264x128xf32, #tpu.memory_space<vmem>>, %arg10: memref<1x16xf32, #tpu.memory_space<vmem>>, %arg11: memref<1x16xf32, #tpu.memory_space<vmem>>) attributes {dimension_semantics = [], scalar_prefetch = 0 : i64, scratch_operands = 0 : i64, tpu.core_type = #tpu.core_type<tc>} {
    %get3A = arith.constant 0 : index
    %get3A_0 = arith.constant 0 : index
    %get3A_1 = vector.load %arg2[%get3A, %get3A_0] : memref<1264x128xf32, #tpu.memory_space<vmem>>, vector<1264x128xf32>
    %get3A_2 = arith.constant 0 : index
    %get3A_3 = arith.constant 0 : index
    %get3A_4 = vector.load %arg0[%get3A_2, %get3A_3] : memref<1264x128xf32, #tpu.memory_space<vmem>>, vector<1264x128xf32>
    %get3A_5 = arith.constant 0 : index
    %get3A_6 = arith.constant 0 : index
    %get3A_7 = vector.load %arg1[%get3A_5, %get3A_6] : memref<1264x128xf32, #tpu.memory_space<vmem>>, vector<1264x128xf32>
    %add3A = arith.addf %get3A_4, %get3A_7 : vector<1264x128xf32>
    %mul3A = arith.mulf %get3A_1, %add3A : vector<1264x128xf32>
    %get3A_8 = arith.constant 0 : index
    %get3A_9 = arith.constant 0 : index
    %get3A_10 = vector.load %arg3[%get3A_8, %get3A_9] : memref<1x128xf32, #tpu.memory_space<vmem>>, vector<1x128xf32>
    %add3A_11 = vector.broadcast %get3A_10 : vector<1x128xf32> to vector<1264x128xf32>
    %add3A_12 = arith.addf %mul3A, %add3A_11 : vector<1264x128xf32>
    %max3A = arith.constant 0.000000e+00 : f32
    %max3A_13 = vector.broadcast %max3A : f32 to vector<1264x128xf32>
    %max3A_14 = arith.maximumf %add3A_12, %max3A_13 : vector<1264x128xf32>
    %get3A_15 = arith.constant 0 : index
    %get3A_16 = arith.constant 0 : index
    %get3A_17 = vector.load %arg2[%get3A_15, %get3A_16] : memref<1264x128xf32, #tpu.memory_space<vmem>>, vector<1264x128xf32>
    %get3A_18 = arith.constant 0 : index
    %get3A_19 = arith.constant 0 : index
    %get3A_20 = vector.load %arg4[%get3A_18, %get3A_19] : memref<128x128xf32, #tpu.memory_space<vmem>>, vector<128x128xf32>
    %dot_general3A = arith.constant dense<0.000000e+00> : vector<1264x128xf32>
    %dot_general3A_21 = tpu.matmul %max3A_14, %get3A_20, %dot_general3A {dimension_numbers = #tpu.dot_dimension_numbers<[1], [0], [0], [1], [0, 0, 1, 1], [], []>, transpose_lhs_hint = false} : vector<1264x128xf32>, vector<128x128xf32>, vector<1264x128xf32> -> vector<1264x128xf32>
    %mul3A_22 = arith.mulf %get3A_17, %dot_general3A_21 : vector<1264x128xf32>
    %swap3A = arith.constant 0 : index
    %swap3A_23 = arith.constant 0 : index
    %swap3A_24 = vector.load %arg9[%swap3A, %swap3A_23] : memref<1264x128xf32, #tpu.memory_space<vmem>>, vector<1264x128xf32>
    tpu.vector_store %arg9[%swap3A, %swap3A_23], %mul3A_22 {strides = array<i32>} : memref<1264x128xf32, #tpu.memory_space<vmem>>, vector<1264x128xf32>,
    %iota3A = tpu.iota {dimensions = array<i32: 0>} : vector<1264x128xi32>
    %iota3A_25 = tpu.iota {dimensions = array<i32: 1>} : vector<1264x128xi32>
    %mul3A_26 = arith.constant 8 : i32
    %mul3A_27 = vector.broadcast %mul3A_26 : i32 to vector<1264x128xi32>
    %mul3A_28 = arith.muli %iota3A, %mul3A_27 : vector<1264x128xi32>
    %jit3A = arith.constant 16 : i32
    %div3A = vector.broadcast %jit3A : i32 to vector<1264x128xi32>
    %div3A_29 = arith.divsi %iota3A_25, %div3A : vector<1264x128xi32>
    %sign3A = arith.constant 0 : i32
    %sign3A_30 = vector.broadcast %sign3A : i32 to vector<1264x128xi32>
    %sign3A_31 = arith.cmpi sgt, %iota3A_25, %sign3A_30 : vector<1264x128xi32>
    %sign3A_32 = arith.extui %sign3A_31 : vector<1264x128xi1> to vector<1264x128xi32>
    %sign3A_33 = arith.constant 0 : i32
    %sign3A_34 = vector.broadcast %sign3A_33 : i32 to vector<1264x128xi32>
    %sign3A_35 = arith.cmpi slt, %iota3A_25, %sign3A_34 : vector<1264x128xi32>
    %sign3A_36 = arith.extui %sign3A_35 : vector<1264x128xi1> to vector<1264x128xi32>
    %sign3A_37 = arith.subi %sign3A_32, %sign3A_36 : vector<1264x128xi32>
    %sign3A_38 = arith.constant 0 : i32
    %sign3A_39 = arith.cmpi sgt, %jit3A, %sign3A_38 : i32
    %sign3A_40 = arith.extui %sign3A_39 : i1 to i32
    %sign3A_41 = arith.constant 0 : i32
    %sign3A_42 = arith.cmpi slt, %jit3A, %sign3A_41 : i32
    %sign3A_43 = arith.extui %sign3A_42 : i1 to i32
    %sign3A_44 = arith.subi %sign3A_40, %sign3A_43 : i32
    %ne3A = vector.broadcast %sign3A_44 : i32 to vector<1264x128xi32>
    %ne3A_45 = arith.cmpi ne, %sign3A_37, %ne3A : vector<1264x128xi32>
    %rem3A = vector.broadcast %jit3A : i32 to vector<1264x128xi32>
    %rem3A_46 = arith.remsi %iota3A_25, %rem3A : vector<1264x128xi32>
    %ne3A_47 = arith.constant 0 : i32
    %ne3A_48 = vector.broadcast %ne3A_47 : i32 to vector<1264x128xi32>
    %ne3A_49 = arith.cmpi ne, %rem3A_46, %ne3A_48 : vector<1264x128xi32>
    %and3A = arith.andi %ne3A_45, %ne3A_49 : vector<1264x128xi1>
    %sub3A = arith.constant 1 : i32
    %sub3A_50 = vector.broadcast %sub3A : i32 to vector<1264x128xi32>
    %sub3A_51 = arith.subi %div3A_29, %sub3A_50 : vector<1264x128xi32>
    %select_n3A = arith.select %and3A, %sub3A_51, %div3A_29 : vector<1264x128xi1>, vector<1264x128xi32>
    %add3A_52 = arith.addi %mul3A_28, %select_n3A : vector<1264x128xi32>
    %lt3A = arith.constant 10000 : i32
    %lt3A_53 = vector.broadcast %lt3A : i32 to vector<1264x128xi32>
    %lt3A_54 = arith.cmpi slt, %add3A_52, %lt3A_53 : vector<1264x128xi32>
    %jit3A_55 = arith.constant 0.000000e+00 : f32
    %broadcast_in_dim3A = vector.broadcast %jit3A_55 : f32 to vector<1264x128xf32>
    %select_n3A_56 = arith.select %lt3A_54, %max3A_14, %broadcast_in_dim3A : vector<1264x128xi1>, vector<1264x128xf32>
    %reduce_sum3A = arith.constant dense<0.000000e+00> : vector<128xf32>
    %reduce_sum3A_57 = vector.multi_reduction <add>, %select_n3A_56, %reduce_sum3A [0] : vector<1264x128xf32> to vector<128xf32>
    %broadcast_in_dim3A_58 = vector.shape_cast %reduce_sum3A_57 : vector<128xf32> to vector<1x128xf32>
    %get3A_59 = arith.constant 0 : index
    %get3A_60 = arith.constant 0 : index
    %get3A_61 = vector.load %arg5[%get3A_59, %get3A_60] : memref<128x16xf32, #tpu.memory_space<vmem>>, vector<128x16xf32>
    %dot_general3A_62 = arith.constant dense<0.000000e+00> : vector<1x16xf32>
    %dot_general3A_63 = tpu.matmul %broadcast_in_dim3A_58, %get3A_61, %dot_general3A_62 {dimension_numbers = #tpu.dot_dimension_numbers<[1], [0], [0], [1], [0, 0, 1, 1], [], []>, transpose_lhs_hint = false} : vector<1x128xf32>, vector<128x16xf32>, vector<1x16xf32> -> vector<1x16xf32>
    %mul3A_64 = arith.constant 9.99999974E-5 : f32
    %mul3A_65 = vector.broadcast %mul3A_64 : f32 to vector<1x16xf32>
    %mul3A_66 = arith.mulf %dot_general3A_63, %mul3A_65 : vector<1x16xf32>
    %get3A_67 = arith.constant 0 : index
    %get3A_68 = arith.constant 0 : index
    %get3A_69 = vector.load %arg7[%get3A_67, %get3A_68] : memref<1x16xf32, #tpu.memory_space<vmem>>, vector<1x16xf32>
    %add3A_70 = arith.addf %mul3A_66, %get3A_69 : vector<1x16xf32>
    %swap3A_71 = arith.constant 0 : index
    %swap3A_72 = arith.constant 0 : index
    %swap3A_73 = vector.load %arg10[%swap3A_71, %swap3A_72] : memref<1x16xf32, #tpu.memory_space<vmem>>, vector<1x16xf32>
    tpu.vector_store %arg10[%swap3A_71, %swap3A_72], %add3A_70 {strides = array<i32>} : memref<1x16xf32, #tpu.memory_space<vmem>>, vector<1x16xf32>,
    %get3A_74 = arith.constant 0 : index
    %get3A_75 = arith.constant 0 : index
    %get3A_76 = vector.load %arg6[%get3A_74, %get3A_75] : memref<128x16xf32, #tpu.memory_space<vmem>>, vector<128x16xf32>
    %dot_general3A_77 = arith.constant dense<0.000000e+00> : vector<1x16xf32>
    %dot_general3A_78 = tpu.matmul %broadcast_in_dim3A_58, %get3A_76, %dot_general3A_77 {dimension_numbers = #tpu.dot_dimension_numbers<[1], [0], [0], [1], [0, 0, 1, 1], [], []>, transpose_lhs_hint = false} : vector<1x128xf32>, vector<128x16xf32>, vector<1x16xf32> -> vector<1x16xf32>
    %mul3A_79 = arith.constant 9.99999974E-5 : f32
    %mul3A_80 = vector.broadcast %mul3A_79 : f32 to vector<1x16xf32>
    %mul3A_81 = arith.mulf %dot_general3A_78, %mul3A_80 : vector<1x16xf32>
    %get3A_82 = arith.constant 0 : index
    %get3A_83 = arith.constant 0 : index
    %get3A_84 = vector.load %arg8[%get3A_82, %get3A_83] : memref<1x16xf32, #tpu.memory_space<vmem>>, vector<1x16xf32>
    %add3A_85 = arith.addf %mul3A_81, %get3A_84 : vector<1x16xf32>
    %swap3A_86 = arith.constant 0 : index
    %swap3A_87 = arith.constant 0 : index
    %swap3A_88 = vector.load %arg11[%swap3A_86, %swap3A_87] : memref<1x16xf32, #tpu.memory_space<vmem>>, vector<1x16xf32>
    tpu.vector_store %arg11[%swap3A_86, %swap3A_87], %add3A_85 {strides = array<i32>} : memref<1x16xf32, #tpu.memory_space<vmem>>, vector<1x16xf32>,
    return
  }
}

module attributes {stable_mosaic.version = 14 : i64} {
  func.func @_k6_body(%arg0: memref<1264x128xf32, #tpu.memory_space<vmem>>, %arg1: memref<1264x128xf32, #tpu.memory_space<vmem>>, %arg2: memref<1264x128xf32, #tpu.memory_space<vmem>>, %arg3: memref<1x128xf32, #tpu.memory_space<vmem>>, %arg4: memref<128x8xf32, #tpu.memory_space<vmem>>, %arg5: memref<1264x8xf32, #tpu.memory_space<vmem>>) attributes {dimension_semantics = [], scalar_prefetch = 0 : i64, scratch_operands = 0 : i64, tpu.core_type = #tpu.core_type<tc>} {
    %get3A = arith.constant 0 : index
    %get3A_0 = arith.constant 0 : index
    %get3A_1 = vector.load %arg2[%get3A, %get3A_0] : memref<1264x128xf32, #tpu.memory_space<vmem>>, vector<1264x128xf32>
    %get3A_2 = arith.constant 0 : index
    %get3A_3 = arith.constant 0 : index
    %get3A_4 = vector.load %arg0[%get3A_2, %get3A_3] : memref<1264x128xf32, #tpu.memory_space<vmem>>, vector<1264x128xf32>
    %get3A_5 = arith.constant 0 : index
    %get3A_6 = arith.constant 0 : index
    %get3A_7 = vector.load %arg1[%get3A_5, %get3A_6] : memref<1264x128xf32, #tpu.memory_space<vmem>>, vector<1264x128xf32>
    %add3A = arith.addf %get3A_4, %get3A_7 : vector<1264x128xf32>
    %mul3A = arith.mulf %get3A_1, %add3A : vector<1264x128xf32>
    %get3A_8 = arith.constant 0 : index
    %get3A_9 = arith.constant 0 : index
    %get3A_10 = vector.load %arg3[%get3A_8, %get3A_9] : memref<1x128xf32, #tpu.memory_space<vmem>>, vector<1x128xf32>
    %add3A_11 = vector.broadcast %get3A_10 : vector<1x128xf32> to vector<1264x128xf32>
    %add3A_12 = arith.addf %mul3A, %add3A_11 : vector<1264x128xf32>
    %get3A_13 = arith.constant 0 : index
    %get3A_14 = arith.constant 0 : index
    %get3A_15 = vector.load %arg4[%get3A_13, %get3A_14] : memref<128x8xf32, #tpu.memory_space<vmem>>, vector<128x8xf32>
    %dot_general3A = arith.constant dense<0.000000e+00> : vector<1264x8xf32>
    %dot_general3A_16 = tpu.matmul %add3A_12, %get3A_15, %dot_general3A {dimension_numbers = #tpu.dot_dimension_numbers<[1], [0], [0], [1], [0, 0, 1, 1], [], []>, transpose_lhs_hint = false} : vector<1264x128xf32>, vector<128x8xf32>, vector<1264x8xf32> -> vector<1264x8xf32>
    %swap3A = arith.constant 0 : index
    %swap3A_17 = arith.constant 0 : index
    %swap3A_18 = vector.load %arg5[%swap3A, %swap3A_17] : memref<1264x8xf32, #tpu.memory_space<vmem>>, vector<1264x8xf32>
    tpu.vector_store %arg5[%swap3A, %swap3A_17], %dot_general3A_16 {strides = array<i32>} : memref<1264x8xf32, #tpu.memory_space<vmem>>, vector<1264x8xf32>,
    return
  }
}

</mosaic_0001>

<sc_bundles>
// kernel: kernel.16.cloned.1.call-start
scs
__scs_entry_jumppad:
0x0: {  	(pc) =	sbr.rel $0x88, $3  }
0x1: {  	(tag) =	ssettag $0x0;
	lr =	simm.s32 $0x1  }
0x2: {  	[smem:$0x3F91] =	sst lr;
	_ =	strace $0xD0000000  }
0x3: {  	_ = 	snop  }
0x4: {  	_ = 	snop  }
0x5: {  	_ = 	snop  }
0x6: {  	_ = 	snop  }
0x7: {  	_ = 	snop  }
__scs_overlays_trampoline_lowered:
0x8: {  	[smem:$0x3FA0] =	sst s0  }
0x9: {  	[smem:$0x3FA1] =	sst s1  }
0xa: {  	[smem:$0x3FA2] =	sst s2  }
0xb: {  	[smem:$0x3FA3] =	sst s3  }
0xc: {  	[smem:$0x3FA4] =	sst s4  }
0xd: {  	[smem:$0x3FA5] =	sst s5  }
0xe: {  	[smem:$0x3FA6] =	sst s6  }
0xf: {  	[smem:$0x3FA7] =	sst s7  }
0x10: {  	[smem:$0x3FA8] =	sst s8  }
0x11: {  	[smem:$0x3FA9] =	sst s9;
	s0 =	simm.s32 @!p0 $0x0  }
0x12: {  	s1 =	sld [smem:$0x3F8F];
	s0 =	simm.s32 @p0 $0x1  }
0x13: {  	[smem:$0x3FAA] =	sst s0;
	s0 =	simm.s32 @!p1 $0x0  }
0x14: {  	s2 =	sld [smem:$0x3F8E];
	s0 =	simm.s32 @p1 $0x1  }
0x15: {  	[smem:$0x3FAB] =	sst s0;
	s0 =	simm.s32 @!p2 $0x0  }
0x16: {  	s3 =	sld [smem:$0x3FDB];
	s0 =	simm.s32 @p2 $0x1  }
0x17: {  	s4 =	simm.s32 $0x1BF5;
	[smem:$0x3FAD] =	sst s0  }
0x18: {  	s0 =	sld [smem:$0x3F90];
	_ =	swait.ge [sflag:s4], $0x0  }
0x19: {  	s7 =	sld [smem:$0x3F91]  }
0x1a: {  	s8 =	sadd.s32 $0xFFFFE003, lr  }
0x1b: {  	s9 =	sadd.s32 $0xFFFFFEF7, lr;
	s5 =	simm.s32 $0xFFFFFFFF;
	p2 =	slt.u32 s8, $0xFFFFF086  }
0x1c: {  	p1 =	slt.u32 s9, $0xF7A;
	s5 =	simm.s32 @!p2 $0x0  }
0x1d: {  	s5 =	simm.s32 @p1 $0x1;
	p0 =	seq.s32 s7, s2  }
0x1e: {  	s7 =	smul.u32 @!p0 $0xF7A, s2;
	p2 =	seq.s32 @!p0 s5, $0x0  }
0x1f: {  	s9 =	smul.u32 $0xF7A, s1;
	s8 =	simm.s32 @!p0 $0x1BF5;
	p2 =	por !p2, p0  }
0x20: {  	[sflag:s8] =	ssyncset.s32 @!p0 $0xFFFFF086;
	s6 =	sadd.s32 @!p0 s3, s7;
	s7 =	simm.s32 @!p0 $0x108  }
0x21: {  	s3 =	sadd.s32 s3, s9;
	s6 =	sadd.s32 @!p0 $0x88, s6;
	s7 =	simm.s32 @p2 $0x1082  }
0x22: {  	[simem:s7], [sflag:s8] =	dma.local @!p0 [hbm:s6], $0xF7A  }
0x23: {  	s9 =	sor.u32 $0xD0000000, s2;
	s6 =	simm.s32 $0x108;
	_ =	swait.ge @!p0 [sflag:s8], $0x0  }
0x24: {  	s3 =	sadd.s32 $0x88, s3;
	s6 =	simm.s32 @!p1 $0x1082;
	[sflag:s4] =	ssyncset.s32 $0xFFFFF086  }
0x25: {  	[simem:s6], [sflag:s4] =	dma.local [hbm:s3], $0xF7A  }
0x26: {  	[smem:$0x3F91] =	sst s1;
	(tag) =	ssettag s2;
	_ =	strace s9  }
0x27: {  	s1 =	sld [smem:$0x3FA1]  }
0x28: {  	s2 =	sld [smem:$0x3FA2]  }
0x29: {  	s4 =	sld [smem:$0x3FA4]  }
0x2a: {  	p0 =	seq.s32 s5, $0x0;
	s5 =	sld [smem:$0x3FA5]  }
0x2b: {  	s6 =	sld [smem:$0x3FA6]  }
0x2c: {  	s7 =	sld [smem:$0x3FA7]  }
0x2d: {  	s3 =	simm.s32 $0x108;
	s8 =	sld [smem:$0x3FA8]  }
0x2e: {  	s3 =	simm.s32 @!p0 $0x1082;
	s9 =	sld [smem:$0x3FA9]  }
0x2f: {  	lr =	sadd.s32 s0, s3;
	s0 =	sld [smem:$0x3FA0]  }
0x30: {  	s3 =	sld [smem:$0x3FA3]  }
0x31: {  	[smem:$0x3FAC] =	sst s10  }
0x32: {  	s10 =	sld [smem:$0x3FAA];
	_ =	sdelay $0x3  }
0x33: {  	p0 =	seq.s32 s10, $0x1;
	s10 =	sld [smem:$0x3FAC];
	_ =	sdelay $0x3  }
0x34: {  	[smem:$0x3FAC] =	sst s10  }
0x35: {  	s10 =	sld [smem:$0x3FAB];
	_ =	sdelay $0x3  }
0x36: {  	p1 =	seq.s32 s10, $0x1;
	s10 =	sld [smem:$0x3FAC];
	_ =	sdelay $0x3  }
0x37: {  	[smem:$0x3FAC] =	sst s10  }
0x38: {  	s10 =	sld [smem:$0x3FAD]  }
0x39: {  	_ = 	snop;
	(pc) =	sbr.ind lr, $3  }
0x3a: {  	_ = 	snop  }
0x3b: {  	_ = 	snop  }
0x3c: {  	p2 =	seq.s32 s10, $0x1;
	s10 =	sld [smem:$0x3FAC]  }
0x3d: {  	_ =	shalt  }
0x3e: {  	_ =	shalt  }
0x3f: {  	_ =	shalt  }
0x40: {  	_ =	shalt  }
0x41: {  	_ =	shalt  }
0x42: {  	_ =	shalt  }
0x43: {  	_ =	shalt  }
0x44: {  	_ =	shalt  }
0x45: {  	_ =	shalt  }
0x46: {  	_ =	shalt  }
0x47: {  	_ =	shalt  }
0x48: {  	_ =	shalt  }
0x49: {  	_ =	shalt  }
0x4a: {  	_ =	shalt  }
0x4b: {  	_ =	shalt  }
0x4c: {  	_ =	shalt  }
0x4d: {  	_ =	shalt  }
0x4e: {  	_ =	shalt  }
0x4f: {  	_ =	shalt  }
0x50: {  	_ =	shalt  }
0x51: {  	_ =	shalt  }
0x52: {  	_ =	shalt  }
0x53: {  	_ =	shalt  }
0x54: {  	_ =	shalt  }
0x55: {  	_ =	shalt  }
0x56: {  	_ =	shalt  }
0x57: {  	_ =	shalt  }
0x58: {  	_ =	shalt  }
0x59: {  	_ =	shalt  }
0x5a: {  	_ =	shalt  }
0x5b: {  	_ =	shalt  }
0x5c: {  	_ =	shalt  }
0x5d: {  	_ =	shalt  }
0x5e: {  	_ =	shalt  }
0x5f: {  	_ =	shalt  }
0x60: {  	_ =	shalt  }
0x61: {  	_ =	shalt  }
0x62: {  	_ =	shalt  }
0x63: {  	_ =	shalt  }
0x64: {  	_ =	shalt  }
0x65: {  	_ =	shalt  }
0x66: {  	_ =	shalt  }
0x67: {  	_ =	shalt  }
0x68: {  	_ =	shalt  }
0x69: {  	_ =	shalt  }
0x6a: {  	_ =	shalt  }
0x6b: {  	_ =	shalt  }
0x6c: {  	_ =	shalt  }
0x6d: {  	_ =	shalt  }
0x6e: {  	_ =	shalt  }
0x6f: {  	_ =	shalt  }
0x70: {  	_ =	shalt  }
0x71: {  	_ =	shalt  }
0x72: {  	_ =	shalt  }
0x73: {  	_ =	shalt  }
0x74: {  	_ =	shalt  }
0x75: {  	_ =	shalt  }
0x76: {  	_ =	shalt  }
0x77: {  	_ =	shalt  }
0x78: {  	_ =	shalt  }
0x79: {  	_ =	shalt  }
0x7a: {  	_ =	shalt  }
0x7b: {  	_ =	shalt  }
0x7c: {  	_ =	shalt  }
0x7d: {  	_ =	shalt  }
0x7e: {  	_ =	shalt  }
0x7f: {  	_ =	shalt  }
0x80: {  	_ =	shalt  }
0x81: {  	_ =	shalt  }
0x82: {  	_ =	shalt  }
0x83: {  	_ =	shalt  }
0x84: {  	_ =	shalt  }
0x85: {  	_ =	shalt  }
0x86: {  	_ =	shalt  }
0x87: {  	_ =	shalt  }
.Lfunc_end0:
.L_simem_size_0:
called_computation_lowered:
.L_overlay_start_0:
0x88: {  	s2 =	sld [smem:$0x3FD9]  }
0x89: {  	s3 =	sld [smem:$0x3FFE];
	_ =	sdelay $0x1  }
0x8a: {  	s1 =	srdreg.scid  }
0x8b: {  	s0 =	sand.u32 $0x1, s1  }
0x8c: {  	s14 =	sshll.u32 s0, $0xA;
	s2 =	sadd.s32 s3, s2  }
0x8d: {  	s2 =	sadd.s32 s2, s14  }
0x8e: {  	[smem:$0x3FB8] =	sst s2  }
0x8f: {  	_ = 	snop  }
0x90: {  	s2 =	sld [smem:$0x3FD0];
	_ =	sdelay $0x2  }
0x91: {  	s15 =	simm.s32 $0xA;
	s4 =	simm.s32 $0x10  }
0x92: {  	[smem:s4], [sflag:s15] =	dma.local [hbm:s2], $0x1  }
0x93: {  	_ =	swait.eq [sflag:s15], $0x1  }
0x94: {  	[sflag:s15] =	ssyncset.done $0x0  }
0x95: {  	[sflag:s15] =	ssyncadd.s32 $0xFFFFFFFF  }
0x96: {  	s16 =	sld [smem:$0x10];
	(tm) =	ssettm $0x1  }
0x97: {  	s17 =	sld [smem:$0x3FFB];
	_ =	sdelay $0x3  }
0x98: {  	_ =	strace s17  }
0x99: {  	s3 =	sld [smem:$0x3FFC];
	_ =	sdelay $0x3  }
0x9a: {  	_ =	strace s3  }
0x9b: {  	s3 =	sld [smem:$0x3FFD];
	_ =	sdelay $0x3  }
0x9c: {  	_ =	strace s3  }
0x9d: {  	_ =	strace $0x8FFFFFFF  }
0x9e: {  	s18 =	sld [smem:$0x3FDB];
	_ =	sdelay $0x1  }
0x9f: {  	s19 =	simm.s32 $_scs_section_size  }
0xa0: {  	s5 =	simm.s32 $_size__tile_overlayer_lowered;
	s6 =	simm.s32 $_tile_overlayer_lowered  }
0xa1: {  	s22 =	simm.s32 $0x1BFF;
	s21 =	sshll.u32 s6, $0x1;
	s3 =	sadd.s32 s19, s18  }
0xa2: {  	s7 =	simm.s32 $0x0;
	s20 =	sshll.u32 s5, $0x1;
	s5 =	sadd.s32 s21, s3  }
0xa3: {  	[timem:s7], [sflag:s22] =	dma.local [hbm:s5], s20  }
0xa4: {  	_ =	swait.ge [sflag:s22], s20  }
0xa5: {  	s4 =	ssub.s32 $0x0, s20;
	[sflag:s22] =	ssyncset.done $0x0  }
0xa6: {  	[sflag:s22] =	ssyncadd.s32 s4;
	_ =	sdelay $0x1  }
0xa7: {  	s23 =	simm.s32 $0x1B8B  }
0xa8: {  	_ =	swait.ge [sflag:s23], $0x1  }
0xa9: {  	[sflag:s23] =	ssyncset.done $0x0  }
0xaa: {  	s25 =	simm.s32 $0x1B8E;
	s24 =	sld [smem:$0x3FFE];
	[sflag:s23] =	ssyncadd.s32 $0xFFFFFFFF  }
0xab: {  	s26 =	simm.s32 $execute0_lowered;
	[smem:$0x3FD2] =	sst s25  }
0xac: {  	s5 =	sshll.u32 s26, $0x1;
	_ =	strace $0x80000046;
	[dreg:$0x1] =	wrdreg $0xFFFFFFFF  }
0xad: {  	s28 =	simm.s32 $_size_execute0_lowered;
	s3 =	sadd.s32 s3, s5;
	[dreg:$0x0] =	wrdreg $0x0  }
0xae: {  	s5 =	sshll.u32 s28, $0x1;
	[dreg:$0x2] =	wrdreg s3  }
0xaf: {  	[dreg:$0x3] =	wrdreg s5  }
0xb0: {  	[dreg:$0x4] =	wrdreg $0xC0  }
0xb1: {  	_ =	task [dreg:s7], $0x5FFFF  }
0xb2: {  	[dreg:$0x1] =	wrdreg $0xFFFFFFFF  }
0xb3: {  	[dreg:$0x0] =	wrdreg $0x60  }
0xb4: {  	[dreg:$0x2] =	wrdreg s24  }
0xb5: {  	[dreg:$0x3] =	wrdreg s16  }
0xb6: {  	[dreg:$0x4] =	wrdreg $0x70000  }
0xb7: {  	[dreg:$0x5] =	wrdreg $0x97800  }
0xb8: {  	[dreg:$0x6] =	wrdreg $0x9  }
0xb9: {  	_ =	task.clear_ibuf [dreg:s7], $0x7FFFF;
	_ =	strace $0x90000046  }
0xba: {  	s29 =	simm.s32 $0x9;
	_ =	strace $0x80000048  }
0xbb: {  	_ =	swait.ge [sflag:s29], $0x1  }
0xbc: {  	[sflag:s29] =	ssyncadd.s32 $0xFFFFFFFF  }
0xbd: {  	_ =	strace $0x90000048  }
0xbe: {  	_ =	sfence  }
0xbf: {  	s30 =	sld [smem:$0x0];
	_ =	sdelay $0x2  }
0xc0: {  	s31 =	sshll.u32 s1, $0xD;
	s1 =	sshrl.u32 s1, $0x2  }
0xc1: {  	s3 =	sand.u32 $0x4000, s31;
	s1 =	sadd.s32 s1, s30  }
0xc2: {  	s0 =	sor.u32 s3, s0;
	s1 =	sshll.u32 s1, $0x11  }
0xc3: {  	s0 =	sor.u32 s1, s0  }
0xc4: {  	s0 =	sadd.s32 $0x8F2B, s0  }
0xc5: {  	[sflag:s0] =	ssyncadd.remote.s32 $0x1  }
0xc6: {  	_ =	sfence.sel $0xFFFF  }
0xc7: {  	[dreg:$0x0] =	wrdreg $0xFFFFFFFF;
	(pc) =	sbr.abs _section_cstart, $3  }
0xc8: {  	[dreg:$0x1] =	wrdreg $0xFFFFFFFF  }
0xc9: {  	_ =	task.clear_ibuf [dreg:s7], $0x2FFFF;
	_ =	strace $0x9FFFFFFF  }
0xca: {  	(tm) =	ssettm $0x7FFFFFFF  }
0xcb: {  	_ =	shalt  }
tec
execute0_lowered:
.L_overlay_start_1:
0x0: {  	(tag) =	ssettag $0x1  }
0x1: {  	s6 =	rddreg [dreg:$0x0]  }
0x2: {  	s1 =	rddreg [dreg:$0x1]  }
0x3: {  	s2 =	rddreg [dreg:$0x2];
	s0 =	srdreg.scid  }
0x4: {  	s4 =	rddreg [dreg:$0x3];
	s3 =	stileid.u32;
	s5 =	simm.s32 $0x0  }
0x5: {  	s20 =	simm.s32 $0x200;
	s21 =	simm.s32 $0x2A00;
	s22 =	simm.s32 $0x400  }
0x6: {  	s23 =	simm.s32 $0x2C00;
	s24 =	simm.s32 $0x600;
	s25 =	simm.s32 $0x2E00  }
0x7: {  	s26 =	simm.s32 $0x3;
	s9 =	sand.u32 $0x1, s0;
	s0 =	rddreg [dreg:$0x4]  }
0x8: {  	s28 =	simm.s32 $0x0;
	s10 =	smul.u32 $0x2780, s3;
	[smem:$0x7FF] =	sst s5  }
0x9: {  	s12 =	sadd.s32 $0x20E00, s6;
	s14 =	sadd.s32 $0x25E00, s6;
	s16 =	sadd.s32 $0x2AE00, s6  }
0xa: {  	s17 =	sadd.s32 $0x2FE00, s6;
	s7 =	sshll.u32 s9, $0x4;
	_ =	strace $0x80000047  }
0xb: {  	s8 =	ssub.s32 $0x2, s9;
	p0 =	seq.s32 s9, $0x1;
	s7 =	sor.u32 s3, s7  }
0xc: {  	s13 =	sshrl.u32 s10, $0x3;
	s15 =	sshrl.u32 s8, $0x1;
	s18 =	sadd.s32 s10, s2  }
0xd: {  	s19 =	sadd.s32 s10, s4;
	s12 =	smov.u32 @p0 s14;
	s16 =	smov.u32 @p0 s17  }
0xe: {  	s14 =	simm.s32 $0x5000;
	s17 =	simm.s32 $0x2800;
	s7 =	smul.u32 $0x500, s7  }
0xf: {  	s31 =	sadd.s32 s13, s6;
	s15 =	ssub.s32 s8, s15;
	s12 =	sadd.s32 s12, s13  }
0x10: {  	s13 =	sadd.s32 s16, s13;
	s16 =	sshrl.u32 s19, $0x3;
	s19 =	simm.s32 $0x2  }
0x11: {  	s11 =	sadd.s32 s7, s6;
	s6 =	sadd.s32 $0x1BE00, s31;
	s7 =	sshll.u32 s3, $0x6  }
0x12: {  	s8 =	sor.u32 $0x1C01, s7;
	s9 =	sadd.s32 $0x7E00, s11;
	s10 =	sadd.s32 $0x11E00, s11  }
0x13: {  	s11 =	smax.u32 s15, $0x1;
	s15 =	sshrl.u32 s18, $0x3;
	s18 =	simm.s32 $0x1  }
.LBB2_1:
0x14: {  	[tilespmem:s14], [sflag:$0x1] =	stream.linear.gather [hbm4b:s1+s5], $0x2000, $0x38;
	[tilespmem:$0xBF00] =	vst v63  }
0x15: {  	[spmem:s15], [sflag:s8] =	dma.local [hbm:s6], $0x4F0  }
0x16: {  	[spmem:s16], [sflag:s8] =	dma.local [hbm:s6], $0x4F0  }
0x17: {  	[tilespmem:s5], [sflag:$0x2] =	stream.linear.gather [hbm4b:s9+s5], $0x2800, $0x38;
	[tilespmem:$0xBF00] =	vst v63  }
0x18: {  	_ = 	snop  }
0x19: {  	[tilespmem:s17], [sflag:$0x2] =	stream.linear.gather [hbm4b:s10+s5], $0x2800, $0x38;
	[tilespmem:$0xBF00] =	vst v63  }
0x1a: {  	_ =	swait.ge [sflag:s18], $0x2000  }
0x1b: {  	[sflag:s18] =	ssyncset.done $0x0  }
0x1c: {  	[sflag:s18] =	ssyncadd.s32 $0xFFFFE000  }
0x1d: {  	_ =	swait.ge [sflag:s18], $0x4F0  }
0x1e: {  	[sflag:s18] =	ssyncset.done $0x0  }
0x1f: {  	[sflag:s18] =	ssyncadd.s32 $0xFFFFFB10  }
0x20: {  	_ =	swait.ge [sflag:s18], $0x4F0  }
0x21: {  	[sflag:s18] =	ssyncset.done $0x0  }
0x22: {  	[sflag:s18] =	ssyncadd.s32 $0xFFFFFB10  }
0x23: {  	_ =	swait.ge [sflag:s19], $0x2800  }
0x24: {  	[sflag:s19] =	ssyncset.done $0x0  }
0x25: {  	[sflag:s19] =	ssyncadd.s32 $0xFFFFD800  }
0x26: {  	_ =	swait.ge [sflag:s19], $0x2800  }
0x27: {  	[sflag:s19] =	ssyncset.done $0x0  }
0x28: {  	[sflag:s19] =	ssyncadd.s32 $0xFFFFD800  }
0x29: {  	[bflag:$0x0] =	sbarrier.arrive $0xFFFF  }
0x2a: {  	[spmem:s2] =	stream.indirect.scatter.add.f32 [tilespmem:s14], [sflag:$0x1], $0x10, s5, s20, $0xb8;
	[tilespmem:$0xBF00] =	vst v63  }
0x2b: {  	_ = 	snop  }
0x2c: {  	[spmem:s4] =	stream.indirect.scatter.add.f32 [tilespmem:s14], [sflag:$0x2], $0x10, s17, s20, $0xb8;
	[tilespmem:$0xBF00] =	vst v63  }
0x2d: {  	_ = 	snop  }
0x2e: {  	[spmem:s2] =	stream.indirect.scatter.add.f32 [tilespmem:s14], [sflag:$0x1], $0x10, s20, s20, $0xb8;
	[tilespmem:$0xBF00] =	vst v63  }
0x2f: {  	_ = 	snop  }
0x30: {  	[spmem:s4] =	stream.indirect.scatter.add.f32 [tilespmem:s14], [sflag:$0x2], $0x10, s21, s20, $0xb8;
	[tilespmem:$0xBF00] =	vst v63  }
0x31: {  	_ = 	snop  }
0x32: {  	[spmem:s2] =	stream.indirect.scatter.add.f32 [tilespmem:s14], [sflag:$0x1], $0x10, s22, s20, $0xb8;
	[tilespmem:$0xBF00] =	vst v63  }
0x33: {  	_ = 	snop  }
0x34: {  	[spmem:s4] =	stream.indirect.scatter.add.f32 [tilespmem:s14], [sflag:$0x2], $0x10, s23, s20, $0xb8;
	[tilespmem:$0xBF00] =	vst v63  }
0x35: {  	_ = 	snop  }
0x36: {  	[spmem:s2] =	stream.indirect.scatter.add.f32 [tilespmem:s14], [sflag:$0x1], $0x10, s24, s20, $0xb8;
	[tilespmem:$0xBF00] =	vst v63  }
0x37: {  	_ = 	snop  }
0x38: {  	[spmem:s4] =	stream.indirect.scatter.add.f32 [tilespmem:s14], [sflag:$0x2], $0x10, s25, s20, $0xb8;
	[tilespmem:$0xBF00] =	vst v63  }
0x39: {  	_ =	swait.ge [sflag:s18], $0x2000  }
0x3a: {  	[sflag:s18] =	ssyncset.done $0x0  }
0x3b: {  	[sflag:s18] =	ssyncadd.s32 $0xFFFFE000  }
0x3c: {  	_ =	swait.ge [sflag:s19], $0x2000  }
0x3d: {  	[sflag:s19] =	ssyncset.done $0x0  }
0x3e: {  	s29 =	simm.s32 $0x800;
	[sflag:s19] =	ssyncadd.s32 $0xFFFFE000  }
0x3f: {  	[spmem:s2] =	stream.indirect.scatter.add.f32 [tilespmem:s14], [sflag:$0x1], $0x10, s29, s20, $0xb8;
	[tilespmem:$0xBF00] =	vst v63  }
0x40: {  	s30 =	simm.s32 $0x3000;
	s29 =	simm.s32 $0x800  }
.LBB2_2:
0x41: {  	[spmem:s4] =	stream.indirect.scatter.add.f32 [tilespmem:s14], [sflag:$0x2], $0x10, s30, s20, $0xb8;
	[tilespmem:$0xBF00] =	vst v63  }
0x42: {  	s30 =	smov.u32 s29  }
0x43: {  	p0 =	sne.s32 s29, $0x7800;
	s29 =	sadd.s32 $0x800, s29;
	_ =	swait.ge [sflag:s18], $0x2000  }
0x44: {  	[sflag:s18] =	ssyncset.done $0x0  }
0x45: {  	[sflag:s18] =	ssyncadd.s32 $0xFFFFE000  }
.Ltmp0:
0x46: {  	_ =	swait.ge [sflag:s19], $0x2000;
	(pc) =	sbr.rel @p0 .LBB2_2-.Ltmp0, $4  }
0x47: {  	s30 =	sshra.s32 s30, $0x2;
	[sflag:s19] =	ssyncset.done $0x0  }
0x48: {  	s31 =	sadd.s32 $0x800, s30;
	[sflag:s19] =	ssyncadd.s32 $0xFFFFE000  }
0x49: {  	[spmem:s2] =	stream.indirect.scatter.add.f32 [tilespmem:s14], [sflag:$0x1], $0x10, s31, s20, $0xb8;
	[tilespmem:$0xBF00] =	vst v63  }
0x4a: {  	s30 =	sadd.s32 $0x3000, s30  }
0x4b: {  	[spmem:s4] =	stream.indirect.scatter.add.f32 [tilespmem:s14], [sflag:$0x2], $0x10, s30, s20, $0xb8;
	[tilespmem:$0xBF00] =	vst v63  }
0x4c: {  	_ =	swait.ge [sflag:s18], $0x2000  }
0x4d: {  	[sflag:s18] =	ssyncset.done $0x0  }
0x4e: {  	[sflag:s18] =	ssyncadd.s32 $0xFFFFE000  }
0x4f: {  	_ =	swait.ge [sflag:s19], $0x2000  }
0x50: {  	[sflag:s19] =	ssyncset.done $0x0  }
0x51: {  	[sflag:s19] =	ssyncadd.s32 $0xFFFFE000  }
0x52: {  	_ =	swait.ge [sflag:s18], $0x2000  }
0x53: {  	[sflag:s18] =	ssyncset.done $0x0  }
0x54: {  	[sflag:s18] =	ssyncadd.s32 $0xFFFFE000  }
0x55: {  	_ =	swait.ge [sflag:s19], $0x2000  }
0x56: {  	[sflag:s19] =	ssyncset.done $0x0  }
0x57: {  	[sflag:s19] =	ssyncadd.s32 $0xFFFFE000  }
0x58: {  	_ =	swait.ge [sflag:s18], $0x2000  }
0x59: {  	[sflag:s18] =	ssyncset.done $0x0  }
0x5a: {  	[sflag:s18] =	ssyncadd.s32 $0xFFFFE000  }
0x5b: {  	_ =	swait.ge [sflag:s19], $0x2000  }
0x5c: {  	[sflag:s19] =	ssyncset.done $0x0  }
0x5d: {  	[sflag:s19] =	ssyncadd.s32 $0xFFFFE000  }
0x5e: {  	_ =	swait.ge [sflag:s18], $0x2000  }
0x5f: {  	[sflag:s18] =	ssyncset.done $0x0  }
0x60: {  	[sflag:s18] =	ssyncadd.s32 $0xFFFFE000  }
0x61: {  	_ =	swait.ge [sflag:s19], $0x2000  }
0x62: {  	[sflag:s19] =	ssyncset.done $0x0  }
0x63: {  	[sflag:s19] =	ssyncadd.s32 $0xFFFFE000  }
0x64: {  	s29 =	sor.u32 $0x1C03, s7;
	[bflag:$0x0] =	sbarrier.arrive $0xFFFF  }
0x65: {  	[hbm:s12], [sflag:s29] =	dma.local [spmem:s15], $0x4F0  }
0x66: {  	s28 =	sadd.s32 $0x1, s28;
	_ =	swait.ge [sflag:s26], $0x4F0  }
0x67: {  	p0 =	sne.s32 s28, s11;
	[sflag:s26] =	ssyncset.done $0x0  }
.Ltmp1:
0x68: {  	[sflag:s26] =	ssyncadd.s32 $0xFFFFFB10;
	(pc) =	sbr.rel @p0 .LBB2_1-.Ltmp1, $4  }
0x69: {  	[hbm:s13], [sflag:s29] =	dma.local [spmem:s16], $0x4F0  }
0x6a: {  	_ =	swait.ge [sflag:s26], $0x4F0  }
0x6b: {  	[sflag:s26] =	ssyncset.done $0x0  }
0x6c: {  	[sflag:s26] =	ssyncadd.s32 $0xFFFFFB10  }
0x6d: {  	_ =	sfence.sel $0x180000  }
0x6e: {  	[bflag:$0x0] =	sbarrier.arrive $0xFFFF  }
0x6f: {  	p0 =	sne.s32 s3, $0x0;
	_ =	strace $0x90000047  }
0x70: {  	s0 =	sadd.s32 @!p0 $0x100000, s0;
	[bflag:$0x2] =	sbarrier.arrive $0xFFFF  }
0x71: {  	[sflag:s0] =	ssyncadd.tile.s32 @!p0 $0x1;
	_ =	shalt  }
.Lfunc_end2:
_tile_overlayer_lowered:
.L_overlay_start_2:
0x72: {  	(tag) =	ssettag $0x2  }
0x73: {  	s0 =	rddreg [dreg:$0x0];
	s2 =	stileid.u32  }
0x74: {  	s1 =	rddreg [dreg:$0x1];
	p0 =	sne.s32 s2, $0x0  }
0x75: {  	s3 =	rddreg [dreg:$0x2];
	[bflag:$0x3] =	sbarrier.arrive $0xFFFF;
	s2 =	simm.s32 @!p0 $0x1C03  }
0x76: {  	[timem:s3], [sflag:s2] =	dma.local @!p0 [hbm:s0], s1  }
0x77: {  	s0 =	simm.s32 @!p0 $0x3  }
0x78: {  	_ =	swait.ge @!p0 [sflag:s0], s1  }
0x79: {  	s1 =	ssub.s32 @!p0 $0x0, s1;
	[sflag:s0] =	ssyncset.done @!p0 $0x0  }
0x7a: {  	[sflag:s0] =	ssyncadd.s32 @!p0 s1  }
0x7b: {  	[bflag:$0x3] =	sbarrier.arrive $0xFFFF  }
0x7c: {  	_ =	shalt  }

// kernel: kernel.19.cloned.1.call-start
scs
__scs_entry_jumppad:
0x0: {  	(pc) =	sbr.rel $0x88, $3  }
0x1: {  	(tag) =	ssettag $0x0;
	lr =	simm.s32 $0x1  }
0x2: {  	[smem:$0x3F91] =	sst lr;
	_ =	strace $0xD0000000  }
0x3: {  	_ = 	snop  }
0x4: {  	_ = 	snop  }
0x5: {  	_ = 	snop  }
0x6: {  	_ = 	snop  }
0x7: {  	_ = 	snop  }
__scs_overlays_trampoline_lowered:
0x8: {  	[smem:$0x3FA0] =	sst s0  }
0x9: {  	[smem:$0x3FA1] =	sst s1  }
0xa: {  	[smem:$0x3FA2] =	sst s2  }
0xb: {  	[smem:$0x3FA3] =	sst s3  }
0xc: {  	[smem:$0x3FA4] =	sst s4  }
0xd: {  	[smem:$0x3FA5] =	sst s5  }
0xe: {  	[smem:$0x3FA6] =	sst s6  }
0xf: {  	[smem:$0x3FA7] =	sst s7  }
0x10: {  	[smem:$0x3FA8] =	sst s8  }
0x11: {  	[smem:$0x3FA9] =	sst s9;
	s0 =	simm.s32 @!p0 $0x0  }
0x12: {  	s1 =	sld [smem:$0x3F8F];
	s0 =	simm.s32 @p0 $0x1  }
0x13: {  	[smem:$0x3FAA] =	sst s0;
	s0 =	simm.s32 @!p1 $0x0  }
0x14: {  	s2 =	sld [smem:$0x3F8E];
	s0 =	simm.s32 @p1 $0x1  }
0x15: {  	[smem:$0x3FAB] =	sst s0;
	s0 =	simm.s32 @!p2 $0x0  }
0x16: {  	s3 =	sld [smem:$0x3FDB];
	s0 =	simm.s32 @p2 $0x1  }
0x17: {  	s4 =	simm.s32 $0x1BF5;
	[smem:$0x3FAD] =	sst s0  }
0x18: {  	s0 =	sld [smem:$0x3F90];
	_ =	swait.ge [sflag:s4], $0x0  }
0x19: {  	s7 =	sld [smem:$0x3F91]  }
0x1a: {  	s8 =	sadd.s32 $0xFFFFE003, lr  }
0x1b: {  	s9 =	sadd.s32 $0xFFFFFEF7, lr;
	s5 =	simm.s32 $0xFFFFFFFF;
	p2 =	slt.u32 s8, $0xFFFFF086  }
0x1c: {  	p1 =	slt.u32 s9, $0xF7A;
	s5 =	simm.s32 @!p2 $0x0  }
0x1d: {  	s5 =	simm.s32 @p1 $0x1;
	p0 =	seq.s32 s7, s2  }
0x1e: {  	s7 =	smul.u32 @!p0 $0xF7A, s2;
	p2 =	seq.s32 @!p0 s5, $0x0  }
0x1f: {  	s9 =	smul.u32 $0xF7A, s1;
	s8 =	simm.s32 @!p0 $0x1BF5;
	p2 =	por !p2, p0  }
0x20: {  	[sflag:s8] =	ssyncset.s32 @!p0 $0xFFFFF086;
	s6 =	sadd.s32 @!p0 s3, s7;
	s7 =	simm.s32 @!p0 $0x108  }
0x21: {  	s3 =	sadd.s32 s3, s9;
	s6 =	sadd.s32 @!p0 $0x88, s6;
	s7 =	simm.s32 @p2 $0x1082  }
0x22: {  	[simem:s7], [sflag:s8] =	dma.local @!p0 [hbm:s6], $0xF7A  }
0x23: {  	s9 =	sor.u32 $0xD0000000, s2;
	s6 =	simm.s32 $0x108;
	_ =	swait.ge @!p0 [sflag:s8], $0x0  }
0x24: {  	s3 =	sadd.s32 $0x88, s3;
	s6 =	simm.s32 @!p1 $0x1082;
	[sflag:s4] =	ssyncset.s32 $0xFFFFF086  }
0x25: {  	[simem:s6], [sflag:s4] =	dma.local [hbm:s3], $0xF7A  }
0x26: {  	[smem:$0x3F91] =	sst s1;
	(tag) =	ssettag s2;
	_ =	strace s9  }
0x27: {  	s1 =	sld [smem:$0x3FA1]  }
0x28: {  	s2 =	sld [smem:$0x3FA2]  }
0x29: {  	s4 =	sld [smem:$0x3FA4]  }
0x2a: {  	p0 =	seq.s32 s5, $0x0;
	s5 =	sld [smem:$0x3FA5]  }
0x2b: {  	s6 =	sld [smem:$0x3FA6]  }
0x2c: {  	s7 =	sld [smem:$0x3FA7]  }
0x2d: {  	s3 =	simm.s32 $0x108;
	s8 =	sld [smem:$0x3FA8]  }
0x2e: {  	s3 =	simm.s32 @!p0 $0x1082;
	s9 =	sld [smem:$0x3FA9]  }
0x2f: {  	lr =	sadd.s32 s0, s3;
	s0 =	sld [smem:$0x3FA0]  }
0x30: {  	s3 =	sld [smem:$0x3FA3]  }
0x31: {  	[smem:$0x3FAC] =	sst s10  }
0x32: {  	s10 =	sld [smem:$0x3FAA];
	_ =	sdelay $0x3  }
0x33: {  	p0 =	seq.s32 s10, $0x1;
	s10 =	sld [smem:$0x3FAC];
	_ =	sdelay $0x3  }
0x34: {  	[smem:$0x3FAC] =	sst s10  }
0x35: {  	s10 =	sld [smem:$0x3FAB];
	_ =	sdelay $0x3  }
0x36: {  	p1 =	seq.s32 s10, $0x1;
	s10 =	sld [smem:$0x3FAC];
	_ =	sdelay $0x3  }
0x37: {  	[smem:$0x3FAC] =	sst s10  }
0x38: {  	s10 =	sld [smem:$0x3FAD]  }
0x39: {  	_ = 	snop;
	(pc) =	sbr.ind lr, $3  }
0x3a: {  	_ = 	snop  }
0x3b: {  	_ = 	snop  }
0x3c: {  	p2 =	seq.s32 s10, $0x1;
	s10 =	sld [smem:$0x3FAC]  }
0x3d: {  	_ =	shalt  }
0x3e: {  	_ =	shalt  }
0x3f: {  	_ =	shalt  }
0x40: {  	_ =	shalt  }
0x41: {  	_ =	shalt  }
0x42: {  	_ =	shalt  }
0x43: {  	_ =	shalt  }
0x44: {  	_ =	shalt  }
0x45: {  	_ =	shalt  }
0x46: {  	_ =	shalt  }
0x47: {  	_ =	shalt  }
0x48: {  	_ =	shalt  }
0x49: {  	_ =	shalt  }
0x4a: {  	_ =	shalt  }
0x4b: {  	_ =	shalt  }
0x4c: {  	_ =	shalt  }
0x4d: {  	_ =	shalt  }
0x4e: {  	_ =	shalt  }
0x4f: {  	_ =	shalt  }
0x50: {  	_ =	shalt  }
0x51: {  	_ =	shalt  }
0x52: {  	_ =	shalt  }
0x53: {  	_ =	shalt  }
0x54: {  	_ =	shalt  }
0x55: {  	_ =	shalt  }
0x56: {  	_ =	shalt  }
0x57: {  	_ =	shalt  }
0x58: {  	_ =	shalt  }
0x59: {  	_ =	shalt  }
0x5a: {  	_ =	shalt  }
0x5b: {  	_ =	shalt  }
0x5c: {  	_ =	shalt  }
0x5d: {  	_ =	shalt  }
0x5e: {  	_ =	shalt  }
0x5f: {  	_ =	shalt  }
0x60: {  	_ =	shalt  }
0x61: {  	_ =	shalt  }
0x62: {  	_ =	shalt  }
0x63: {  	_ =	shalt  }
0x64: {  	_ =	shalt  }
0x65: {  	_ =	shalt  }
0x66: {  	_ =	shalt  }
0x67: {  	_ =	shalt  }
0x68: {  	_ =	shalt  }
0x69: {  	_ =	shalt  }
0x6a: {  	_ =	shalt  }
0x6b: {  	_ =	shalt  }
0x6c: {  	_ =	shalt  }
0x6d: {  	_ =	shalt  }
0x6e: {  	_ =	shalt  }
0x6f: {  	_ =	shalt  }
0x70: {  	_ =	shalt  }
0x71: {  	_ =	shalt  }
0x72: {  	_ =	shalt  }
0x73: {  	_ =	shalt  }
0x74: {  	_ =	shalt  }
0x75: {  	_ =	shalt  }
0x76: {  	_ =	shalt  }
0x77: {  	_ =	shalt  }
0x78: {  	_ =	shalt  }
0x79: {  	_ =	shalt  }
0x7a: {  	_ =	shalt  }
0x7b: {  	_ =	shalt  }
0x7c: {  	_ =	shalt  }
0x7d: {  	_ =	shalt  }
0x7e: {  	_ =	shalt  }
0x7f: {  	_ =	shalt  }
0x80: {  	_ =	shalt  }
0x81: {  	_ =	shalt  }
0x82: {  	_ =	shalt  }
0x83: {  	_ =	shalt  }
0x84: {  	_ =	shalt  }
0x85: {  	_ =	shalt  }
0x86: {  	_ =	shalt  }
0x87: {  	_ =	shalt  }
.Lfunc_end0:
.L_simem_size_0:
called_computation.1_lowered:
.L_overlay_start_0:
0x88: {  	s2 =	sld [smem:$0x3FD9]  }
0x89: {  	s3 =	sld [smem:$0x3FFE];
	_ =	sdelay $0x1  }
0x8a: {  	s1 =	srdreg.scid  }
0x8b: {  	s0 =	sand.u32 $0x1, s1  }
0x8c: {  	s16 =	sshll.u32 s0, $0xA;
	s2 =	sadd.s32 s3, s2  }
0x8d: {  	s2 =	sadd.s32 s2, s16  }
0x8e: {  	[smem:$0x3FB8] =	sst s2  }
0x8f: {  	_ = 	snop  }
0x90: {  	(tm) =	ssettm $0x1  }
0x91: {  	s17 =	sld [smem:$0x3FFB];
	_ =	sdelay $0x3  }
0x92: {  	_ =	strace s17  }
0x93: {  	s2 =	sld [smem:$0x3FFC];
	_ =	sdelay $0x3  }
0x94: {  	_ =	strace s2  }
0x95: {  	s2 =	sld [smem:$0x3FFD];
	_ =	sdelay $0x3  }
0x96: {  	_ =	strace s2  }
0x97: {  	_ =	strace $0x8FFFFFFF  }
0x98: {  	s18 =	sld [smem:$0x3FDB];
	_ =	sdelay $0x1  }
0x99: {  	s19 =	simm.s32 $_scs_section_size  }
0x9a: {  	s4 =	simm.s32 $_size__tile_overlayer_lowered;
	s5 =	simm.s32 $_tile_overlayer_lowered  }
0x9b: {  	s22 =	simm.s32 $0x1BFF;
	s21 =	sshll.u32 s5, $0x1;
	s2 =	sadd.s32 s19, s18  }
0x9c: {  	s6 =	simm.s32 $0x0;
	s20 =	sshll.u32 s4, $0x1;
	s4 =	sadd.s32 s21, s2  }
0x9d: {  	[timem:s6], [sflag:s22] =	dma.local [hbm:s4], s20  }
0x9e: {  	_ =	swait.ge [sflag:s22], s20  }
0x9f: {  	s3 =	ssub.s32 $0x0, s20;
	[sflag:s22] =	ssyncset.done $0x0  }
0xa0: {  	[sflag:s22] =	ssyncadd.s32 s3;
	_ =	sdelay $0x1  }
0xa1: {  	s23 =	simm.s32 $0x1B8B  }
0xa2: {  	_ =	swait.ge [sflag:s23], $0x1  }
0xa3: {  	[sflag:s23] =	ssyncset.done $0x0  }
0xa4: {  	s25 =	simm.s32 $0x1B8E;
	s24 =	sld [smem:$0x3FFE];
	[sflag:s23] =	ssyncadd.s32 $0xFFFFFFFF  }
0xa5: {  	s26 =	simm.s32 $execute0_lowered;
	[smem:$0x3FD2] =	sst s25  }
0xa6: {  	s4 =	sshll.u32 s26, $0x1;
	_ =	strace $0x80000049;
	[dreg:$0x1] =	wrdreg $0xFFFFFFFF  }
0xa7: {  	s28 =	simm.s32 $_size_execute0_lowered;
	s2 =	sadd.s32 s2, s4;
	[dreg:$0x0] =	wrdreg $0x0  }
0xa8: {  	s4 =	sshll.u32 s28, $0x1;
	[dreg:$0x2] =	wrdreg s2  }
0xa9: {  	[dreg:$0x3] =	wrdreg s4  }
0xaa: {  	[dreg:$0x4] =	wrdreg $0xC0  }
0xab: {  	_ =	task [dreg:s6], $0x5FFFF  }
0xac: {  	[dreg:$0x1] =	wrdreg $0xFFFFFFFF  }
0xad: {  	[dreg:$0x0] =	wrdreg $0x60  }
0xae: {  	[dreg:$0x2] =	wrdreg s24  }
0xaf: {  	[dreg:$0x3] =	wrdreg $0xD0000  }
0xb0: {  	[dreg:$0x4] =	wrdreg $0xF7800  }
0xb1: {  	[dreg:$0x5] =	wrdreg $0x9  }
0xb2: {  	_ =	task.clear_ibuf [dreg:s6], $0x6FFFF;
	_ =	strace $0x90000049  }
0xb3: {  	s29 =	simm.s32 $0x9;
	_ =	strace $0x8000004B  }
0xb4: {  	_ =	swait.ge [sflag:s29], $0x1  }
0xb5: {  	[sflag:s29] =	ssyncadd.s32 $0xFFFFFFFF  }
0xb6: {  	_ =	strace $0x9000004B  }
0xb7: {  	_ =	sfence  }
0xb8: {  	s30 =	sld [smem:$0x0];
	_ =	sdelay $0x2  }
0xb9: {  	s31 =	sshll.u32 s1, $0xD;
	s1 =	sshrl.u32 s1, $0x2  }
0xba: {  	s3 =	sand.u32 $0x4000, s31;
	s1 =	sadd.s32 s1, s30  }
0xbb: {  	s0 =	sor.u32 s3, s0;
	s1 =	sshll.u32 s1, $0x11  }
0xbc: {  	s0 =	sor.u32 s1, s0  }
0xbd: {  	s0 =	sadd.s32 $0x8F2B, s0  }
0xbe: {  	[sflag:s0] =	ssyncadd.remote.s32 $0x1  }
0xbf: {  	_ =	sfence.sel $0xFFFF  }
0xc0: {  	[dreg:$0x0] =	wrdreg $0xFFFFFFFF;
	(pc) =	sbr.abs _section_cstart, $3  }
0xc1: {  	[dreg:$0x1] =	wrdreg $0xFFFFFFFF  }
0xc2: {  	_ =	task.clear_ibuf [dreg:s6], $0x2FFFF;
	_ =	strace $0x9FFFFFFF  }
0xc3: {  	(tm) =	ssettm $0x7FFFFFFF  }
tec
execute0_lowered:
.L_overlay_start_1:
0x0: {  	(tag) =	ssettag $0x1  }
0x1: {  	s28 =	rddreg [dreg:$0x0]  }
0x2: {  	s2 =	rddreg [dreg:$0x1]  }
0x3: {  	s3 =	rddreg [dreg:$0x2];
	s4 =	simm.s32 $0x0  }
0x4: {  	s11 =	simm.s32 $0x2A00;
	[smem:$0x7FF] =	sst s4  }
0x5: {  	s12 =	simm.s32 $0x2C00;
	_ =	strace $0x8000004A;
	[dreg:$0xc] =	wrdreg s11  }
0x6: {  	s13 =	simm.s32 $0x2E00;
	[dreg:$0xd] =	wrdreg s12  }
0x7: {  	s14 =	simm.s32 $0x800;
	[dreg:$0xe] =	wrdreg s13  }
0x8: {  	s15 =	simm.s32 $0xA00;
	[dreg:$0xf] =	wrdreg s14  }
0x9: {  	s16 =	simm.s32 $0xC00;
	[dreg:$0x10] =	wrdreg s15  }
0xa: {  	s17 =	simm.s32 $0xE00;
	[dreg:$0x11] =	wrdreg s16  }
0xb: {  	s18 =	simm.s32 $0x3000;
	[dreg:$0x12] =	wrdreg s17  }
0xc: {  	s19 =	simm.s32 $0x3200;
	[dreg:$0x13] =	wrdreg s18  }
0xd: {  	s20 =	simm.s32 $0x3400;
	[dreg:$0x14] =	wrdreg s19  }
0xe: {  	s21 =	simm.s32 $0x3600;
	[dreg:$0x15] =	wrdreg s20  }
0xf: {  	s22 =	simm.s32 $0x1000;
	[dreg:$0x16] =	wrdreg s21  }
0x10: {  	s23 =	simm.s32 $0x1200;
	[dreg:$0x17] =	wrdreg s22  }
0x11: {  	s24 =	simm.s32 $0x1400;
	[dreg:$0x18] =	wrdreg s23  }
0x12: {  	s0 =	stileid.u32;
	s25 =	simm.s32 $0x1600;
	[dreg:$0x19] =	wrdreg s24  }
0x13: {  	s26 =	simm.s32 $0x3800;
	s30 =	sshll.u32 s0, $0x6;
	[dreg:$0x1a] =	wrdreg s25  }
0x14: {  	s10 =	sor.u32 $0x1C05, s30;
	[dreg:$0x1b] =	wrdreg s26  }
0x15: {  	s11 =	simm.s32 $0x1C00;
	[dreg:$0x4] =	wrdreg s10  }
0x16: {  	s12 =	simm.s32 $0x1E00;
	[smem:$0x7F6] =	sst s11  }
0x17: {  	s13 =	simm.s32 $0x4000;
	[smem:$0x7F7] =	sst s12  }
0x18: {  	s14 =	simm.s32 $0x4200;
	[smem:$0x7F8] =	sst s13  }
0x19: {  	s15 =	simm.s32 $0x4400;
	[smem:$0x7F9] =	sst s14  }
0x1a: {  	s16 =	simm.s32 $0x4600;
	[smem:$0x7FA] =	sst s15  }
0x1b: {  	s18 =	simm.s32 $0x2000;
	[smem:$0x7FB] =	sst s16  }
0x1c: {  	s6 =	smul.u32 $0x2780, s0;
	s20 =	simm.s32 $0x2200;
	[smem:$0x7FC] =	sst s18  }
0x1d: {  	s1 =	srdreg.scid;
	s10 =	simm.s32 $0x600;
	[smem:$0x7FD] =	sst s20  }
0x1e: {  	s31 =	sand.u32 $0x1, s1;
	s9 =	sadd.s32 s6, s2;
	[dreg:$0xb] =	wrdreg s10  }
0x1f: {  	s5 =	sshll.u32 s31, $0x4;
	s1 =	sshrl.u32 s9, $0x3;
	s19 =	rddreg [dreg:$0x4]  }
0x20: {  	p0 =	seq.s32 s31, $0x0;
	s9 =	simm.s32 $0x400;
	[dreg:$0x8] =	wrdreg s1  }
0x21: {  	s5 =	sor.u32 s0, s5;
	s10 =	simm.s32 $0x1A00;
	[dreg:$0xa] =	wrdreg s9  }
0x22: {  	s5 =	smul.u32 $0x500, s5;
	s1 =	simm.s32 $0x3C00;
	[smem:$0x7F5] =	sst s10  }
0x23: {  	s29 =	sshrl.u32 s6, $0x3;
	s9 =	simm.s32 $0x1800;
	[dreg:$0x1d] =	wrdreg s1  }
0x24: {  	s7 =	sadd.s32 s29, s28;
	s8 =	sadd.s32 s5, s28;
	[dreg:$0x1f] =	wrdreg s9  }
0x25: {  	s5 =	sadd.s32 $0x20E00, s7;
	s17 =	rddreg [dreg:$0x8];
	s0 =	sadd.s32 $0x11E00, s8  }
0x26: {  	s7 =	sadd.s32 $0x1BE00, s7;
	s8 =	sadd.s32 $0x7E00, s8;
	[dreg:$0x5] =	wrdreg s0  }
0x27: {  	s7 =	smov.u32 @p0 s5;
	[dreg:$0x6] =	wrdreg s8  }
0x28: {  	[dreg:$0x7] =	wrdreg s7;
	s8 =	sor.u32 $0x1C06, s30  }
0x29: {  	s0 =	simm.s32 $0x3A00;
	[dreg:$0x9] =	wrdreg s8  }
0x2a: {  	[dreg:$0x1c] =	wrdreg s0;
	s8 =	simm.s32 $0x3E00  }
0x2b: {  	[dreg:$0x1e] =	wrdreg s8  }
0x2c: {  	[spmem:s17], [sflag:s19] =	dma.local [hbm:s5], $0x4F0  }
0x2d: {  	s6 =	sadd.s32 s6, s3;
	s7 =	rddreg [dreg:$0x7]  }
0x2e: {  	s6 =	sshrl.u32 s6, $0x3;
	s21 =	rddreg [dreg:$0x9]  }
0x2f: {  	[spmem:s6], [sflag:s21] =	dma.local [hbm:s7], $0x4F0  }
0x30: {  	s7 =	rddreg [dreg:$0x5]  }
0x31: {  	[tilespmem:s4], [sflag:$0x7] =	stream.linear.gather [hbm4b:s7+s4], $0x2800, $0x38;
	[tilespmem:$0x11F00] =	vst v63  }
0x32: {  	s8 =	simm.s32 $0x5;
	s22 =	rddreg [dreg:$0x6];
	s7 =	simm.s32 $0x2800  }
0x33: {  	[tilespmem:s7], [sflag:$0x8] =	stream.linear.gather [hbm4b:s22+s4], $0x2800, $0x38;
	[tilespmem:$0x11F00] =	vst v63  }
0x34: {  	_ =	swait.ge [sflag:s8], $0x4F0  }
0x35: {  	[sflag:s8] =	ssyncset.done $0x0  }
0x36: {  	s9 =	simm.s32 $0x6;
	[sflag:s8] =	ssyncadd.s32 $0xFFFFFB10  }
0x37: {  	_ =	swait.ge [sflag:s9], $0x4F0  }
0x38: {  	[sflag:s9] =	ssyncset.done $0x0  }
0x39: {  	s10 =	simm.s32 $0x7;
	[sflag:s9] =	ssyncadd.s32 $0xFFFFFB10  }
0x3a: {  	_ =	swait.ge [sflag:s10], $0x2800  }
0x3b: {  	[sflag:s10] =	ssyncset.done $0x0  }
0x3c: {  	s11 =	simm.s32 $0x8;
	[sflag:s10] =	ssyncadd.s32 $0xFFFFD800  }
0x3d: {  	_ =	swait.ge [sflag:s11], $0x2800  }
0x3e: {  	[sflag:s11] =	ssyncset.done $0x0  }
0x3f: {  	[sflag:s11] =	ssyncadd.s32 $0xFFFFD800  }
0x40: {  	s12 =	simm.s32 $0x200;
	s13 =	simm.s32 $0x5000;
	[bflag:$0x0] =	sbarrier.arrive $0xFFFF  }
0x41: {  	[tilespmem:s13], [sflag:$0x5] =	stream.indirect.gather [spmem:s2], $0x10, s4, s12, $0xb8;
	[tilespmem:$0x11F00] =	vst v63  }
0x42: {  	s14 =	simm.s32 $0x7000  }
0x43: {  	[tilespmem:s14], [sflag:$0x6] =	stream.indirect.gather [spmem:s2], $0x10, s12, s12, $0xb8;
	[tilespmem:$0x11F00] =	vst v63  }
0x44: {  	s15 =	simm.s32 $0x9000;
	s16 =	rddreg [dreg:$0xa]  }
0x45: {  	[tilespmem:s15], [sflag:$0x7] =	stream.indirect.gather [spmem:s2], $0x10, s16, s12, $0xb8;
	[tilespmem:$0x11F00] =	vst v63  }
0x46: {  	s17 =	rddreg [dreg:$0xb];
	s16 =	simm.s32 $0xB000  }
0x47: {  	[tilespmem:s16], [sflag:$0x8] =	stream.indirect.gather [spmem:s2], $0x10, s17, s12, $0xb8;
	[tilespmem:$0x11F00] =	vst v63  }
0x48: {  	_ =	swait.ge [sflag:s8], $0x2000  }
0x49: {  	[sflag:s8] =	ssyncset.done $0x0  }
0x4a: {  	[sflag:s8] =	ssyncadd.s32 $0xFFFFE000  }
0x4b: {  	[spmem:s3] =	stream.indirect.scatter.add.f32 [tilespmem:s13], [sflag:$0x1], $0x10, s7, s12, $0xb8;
	[tilespmem:$0x11F00] =	vst v63  }
0x4c: {  	_ =	swait.ge [sflag:s9], $0x2000  }
0x4d: {  	[sflag:s9] =	ssyncset.done $0x0  }
0x4e: {  	s23 =	rddreg [dreg:$0xc];
	[sflag:s9] =	ssyncadd.s32 $0xFFFFE000  }
0x4f: {  	[spmem:s3] =	stream.indirect.scatter.add.f32 [tilespmem:s14], [sflag:$0x2], $0x10, s23, s12, $0xb8;
	[tilespmem:$0x11F00] =	vst v63  }
0x50: {  	_ =	swait.ge [sflag:s10], $0x2000  }
0x51: {  	[sflag:s10] =	ssyncset.done $0x0  }
0x52: {  	s24 =	rddreg [dreg:$0xd];
	[sflag:s10] =	ssyncadd.s32 $0xFFFFE000  }
0x53: {  	[spmem:s3] =	stream.indirect.scatter.add.f32 [tilespmem:s15], [sflag:$0x3], $0x10, s24, s12, $0xb8;
	[tilespmem:$0x11F00] =	vst v63  }
0x54: {  	_ =	swait.ge [sflag:s11], $0x2000  }
0x55: {  	[sflag:s11] =	ssyncset.done $0x0  }
0x56: {  	s17 =	simm.s32 $0x1;
	s18 =	rddreg [dreg:$0xe];
	[sflag:s11] =	ssyncadd.s32 $0xFFFFE000  }
0x57: {  	[spmem:s3] =	stream.indirect.scatter.add.f32 [tilespmem:s16], [sflag:$0x4], $0x10, s18, s12, $0xb8;
	[tilespmem:$0x11F00] =	vst v63  }
0x58: {  	_ =	swait.ge [sflag:s17], $0x2000  }
0x59: {  	[sflag:s17] =	ssyncset.done $0x0  }
0x5a: {  	s18 =	simm.s32 $0x2;
	s19 =	rddreg [dreg:$0xf];
	[sflag:s17] =	ssyncadd.s32 $0xFFFFE000  }
0x5b: {  	[tilespmem:s13], [sflag:$0x5] =	stream.indirect.gather [spmem:s2], $0x10, s19, s12, $0xb8;
	[tilespmem:$0x11F00] =	vst v63  }
0x5c: {  	_ =	swait.ge [sflag:s18], $0x2000  }
0x5d: {  	[sflag:s18] =	ssyncset.done $0x0  }
0x5e: {  	s19 =	simm.s32 $0x3;
	s20 =	rddreg [dreg:$0x10];
	[sflag:s18] =	ssyncadd.s32 $0xFFFFE000  }
0x5f: {  	[tilespmem:s14], [sflag:$0x6] =	stream.indirect.gather [spmem:s2], $0x10, s20, s12, $0xb8;
	[tilespmem:$0x11F00] =	vst v63  }
0x60: {  	_ =	swait.ge [sflag:s19], $0x2000  }
0x61: {  	[sflag:s19] =	ssyncset.done $0x0  }
0x62: {  	s20 =	simm.s32 $0x4;
	s21 =	rddreg [dreg:$0x11];
	[sflag:s19] =	ssyncadd.s32 $0xFFFFE000  }
0x63: {  	[tilespmem:s15], [sflag:$0x7] =	stream.indirect.gather [spmem:s2], $0x10, s21, s12, $0xb8;
	[tilespmem:$0x11F00] =	vst v63  }
0x64: {  	_ =	swait.ge [sflag:s20], $0x2000  }
0x65: {  	[sflag:s20] =	ssyncset.done $0x0  }
0x66: {  	s25 =	rddreg [dreg:$0x12];
	[sflag:s20] =	ssyncadd.s32 $0xFFFFE000  }
0x67: {  	[tilespmem:s16], [sflag:$0x8] =	stream.indirect.gather [spmem:s2], $0x10, s25, s12, $0xb8;
	[tilespmem:$0x11F00] =	vst v63  }
0x68: {  	_ =	swait.ge [sflag:s8], $0x2000  }
0x69: {  	[sflag:s8] =	ssyncset.done $0x0  }
0x6a: {  	s26 =	rddreg [dreg:$0x13];
	[sflag:s8] =	ssyncadd.s32 $0xFFFFE000  }
0x6b: {  	[spmem:s3] =	stream.indirect.scatter.add.f32 [tilespmem:s13], [sflag:$0x1], $0x10, s26, s12, $0xb8;
	[tilespmem:$0x11F00] =	vst v63  }
0x6c: {  	_ =	swait.ge [sflag:s9], $0x2000  }
0x6d: {  	[sflag:s9] =	ssyncset.done $0x0  }
0x6e: {  	s0 =	rddreg [dreg:$0x14];
	[sflag:s9] =	ssyncadd.s32 $0xFFFFE000  }
0x6f: {  	[spmem:s3] =	stream.indirect.scatter.add.f32 [tilespmem:s14], [sflag:$0x2], $0x10, s0, s12, $0xb8;
	[tilespmem:$0x11F00] =	vst v63  }
0x70: {  	_ =	swait.ge [sflag:s10], $0x2000  }
0x71: {  	[sflag:s10] =	ssyncset.done $0x0  }
0x72: {  	s1 =	rddreg [dreg:$0x15];
	[sflag:s10] =	ssyncadd.s32 $0xFFFFE000  }
0x73: {  	[spmem:s3] =	stream.indirect.scatter.add.f32 [tilespmem:s15], [sflag:$0x3], $0x10, s1, s12, $0xb8;
	[tilespmem:$0x11F00] =	vst v63  }
0x74: {  	_ =	swait.ge [sflag:s11], $0x2000  }
0x75: {  	[sflag:s11] =	ssyncset.done $0x0  }
0x76: {  	s22 =	rddreg [dreg:$0x16];
	[sflag:s11] =	ssyncadd.s32 $0xFFFFE000  }
0x77: {  	[spmem:s3] =	stream.indirect.scatter.add.f32 [tilespmem:s16], [sflag:$0x4], $0x10, s22, s12, $0xb8;
	[tilespmem:$0x11F00] =	vst v63  }
0x78: {  	_ =	swait.ge [sflag:s17], $0x2000  }
0x79: {  	[sflag:s17] =	ssyncset.done $0x0  }
0x7a: {  	s23 =	rddreg [dreg:$0x17];
	[sflag:s17] =	ssyncadd.s32 $0xFFFFE000  }
0x7b: {  	[tilespmem:s13], [sflag:$0x5] =	stream.indirect.gather [spmem:s2], $0x10, s23, s12, $0xb8;
	[tilespmem:$0x11F00] =	vst v63  }
0x7c: {  	_ =	swait.ge [sflag:s18], $0x2000  }
0x7d: {  	[sflag:s18] =	ssyncset.done $0x0  }
0x7e: {  	s24 =	rddreg [dreg:$0x18];
	[sflag:s18] =	ssyncadd.s32 $0xFFFFE000  }
0x7f: {  	[tilespmem:s14], [sflag:$0x6] =	stream.indirect.gather [spmem:s2], $0x10, s24, s12, $0xb8;
	[tilespmem:$0x11F00] =	vst v63  }
0x80: {  	_ =	swait.ge [sflag:s19], $0x2000  }
0x81: {  	[sflag:s19] =	ssyncset.done $0x0  }
0x82: {  	s25 =	rddreg [dreg:$0x19];
	[sflag:s19] =	ssyncadd.s32 $0xFFFFE000  }
0x83: {  	[tilespmem:s15], [sflag:$0x7] =	stream.indirect.gather [spmem:s2], $0x10, s25, s12, $0xb8;
	[tilespmem:$0x11F00] =	vst v63  }
0x84: {  	_ =	swait.ge [sflag:s20], $0x2000  }
0x85: {  	[sflag:s20] =	ssyncset.done $0x0  }
0x86: {  	s26 =	rddreg [dreg:$0x1a];
	[sflag:s20] =	ssyncadd.s32 $0xFFFFE000  }
0x87: {  	[tilespmem:s16], [sflag:$0x8] =	stream.indirect.gather [spmem:s2], $0x10, s26, s12, $0xb8;
	[tilespmem:$0x11F00] =	vst v63  }
0x88: {  	_ =	swait.ge [sflag:s8], $0x2000  }
0x89: {  	[sflag:s8] =	ssyncset.done $0x0  }
0x8a: {  	s0 =	rddreg [dreg:$0x1b];
	[sflag:s8] =	ssyncadd.s32 $0xFFFFE000  }
0x8b: {  	[spmem:s3] =	stream.indirect.scatter.add.f32 [tilespmem:s13], [sflag:$0x1], $0x10, s0, s12, $0xb8;
	[tilespmem:$0x11F00] =	vst v63  }
0x8c: {  	_ =	swait.ge [sflag:s9], $0x2000  }
0x8d: {  	[sflag:s9] =	ssyncset.done $0x0  }
0x8e: {  	s1 =	rddreg [dreg:$0x1c];
	[sflag:s9] =	ssyncadd.s32 $0xFFFFE000  }
0x8f: {  	[spmem:s3] =	stream.indirect.scatter.add.f32 [tilespmem:s14], [sflag:$0x2], $0x10, s1, s12, $0xb8;
	[tilespmem:$0x11F00] =	vst v63  }
0x90: {  	_ =	swait.ge [sflag:s10], $0x2000  }
0x91: {  	[sflag:s10] =	ssyncset.done $0x0  }
0x92: {  	s22 =	rddreg [dreg:$0x1d];
	[sflag:s10] =	ssyncadd.s32 $0xFFFFE000  }
0x93: {  	[spmem:s3] =	stream.indirect.scatter.add.f32 [tilespmem:s15], [sflag:$0x3], $0x10, s22, s12, $0xb8;
	[tilespmem:$0x11F00] =	vst v63  }
0x94: {  	_ =	swait.ge [sflag:s11], $0x2000  }
0x95: {  	[sflag:s11] =	ssyncset.done $0x0  }
0x96: {  	s23 =	rddreg [dreg:$0x1e];
	[sflag:s11] =	ssyncadd.s32 $0xFFFFE000  }
0x97: {  	[spmem:s3] =	stream.indirect.scatter.add.f32 [tilespmem:s16], [sflag:$0x4], $0x10, s23, s12, $0xb8;
	[tilespmem:$0x11F00] =	vst v63  }
0x98: {  	_ =	swait.ge [sflag:s17], $0x2000  }
0x99: {  	[sflag:s17] =	ssyncset.done $0x0  }
0x9a: {  	s24 =	rddreg [dreg:$0x1f];
	[sflag:s17] =	ssyncadd.s32 $0xFFFFE000  }
0x9b: {  	[tilespmem:s13], [sflag:$0x5] =	stream.indirect.gather [spmem:s2], $0x10, s24, s12, $0xb8;
	[tilespmem:$0x11F00] =	vst v63  }
0x9c: {  	_ =	swait.ge [sflag:s18], $0x2000  }
0x9d: {  	s25 =	sld [smem:$0x7F5]  }
0x9e: {  	[sflag:s18] =	ssyncset.done $0x0  }
0x9f: {  	[sflag:s18] =	ssyncadd.s32 $0xFFFFE000  }
0xa0: {  	[tilespmem:s14], [sflag:$0x6] =	stream.indirect.gather [spmem:s2], $0x10, s25, s12, $0xb8;
	[tilespmem:$0x11F00] =	vst v63  }
0xa1: {  	_ =	swait.ge [sflag:s19], $0x2000  }
0xa2: {  	s26 =	sld [smem:$0x7F6]  }
0xa3: {  	[sflag:s19] =	ssyncset.done $0x0  }
0xa4: {  	[sflag:s19] =	ssyncadd.s32 $0xFFFFE000  }
0xa5: {  	[tilespmem:s15], [sflag:$0x7] =	stream.indirect.gather [spmem:s2], $0x10, s26, s12, $0xb8;
	[tilespmem:$0x11F00] =	vst v63  }
0xa6: {  	_ =	swait.ge [sflag:s20], $0x2000  }
0xa7: {  	s0 =	sld [smem:$0x7F7]  }
0xa8: {  	[sflag:s20] =	ssyncset.done $0x0  }
0xa9: {  	[sflag:s20] =	ssyncadd.s32 $0xFFFFE000  }
0xaa: {  	[tilespmem:s16], [sflag:$0x8] =	stream.indirect.gather [spmem:s2], $0x10, s0, s12, $0xb8;
	[tilespmem:$0x11F00] =	vst v63  }
0xab: {  	_ =	swait.ge [sflag:s8], $0x2000  }
0xac: {  	s1 =	sld [smem:$0x7F8]  }
0xad: {  	[sflag:s8] =	ssyncset.done $0x0  }
0xae: {  	[sflag:s8] =	ssyncadd.s32 $0xFFFFE000  }
0xaf: {  	[spmem:s3] =	stream.indirect.scatter.add.f32 [tilespmem:s13], [sflag:$0x1], $0x10, s1, s12, $0xb8;
	[tilespmem:$0x11F00] =	vst v63  }
0xb0: {  	_ =	swait.ge [sflag:s9], $0x2000  }
0xb1: {  	s22 =	sld [smem:$0x7F9]  }
0xb2: {  	[sflag:s9] =	ssyncset.done $0x0  }
0xb3: {  	[sflag:s9] =	ssyncadd.s32 $0xFFFFE000  }
0xb4: {  	[spmem:s3] =	stream.indirect.scatter.add.f32 [tilespmem:s14], [sflag:$0x2], $0x10, s22, s12, $0xb8;
	[tilespmem:$0x11F00] =	vst v63  }
0xb5: {  	_ =	swait.ge [sflag:s10], $0x2000  }
0xb6: {  	s23 =	sld [smem:$0x7FA]  }
0xb7: {  	[sflag:s10] =	ssyncset.done $0x0  }
0xb8: {  	[sflag:s10] =	ssyncadd.s32 $0xFFFFE000  }
0xb9: {  	[spmem:s3] =	stream.indirect.scatter.add.f32 [tilespmem:s15], [sflag:$0x3], $0x10, s23, s12, $0xb8;
	[tilespmem:$0x11F00] =	vst v63  }
0xba: {  	_ =	swait.ge [sflag:s11], $0x2000  }
0xbb: {  	s24 =	sld [smem:$0x7FB]  }
0xbc: {  	[sflag:s11] =	ssyncset.done $0x0  }
0xbd: {  	[sflag:s11] =	ssyncadd.s32 $0xFFFFE000  }
0xbe: {  	[spmem:s3] =	stream.indirect.scatter.add.f32 [tilespmem:s16], [sflag:$0x4], $0x10, s24, s12, $0xb8;
	[tilespmem:$0x11F00] =	vst v63  }
0xbf: {  	_ =	swait.ge [sflag:s17], $0x2000  }
0xc0: {  	s25 =	sld [smem:$0x7FC]  }
0xc1: {  	[sflag:s17] =	ssyncset.done $0x0  }
0xc2: {  	[sflag:s17] =	ssyncadd.s32 $0xFFFFE000  }
0xc3: {  	[tilespmem:s13], [sflag:$0x5] =	stream.indirect.gather [spmem:s2], $0x10, s25, s12, $0xb8;
	[tilespmem:$0x11F00] =	vst v63  }
0xc4: {  	_ =	swait.ge [sflag:s18], $0x2000  }
0xc5: {  	s26 =	sld [smem:$0x7FD]  }
0xc6: {  	[sflag:s18] =	ssyncset.done $0x0  }
0xc7: {  	[sflag:s18] =	ssyncadd.s32 $0xFFFFE000  }
0xc8: {  	[tilespmem:s14], [sflag:$0x6] =	stream.indirect.gather [spmem:s2], $0x10, s26, s12, $0xb8;
	[tilespmem:$0x11F00] =	vst v63  }
0xc9: {  	_ =	swait.ge [sflag:s19], $0x2000  }
0xca: {  	[sflag:s19] =	ssyncset.done $0x0  }
0xcb: {  	s21 =	simm.s32 $0x2400;
	[sflag:s19] =	ssyncadd.s32 $0xFFFFE000  }
0xcc: {  	[tilespmem:s15], [sflag:$0x7] =	stream.indirect.gather [spmem:s2], $0x10, s21, s12, $0xb8;
	[tilespmem:$0x11F00] =	vst v63  }
0xcd: {  	_ =	swait.ge [sflag:s20], $0x2000  }
0xce: {  	[sflag:s20] =	ssyncset.done $0x0  }
0xcf: {  	s22 =	simm.s32 $0x2600;
	[sflag:s20] =	ssyncadd.s32 $0xFFFFE000  }
0xd0: {  	[tilespmem:s16], [sflag:$0x8] =	stream.indirect.gather [spmem:s2], $0x10, s22, s12, $0xb8;
	[tilespmem:$0x11F00] =	vst v63  }
0xd1: {  	_ =	swait.ge [sflag:s8], $0x2000  }
0xd2: {  	[sflag:s8] =	ssyncset.done $0x0  }
0xd3: {  	s23 =	simm.s32 $0x4800;
	[sflag:s8] =	ssyncadd.s32 $0xFFFFE000  }
0xd4: {  	[spmem:s3] =	stream.indirect.scatter.add.f32 [tilespmem:s13], [sflag:$0x1], $0x10, s23, s12, $0xb8;
	[tilespmem:$0x11F00] =	vst v63  }
0xd5: {  	_ =	swait.ge [sflag:s9], $0x2000  }
0xd6: {  	[sflag:s9] =	ssyncset.done $0x0  }
0xd7: {  	s24 =	simm.s32 $0x4A00;
	[sflag:s9] =	ssyncadd.s32 $0xFFFFE000  }
0xd8: {  	[spmem:s3] =	stream.indirect.scatter.add.f32 [tilespmem:s14], [sflag:$0x2], $0x10, s24, s12, $0xb8;
	[tilespmem:$0x11F00] =	vst v63  }
0xd9: {  	_ =	swait.ge [sflag:s10], $0x2000  }
0xda: {  	[sflag:s10] =	ssyncset.done $0x0  }
0xdb: {  	s25 =	simm.s32 $0x4C00;
	[sflag:s10] =	ssyncadd.s32 $0xFFFFE000  }
0xdc: {  	[spmem:s3] =	stream.indirect.scatter.add.f32 [tilespmem:s15], [sflag:$0x3], $0x10, s25, s12, $0xb8;
	[tilespmem:$0x11F00] =	vst v63  }
0xdd: {  	_ =	swait.ge [sflag:s11], $0x2000  }
0xde: {  	[sflag:s11] =	ssyncset.done $0x0  }
0xdf: {  	s26 =	simm.s32 $0x4E00;
	[sflag:s11] =	ssyncadd.s32 $0xFFFFE000  }
0xe0: {  	[spmem:s3] =	stream.indirect.scatter.add.f32 [tilespmem:s16], [sflag:$0x4], $0x10, s26, s12, $0xb8;
	[tilespmem:$0x11F00] =	vst v63  }
0xe1: {  	_ =	swait.ge [sflag:s17], $0x2000  }
0xe2: {  	[sflag:s17] =	ssyncset.done $0x0  }
0xe3: {  	s31 =	ssub.s32 $0x2, s31;
	[sflag:s17] =	ssyncadd.s32 $0xFFFFE000  }
0xe4: {  	s0 =	sshrl.u32 s31, $0x1;
	_ =	swait.ge [sflag:s18], $0x2000  }
0xe5: {  	s0 =	ssub.s32 s31, s0;
	[sflag:s18] =	ssyncset.done $0x0  }
0xe6: {  	s1 =	sadd.s32 $0x25E00, s28;
	s28 =	sadd.s32 $0x2AE00, s28;
	[sflag:s18] =	ssyncadd.s32 $0xFFFFE000  }
0xe7: {  	s0 =	smax.u32 s0, $0x1;
	s28 =	smov.u32 @p0 s1;
	_ =	swait.ge [sflag:s19], $0x2000  }
0xe8: {  	s28 =	sadd.s32 s28, s29;
	s29 =	sadd.s32 $0xFFFFFFFF, s0;
	[sflag:s19] =	ssyncset.done $0x0  }
0xe9: {  	p0 =	sne.s32 s29, $0x0;
	[sflag:s19] =	ssyncadd.s32 $0xFFFFE000  }
.Ltmp0:
0xea: {  	_ =	swait.ge [sflag:s20], $0x2000;
	(pc) =	sbr.rel @!p0 .LBB2_2-.Ltmp0, $4  }
0xeb: {  	[sflag:s20] =	ssyncset.done $0x0  }
0xec: {  	[sflag:s20] =	ssyncadd.s32 $0xFFFFE000  }
0xed: {  	s31 =	sor.u32 $0x1C09, s30;
	s30 =	simm.s32 $0x9;
	[bflag:$0x0] =	sbarrier.arrive $0xFFFF  }
0xee: {  	[hbm:s28], [sflag:s31] =	dma.local [spmem:s6], $0x4F0  }
.LBB2_1:
0xef: {  	_ =	swait.ge [sflag:s30], $0x4F0  }
0xf0: {  	s0 =	rddreg [dreg:$0x8];
	[sflag:s30] =	ssyncset.done $0x0  }
0xf1: {  	s1 =	rddreg [dreg:$0x4];
	[sflag:s30] =	ssyncadd.s32 $0xFFFFFB10  }
0xf2: {  	[spmem:s0], [sflag:s1] =	dma.local [hbm:s5], $0x4F0  }
0xf3: {  	s0 =	rddreg [dreg:$0x7]  }
0xf4: {  	s1 =	rddreg [dreg:$0x9]  }
0xf5: {  	[spmem:s6], [sflag:s1] =	dma.local [hbm:s0], $0x4F0  }
0xf6: {  	s0 =	rddreg [dreg:$0x5]  }
0xf7: {  	[tilespmem:s4], [sflag:$0x7] =	stream.linear.gather [hbm4b:s0+s4], $0x2800, $0x38;
	[tilespmem:$0x11F00] =	vst v63  }
0xf8: {  	s1 =	rddreg [dreg:$0x6]  }
0xf9: {  	[tilespmem:s7], [sflag:$0x8] =	stream.linear.gather [hbm4b:s1+s4], $0x2800, $0x38;
	[tilespmem:$0x11F00] =	vst v63  }
0xfa: {  	_ =	swait.ge [sflag:s8], $0x4F0  }
0xfb: {  	[sflag:s8] =	ssyncset.done $0x0  }
0xfc: {  	[sflag:s8] =	ssyncadd.s32 $0xFFFFFB10  }
0xfd: {  	_ =	swait.ge [sflag:s9], $0x4F0  }
0xfe: {  	[sflag:s9] =	ssyncset.done $0x0  }
0xff: {  	[sflag:s9] =	ssyncadd.s32 $0xFFFFFB10  }
0x100: {  	_ =	swait.ge [sflag:s10], $0x2800  }
0x101: {  	[sflag:s10] =	ssyncset.done $0x0  }
0x102: {  	[sflag:s10] =	ssyncadd.s32 $0xFFFFD800  }
0x103: {  	_ =	swait.ge [sflag:s11], $0x2800  }
0x104: {  	[sflag:s11] =	ssyncset.done $0x0  }
0x105: {  	[sflag:s11] =	ssyncadd.s32 $0xFFFFD800  }
0x106: {  	[bflag:$0x0] =	sbarrier.arrive $0xFFFF  }
0x107: {  	[tilespmem:s13], [sflag:$0x5] =	stream.indirect.gather [spmem:s2], $0x10, s4, s12, $0xb8;
	[tilespmem:$0x11F00] =	vst v63  }
0x108: {  	_ = 	snop  }
0x109: {  	[tilespmem:s14], [sflag:$0x6] =	stream.indirect.gather [spmem:s2], $0x10, s12, s12, $0xb8;
	[tilespmem:$0x11F00] =	vst v63  }
0x10a: {  	s0 =	rddreg [dreg:$0xa]  }
0x10b: {  	[tilespmem:s15], [sflag:$0x7] =	stream.indirect.gather [spmem:s2], $0x10, s0, s12, $0xb8;
	[tilespmem:$0x11F00] =	vst v63  }
0x10c: {  	s1 =	rddreg [dreg:$0xb]  }
0x10d: {  	[tilespmem:s16], [sflag:$0x8] =	stream.indirect.gather [spmem:s2], $0x10, s1, s12, $0xb8;
	[tilespmem:$0x11F00] =	vst v63  }
0x10e: {  	_ =	swait.ge [sflag:s8], $0x2000  }
0x10f: {  	[sflag:s8] =	ssyncset.done $0x0  }
0x110: {  	[sflag:s8] =	ssyncadd.s32 $0xFFFFE000  }
0x111: {  	[spmem:s3] =	stream.indirect.scatter.add.f32 [tilespmem:s13], [sflag:$0x1], $0x10, s7, s12, $0xb8;
	[tilespmem:$0x11F00] =	vst v63  }
0x112: {  	_ =	swait.ge [sflag:s9], $0x2000  }
0x113: {  	[sflag:s9] =	ssyncset.done $0x0  }
0x114: {  	s1 =	rddreg [dreg:$0xc];
	[sflag:s9] =	ssyncadd.s32 $0xFFFFE000  }
0x115: {  	[spmem:s3] =	stream.indirect.scatter.add.f32 [tilespmem:s14], [sflag:$0x2], $0x10, s1, s12, $0xb8;
	[tilespmem:$0x11F00] =	vst v63  }
0x116: {  	_ =	swait.ge [sflag:s10], $0x2000  }
0x117: {  	[sflag:s10] =	ssyncset.done $0x0  }
0x118: {  	s1 =	rddreg [dreg:$0xd];
	[sflag:s10] =	ssyncadd.s32 $0xFFFFE000  }
0x119: {  	[spmem:s3] =	stream.indirect.scatter.add.f32 [tilespmem:s15], [sflag:$0x3], $0x10, s1, s12, $0xb8;
	[tilespmem:$0x11F00] =	vst v63  }
0x11a: {  	_ =	swait.ge [sflag:s11], $0x2000  }
0x11b: {  	[sflag:s11] =	ssyncset.done $0x0  }
0x11c: {  	s1 =	rddreg [dreg:$0xe];
	[sflag:s11] =	ssyncadd.s32 $0xFFFFE000  }
0x11d: {  	[spmem:s3] =	stream.indirect.scatter.add.f32 [tilespmem:s16], [sflag:$0x4], $0x10, s1, s12, $0xb8;
	[tilespmem:$0x11F00] =	vst v63  }
0x11e: {  	_ =	swait.ge [sflag:s17], $0x2000  }
0x11f: {  	[sflag:s17] =	ssyncset.done $0x0  }
0x120: {  	s1 =	rddreg [dreg:$0xf];
	[sflag:s17] =	ssyncadd.s32 $0xFFFFE000  }
0x121: {  	[tilespmem:s13], [sflag:$0x5] =	stream.indirect.gather [spmem:s2], $0x10, s1, s12, $0xb8;
	[tilespmem:$0x11F00] =	vst v63  }
0x122: {  	_ =	swait.ge [sflag:s18], $0x2000  }
0x123: {  	[sflag:s18] =	ssyncset.done $0x0  }
0x124: {  	s1 =	rddreg [dreg:$0x10];
	[sflag:s18] =	ssyncadd.s32 $0xFFFFE000  }
0x125: {  	[tilespmem:s14], [sflag:$0x6] =	stream.indirect.gather [spmem:s2], $0x10, s1, s12, $0xb8;
	[tilespmem:$0x11F00] =	vst v63  }
0x126: {  	_ =	swait.ge [sflag:s19], $0x2000  }
0x127: {  	[sflag:s19] =	ssyncset.done $0x0  }
0x128: {  	s1 =	rddreg [dreg:$0x11];
	[sflag:s19] =	ssyncadd.s32 $0xFFFFE000  }
0x129: {  	[tilespmem:s15], [sflag:$0x7] =	stream.indirect.gather [spmem:s2], $0x10, s1, s12, $0xb8;
	[tilespmem:$0x11F00] =	vst v63  }
0x12a: {  	_ =	swait.ge [sflag:s20], $0x2000  }
0x12b: {  	[sflag:s20] =	ssyncset.done $0x0  }
0x12c: {  	s1 =	rddreg [dreg:$0x12];
	[sflag:s20] =	ssyncadd.s32 $0xFFFFE000  }
0x12d: {  	[tilespmem:s16], [sflag:$0x8] =	stream.indirect.gather [spmem:s2], $0x10, s1, s12, $0xb8;
	[tilespmem:$0x11F00] =	vst v63  }
0x12e: {  	_ =	swait.ge [sflag:s8], $0x2000  }
0x12f: {  	[sflag:s8] =	ssyncset.done $0x0  }
0x130: {  	s1 =	rddreg [dreg:$0x13];
	[sflag:s8] =	ssyncadd.s32 $0xFFFFE000  }
0x131: {  	[spmem:s3] =	stream.indirect.scatter.add.f32 [tilespmem:s13], [sflag:$0x1], $0x10, s1, s12, $0xb8;
	[tilespmem:$0x11F00] =	vst v63  }
0x132: {  	_ =	swait.ge [sflag:s9], $0x2000  }
0x133: {  	[sflag:s9] =	ssyncset.done $0x0  }
0x134: {  	s1 =	rddreg [dreg:$0x14];
	[sflag:s9] =	ssyncadd.s32 $0xFFFFE000  }
0x135: {  	[spmem:s3] =	stream.indirect.scatter.add.f32 [tilespmem:s14], [sflag:$0x2], $0x10, s1, s12, $0xb8;
	[tilespmem:$0x11F00] =	vst v63  }
0x136: {  	_ =	swait.ge [sflag:s10], $0x2000  }
0x137: {  	[sflag:s10] =	ssyncset.done $0x0  }
0x138: {  	s1 =	rddreg [dreg:$0x15];
	[sflag:s10] =	ssyncadd.s32 $0xFFFFE000  }
0x139: {  	[spmem:s3] =	stream.indirect.scatter.add.f32 [tilespmem:s15], [sflag:$0x3], $0x10, s1, s12, $0xb8;
	[tilespmem:$0x11F00] =	vst v63  }
0x13a: {  	_ =	swait.ge [sflag:s11], $0x2000  }
0x13b: {  	[sflag:s11] =	ssyncset.done $0x0  }
0x13c: {  	s1 =	rddreg [dreg:$0x16];
	[sflag:s11] =	ssyncadd.s32 $0xFFFFE000  }
0x13d: {  	[spmem:s3] =	stream.indirect.scatter.add.f32 [tilespmem:s16], [sflag:$0x4], $0x10, s1, s12, $0xb8;
	[tilespmem:$0x11F00] =	vst v63  }
0x13e: {  	_ =	swait.ge [sflag:s17], $0x2000  }
0x13f: {  	[sflag:s17] =	ssyncset.done $0x0  }
0x140: {  	s1 =	rddreg [dreg:$0x17];
	[sflag:s17] =	ssyncadd.s32 $0xFFFFE000  }
0x141: {  	[tilespmem:s13], [sflag:$0x5] =	stream.indirect.gather [spmem:s2], $0x10, s1, s12, $0xb8;
	[tilespmem:$0x11F00] =	vst v63  }
0x142: {  	_ =	swait.ge [sflag:s18], $0x2000  }
0x143: {  	[sflag:s18] =	ssyncset.done $0x0  }
0x144: {  	s1 =	rddreg [dreg:$0x18];
	[sflag:s18] =	ssyncadd.s32 $0xFFFFE000  }
0x145: {  	[tilespmem:s14], [sflag:$0x6] =	stream.indirect.gather [spmem:s2], $0x10, s1, s12, $0xb8;
	[tilespmem:$0x11F00] =	vst v63  }
0x146: {  	_ =	swait.ge [sflag:s19], $0x2000  }
0x147: {  	[sflag:s19] =	ssyncset.done $0x0  }
0x148: {  	s1 =	rddreg [dreg:$0x19];
	[sflag:s19] =	ssyncadd.s32 $0xFFFFE000  }
0x149: {  	[tilespmem:s15], [sflag:$0x7] =	stream.indirect.gather [spmem:s2], $0x10, s1, s12, $0xb8;
	[tilespmem:$0x11F00] =	vst v63  }
0x14a: {  	_ =	swait.ge [sflag:s20], $0x2000  }
0x14b: {  	[sflag:s20] =	ssyncset.done $0x0  }
0x14c: {  	s1 =	rddreg [dreg:$0x1a];
	[sflag:s20] =	ssyncadd.s32 $0xFFFFE000  }
0x14d: {  	[tilespmem:s16], [sflag:$0x8] =	stream.indirect.gather [spmem:s2], $0x10, s1, s12, $0xb8;
	[tilespmem:$0x11F00] =	vst v63  }
0x14e: {  	_ =	swait.ge [sflag:s8], $0x2000  }
0x14f: {  	[sflag:s8] =	ssyncset.done $0x0  }
0x150: {  	s1 =	rddreg [dreg:$0x1b];
	[sflag:s8] =	ssyncadd.s32 $0xFFFFE000  }
0x151: {  	[spmem:s3] =	stream.indirect.scatter.add.f32 [tilespmem:s13], [sflag:$0x1], $0x10, s1, s12, $0xb8;
	[tilespmem:$0x11F00] =	vst v63  }
0x152: {  	_ =	swait.ge [sflag:s9], $0x2000  }
0x153: {  	[sflag:s9] =	ssyncset.done $0x0  }
0x154: {  	s1 =	rddreg [dreg:$0x1c];
	[sflag:s9] =	ssyncadd.s32 $0xFFFFE000  }
0x155: {  	[spmem:s3] =	stream.indirect.scatter.add.f32 [tilespmem:s14], [sflag:$0x2], $0x10, s1, s12, $0xb8;
	[tilespmem:$0x11F00] =	vst v63  }
0x156: {  	_ =	swait.ge [sflag:s10], $0x2000  }
0x157: {  	[sflag:s10] =	ssyncset.done $0x0  }
0x158: {  	s1 =	rddreg [dreg:$0x1d];
	[sflag:s10] =	ssyncadd.s32 $0xFFFFE000  }
0x159: {  	[spmem:s3] =	stream.indirect.scatter.add.f32 [tilespmem:s15], [sflag:$0x3], $0x10, s1, s12, $0xb8;
	[tilespmem:$0x11F00] =	vst v63  }
0x15a: {  	_ =	swait.ge [sflag:s11], $0x2000  }
0x15b: {  	[sflag:s11] =	ssyncset.done $0x0  }
0x15c: {  	s1 =	rddreg [dreg:$0x1e];
	[sflag:s11] =	ssyncadd.s32 $0xFFFFE000  }
0x15d: {  	[spmem:s3] =	stream.indirect.scatter.add.f32 [tilespmem:s16], [sflag:$0x4], $0x10, s1, s12, $0xb8;
	[tilespmem:$0x11F00] =	vst v63  }
0x15e: {  	_ =	swait.ge [sflag:s17], $0x2000  }
0x15f: {  	[sflag:s17] =	ssyncset.done $0x0  }
0x160: {  	s1 =	rddreg [dreg:$0x1f];
	[sflag:s17] =	ssyncadd.s32 $0xFFFFE000  }
0x161: {  	[tilespmem:s13], [sflag:$0x5] =	stream.indirect.gather [spmem:s2], $0x10, s1, s12, $0xb8;
	[tilespmem:$0x11F00] =	vst v63  }
0x162: {  	_ =	swait.ge [sflag:s18], $0x2000  }
0x163: {  	s1 =	sld [smem:$0x7F5]  }
0x164: {  	[sflag:s18] =	ssyncset.done $0x0  }
0x165: {  	[sflag:s18] =	ssyncadd.s32 $0xFFFFE000  }
0x166: {  	[tilespmem:s14], [sflag:$0x6] =	stream.indirect.gather [spmem:s2], $0x10, s1, s12, $0xb8;
	[tilespmem:$0x11F00] =	vst v63  }
0x167: {  	_ =	swait.ge [sflag:s19], $0x2000  }
0x168: {  	s1 =	sld [smem:$0x7F6]  }
0x169: {  	[sflag:s19] =	ssyncset.done $0x0  }
0x16a: {  	[sflag:s19] =	ssyncadd.s32 $0xFFFFE000  }
0x16b: {  	[tilespmem:s15], [sflag:$0x7] =	stream.indirect.gather [spmem:s2], $0x10, s1, s12, $0xb8;
	[tilespmem:$0x11F00] =	vst v63  }
0x16c: {  	_ =	swait.ge [sflag:s20], $0x2000  }
0x16d: {  	s1 =	sld [smem:$0x7F7]  }
0x16e: {  	[sflag:s20] =	ssyncset.done $0x0  }
0x16f: {  	[sflag:s20] =	ssyncadd.s32 $0xFFFFE000  }
0x170: {  	[tilespmem:s16], [sflag:$0x8] =	stream.indirect.gather [spmem:s2], $0x10, s1, s12, $0xb8;
	[tilespmem:$0x11F00] =	vst v63  }
0x171: {  	_ =	swait.ge [sflag:s8], $0x2000  }
0x172: {  	s1 =	sld [smem:$0x7F8]  }
0x173: {  	[sflag:s8] =	ssyncset.done $0x0  }
0x174: {  	[sflag:s8] =	ssyncadd.s32 $0xFFFFE000  }
0x175: {  	[spmem:s3] =	stream.indirect.scatter.add.f32 [tilespmem:s13], [sflag:$0x1], $0x10, s1, s12, $0xb8;
	[tilespmem:$0x11F00] =	vst v63  }
0x176: {  	_ =	swait.ge [sflag:s9], $0x2000  }
0x177: {  	s1 =	sld [smem:$0x7F9]  }
0x178: {  	[sflag:s9] =	ssyncset.done $0x0  }
0x179: {  	[sflag:s9] =	ssyncadd.s32 $0xFFFFE000  }
0x17a: {  	[spmem:s3] =	stream.indirect.scatter.add.f32 [tilespmem:s14], [sflag:$0x2], $0x10, s1, s12, $0xb8;
	[tilespmem:$0x11F00] =	vst v63  }
0x17b: {  	_ =	swait.ge [sflag:s10], $0x2000  }
0x17c: {  	s1 =	sld [smem:$0x7FA]  }
0x17d: {  	[sflag:s10] =	ssyncset.done $0x0  }
0x17e: {  	[sflag:s10] =	ssyncadd.s32 $0xFFFFE000  }
0x17f: {  	[spmem:s3] =	stream.indirect.scatter.add.f32 [tilespmem:s15], [sflag:$0x3], $0x10, s1, s12, $0xb8;
	[tilespmem:$0x11F00] =	vst v63  }
0x180: {  	_ =	swait.ge [sflag:s11], $0x2000  }
0x181: {  	s1 =	sld [smem:$0x7FB]  }
0x182: {  	[sflag:s11] =	ssyncset.done $0x0  }
0x183: {  	[sflag:s11] =	ssyncadd.s32 $0xFFFFE000  }
0x184: {  	[spmem:s3] =	stream.indirect.scatter.add.f32 [tilespmem:s16], [sflag:$0x4], $0x10, s1, s12, $0xb8;
	[tilespmem:$0x11F00] =	vst v63  }
0x185: {  	_ =	swait.ge [sflag:s17], $0x2000  }
0x186: {  	s1 =	sld [smem:$0x7FC]  }
0x187: {  	[sflag:s17] =	ssyncset.done $0x0  }
0x188: {  	[sflag:s17] =	ssyncadd.s32 $0xFFFFE000  }
0x189: {  	[tilespmem:s13], [sflag:$0x5] =	stream.indirect.gather [spmem:s2], $0x10, s1, s12, $0xb8;
	[tilespmem:$0x11F00] =	vst v63  }
0x18a: {  	_ =	swait.ge [sflag:s18], $0x2000  }
0x18b: {  	s1 =	sld [smem:$0x7FD]  }
0x18c: {  	[sflag:s18] =	ssyncset.done $0x0  }
0x18d: {  	[sflag:s18] =	ssyncadd.s32 $0xFFFFE000  }
0x18e: {  	[tilespmem:s14], [sflag:$0x6] =	stream.indirect.gather [spmem:s2], $0x10, s1, s12, $0xb8;
	[tilespmem:$0x11F00] =	vst v63  }
0x18f: {  	_ =	swait.ge [sflag:s19], $0x2000  }
0x190: {  	[sflag:s19] =	ssyncset.done $0x0  }
0x191: {  	[sflag:s19] =	ssyncadd.s32 $0xFFFFE000  }
0x192: {  	[tilespmem:s15], [sflag:$0x7] =	stream.indirect.gather [spmem:s2], $0x10, s21, s12, $0xb8;
	[tilespmem:$0x11F00] =	vst v63  }
0x193: {  	_ =	swait.ge [sflag:s20], $0x2000  }
0x194: {  	[sflag:s20] =	ssyncset.done $0x0  }
0x195: {  	[sflag:s20] =	ssyncadd.s32 $0xFFFFE000  }
0x196: {  	[tilespmem:s16], [sflag:$0x8] =	stream.indirect.gather [spmem:s2], $0x10, s22, s12, $0xb8;
	[tilespmem:$0x11F00] =	vst v63  }
0x197: {  	_ =	swait.ge [sflag:s8], $0x2000  }
0x198: {  	[sflag:s8] =	ssyncset.done $0x0  }
0x199: {  	[sflag:s8] =	ssyncadd.s32 $0xFFFFE000  }
0x19a: {  	[spmem:s3] =	stream.indirect.scatter.add.f32 [tilespmem:s13], [sflag:$0x1], $0x10, s23, s12, $0xb8;
	[tilespmem:$0x11F00] =	vst v63  }
0x19b: {  	_ =	swait.ge [sflag:s9], $0x2000  }
0x19c: {  	[sflag:s9] =	ssyncset.done $0x0  }
0x19d: {  	[sflag:s9] =	ssyncadd.s32 $0xFFFFE000  }
0x19e: {  	[spmem:s3] =	stream.indirect.scatter.add.f32 [tilespmem:s14], [sflag:$0x2], $0x10, s24, s12, $0xb8;
	[tilespmem:$0x11F00] =	vst v63  }
0x19f: {  	_ =	swait.ge [sflag:s10], $0x2000  }
0x1a0: {  	[sflag:s10] =	ssyncset.done $0x0  }
0x1a1: {  	[sflag:s10] =	ssyncadd.s32 $0xFFFFE000  }
0x1a2: {  	[spmem:s3] =	stream.indirect.scatter.add.f32 [tilespmem:s15], [sflag:$0x3], $0x10, s25, s12, $0xb8;
	[tilespmem:$0x11F00] =	vst v63  }
0x1a3: {  	_ =	swait.ge [sflag:s11], $0x2000  }
0x1a4: {  	[sflag:s11] =	ssyncset.done $0x0  }
0x1a5: {  	[sflag:s11] =	ssyncadd.s32 $0xFFFFE000  }
0x1a6: {  	[spmem:s3] =	stream.indirect.scatter.add.f32 [tilespmem:s16], [sflag:$0x4], $0x10, s26, s12, $0xb8;
	[tilespmem:$0x11F00] =	vst v63  }
0x1a7: {  	_ =	swait.ge [sflag:s17], $0x2000  }
0x1a8: {  	[sflag:s17] =	ssyncset.done $0x0  }
0x1a9: {  	[sflag:s17] =	ssyncadd.s32 $0xFFFFE000  }
0x1aa: {  	_ =	swait.ge [sflag:s18], $0x2000  }
0x1ab: {  	[sflag:s18] =	ssyncset.done $0x0  }
0x1ac: {  	[sflag:s18] =	ssyncadd.s32 $0xFFFFE000  }
0x1ad: {  	_ =	swait.ge [sflag:s19], $0x2000  }
0x1ae: {  	s29 =	sadd.s32 $0xFFFFFFFF, s29;
	[sflag:s19] =	ssyncset.done $0x0  }
0x1af: {  	p0 =	sne.s32 s29, $0x0;
	[sflag:s19] =	ssyncadd.s32 $0xFFFFE000  }
.Ltmp1:
0x1b0: {  	_ =	swait.ge [sflag:s20], $0x2000;
	(pc) =	sbr.rel @p0 .LBB2_1-.Ltmp1, $4  }
0x1b1: {  	[sflag:s20] =	ssyncset.done $0x0  }
0x1b2: {  	[sflag:s20] =	ssyncadd.s32 $0xFFFFE000  }
0x1b3: {  	[bflag:$0x0] =	sbarrier.arrive $0xFFFF  }
0x1b4: {  	[hbm:s28], [sflag:s31] =	dma.local [spmem:s6], $0x4F0  }
.LBB2_2:
0x1b5: {  	_ =	swait.ge [sflag:s30], $0x4F0  }
0x1b6: {  	[sflag:s30] =	ssyncset.done $0x0  }
0x1b7: {  	[sflag:s30] =	ssyncadd.s32 $0xFFFFFB10  }
0x1b8: {  	_ =	sfence.sel $0x180000  }
0x1b9: {  	[bflag:$0x0] =	sbarrier.arrive $0xFFFF  }
0x1ba: {  	_ =	strace $0x9000004A  }
0x1bb: {  	s0 =	stileid.u32;
	[bflag:$0x2] =	sbarrier.arrive $0xFFFF  }
0x1bc: {  	p0 =	sne.s32 s0, $0x0;
	s0 =	rddreg [dreg:$0x3]  }
0x1bd: {  	s0 =	sadd.s32 @!p0 $0x100000, s0  }
0x1be: {  	[sflag:s0] =	ssyncadd.tile.s32 @!p0 $0x1;
	_ =	shalt  }
.Lfunc_end2:
_tile_overlayer_lowered:
.L_overlay_start_2:
0x1bf: {  	(tag) =	ssettag $0x2  }
0x1c0: {  	s0 =	rddreg [dreg:$0x0];
	s2 =	stileid.u32  }
0x1c1: {  	s1 =	rddreg [dreg:$0x1];
	p0 =	sne.s32 s2, $0x0  }
0x1c2: {  	s3 =	rddreg [dreg:$0x2];
	[bflag:$0x3] =	sbarrier.arrive $0xFFFF;
	s2 =	simm.s32 @!p0 $0x1C09  }
0x1c3: {  	[timem:s3], [sflag:s2] =	dma.local @!p0 [hbm:s0], s1  }
0x1c4: {  	s0 =	simm.s32 @!p0 $0x9  }
0x1c5: {  	_ =	swait.ge @!p0 [sflag:s0], s1  }
0x1c6: {  	s1 =	ssub.s32 @!p0 $0x0, s1;
	[sflag:s0] =	ssyncset.done @!p0 $0x0  }
0x1c7: {  	[sflag:s0] =	ssyncadd.s32 @!p0 s1  }
0x1c8: {  	[bflag:$0x3] =	sbarrier.arrive $0xFFFF  }
0x1c9: {  	_ =	shalt  }

// kernel: kernel.22.cloned.1.call-start
scs
__scs_entry_jumppad:
0x0: {  	(pc) =	sbr.rel $0x88, $3  }
0x1: {  	(tag) =	ssettag $0x0;
	lr =	simm.s32 $0x1  }
0x2: {  	[smem:$0x3F91] =	sst lr;
	_ =	strace $0xD0000000  }
0x3: {  	_ = 	snop  }
0x4: {  	_ = 	snop  }
0x5: {  	_ = 	snop  }
0x6: {  	_ = 	snop  }
0x7: {  	_ = 	snop  }
__scs_overlays_trampoline_lowered:
0x8: {  	[smem:$0x3FA0] =	sst s0  }
0x9: {  	[smem:$0x3FA1] =	sst s1  }
0xa: {  	[smem:$0x3FA2] =	sst s2  }
0xb: {  	[smem:$0x3FA3] =	sst s3  }
0xc: {  	[smem:$0x3FA4] =	sst s4  }
0xd: {  	[smem:$0x3FA5] =	sst s5  }
0xe: {  	[smem:$0x3FA6] =	sst s6  }
0xf: {  	[smem:$0x3FA7] =	sst s7  }
0x10: {  	[smem:$0x3FA8] =	sst s8  }
0x11: {  	[smem:$0x3FA9] =	sst s9;
	s0 =	simm.s32 @!p0 $0x0  }
0x12: {  	s1 =	sld [smem:$0x3F8F];
	s0 =	simm.s32 @p0 $0x1  }
0x13: {  	[smem:$0x3FAA] =	sst s0;
	s0 =	simm.s32 @!p1 $0x0  }
0x14: {  	s2 =	sld [smem:$0x3F8E];
	s0 =	simm.s32 @p1 $0x1  }
0x15: {  	[smem:$0x3FAB] =	sst s0;
	s0 =	simm.s32 @!p2 $0x0  }
0x16: {  	s3 =	sld [smem:$0x3FDB];
	s0 =	simm.s32 @p2 $0x1  }
0x17: {  	s4 =	simm.s32 $0x1BF5;
	[smem:$0x3FAD] =	sst s0  }
0x18: {  	s0 =	sld [smem:$0x3F90];
	_ =	swait.ge [sflag:s4], $0x0  }
0x19: {  	s7 =	sld [smem:$0x3F91]  }
0x1a: {  	s8 =	sadd.s32 $0xFFFFE003, lr  }
0x1b: {  	s9 =	sadd.s32 $0xFFFFFEF7, lr;
	s5 =	simm.s32 $0xFFFFFFFF;
	p2 =	slt.u32 s8, $0xFFFFF086  }
0x1c: {  	p1 =	slt.u32 s9, $0xF7A;
	s5 =	simm.s32 @!p2 $0x0  }
0x1d: {  	s5 =	simm.s32 @p1 $0x1;
	p0 =	seq.s32 s7, s2  }
0x1e: {  	s7 =	smul.u32 @!p0 $0xF7A, s2;
	p2 =	seq.s32 @!p0 s5, $0x0  }
0x1f: {  	s9 =	smul.u32 $0xF7A, s1;
	s8 =	simm.s32 @!p0 $0x1BF5;
	p2 =	por !p2, p0  }
0x20: {  	[sflag:s8] =	ssyncset.s32 @!p0 $0xFFFFF086;
	s6 =	sadd.s32 @!p0 s3, s7;
	s7 =	simm.s32 @!p0 $0x108  }
0x21: {  	s3 =	sadd.s32 s3, s9;
	s6 =	sadd.s32 @!p0 $0x88, s6;
	s7 =	simm.s32 @p2 $0x1082  }
0x22: {  	[simem:s7], [sflag:s8] =	dma.local @!p0 [hbm:s6], $0xF7A  }
0x23: {  	s9 =	sor.u32 $0xD0000000, s2;
	s6 =	simm.s32 $0x108;
	_ =	swait.ge @!p0 [sflag:s8], $0x0  }
0x24: {  	s3 =	sadd.s32 $0x88, s3;
	s6 =	simm.s32 @!p1 $0x1082;
	[sflag:s4] =	ssyncset.s32 $0xFFFFF086  }
0x25: {  	[simem:s6], [sflag:s4] =	dma.local [hbm:s3], $0xF7A  }
0x26: {  	[smem:$0x3F91] =	sst s1;
	(tag) =	ssettag s2;
	_ =	strace s9  }
0x27: {  	s1 =	sld [smem:$0x3FA1]  }
0x28: {  	s2 =	sld [smem:$0x3FA2]  }
0x29: {  	s4 =	sld [smem:$0x3FA4]  }
0x2a: {  	p0 =	seq.s32 s5, $0x0;
	s5 =	sld [smem:$0x3FA5]  }
0x2b: {  	s6 =	sld [smem:$0x3FA6]  }
0x2c: {  	s7 =	sld [smem:$0x3FA7]  }
0x2d: {  	s3 =	simm.s32 $0x108;
	s8 =	sld [smem:$0x3FA8]  }
0x2e: {  	s3 =	simm.s32 @!p0 $0x1082;
	s9 =	sld [smem:$0x3FA9]  }
0x2f: {  	lr =	sadd.s32 s0, s3;
	s0 =	sld [smem:$0x3FA0]  }
0x30: {  	s3 =	sld [smem:$0x3FA3]  }
0x31: {  	[smem:$0x3FAC] =	sst s10  }
0x32: {  	s10 =	sld [smem:$0x3FAA];
	_ =	sdelay $0x3  }
0x33: {  	p0 =	seq.s32 s10, $0x1;
	s10 =	sld [smem:$0x3FAC];
	_ =	sdelay $0x3  }
0x34: {  	[smem:$0x3FAC] =	sst s10  }
0x35: {  	s10 =	sld [smem:$0x3FAB];
	_ =	sdelay $0x3  }
0x36: {  	p1 =	seq.s32 s10, $0x1;
	s10 =	sld [smem:$0x3FAC];
	_ =	sdelay $0x3  }
0x37: {  	[smem:$0x3FAC] =	sst s10  }
0x38: {  	s10 =	sld [smem:$0x3FAD]  }
0x39: {  	_ = 	snop;
	(pc) =	sbr.ind lr, $3  }
0x3a: {  	_ = 	snop  }
0x3b: {  	_ = 	snop  }
0x3c: {  	p2 =	seq.s32 s10, $0x1;
	s10 =	sld [smem:$0x3FAC]  }
0x3d: {  	_ =	shalt  }
0x3e: {  	_ =	shalt  }
0x3f: {  	_ =	shalt  }
0x40: {  	_ =	shalt  }
0x41: {  	_ =	shalt  }
0x42: {  	_ =	shalt  }
0x43: {  	_ =	shalt  }
0x44: {  	_ =	shalt  }
0x45: {  	_ =	shalt  }
0x46: {  	_ =	shalt  }
0x47: {  	_ =	shalt  }
0x48: {  	_ =	shalt  }
0x49: {  	_ =	shalt  }
0x4a: {  	_ =	shalt  }
0x4b: {  	_ =	shalt  }
0x4c: {  	_ =	shalt  }
0x4d: {  	_ =	shalt  }
0x4e: {  	_ =	shalt  }
0x4f: {  	_ =	shalt  }
0x50: {  	_ =	shalt  }
0x51: {  	_ =	shalt  }
0x52: {  	_ =	shalt  }
0x53: {  	_ =	shalt  }
0x54: {  	_ =	shalt  }
0x55: {  	_ =	shalt  }
0x56: {  	_ =	shalt  }
0x57: {  	_ =	shalt  }
0x58: {  	_ =	shalt  }
0x59: {  	_ =	shalt  }
0x5a: {  	_ =	shalt  }
0x5b: {  	_ =	shalt  }
0x5c: {  	_ =	shalt  }
0x5d: {  	_ =	shalt  }
0x5e: {  	_ =	shalt  }
0x5f: {  	_ =	shalt  }
0x60: {  	_ =	shalt  }
0x61: {  	_ =	shalt  }
0x62: {  	_ =	shalt  }
0x63: {  	_ =	shalt  }
0x64: {  	_ =	shalt  }
0x65: {  	_ =	shalt  }
0x66: {  	_ =	shalt  }
0x67: {  	_ =	shalt  }
0x68: {  	_ =	shalt  }
0x69: {  	_ =	shalt  }
0x6a: {  	_ =	shalt  }
0x6b: {  	_ =	shalt  }
0x6c: {  	_ =	shalt  }
0x6d: {  	_ =	shalt  }
0x6e: {  	_ =	shalt  }
0x6f: {  	_ =	shalt  }
0x70: {  	_ =	shalt  }
0x71: {  	_ =	shalt  }
0x72: {  	_ =	shalt  }
0x73: {  	_ =	shalt  }
0x74: {  	_ =	shalt  }
0x75: {  	_ =	shalt  }
0x76: {  	_ =	shalt  }
0x77: {  	_ =	shalt  }
0x78: {  	_ =	shalt  }
0x79: {  	_ =	shalt  }
0x7a: {  	_ =	shalt  }
0x7b: {  	_ =	shalt  }
0x7c: {  	_ =	shalt  }
0x7d: {  	_ =	shalt  }
0x7e: {  	_ =	shalt  }
0x7f: {  	_ =	shalt  }
0x80: {  	_ =	shalt  }
0x81: {  	_ =	shalt  }
0x82: {  	_ =	shalt  }
0x83: {  	_ =	shalt  }
0x84: {  	_ =	shalt  }
0x85: {  	_ =	shalt  }
0x86: {  	_ =	shalt  }
0x87: {  	_ =	shalt  }
.Lfunc_end0:
.L_simem_size_0:
called_computation.2_lowered:
.L_overlay_start_0:
0x88: {  	s2 =	sld [smem:$0x3FD9]  }
0x89: {  	s3 =	sld [smem:$0x3FFE];
	_ =	sdelay $0x1  }
0x8a: {  	s1 =	srdreg.scid  }
0x8b: {  	s0 =	sand.u32 $0x1, s1  }
0x8c: {  	s16 =	sshll.u32 s0, $0xA;
	s2 =	sadd.s32 s3, s2  }
0x8d: {  	s2 =	sadd.s32 s2, s16  }
0x8e: {  	[smem:$0x3FB8] =	sst s2  }
0x8f: {  	_ = 	snop  }
0x90: {  	(tm) =	ssettm $0x1  }
0x91: {  	s17 =	sld [smem:$0x3FFB];
	_ =	sdelay $0x3  }
0x92: {  	_ =	strace s17  }
0x93: {  	s2 =	sld [smem:$0x3FFC];
	_ =	sdelay $0x3  }
0x94: {  	_ =	strace s2  }
0x95: {  	s2 =	sld [smem:$0x3FFD];
	_ =	sdelay $0x3  }
0x96: {  	_ =	strace s2  }
0x97: {  	_ =	strace $0x8FFFFFFF  }
0x98: {  	s18 =	sld [smem:$0x3FDB];
	_ =	sdelay $0x1  }
0x99: {  	s19 =	simm.s32 $_scs_section_size  }
0x9a: {  	s4 =	simm.s32 $_size__tile_overlayer_lowered;
	s5 =	simm.s32 $_tile_overlayer_lowered  }
0x9b: {  	s22 =	simm.s32 $0x1BFF;
	s21 =	sshll.u32 s5, $0x1;
	s2 =	sadd.s32 s19, s18  }
0x9c: {  	s6 =	simm.s32 $0x0;
	s20 =	sshll.u32 s4, $0x1;
	s4 =	sadd.s32 s21, s2  }
0x9d: {  	[timem:s6], [sflag:s22] =	dma.local [hbm:s4], s20  }
0x9e: {  	_ =	swait.ge [sflag:s22], s20  }
0x9f: {  	s3 =	ssub.s32 $0x0, s20;
	[sflag:s22] =	ssyncset.done $0x0  }
0xa0: {  	[sflag:s22] =	ssyncadd.s32 s3;
	_ =	sdelay $0x1  }
0xa1: {  	s23 =	simm.s32 $0x1B8B  }
0xa2: {  	_ =	swait.ge [sflag:s23], $0x1  }
0xa3: {  	[sflag:s23] =	ssyncset.done $0x0  }
0xa4: {  	s25 =	simm.s32 $0x1B8E;
	s24 =	sld [smem:$0x3FFE];
	[sflag:s23] =	ssyncadd.s32 $0xFFFFFFFF  }
0xa5: {  	s26 =	simm.s32 $execute0_lowered;
	[smem:$0x3FD2] =	sst s25  }
0xa6: {  	s4 =	sshll.u32 s26, $0x1;
	_ =	strace $0x8000004C;
	[dreg:$0x1] =	wrdreg $0xFFFFFFFF  }
0xa7: {  	s28 =	simm.s32 $_size_execute0_lowered;
	s2 =	sadd.s32 s2, s4;
	[dreg:$0x0] =	wrdreg $0x0  }
0xa8: {  	s4 =	sshll.u32 s28, $0x1;
	[dreg:$0x2] =	wrdreg s2  }
0xa9: {  	[dreg:$0x3] =	wrdreg s4  }
0xaa: {  	[dreg:$0x4] =	wrdreg $0xC0  }
0xab: {  	_ =	task [dreg:s6], $0x5FFFF  }
0xac: {  	[dreg:$0x1] =	wrdreg $0xFFFFFFFF  }
0xad: {  	[dreg:$0x0] =	wrdreg $0x60  }
0xae: {  	[dreg:$0x2] =	wrdreg s24  }
0xaf: {  	[dreg:$0x3] =	wrdreg $0xD0000  }
0xb0: {  	[dreg:$0x4] =	wrdreg $0xF7800  }
0xb1: {  	[dreg:$0x5] =	wrdreg $0x9  }
0xb2: {  	_ =	task.clear_ibuf [dreg:s6], $0x6FFFF;
	_ =	strace $0x9000004C  }
0xb3: {  	s29 =	simm.s32 $0x9;
	_ =	strace $0x8000004E  }
0xb4: {  	_ =	swait.ge [sflag:s29], $0x1  }
0xb5: {  	[sflag:s29] =	ssyncadd.s32 $0xFFFFFFFF  }
0xb6: {  	_ =	strace $0x9000004E  }
0xb7: {  	_ =	sfence  }
0xb8: {  	s30 =	sld [smem:$0x0];
	_ =	sdelay $0x2  }
0xb9: {  	s31 =	sshll.u32 s1, $0xD;
	s1 =	sshrl.u32 s1, $0x2  }
0xba: {  	s3 =	sand.u32 $0x4000, s31;
	s1 =	sadd.s32 s1, s30  }
0xbb: {  	s0 =	sor.u32 s3, s0;
	s1 =	sshll.u32 s1, $0x11  }
0xbc: {  	s0 =	sor.u32 s1, s0  }
0xbd: {  	s0 =	sadd.s32 $0x8F2B, s0  }
0xbe: {  	[sflag:s0] =	ssyncadd.remote.s32 $0x1  }
0xbf: {  	_ =	sfence.sel $0xFFFF  }
0xc0: {  	[dreg:$0x0] =	wrdreg $0xFFFFFFFF;
	(pc) =	sbr.abs _section_cstart, $3  }
0xc1: {  	[dreg:$0x1] =	wrdreg $0xFFFFFFFF  }
0xc2: {  	_ =	task.clear_ibuf [dreg:s6], $0x2FFFF;
	_ =	strace $0x9FFFFFFF  }
0xc3: {  	(tm) =	ssettm $0x7FFFFFFF  }
tec
execute0_lowered:
.L_overlay_start_1:
0x0: {  	(tag) =	ssettag $0x1  }
0x1: {  	s28 =	rddreg [dreg:$0x0]  }
0x2: {  	s2 =	rddreg [dreg:$0x1]  }
0x3: {  	s3 =	rddreg [dreg:$0x2];
	s4 =	simm.s32 $0x0  }
0x4: {  	s11 =	simm.s32 $0x2A00;
	[smem:$0x7FF] =	sst s4  }
0x5: {  	s12 =	simm.s32 $0x2C00;
	_ =	strace $0x8000004D;
	[dreg:$0xc] =	wrdreg s11  }
0x6: {  	s13 =	simm.s32 $0x2E00;
	[dreg:$0xd] =	wrdreg s12  }
0x7: {  	s14 =	simm.s32 $0x800;
	[dreg:$0xe] =	wrdreg s13  }
0x8: {  	s15 =	simm.s32 $0xA00;
	[dreg:$0xf] =	wrdreg s14  }
0x9: {  	s16 =	simm.s32 $0xC00;
	[dreg:$0x10] =	wrdreg s15  }
0xa: {  	s17 =	simm.s32 $0xE00;
	[dreg:$0x11] =	wrdreg s16  }
0xb: {  	s18 =	simm.s32 $0x3000;
	[dreg:$0x12] =	wrdreg s17  }
0xc: {  	s19 =	simm.s32 $0x3200;
	[dreg:$0x13] =	wrdreg s18  }
0xd: {  	s20 =	simm.s32 $0x3400;
	[dreg:$0x14] =	wrdreg s19  }
0xe: {  	s21 =	simm.s32 $0x3600;
	[dreg:$0x15] =	wrdreg s20  }
0xf: {  	s22 =	simm.s32 $0x1000;
	[dreg:$0x16] =	wrdreg s21  }
0x10: {  	s23 =	simm.s32 $0x1200;
	[dreg:$0x17] =	wrdreg s22  }
0x11: {  	s24 =	simm.s32 $0x1400;
	[dreg:$0x18] =	wrdreg s23  }
0x12: {  	s0 =	stileid.u32;
	s25 =	simm.s32 $0x1600;
	[dreg:$0x19] =	wrdreg s24  }
0x13: {  	s26 =	simm.s32 $0x3800;
	s30 =	sshll.u32 s0, $0x6;
	[dreg:$0x1a] =	wrdreg s25  }
0x14: {  	s10 =	sor.u32 $0x1C05, s30;
	[dreg:$0x1b] =	wrdreg s26  }
0x15: {  	s11 =	simm.s32 $0x1C00;
	[dreg:$0x4] =	wrdreg s10  }
0x16: {  	s12 =	simm.s32 $0x1E00;
	[smem:$0x7F6] =	sst s11  }
0x17: {  	s13 =	simm.s32 $0x4000;
	[smem:$0x7F7] =	sst s12  }
0x18: {  	s14 =	simm.s32 $0x4200;
	[smem:$0x7F8] =	sst s13  }
0x19: {  	s15 =	simm.s32 $0x4400;
	[smem:$0x7F9] =	sst s14  }
0x1a: {  	s16 =	simm.s32 $0x4600;
	[smem:$0x7FA] =	sst s15  }
0x1b: {  	s18 =	simm.s32 $0x2000;
	[smem:$0x7FB] =	sst s16  }
0x1c: {  	s6 =	smul.u32 $0x2780, s0;
	s20 =	simm.s32 $0x2200;
	[smem:$0x7FC] =	sst s18  }
0x1d: {  	s1 =	srdreg.scid;
	s10 =	simm.s32 $0x600;
	[smem:$0x7FD] =	sst s20  }
0x1e: {  	s31 =	sand.u32 $0x1, s1;
	s9 =	sadd.s32 s6, s2;
	[dreg:$0xb] =	wrdreg s10  }
0x1f: {  	s5 =	sshll.u32 s31, $0x4;
	s1 =	sshrl.u32 s9, $0x3;
	s19 =	rddreg [dreg:$0x4]  }
0x20: {  	p0 =	seq.s32 s31, $0x0;
	s9 =	simm.s32 $0x400;
	[dreg:$0x8] =	wrdreg s1  }
0x21: {  	s5 =	sor.u32 s0, s5;
	s10 =	simm.s32 $0x1A00;
	[dreg:$0xa] =	wrdreg s9  }
0x22: {  	s5 =	smul.u32 $0x500, s5;
	s1 =	simm.s32 $0x3C00;
	[smem:$0x7F5] =	sst s10  }
0x23: {  	s29 =	sshrl.u32 s6, $0x3;
	s9 =	simm.s32 $0x1800;
	[dreg:$0x1d] =	wrdreg s1  }
0x24: {  	s7 =	sadd.s32 s29, s28;
	s8 =	sadd.s32 s5, s28;
	[dreg:$0x1f] =	wrdreg s9  }
0x25: {  	s5 =	sadd.s32 $0x20E00, s7;
	s17 =	rddreg [dreg:$0x8];
	s0 =	sadd.s32 $0x11E00, s8  }
0x26: {  	s7 =	sadd.s32 $0x1BE00, s7;
	s8 =	sadd.s32 $0x7E00, s8;
	[dreg:$0x5] =	wrdreg s0  }
0x27: {  	s7 =	smov.u32 @p0 s5;
	[dreg:$0x6] =	wrdreg s8  }
0x28: {  	[dreg:$0x7] =	wrdreg s7;
	s8 =	sor.u32 $0x1C06, s30  }
0x29: {  	s0 =	simm.s32 $0x3A00;
	[dreg:$0x9] =	wrdreg s8  }
0x2a: {  	[dreg:$0x1c] =	wrdreg s0;
	s8 =	simm.s32 $0x3E00  }
0x2b: {  	[dreg:$0x1e] =	wrdreg s8  }
0x2c: {  	[spmem:s17], [sflag:s19] =	dma.local [hbm:s5], $0x4F0  }
0x2d: {  	s6 =	sadd.s32 s6, s3;
	s7 =	rddreg [dreg:$0x7]  }
0x2e: {  	s6 =	sshrl.u32 s6, $0x3;
	s21 =	rddreg [dreg:$0x9]  }
0x2f: {  	[spmem:s6], [sflag:s21] =	dma.local [hbm:s7], $0x4F0  }
0x30: {  	s7 =	rddreg [dreg:$0x5]  }
0x31: {  	[tilespmem:s4], [sflag:$0x7] =	stream.linear.gather [hbm4b:s7+s4], $0x2800, $0x38;
	[tilespmem:$0x11F00] =	vst v63  }
0x32: {  	s8 =	simm.s32 $0x5;
	s22 =	rddreg [dreg:$0x6];
	s7 =	simm.s32 $0x2800  }
0x33: {  	[tilespmem:s7], [sflag:$0x8] =	stream.linear.gather [hbm4b:s22+s4], $0x2800, $0x38;
	[tilespmem:$0x11F00] =	vst v63  }
0x34: {  	_ =	swait.ge [sflag:s8], $0x4F0  }
0x35: {  	[sflag:s8] =	ssyncset.done $0x0  }
0x36: {  	s9 =	simm.s32 $0x6;
	[sflag:s8] =	ssyncadd.s32 $0xFFFFFB10  }
0x37: {  	_ =	swait.ge [sflag:s9], $0x4F0  }
0x38: {  	[sflag:s9] =	ssyncset.done $0x0  }
0x39: {  	s10 =	simm.s32 $0x7;
	[sflag:s9] =	ssyncadd.s32 $0xFFFFFB10  }
0x3a: {  	_ =	swait.ge [sflag:s10], $0x2800  }
0x3b: {  	[sflag:s10] =	ssyncset.done $0x0  }
0x3c: {  	s11 =	simm.s32 $0x8;
	[sflag:s10] =	ssyncadd.s32 $0xFFFFD800  }
0x3d: {  	_ =	swait.ge [sflag:s11], $0x2800  }
0x3e: {  	[sflag:s11] =	ssyncset.done $0x0  }
0x3f: {  	[sflag:s11] =	ssyncadd.s32 $0xFFFFD800  }
0x40: {  	s12 =	simm.s32 $0x200;
	s13 =	simm.s32 $0x5000;
	[bflag:$0x0] =	sbarrier.arrive $0xFFFF  }
0x41: {  	[tilespmem:s13], [sflag:$0x5] =	stream.indirect.gather [spmem:s2], $0x10, s4, s12, $0xb8;
	[tilespmem:$0x11F00] =	vst v63  }
0x42: {  	s14 =	simm.s32 $0x7000  }
0x43: {  	[tilespmem:s14], [sflag:$0x6] =	stream.indirect.gather [spmem:s2], $0x10, s12, s12, $0xb8;
	[tilespmem:$0x11F00] =	vst v63  }
0x44: {  	s15 =	simm.s32 $0x9000;
	s16 =	rddreg [dreg:$0xa]  }
0x45: {  	[tilespmem:s15], [sflag:$0x7] =	stream.indirect.gather [spmem:s2], $0x10, s16, s12, $0xb8;
	[tilespmem:$0x11F00] =	vst v63  }
0x46: {  	s17 =	rddreg [dreg:$0xb];
	s16 =	simm.s32 $0xB000  }
0x47: {  	[tilespmem:s16], [sflag:$0x8] =	stream.indirect.gather [spmem:s2], $0x10, s17, s12, $0xb8;
	[tilespmem:$0x11F00] =	vst v63  }
0x48: {  	_ =	swait.ge [sflag:s8], $0x2000  }
0x49: {  	[sflag:s8] =	ssyncset.done $0x0  }
0x4a: {  	[sflag:s8] =	ssyncadd.s32 $0xFFFFE000  }
0x4b: {  	[spmem:s3] =	stream.indirect.scatter.add.f32 [tilespmem:s13], [sflag:$0x1], $0x10, s7, s12, $0xb8;
	[tilespmem:$0x11F00] =	vst v63  }
0x4c: {  	_ =	swait.ge [sflag:s9], $0x2000  }
0x4d: {  	[sflag:s9] =	ssyncset.done $0x0  }
0x4e: {  	s23 =	rddreg [dreg:$0xc];
	[sflag:s9] =	ssyncadd.s32 $0xFFFFE000  }
0x4f: {  	[spmem:s3] =	stream.indirect.scatter.add.f32 [tilespmem:s14], [sflag:$0x2], $0x10, s23, s12, $0xb8;
	[tilespmem:$0x11F00] =	vst v63  }
0x50: {  	_ =	swait.ge [sflag:s10], $0x2000  }
0x51: {  	[sflag:s10] =	ssyncset.done $0x0  }
0x52: {  	s24 =	rddreg [dreg:$0xd];
	[sflag:s10] =	ssyncadd.s32 $0xFFFFE000  }
0x53: {  	[spmem:s3] =	stream.indirect.scatter.add.f32 [tilespmem:s15], [sflag:$0x3], $0x10, s24, s12, $0xb8;
	[tilespmem:$0x11F00] =	vst v63  }
0x54: {  	_ =	swait.ge [sflag:s11], $0x2000  }
0x55: {  	[sflag:s11] =	ssyncset.done $0x0  }
0x56: {  	s17 =	simm.s32 $0x1;
	s18 =	rddreg [dreg:$0xe];
	[sflag:s11] =	ssyncadd.s32 $0xFFFFE000  }
0x57: {  	[spmem:s3] =	stream.indirect.scatter.add.f32 [tilespmem:s16], [sflag:$0x4], $0x10, s18, s12, $0xb8;
	[tilespmem:$0x11F00] =	vst v63  }
0x58: {  	_ =	swait.ge [sflag:s17], $0x2000  }
0x59: {  	[sflag:s17] =	ssyncset.done $0x0  }
0x5a: {  	s18 =	simm.s32 $0x2;
	s19 =	rddreg [dreg:$0xf];
	[sflag:s17] =	ssyncadd.s32 $0xFFFFE000  }
0x5b: {  	[tilespmem:s13], [sflag:$0x5] =	stream.indirect.gather [spmem:s2], $0x10, s19, s12, $0xb8;
	[tilespmem:$0x11F00] =	vst v63  }
0x5c: {  	_ =	swait.ge [sflag:s18], $0x2000  }
0x5d: {  	[sflag:s18] =	ssyncset.done $0x0  }
0x5e: {  	s19 =	simm.s32 $0x3;
	s20 =	rddreg [dreg:$0x10];
	[sflag:s18] =	ssyncadd.s32 $0xFFFFE000  }
0x5f: {  	[tilespmem:s14], [sflag:$0x6] =	stream.indirect.gather [spmem:s2], $0x10, s20, s12, $0xb8;
	[tilespmem:$0x11F00] =	vst v63  }
0x60: {  	_ =	swait.ge [sflag:s19], $0x2000  }
0x61: {  	[sflag:s19] =	ssyncset.done $0x0  }
0x62: {  	s20 =	simm.s32 $0x4;
	s21 =	rddreg [dreg:$0x11];
	[sflag:s19] =	ssyncadd.s32 $0xFFFFE000  }
0x63: {  	[tilespmem:s15], [sflag:$0x7] =	stream.indirect.gather [spmem:s2], $0x10, s21, s12, $0xb8;
	[tilespmem:$0x11F00] =	vst v63  }
0x64: {  	_ =	swait.ge [sflag:s20], $0x2000  }
0x65: {  	[sflag:s20] =	ssyncset.done $0x0  }
0x66: {  	s25 =	rddreg [dreg:$0x12];
	[sflag:s20] =	ssyncadd.s32 $0xFFFFE000  }
0x67: {  	[tilespmem:s16], [sflag:$0x8] =	stream.indirect.gather [spmem:s2], $0x10, s25, s12, $0xb8;
	[tilespmem:$0x11F00] =	vst v63  }
0x68: {  	_ =	swait.ge [sflag:s8], $0x2000  }
0x69: {  	[sflag:s8] =	ssyncset.done $0x0  }
0x6a: {  	s26 =	rddreg [dreg:$0x13];
	[sflag:s8] =	ssyncadd.s32 $0xFFFFE000  }
0x6b: {  	[spmem:s3] =	stream.indirect.scatter.add.f32 [tilespmem:s13], [sflag:$0x1], $0x10, s26, s12, $0xb8;
	[tilespmem:$0x11F00] =	vst v63  }
0x6c: {  	_ =	swait.ge [sflag:s9], $0x2000  }
0x6d: {  	[sflag:s9] =	ssyncset.done $0x0  }
0x6e: {  	s0 =	rddreg [dreg:$0x14];
	[sflag:s9] =	ssyncadd.s32 $0xFFFFE000  }
0x6f: {  	[spmem:s3] =	stream.indirect.scatter.add.f32 [tilespmem:s14], [sflag:$0x2], $0x10, s0, s12, $0xb8;
	[tilespmem:$0x11F00] =	vst v63  }
0x70: {  	_ =	swait.ge [sflag:s10], $0x2000  }
0x71: {  	[sflag:s10] =	ssyncset.done $0x0  }
0x72: {  	s1 =	rddreg [dreg:$0x15];
	[sflag:s10] =	ssyncadd.s32 $0xFFFFE000  }
0x73: {  	[spmem:s3] =	stream.indirect.scatter.add.f32 [tilespmem:s15], [sflag:$0x3], $0x10, s1, s12, $0xb8;
	[tilespmem:$0x11F00] =	vst v63  }
0x74: {  	_ =	swait.ge [sflag:s11], $0x2000  }
0x75: {  	[sflag:s11] =	ssyncset.done $0x0  }
0x76: {  	s22 =	rddreg [dreg:$0x16];
	[sflag:s11] =	ssyncadd.s32 $0xFFFFE000  }
0x77: {  	[spmem:s3] =	stream.indirect.scatter.add.f32 [tilespmem:s16], [sflag:$0x4], $0x10, s22, s12, $0xb8;
	[tilespmem:$0x11F00] =	vst v63  }
0x78: {  	_ =	swait.ge [sflag:s17], $0x2000  }
0x79: {  	[sflag:s17] =	ssyncset.done $0x0  }
0x7a: {  	s23 =	rddreg [dreg:$0x17];
	[sflag:s17] =	ssyncadd.s32 $0xFFFFE000  }
0x7b: {  	[tilespmem:s13], [sflag:$0x5] =	stream.indirect.gather [spmem:s2], $0x10, s23, s12, $0xb8;
	[tilespmem:$0x11F00] =	vst v63  }
0x7c: {  	_ =	swait.ge [sflag:s18], $0x2000  }
0x7d: {  	[sflag:s18] =	ssyncset.done $0x0  }
0x7e: {  	s24 =	rddreg [dreg:$0x18];
	[sflag:s18] =	ssyncadd.s32 $0xFFFFE000  }
0x7f: {  	[tilespmem:s14], [sflag:$0x6] =	stream.indirect.gather [spmem:s2], $0x10, s24, s12, $0xb8;
	[tilespmem:$0x11F00] =	vst v63  }
0x80: {  	_ =	swait.ge [sflag:s19], $0x2000  }
0x81: {  	[sflag:s19] =	ssyncset.done $0x0  }
0x82: {  	s25 =	rddreg [dreg:$0x19];
	[sflag:s19] =	ssyncadd.s32 $0xFFFFE000  }
0x83: {  	[tilespmem:s15], [sflag:$0x7] =	stream.indirect.gather [spmem:s2], $0x10, s25, s12, $0xb8;
	[tilespmem:$0x11F00] =	vst v63  }
0x84: {  	_ =	swait.ge [sflag:s20], $0x2000  }
0x85: {  	[sflag:s20] =	ssyncset.done $0x0  }
0x86: {  	s26 =	rddreg [dreg:$0x1a];
	[sflag:s20] =	ssyncadd.s32 $0xFFFFE000  }
0x87: {  	[tilespmem:s16], [sflag:$0x8] =	stream.indirect.gather [spmem:s2], $0x10, s26, s12, $0xb8;
	[tilespmem:$0x11F00] =	vst v63  }
0x88: {  	_ =	swait.ge [sflag:s8], $0x2000  }
0x89: {  	[sflag:s8] =	ssyncset.done $0x0  }
0x8a: {  	s0 =	rddreg [dreg:$0x1b];
	[sflag:s8] =	ssyncadd.s32 $0xFFFFE000  }
0x8b: {  	[spmem:s3] =	stream.indirect.scatter.add.f32 [tilespmem:s13], [sflag:$0x1], $0x10, s0, s12, $0xb8;
	[tilespmem:$0x11F00] =	vst v63  }
0x8c: {  	_ =	swait.ge [sflag:s9], $0x2000  }
0x8d: {  	[sflag:s9] =	ssyncset.done $0x0  }
0x8e: {  	s1 =	rddreg [dreg:$0x1c];
	[sflag:s9] =	ssyncadd.s32 $0xFFFFE000  }
0x8f: {  	[spmem:s3] =	stream.indirect.scatter.add.f32 [tilespmem:s14], [sflag:$0x2], $0x10, s1, s12, $0xb8;
	[tilespmem:$0x11F00] =	vst v63  }
0x90: {  	_ =	swait.ge [sflag:s10], $0x2000  }
0x91: {  	[sflag:s10] =	ssyncset.done $0x0  }
0x92: {  	s22 =	rddreg [dreg:$0x1d];
	[sflag:s10] =	ssyncadd.s32 $0xFFFFE000  }
0x93: {  	[spmem:s3] =	stream.indirect.scatter.add.f32 [tilespmem:s15], [sflag:$0x3], $0x10, s22, s12, $0xb8;
	[tilespmem:$0x11F00] =	vst v63  }
0x94: {  	_ =	swait.ge [sflag:s11], $0x2000  }
0x95: {  	[sflag:s11] =	ssyncset.done $0x0  }
0x96: {  	s23 =	rddreg [dreg:$0x1e];
	[sflag:s11] =	ssyncadd.s32 $0xFFFFE000  }
0x97: {  	[spmem:s3] =	stream.indirect.scatter.add.f32 [tilespmem:s16], [sflag:$0x4], $0x10, s23, s12, $0xb8;
	[tilespmem:$0x11F00] =	vst v63  }
0x98: {  	_ =	swait.ge [sflag:s17], $0x2000  }
0x99: {  	[sflag:s17] =	ssyncset.done $0x0  }
0x9a: {  	s24 =	rddreg [dreg:$0x1f];
	[sflag:s17] =	ssyncadd.s32 $0xFFFFE000  }
0x9b: {  	[tilespmem:s13], [sflag:$0x5] =	stream.indirect.gather [spmem:s2], $0x10, s24, s12, $0xb8;
	[tilespmem:$0x11F00] =	vst v63  }
0x9c: {  	_ =	swait.ge [sflag:s18], $0x2000  }
0x9d: {  	s25 =	sld [smem:$0x7F5]  }
0x9e: {  	[sflag:s18] =	ssyncset.done $0x0  }
0x9f: {  	[sflag:s18] =	ssyncadd.s32 $0xFFFFE000  }
0xa0: {  	[tilespmem:s14], [sflag:$0x6] =	stream.indirect.gather [spmem:s2], $0x10, s25, s12, $0xb8;
	[tilespmem:$0x11F00] =	vst v63  }
0xa1: {  	_ =	swait.ge [sflag:s19], $0x2000  }
0xa2: {  	s26 =	sld [smem:$0x7F6]  }
0xa3: {  	[sflag:s19] =	ssyncset.done $0x0  }
0xa4: {  	[sflag:s19] =	ssyncadd.s32 $0xFFFFE000  }
0xa5: {  	[tilespmem:s15], [sflag:$0x7] =	stream.indirect.gather [spmem:s2], $0x10, s26, s12, $0xb8;
	[tilespmem:$0x11F00] =	vst v63  }
0xa6: {  	_ =	swait.ge [sflag:s20], $0x2000  }
0xa7: {  	s0 =	sld [smem:$0x7F7]  }
0xa8: {  	[sflag:s20] =	ssyncset.done $0x0  }
0xa9: {  	[sflag:s20] =	ssyncadd.s32 $0xFFFFE000  }
0xaa: {  	[tilespmem:s16], [sflag:$0x8] =	stream.indirect.gather [spmem:s2], $0x10, s0, s12, $0xb8;
	[tilespmem:$0x11F00] =	vst v63  }
0xab: {  	_ =	swait.ge [sflag:s8], $0x2000  }
0xac: {  	s1 =	sld [smem:$0x7F8]  }
0xad: {  	[sflag:s8] =	ssyncset.done $0x0  }
0xae: {  	[sflag:s8] =	ssyncadd.s32 $0xFFFFE000  }
0xaf: {  	[spmem:s3] =	stream.indirect.scatter.add.f32 [tilespmem:s13], [sflag:$0x1], $0x10, s1, s12, $0xb8;
	[tilespmem:$0x11F00] =	vst v63  }
0xb0: {  	_ =	swait.ge [sflag:s9], $0x2000  }
0xb1: {  	s22 =	sld [smem:$0x7F9]  }
0xb2: {  	[sflag:s9] =	ssyncset.done $0x0  }
0xb3: {  	[sflag:s9] =	ssyncadd.s32 $0xFFFFE000  }
0xb4: {  	[spmem:s3] =	stream.indirect.scatter.add.f32 [tilespmem:s14], [sflag:$0x2], $0x10, s22, s12, $0xb8;
	[tilespmem:$0x11F00] =	vst v63  }
0xb5: {  	_ =	swait.ge [sflag:s10], $0x2000  }
0xb6: {  	s23 =	sld [smem:$0x7FA]  }
0xb7: {  	[sflag:s10] =	ssyncset.done $0x0  }
0xb8: {  	[sflag:s10] =	ssyncadd.s32 $0xFFFFE000  }
0xb9: {  	[spmem:s3] =	stream.indirect.scatter.add.f32 [tilespmem:s15], [sflag:$0x3], $0x10, s23, s12, $0xb8;
	[tilespmem:$0x11F00] =	vst v63  }
0xba: {  	_ =	swait.ge [sflag:s11], $0x2000  }
0xbb: {  	s24 =	sld [smem:$0x7FB]  }
0xbc: {  	[sflag:s11] =	ssyncset.done $0x0  }
0xbd: {  	[sflag:s11] =	ssyncadd.s32 $0xFFFFE000  }
0xbe: {  	[spmem:s3] =	stream.indirect.scatter.add.f32 [tilespmem:s16], [sflag:$0x4], $0x10, s24, s12, $0xb8;
	[tilespmem:$0x11F00] =	vst v63  }
0xbf: {  	_ =	swait.ge [sflag:s17], $0x2000  }
0xc0: {  	s25 =	sld [smem:$0x7FC]  }
0xc1: {  	[sflag:s17] =	ssyncset.done $0x0  }
0xc2: {  	[sflag:s17] =	ssyncadd.s32 $0xFFFFE000  }
0xc3: {  	[tilespmem:s13], [sflag:$0x5] =	stream.indirect.gather [spmem:s2], $0x10, s25, s12, $0xb8;
	[tilespmem:$0x11F00] =	vst v63  }
0xc4: {  	_ =	swait.ge [sflag:s18], $0x2000  }
0xc5: {  	s26 =	sld [smem:$0x7FD]  }
0xc6: {  	[sflag:s18] =	ssyncset.done $0x0  }
0xc7: {  	[sflag:s18] =	ssyncadd.s32 $0xFFFFE000  }
0xc8: {  	[tilespmem:s14], [sflag:$0x6] =	stream.indirect.gather [spmem:s2], $0x10, s26, s12, $0xb8;
	[tilespmem:$0x11F00] =	vst v63  }
0xc9: {  	_ =	swait.ge [sflag:s19], $0x2000  }
0xca: {  	[sflag:s19] =	ssyncset.done $0x0  }
0xcb: {  	s21 =	simm.s32 $0x2400;
	[sflag:s19] =	ssyncadd.s32 $0xFFFFE000  }
0xcc: {  	[tilespmem:s15], [sflag:$0x7] =	stream.indirect.gather [spmem:s2], $0x10, s21, s12, $0xb8;
	[tilespmem:$0x11F00] =	vst v63  }
0xcd: {  	_ =	swait.ge [sflag:s20], $0x2000  }
0xce: {  	[sflag:s20] =	ssyncset.done $0x0  }
0xcf: {  	s22 =	simm.s32 $0x2600;
	[sflag:s20] =	ssyncadd.s32 $0xFFFFE000  }
0xd0: {  	[tilespmem:s16], [sflag:$0x8] =	stream.indirect.gather [spmem:s2], $0x10, s22, s12, $0xb8;
	[tilespmem:$0x11F00] =	vst v63  }
0xd1: {  	_ =	swait.ge [sflag:s8], $0x2000  }
0xd2: {  	[sflag:s8] =	ssyncset.done $0x0  }
0xd3: {  	s23 =	simm.s32 $0x4800;
	[sflag:s8] =	ssyncadd.s32 $0xFFFFE000  }
0xd4: {  	[spmem:s3] =	stream.indirect.scatter.add.f32 [tilespmem:s13], [sflag:$0x1], $0x10, s23, s12, $0xb8;
	[tilespmem:$0x11F00] =	vst v63  }
0xd5: {  	_ =	swait.ge [sflag:s9], $0x2000  }
0xd6: {  	[sflag:s9] =	ssyncset.done $0x0  }
0xd7: {  	s24 =	simm.s32 $0x4A00;
	[sflag:s9] =	ssyncadd.s32 $0xFFFFE000  }
0xd8: {  	[spmem:s3] =	stream.indirect.scatter.add.f32 [tilespmem:s14], [sflag:$0x2], $0x10, s24, s12, $0xb8;
	[tilespmem:$0x11F00] =	vst v63  }
0xd9: {  	_ =	swait.ge [sflag:s10], $0x2000  }
0xda: {  	[sflag:s10] =	ssyncset.done $0x0  }
0xdb: {  	s25 =	simm.s32 $0x4C00;
	[sflag:s10] =	ssyncadd.s32 $0xFFFFE000  }
0xdc: {  	[spmem:s3] =	stream.indirect.scatter.add.f32 [tilespmem:s15], [sflag:$0x3], $0x10, s25, s12, $0xb8;
	[tilespmem:$0x11F00] =	vst v63  }
0xdd: {  	_ =	swait.ge [sflag:s11], $0x2000  }
0xde: {  	[sflag:s11] =	ssyncset.done $0x0  }
0xdf: {  	s26 =	simm.s32 $0x4E00;
	[sflag:s11] =	ssyncadd.s32 $0xFFFFE000  }
0xe0: {  	[spmem:s3] =	stream.indirect.scatter.add.f32 [tilespmem:s16], [sflag:$0x4], $0x10, s26, s12, $0xb8;
	[tilespmem:$0x11F00] =	vst v63  }
0xe1: {  	_ =	swait.ge [sflag:s17], $0x2000  }
0xe2: {  	[sflag:s17] =	ssyncset.done $0x0  }
0xe3: {  	s31 =	ssub.s32 $0x2, s31;
	[sflag:s17] =	ssyncadd.s32 $0xFFFFE000  }
0xe4: {  	s0 =	sshrl.u32 s31, $0x1;
	_ =	swait.ge [sflag:s18], $0x2000  }
0xe5: {  	s0 =	ssub.s32 s31, s0;
	[sflag:s18] =	ssyncset.done $0x0  }
0xe6: {  	s1 =	sadd.s32 $0x25E00, s28;
	s28 =	sadd.s32 $0x2AE00, s28;
	[sflag:s18] =	ssyncadd.s32 $0xFFFFE000  }
0xe7: {  	s0 =	smax.u32 s0, $0x1;
	s28 =	smov.u32 @p0 s1;
	_ =	swait.ge [sflag:s19], $0x2000  }
0xe8: {  	s28 =	sadd.s32 s28, s29;
	s29 =	sadd.s32 $0xFFFFFFFF, s0;
	[sflag:s19] =	ssyncset.done $0x0  }
0xe9: {  	p0 =	sne.s32 s29, $0x0;
	[sflag:s19] =	ssyncadd.s32 $0xFFFFE000  }
.Ltmp0:
0xea: {  	_ =	swait.ge [sflag:s20], $0x2000;
	(pc) =	sbr.rel @!p0 .LBB2_2-.Ltmp0, $4  }
0xeb: {  	[sflag:s20] =	ssyncset.done $0x0  }
0xec: {  	[sflag:s20] =	ssyncadd.s32 $0xFFFFE000  }
0xed: {  	s31 =	sor.u32 $0x1C09, s30;
	s30 =	simm.s32 $0x9;
	[bflag:$0x0] =	sbarrier.arrive $0xFFFF  }
0xee: {  	[hbm:s28], [sflag:s31] =	dma.local [spmem:s6], $0x4F0  }
.LBB2_1:
0xef: {  	_ =	swait.ge [sflag:s30], $0x4F0  }
0xf0: {  	s0 =	rddreg [dreg:$0x8];
	[sflag:s30] =	ssyncset.done $0x0  }
0xf1: {  	s1 =	rddreg [dreg:$0x4];
	[sflag:s30] =	ssyncadd.s32 $0xFFFFFB10  }
0xf2: {  	[spmem:s0], [sflag:s1] =	dma.local [hbm:s5], $0x4F0  }
0xf3: {  	s0 =	rddreg [dreg:$0x7]  }
0xf4: {  	s1 =	rddreg [dreg:$0x9]  }
0xf5: {  	[spmem:s6], [sflag:s1] =	dma.local [hbm:s0], $0x4F0  }
0xf6: {  	s0 =	rddreg [dreg:$0x5]  }
0xf7: {  	[tilespmem:s4], [sflag:$0x7] =	stream.linear.gather [hbm4b:s0+s4], $0x2800, $0x38;
	[tilespmem:$0x11F00] =	vst v63  }
0xf8: {  	s1 =	rddreg [dreg:$0x6]  }
0xf9: {  	[tilespmem:s7], [sflag:$0x8] =	stream.linear.gather [hbm4b:s1+s4], $0x2800, $0x38;
	[tilespmem:$0x11F00] =	vst v63  }
0xfa: {  	_ =	swait.ge [sflag:s8], $0x4F0  }
0xfb: {  	[sflag:s8] =	ssyncset.done $0x0  }
0xfc: {  	[sflag:s8] =	ssyncadd.s32 $0xFFFFFB10  }
0xfd: {  	_ =	swait.ge [sflag:s9], $0x4F0  }
0xfe: {  	[sflag:s9] =	ssyncset.done $0x0  }
0xff: {  	[sflag:s9] =	ssyncadd.s32 $0xFFFFFB10  }
0x100: {  	_ =	swait.ge [sflag:s10], $0x2800  }
0x101: {  	[sflag:s10] =	ssyncset.done $0x0  }
0x102: {  	[sflag:s10] =	ssyncadd.s32 $0xFFFFD800  }
0x103: {  	_ =	swait.ge [sflag:s11], $0x2800  }
0x104: {  	[sflag:s11] =	ssyncset.done $0x0  }
0x105: {  	[sflag:s11] =	ssyncadd.s32 $0xFFFFD800  }
0x106: {  	[bflag:$0x0] =	sbarrier.arrive $0xFFFF  }
0x107: {  	[tilespmem:s13], [sflag:$0x5] =	stream.indirect.gather [spmem:s2], $0x10, s4, s12, $0xb8;
	[tilespmem:$0x11F00] =	vst v63  }
0x108: {  	_ = 	snop  }
0x109: {  	[tilespmem:s14], [sflag:$0x6] =	stream.indirect.gather [spmem:s2], $0x10, s12, s12, $0xb8;
	[tilespmem:$0x11F00] =	vst v63  }
0x10a: {  	s0 =	rddreg [dreg:$0xa]  }
0x10b: {  	[tilespmem:s15], [sflag:$0x7] =	stream.indirect.gather [spmem:s2], $0x10, s0, s12, $0xb8;
	[tilespmem:$0x11F00] =	vst v63  }
0x10c: {  	s1 =	rddreg [dreg:$0xb]  }
0x10d: {  	[tilespmem:s16], [sflag:$0x8] =	stream.indirect.gather [spmem:s2], $0x10, s1, s12, $0xb8;
	[tilespmem:$0x11F00] =	vst v63  }
0x10e: {  	_ =	swait.ge [sflag:s8], $0x2000  }
0x10f: {  	[sflag:s8] =	ssyncset.done $0x0  }
0x110: {  	[sflag:s8] =	ssyncadd.s32 $0xFFFFE000  }
0x111: {  	[spmem:s3] =	stream.indirect.scatter.add.f32 [tilespmem:s13], [sflag:$0x1], $0x10, s7, s12, $0xb8;
	[tilespmem:$0x11F00] =	vst v63  }
0x112: {  	_ =	swait.ge [sflag:s9], $0x2000  }
0x113: {  	[sflag:s9] =	ssyncset.done $0x0  }
0x114: {  	s1 =	rddreg [dreg:$0xc];
	[sflag:s9] =	ssyncadd.s32 $0xFFFFE000  }
0x115: {  	[spmem:s3] =	stream.indirect.scatter.add.f32 [tilespmem:s14], [sflag:$0x2], $0x10, s1, s12, $0xb8;
	[tilespmem:$0x11F00] =	vst v63  }
0x116: {  	_ =	swait.ge [sflag:s10], $0x2000  }
0x117: {  	[sflag:s10] =	ssyncset.done $0x0  }
0x118: {  	s1 =	rddreg [dreg:$0xd];
	[sflag:s10] =	ssyncadd.s32 $0xFFFFE000  }
0x119: {  	[spmem:s3] =	stream.indirect.scatter.add.f32 [tilespmem:s15], [sflag:$0x3], $0x10, s1, s12, $0xb8;
	[tilespmem:$0x11F00] =	vst v63  }
0x11a: {  	_ =	swait.ge [sflag:s11], $0x2000  }
0x11b: {  	[sflag:s11] =	ssyncset.done $0x0  }
0x11c: {  	s1 =	rddreg [dreg:$0xe];
	[sflag:s11] =	ssyncadd.s32 $0xFFFFE000  }
0x11d: {  	[spmem:s3] =	stream.indirect.scatter.add.f32 [tilespmem:s16], [sflag:$0x4], $0x10, s1, s12, $0xb8;
	[tilespmem:$0x11F00] =	vst v63  }
0x11e: {  	_ =	swait.ge [sflag:s17], $0x2000  }
0x11f: {  	[sflag:s17] =	ssyncset.done $0x0  }
0x120: {  	s1 =	rddreg [dreg:$0xf];
	[sflag:s17] =	ssyncadd.s32 $0xFFFFE000  }
0x121: {  	[tilespmem:s13], [sflag:$0x5] =	stream.indirect.gather [spmem:s2], $0x10, s1, s12, $0xb8;
	[tilespmem:$0x11F00] =	vst v63  }
0x122: {  	_ =	swait.ge [sflag:s18], $0x2000  }
0x123: {  	[sflag:s18] =	ssyncset.done $0x0  }
0x124: {  	s1 =	rddreg [dreg:$0x10];
	[sflag:s18] =	ssyncadd.s32 $0xFFFFE000  }
0x125: {  	[tilespmem:s14], [sflag:$0x6] =	stream.indirect.gather [spmem:s2], $0x10, s1, s12, $0xb8;
	[tilespmem:$0x11F00] =	vst v63  }
0x126: {  	_ =	swait.ge [sflag:s19], $0x2000  }
0x127: {  	[sflag:s19] =	ssyncset.done $0x0  }
0x128: {  	s1 =	rddreg [dreg:$0x11];
	[sflag:s19] =	ssyncadd.s32 $0xFFFFE000  }
0x129: {  	[tilespmem:s15], [sflag:$0x7] =	stream.indirect.gather [spmem:s2], $0x10, s1, s12, $0xb8;
	[tilespmem:$0x11F00] =	vst v63  }
0x12a: {  	_ =	swait.ge [sflag:s20], $0x2000  }
0x12b: {  	[sflag:s20] =	ssyncset.done $0x0  }
0x12c: {  	s1 =	rddreg [dreg:$0x12];
	[sflag:s20] =	ssyncadd.s32 $0xFFFFE000  }
0x12d: {  	[tilespmem:s16], [sflag:$0x8] =	stream.indirect.gather [spmem:s2], $0x10, s1, s12, $0xb8;
	[tilespmem:$0x11F00] =	vst v63  }
0x12e: {  	_ =	swait.ge [sflag:s8], $0x2000  }
0x12f: {  	[sflag:s8] =	ssyncset.done $0x0  }
0x130: {  	s1 =	rddreg [dreg:$0x13];
	[sflag:s8] =	ssyncadd.s32 $0xFFFFE000  }
0x131: {  	[spmem:s3] =	stream.indirect.scatter.add.f32 [tilespmem:s13], [sflag:$0x1], $0x10, s1, s12, $0xb8;
	[tilespmem:$0x11F00] =	vst v63  }
0x132: {  	_ =	swait.ge [sflag:s9], $0x2000  }
0x133: {  	[sflag:s9] =	ssyncset.done $0x0  }
0x134: {  	s1 =	rddreg [dreg:$0x14];
	[sflag:s9] =	ssyncadd.s32 $0xFFFFE000  }
0x135: {  	[spmem:s3] =	stream.indirect.scatter.add.f32 [tilespmem:s14], [sflag:$0x2], $0x10, s1, s12, $0xb8;
	[tilespmem:$0x11F00] =	vst v63  }
0x136: {  	_ =	swait.ge [sflag:s10], $0x2000  }
0x137: {  	[sflag:s10] =	ssyncset.done $0x0  }
0x138: {  	s1 =	rddreg [dreg:$0x15];
	[sflag:s10] =	ssyncadd.s32 $0xFFFFE000  }
0x139: {  	[spmem:s3] =	stream.indirect.scatter.add.f32 [tilespmem:s15], [sflag:$0x3], $0x10, s1, s12, $0xb8;
	[tilespmem:$0x11F00] =	vst v63  }
0x13a: {  	_ =	swait.ge [sflag:s11], $0x2000  }
0x13b: {  	[sflag:s11] =	ssyncset.done $0x0  }
0x13c: {  	s1 =	rddreg [dreg:$0x16];
	[sflag:s11] =	ssyncadd.s32 $0xFFFFE000  }
0x13d: {  	[spmem:s3] =	stream.indirect.scatter.add.f32 [tilespmem:s16], [sflag:$0x4], $0x10, s1, s12, $0xb8;
	[tilespmem:$0x11F00] =	vst v63  }
0x13e: {  	_ =	swait.ge [sflag:s17], $0x2000  }
0x13f: {  	[sflag:s17] =	ssyncset.done $0x0  }
0x140: {  	s1 =	rddreg [dreg:$0x17];
	[sflag:s17] =	ssyncadd.s32 $0xFFFFE000  }
0x141: {  	[tilespmem:s13], [sflag:$0x5] =	stream.indirect.gather [spmem:s2], $0x10, s1, s12, $0xb8;
	[tilespmem:$0x11F00] =	vst v63  }
0x142: {  	_ =	swait.ge [sflag:s18], $0x2000  }
0x143: {  	[sflag:s18] =	ssyncset.done $0x0  }
0x144: {  	s1 =	rddreg [dreg:$0x18];
	[sflag:s18] =	ssyncadd.s32 $0xFFFFE000  }
0x145: {  	[tilespmem:s14], [sflag:$0x6] =	stream.indirect.gather [spmem:s2], $0x10, s1, s12, $0xb8;
	[tilespmem:$0x11F00] =	vst v63  }
0x146: {  	_ =	swait.ge [sflag:s19], $0x2000  }
0x147: {  	[sflag:s19] =	ssyncset.done $0x0  }
0x148: {  	s1 =	rddreg [dreg:$0x19];
	[sflag:s19] =	ssyncadd.s32 $0xFFFFE000  }
0x149: {  	[tilespmem:s15], [sflag:$0x7] =	stream.indirect.gather [spmem:s2], $0x10, s1, s12, $0xb8;
	[tilespmem:$0x11F00] =	vst v63  }
0x14a: {  	_ =	swait.ge [sflag:s20], $0x2000  }
0x14b: {  	[sflag:s20] =	ssyncset.done $0x0  }
0x14c: {  	s1 =	rddreg [dreg:$0x1a];
	[sflag:s20] =	ssyncadd.s32 $0xFFFFE000  }
0x14d: {  	[tilespmem:s16], [sflag:$0x8] =	stream.indirect.gather [spmem:s2], $0x10, s1, s12, $0xb8;
	[tilespmem:$0x11F00] =	vst v63  }
0x14e: {  	_ =	swait.ge [sflag:s8], $0x2000  }
0x14f: {  	[sflag:s8] =	ssyncset.done $0x0  }
0x150: {  	s1 =	rddreg [dreg:$0x1b];
	[sflag:s8] =	ssyncadd.s32 $0xFFFFE000  }
0x151: {  	[spmem:s3] =	stream.indirect.scatter.add.f32 [tilespmem:s13], [sflag:$0x1], $0x10, s1, s12, $0xb8;
	[tilespmem:$0x11F00] =	vst v63  }
0x152: {  	_ =	swait.ge [sflag:s9], $0x2000  }
0x153: {  	[sflag:s9] =	ssyncset.done $0x0  }
0x154: {  	s1 =	rddreg [dreg:$0x1c];
	[sflag:s9] =	ssyncadd.s32 $0xFFFFE000  }
0x155: {  	[spmem:s3] =	stream.indirect.scatter.add.f32 [tilespmem:s14], [sflag:$0x2], $0x10, s1, s12, $0xb8;
	[tilespmem:$0x11F00] =	vst v63  }
0x156: {  	_ =	swait.ge [sflag:s10], $0x2000  }
0x157: {  	[sflag:s10] =	ssyncset.done $0x0  }
0x158: {  	s1 =	rddreg [dreg:$0x1d];
	[sflag:s10] =	ssyncadd.s32 $0xFFFFE000  }
0x159: {  	[spmem:s3] =	stream.indirect.scatter.add.f32 [tilespmem:s15], [sflag:$0x3], $0x10, s1, s12, $0xb8;
	[tilespmem:$0x11F00] =	vst v63  }
0x15a: {  	_ =	swait.ge [sflag:s11], $0x2000  }
0x15b: {  	[sflag:s11] =	ssyncset.done $0x0  }
0x15c: {  	s1 =	rddreg [dreg:$0x1e];
	[sflag:s11] =	ssyncadd.s32 $0xFFFFE000  }
0x15d: {  	[spmem:s3] =	stream.indirect.scatter.add.f32 [tilespmem:s16], [sflag:$0x4], $0x10, s1, s12, $0xb8;
	[tilespmem:$0x11F00] =	vst v63  }
0x15e: {  	_ =	swait.ge [sflag:s17], $0x2000  }
0x15f: {  	[sflag:s17] =	ssyncset.done $0x0  }
0x160: {  	s1 =	rddreg [dreg:$0x1f];
	[sflag:s17] =	ssyncadd.s32 $0xFFFFE000  }
0x161: {  	[tilespmem:s13], [sflag:$0x5] =	stream.indirect.gather [spmem:s2], $0x10, s1, s12, $0xb8;
	[tilespmem:$0x11F00] =	vst v63  }
0x162: {  	_ =	swait.ge [sflag:s18], $0x2000  }
0x163: {  	s1 =	sld [smem:$0x7F5]  }
0x164: {  	[sflag:s18] =	ssyncset.done $0x0  }
0x165: {  	[sflag:s18] =	ssyncadd.s32 $0xFFFFE000  }
0x166: {  	[tilespmem:s14], [sflag:$0x6] =	stream.indirect.gather [spmem:s2], $0x10, s1, s12, $0xb8;
	[tilespmem:$0x11F00] =	vst v63  }
0x167: {  	_ =	swait.ge [sflag:s19], $0x2000  }
0x168: {  	s1 =	sld [smem:$0x7F6]  }
0x169: {  	[sflag:s19] =	ssyncset.done $0x0  }
0x16a: {  	[sflag:s19] =	ssyncadd.s32 $0xFFFFE000  }
0x16b: {  	[tilespmem:s15], [sflag:$0x7] =	stream.indirect.gather [spmem:s2], $0x10, s1, s12, $0xb8;
	[tilespmem:$0x11F00] =	vst v63  }
0x16c: {  	_ =	swait.ge [sflag:s20], $0x2000  }
0x16d: {  	s1 =	sld [smem:$0x7F7]  }
0x16e: {  	[sflag:s20] =	ssyncset.done $0x0  }
0x16f: {  	[sflag:s20] =	ssyncadd.s32 $0xFFFFE000  }
0x170: {  	[tilespmem:s16], [sflag:$0x8] =	stream.indirect.gather [spmem:s2], $0x10, s1, s12, $0xb8;
	[tilespmem:$0x11F00] =	vst v63  }
0x171: {  	_ =	swait.ge [sflag:s8], $0x2000  }
0x172: {  	s1 =	sld [smem:$0x7F8]  }
0x173: {  	[sflag:s8] =	ssyncset.done $0x0  }
0x174: {  	[sflag:s8] =	ssyncadd.s32 $0xFFFFE000  }
0x175: {  	[spmem:s3] =	stream.indirect.scatter.add.f32 [tilespmem:s13], [sflag:$0x1], $0x10, s1, s12, $0xb8;
	[tilespmem:$0x11F00] =	vst v63  }
0x176: {  	_ =	swait.ge [sflag:s9], $0x2000  }
0x177: {  	s1 =	sld [smem:$0x7F9]  }
0x178: {  	[sflag:s9] =	ssyncset.done $0x0  }
0x179: {  	[sflag:s9] =	ssyncadd.s32 $0xFFFFE000  }
0x17a: {  	[spmem:s3] =	stream.indirect.scatter.add.f32 [tilespmem:s14], [sflag:$0x2], $0x10, s1, s12, $0xb8;
	[tilespmem:$0x11F00] =	vst v63  }
0x17b: {  	_ =	swait.ge [sflag:s10], $0x2000  }
0x17c: {  	s1 =	sld [smem:$0x7FA]  }
0x17d: {  	[sflag:s10] =	ssyncset.done $0x0  }
0x17e: {  	[sflag:s10] =	ssyncadd.s32 $0xFFFFE000  }
0x17f: {  	[spmem:s3] =	stream.indirect.scatter.add.f32 [tilespmem:s15], [sflag:$0x3], $0x10, s1, s12, $0xb8;
	[tilespmem:$0x11F00] =	vst v63  }
0x180: {  	_ =	swait.ge [sflag:s11], $0x2000  }
0x181: {  	s1 =	sld [smem:$0x7FB]  }
0x182: {  	[sflag:s11] =	ssyncset.done $0x0  }
0x183: {  	[sflag:s11] =	ssyncadd.s32 $0xFFFFE000  }
0x184: {  	[spmem:s3] =	stream.indirect.scatter.add.f32 [tilespmem:s16], [sflag:$0x4], $0x10, s1, s12, $0xb8;
	[tilespmem:$0x11F00] =	vst v63  }
0x185: {  	_ =	swait.ge [sflag:s17], $0x2000  }
0x186: {  	s1 =	sld [smem:$0x7FC]  }
0x187: {  	[sflag:s17] =	ssyncset.done $0x0  }
0x188: {  	[sflag:s17] =	ssyncadd.s32 $0xFFFFE000  }
0x189: {  	[tilespmem:s13], [sflag:$0x5] =	stream.indirect.gather [spmem:s2], $0x10, s1, s12, $0xb8;
	[tilespmem:$0x11F00] =	vst v63  }
0x18a: {  	_ =	swait.ge [sflag:s18], $0x2000  }
0x18b: {  	s1 =	sld [smem:$0x7FD]  }
0x18c: {  	[sflag:s18] =	ssyncset.done $0x0  }
0x18d: {  	[sflag:s18] =	ssyncadd.s32 $0xFFFFE000  }
0x18e: {  	[tilespmem:s14], [sflag:$0x6] =	stream.indirect.gather [spmem:s2], $0x10, s1, s12, $0xb8;
	[tilespmem:$0x11F00] =	vst v63  }
0x18f: {  	_ =	swait.ge [sflag:s19], $0x2000  }
0x190: {  	[sflag:s19] =	ssyncset.done $0x0  }
0x191: {  	[sflag:s19] =	ssyncadd.s32 $0xFFFFE000  }
0x192: {  	[tilespmem:s15], [sflag:$0x7] =	stream.indirect.gather [spmem:s2], $0x10, s21, s12, $0xb8;
	[tilespmem:$0x11F00] =	vst v63  }
0x193: {  	_ =	swait.ge [sflag:s20], $0x2000  }
0x194: {  	[sflag:s20] =	ssyncset.done $0x0  }
0x195: {  	[sflag:s20] =	ssyncadd.s32 $0xFFFFE000  }
0x196: {  	[tilespmem:s16], [sflag:$0x8] =	stream.indirect.gather [spmem:s2], $0x10, s22, s12, $0xb8;
	[tilespmem:$0x11F00] =	vst v63  }
0x197: {  	_ =	swait.ge [sflag:s8], $0x2000  }
0x198: {  	[sflag:s8] =	ssyncset.done $0x0  }
0x199: {  	[sflag:s8] =	ssyncadd.s32 $0xFFFFE000  }
0x19a: {  	[spmem:s3] =	stream.indirect.scatter.add.f32 [tilespmem:s13], [sflag:$0x1], $0x10, s23, s12, $0xb8;
	[tilespmem:$0x11F00] =	vst v63  }
0x19b: {  	_ =	swait.ge [sflag:s9], $0x2000  }
0x19c: {  	[sflag:s9] =	ssyncset.done $0x0  }
0x19d: {  	[sflag:s9] =	ssyncadd.s32 $0xFFFFE000  }
0x19e: {  	[spmem:s3] =	stream.indirect.scatter.add.f32 [tilespmem:s14], [sflag:$0x2], $0x10, s24, s12, $0xb8;
	[tilespmem:$0x11F00] =	vst v63  }
0x19f: {  	_ =	swait.ge [sflag:s10], $0x2000  }
0x1a0: {  	[sflag:s10] =	ssyncset.done $0x0  }
0x1a1: {  	[sflag:s10] =	ssyncadd.s32 $0xFFFFE000  }
0x1a2: {  	[spmem:s3] =	stream.indirect.scatter.add.f32 [tilespmem:s15], [sflag:$0x3], $0x10, s25, s12, $0xb8;
	[tilespmem:$0x11F00] =	vst v63  }
0x1a3: {  	_ =	swait.ge [sflag:s11], $0x2000  }
0x1a4: {  	[sflag:s11] =	ssyncset.done $0x0  }
0x1a5: {  	[sflag:s11] =	ssyncadd.s32 $0xFFFFE000  }
0x1a6: {  	[spmem:s3] =	stream.indirect.scatter.add.f32 [tilespmem:s16], [sflag:$0x4], $0x10, s26, s12, $0xb8;
	[tilespmem:$0x11F00] =	vst v63  }
0x1a7: {  	_ =	swait.ge [sflag:s17], $0x2000  }
0x1a8: {  	[sflag:s17] =	ssyncset.done $0x0  }
0x1a9: {  	[sflag:s17] =	ssyncadd.s32 $0xFFFFE000  }
0x1aa: {  	_ =	swait.ge [sflag:s18], $0x2000  }
0x1ab: {  	[sflag:s18] =	ssyncset.done $0x0  }
0x1ac: {  	[sflag:s18] =	ssyncadd.s32 $0xFFFFE000  }
0x1ad: {  	_ =	swait.ge [sflag:s19], $0x2000  }
0x1ae: {  	s29 =	sadd.s32 $0xFFFFFFFF, s29;
	[sflag:s19] =	ssyncset.done $0x0  }
0x1af: {  	p0 =	sne.s32 s29, $0x0;
	[sflag:s19] =	ssyncadd.s32 $0xFFFFE000  }
.Ltmp1:
0x1b0: {  	_ =	swait.ge [sflag:s20], $0x2000;
	(pc) =	sbr.rel @p0 .LBB2_1-.Ltmp1, $4  }
0x1b1: {  	[sflag:s20] =	ssyncset.done $0x0  }
0x1b2: {  	[sflag:s20] =	ssyncadd.s32 $0xFFFFE000  }
0x1b3: {  	[bflag:$0x0] =	sbarrier.arrive $0xFFFF  }
0x1b4: {  	[hbm:s28], [sflag:s31] =	dma.local [spmem:s6], $0x4F0  }
.LBB2_2:
0x1b5: {  	_ =	swait.ge [sflag:s30], $0x4F0  }
0x1b6: {  	[sflag:s30] =	ssyncset.done $0x0  }
0x1b7: {  	[sflag:s30] =	ssyncadd.s32 $0xFFFFFB10  }
0x1b8: {  	_ =	sfence.sel $0x180000  }
0x1b9: {  	[bflag:$0x0] =	sbarrier.arrive $0xFFFF  }
0x1ba: {  	_ =	strace $0x9000004D  }
0x1bb: {  	s0 =	stileid.u32;
	[bflag:$0x2] =	sbarrier.arrive $0xFFFF  }
0x1bc: {  	p0 =	sne.s32 s0, $0x0;
	s0 =	rddreg [dreg:$0x3]  }
0x1bd: {  	s0 =	sadd.s32 @!p0 $0x100000, s0  }
0x1be: {  	[sflag:s0] =	ssyncadd.tile.s32 @!p0 $0x1;
	_ =	shalt  }
.Lfunc_end2:
_tile_overlayer_lowered:
.L_overlay_start_2:
0x1bf: {  	(tag) =	ssettag $0x2  }
0x1c0: {  	s0 =	rddreg [dreg:$0x0];
	s2 =	stileid.u32  }
0x1c1: {  	s1 =	rddreg [dreg:$0x1];
	p0 =	sne.s32 s2, $0x0  }
0x1c2: {  	s3 =	rddreg [dreg:$0x2];
	[bflag:$0x3] =	sbarrier.arrive $0xFFFF;
	s2 =	simm.s32 @!p0 $0x1C09  }
0x1c3: {  	[timem:s3], [sflag:s2] =	dma.local @!p0 [hbm:s0], s1  }
0x1c4: {  	s0 =	simm.s32 @!p0 $0x9  }
0x1c5: {  	_ =	swait.ge @!p0 [sflag:s0], s1  }
0x1c6: {  	s1 =	ssub.s32 @!p0 $0x0, s1;
	[sflag:s0] =	ssyncset.done @!p0 $0x0  }
0x1c7: {  	[sflag:s0] =	ssyncadd.s32 @!p0 s1  }
0x1c8: {  	[bflag:$0x3] =	sbarrier.arrive $0xFFFF  }
0x1c9: {  	_ =	shalt  }

// kernel: kernel.25.cloned.1.call-start
scs
__scs_entry_jumppad:
0x0: {  	(pc) =	sbr.rel $0x88, $3  }
0x1: {  	(tag) =	ssettag $0x0;
	lr =	simm.s32 $0x1  }
0x2: {  	[smem:$0x3F91] =	sst lr;
	_ =	strace $0xD0000000  }
0x3: {  	_ = 	snop  }
0x4: {  	_ = 	snop  }
0x5: {  	_ = 	snop  }
0x6: {  	_ = 	snop  }
0x7: {  	_ = 	snop  }
__scs_overlays_trampoline_lowered:
0x8: {  	[smem:$0x3FA0] =	sst s0  }
0x9: {  	[smem:$0x3FA1] =	sst s1  }
0xa: {  	[smem:$0x3FA2] =	sst s2  }
0xb: {  	[smem:$0x3FA3] =	sst s3  }
0xc: {  	[smem:$0x3FA4] =	sst s4  }
0xd: {  	[smem:$0x3FA5] =	sst s5  }
0xe: {  	[smem:$0x3FA6] =	sst s6  }
0xf: {  	[smem:$0x3FA7] =	sst s7  }
0x10: {  	[smem:$0x3FA8] =	sst s8  }
0x11: {  	[smem:$0x3FA9] =	sst s9;
	s0 =	simm.s32 @!p0 $0x0  }
0x12: {  	s1 =	sld [smem:$0x3F8F];
	s0 =	simm.s32 @p0 $0x1  }
0x13: {  	[smem:$0x3FAA] =	sst s0;
	s0 =	simm.s32 @!p1 $0x0  }
0x14: {  	s2 =	sld [smem:$0x3F8E];
	s0 =	simm.s32 @p1 $0x1  }
0x15: {  	[smem:$0x3FAB] =	sst s0;
	s0 =	simm.s32 @!p2 $0x0  }
0x16: {  	s3 =	sld [smem:$0x3FDB];
	s0 =	simm.s32 @p2 $0x1  }
0x17: {  	s4 =	simm.s32 $0x1BF5;
	[smem:$0x3FAD] =	sst s0  }
0x18: {  	s0 =	sld [smem:$0x3F90];
	_ =	swait.ge [sflag:s4], $0x0  }
0x19: {  	s7 =	sld [smem:$0x3F91]  }
0x1a: {  	s8 =	sadd.s32 $0xFFFFE003, lr  }
0x1b: {  	s9 =	sadd.s32 $0xFFFFFEF7, lr;
	s5 =	simm.s32 $0xFFFFFFFF;
	p2 =	slt.u32 s8, $0xFFFFF086  }
0x1c: {  	p1 =	slt.u32 s9, $0xF7A;
	s5 =	simm.s32 @!p2 $0x0  }
0x1d: {  	s5 =	simm.s32 @p1 $0x1;
	p0 =	seq.s32 s7, s2  }
0x1e: {  	s7 =	smul.u32 @!p0 $0xF7A, s2;
	p2 =	seq.s32 @!p0 s5, $0x0  }
0x1f: {  	s9 =	smul.u32 $0xF7A, s1;
	s8 =	simm.s32 @!p0 $0x1BF5;
	p2 =	por !p2, p0  }
0x20: {  	[sflag:s8] =	ssyncset.s32 @!p0 $0xFFFFF086;
	s6 =	sadd.s32 @!p0 s3, s7;
	s7 =	simm.s32 @!p0 $0x108  }
0x21: {  	s3 =	sadd.s32 s3, s9;
	s6 =	sadd.s32 @!p0 $0x88, s6;
	s7 =	simm.s32 @p2 $0x1082  }
0x22: {  	[simem:s7], [sflag:s8] =	dma.local @!p0 [hbm:s6], $0xF7A  }
0x23: {  	s9 =	sor.u32 $0xD0000000, s2;
	s6 =	simm.s32 $0x108;
	_ =	swait.ge @!p0 [sflag:s8], $0x0  }
0x24: {  	s3 =	sadd.s32 $0x88, s3;
	s6 =	simm.s32 @!p1 $0x1082;
	[sflag:s4] =	ssyncset.s32 $0xFFFFF086  }
0x25: {  	[simem:s6], [sflag:s4] =	dma.local [hbm:s3], $0xF7A  }
0x26: {  	[smem:$0x3F91] =	sst s1;
	(tag) =	ssettag s2;
	_ =	strace s9  }
0x27: {  	s1 =	sld [smem:$0x3FA1]  }
0x28: {  	s2 =	sld [smem:$0x3FA2]  }
0x29: {  	s4 =	sld [smem:$0x3FA4]  }
0x2a: {  	p0 =	seq.s32 s5, $0x0;
	s5 =	sld [smem:$0x3FA5]  }
0x2b: {  	s6 =	sld [smem:$0x3FA6]  }
0x2c: {  	s7 =	sld [smem:$0x3FA7]  }
0x2d: {  	s3 =	simm.s32 $0x108;
	s8 =	sld [smem:$0x3FA8]  }
0x2e: {  	s3 =	simm.s32 @!p0 $0x1082;
	s9 =	sld [smem:$0x3FA9]  }
0x2f: {  	lr =	sadd.s32 s0, s3;
	s0 =	sld [smem:$0x3FA0]  }
0x30: {  	s3 =	sld [smem:$0x3FA3]  }
0x31: {  	[smem:$0x3FAC] =	sst s10  }
0x32: {  	s10 =	sld [smem:$0x3FAA];
	_ =	sdelay $0x3  }
0x33: {  	p0 =	seq.s32 s10, $0x1;
	s10 =	sld [smem:$0x3FAC];
	_ =	sdelay $0x3  }
0x34: {  	[smem:$0x3FAC] =	sst s10  }
0x35: {  	s10 =	sld [smem:$0x3FAB];
	_ =	sdelay $0x3  }
0x36: {  	p1 =	seq.s32 s10, $0x1;
	s10 =	sld [smem:$0x3FAC];
	_ =	sdelay $0x3  }
0x37: {  	[smem:$0x3FAC] =	sst s10  }
0x38: {  	s10 =	sld [smem:$0x3FAD]  }
0x39: {  	_ = 	snop;
	(pc) =	sbr.ind lr, $3  }
0x3a: {  	_ = 	snop  }
0x3b: {  	_ = 	snop  }
0x3c: {  	p2 =	seq.s32 s10, $0x1;
	s10 =	sld [smem:$0x3FAC]  }
0x3d: {  	_ =	shalt  }
0x3e: {  	_ =	shalt  }
0x3f: {  	_ =	shalt  }
0x40: {  	_ =	shalt  }
0x41: {  	_ =	shalt  }
0x42: {  	_ =	shalt  }
0x43: {  	_ =	shalt  }
0x44: {  	_ =	shalt  }
0x45: {  	_ =	shalt  }
0x46: {  	_ =	shalt  }
0x47: {  	_ =	shalt  }
0x48: {  	_ =	shalt  }
0x49: {  	_ =	shalt  }
0x4a: {  	_ =	shalt  }
0x4b: {  	_ =	shalt  }
0x4c: {  	_ =	shalt  }
0x4d: {  	_ =	shalt  }
0x4e: {  	_ =	shalt  }
0x4f: {  	_ =	shalt  }
0x50: {  	_ =	shalt  }
0x51: {  	_ =	shalt  }
0x52: {  	_ =	shalt  }
0x53: {  	_ =	shalt  }
0x54: {  	_ =	shalt  }
0x55: {  	_ =	shalt  }
0x56: {  	_ =	shalt  }
0x57: {  	_ =	shalt  }
0x58: {  	_ =	shalt  }
0x59: {  	_ =	shalt  }
0x5a: {  	_ =	shalt  }
0x5b: {  	_ =	shalt  }
0x5c: {  	_ =	shalt  }
0x5d: {  	_ =	shalt  }
0x5e: {  	_ =	shalt  }
0x5f: {  	_ =	shalt  }
0x60: {  	_ =	shalt  }
0x61: {  	_ =	shalt  }
0x62: {  	_ =	shalt  }
0x63: {  	_ =	shalt  }
0x64: {  	_ =	shalt  }
0x65: {  	_ =	shalt  }
0x66: {  	_ =	shalt  }
0x67: {  	_ =	shalt  }
0x68: {  	_ =	shalt  }
0x69: {  	_ =	shalt  }
0x6a: {  	_ =	shalt  }
0x6b: {  	_ =	shalt  }
0x6c: {  	_ =	shalt  }
0x6d: {  	_ =	shalt  }
0x6e: {  	_ =	shalt  }
0x6f: {  	_ =	shalt  }
0x70: {  	_ =	shalt  }
0x71: {  	_ =	shalt  }
0x72: {  	_ =	shalt  }
0x73: {  	_ =	shalt  }
0x74: {  	_ =	shalt  }
0x75: {  	_ =	shalt  }
0x76: {  	_ =	shalt  }
0x77: {  	_ =	shalt  }
0x78: {  	_ =	shalt  }
0x79: {  	_ =	shalt  }
0x7a: {  	_ =	shalt  }
0x7b: {  	_ =	shalt  }
0x7c: {  	_ =	shalt  }
0x7d: {  	_ =	shalt  }
0x7e: {  	_ =	shalt  }
0x7f: {  	_ =	shalt  }
0x80: {  	_ =	shalt  }
0x81: {  	_ =	shalt  }
0x82: {  	_ =	shalt  }
0x83: {  	_ =	shalt  }
0x84: {  	_ =	shalt  }
0x85: {  	_ =	shalt  }
0x86: {  	_ =	shalt  }
0x87: {  	_ =	shalt  }
.Lfunc_end0:
.L_simem_size_0:
called_computation.3_lowered:
.L_overlay_start_0:
0x88: {  	s2 =	sld [smem:$0x3FD9]  }
0x89: {  	s3 =	sld [smem:$0x3FFE];
	_ =	sdelay $0x1  }
0x8a: {  	s1 =	srdreg.scid  }
0x8b: {  	s0 =	sand.u32 $0x1, s1  }
0x8c: {  	s16 =	sshll.u32 s0, $0xA;
	s2 =	sadd.s32 s3, s2  }
0x8d: {  	s2 =	sadd.s32 s2, s16  }
0x8e: {  	[smem:$0x3FB8] =	sst s2  }
0x8f: {  	_ = 	snop  }
0x90: {  	(tm) =	ssettm $0x1  }
0x91: {  	s17 =	sld [smem:$0x3FFB];
	_ =	sdelay $0x3  }
0x92: {  	_ =	strace s17  }
0x93: {  	s2 =	sld [smem:$0x3FFC];
	_ =	sdelay $0x3  }
0x94: {  	_ =	strace s2  }
0x95: {  	s2 =	sld [smem:$0x3FFD];
	_ =	sdelay $0x3  }
0x96: {  	_ =	strace s2  }
0x97: {  	_ =	strace $0x8FFFFFFF  }
0x98: {  	s18 =	sld [smem:$0x3FDB];
	_ =	sdelay $0x1  }
0x99: {  	s19 =	simm.s32 $_scs_section_size  }
0x9a: {  	s4 =	simm.s32 $_size__tile_overlayer_lowered;
	s5 =	simm.s32 $_tile_overlayer_lowered  }
0x9b: {  	s22 =	simm.s32 $0x1BFF;
	s21 =	sshll.u32 s5, $0x1;
	s2 =	sadd.s32 s19, s18  }
0x9c: {  	s6 =	simm.s32 $0x0;
	s20 =	sshll.u32 s4, $0x1;
	s4 =	sadd.s32 s21, s2  }
0x9d: {  	[timem:s6], [sflag:s22] =	dma.local [hbm:s4], s20  }
0x9e: {  	_ =	swait.ge [sflag:s22], s20  }
0x9f: {  	s3 =	ssub.s32 $0x0, s20;
	[sflag:s22] =	ssyncset.done $0x0  }
0xa0: {  	[sflag:s22] =	ssyncadd.s32 s3;
	_ =	sdelay $0x1  }
0xa1: {  	s23 =	simm.s32 $0x1B8B  }
0xa2: {  	_ =	swait.ge [sflag:s23], $0x1  }
0xa3: {  	[sflag:s23] =	ssyncset.done $0x0  }
0xa4: {  	s25 =	simm.s32 $0x1B8E;
	s24 =	sld [smem:$0x3FFE];
	[sflag:s23] =	ssyncadd.s32 $0xFFFFFFFF  }
0xa5: {  	s26 =	simm.s32 $execute0_lowered;
	[smem:$0x3FD2] =	sst s25  }
0xa6: {  	s4 =	sshll.u32 s26, $0x1;
	_ =	strace $0x8000004F;
	[dreg:$0x1] =	wrdreg $0xFFFFFFFF  }
0xa7: {  	s28 =	simm.s32 $_size_execute0_lowered;
	s2 =	sadd.s32 s2, s4;
	[dreg:$0x0] =	wrdreg $0x0  }
0xa8: {  	s4 =	sshll.u32 s28, $0x1;
	[dreg:$0x2] =	wrdreg s2  }
0xa9: {  	[dreg:$0x3] =	wrdreg s4  }
0xaa: {  	[dreg:$0x4] =	wrdreg $0xC0  }
0xab: {  	_ =	task [dreg:s6], $0x5FFFF  }
0xac: {  	[dreg:$0x1] =	wrdreg $0xFFFFFFFF  }
0xad: {  	[dreg:$0x0] =	wrdreg $0x60  }
0xae: {  	[dreg:$0x2] =	wrdreg s24  }
0xaf: {  	[dreg:$0x3] =	wrdreg $0xD0000  }
0xb0: {  	[dreg:$0x4] =	wrdreg $0xF7800  }
0xb1: {  	[dreg:$0x5] =	wrdreg $0x9  }
0xb2: {  	_ =	task.clear_ibuf [dreg:s6], $0x6FFFF;
	_ =	strace $0x9000004F  }
0xb3: {  	s29 =	simm.s32 $0x9;
	_ =	strace $0x80000051  }
0xb4: {  	_ =	swait.ge [sflag:s29], $0x1  }
0xb5: {  	[sflag:s29] =	ssyncadd.s32 $0xFFFFFFFF  }
0xb6: {  	_ =	strace $0x90000051  }
0xb7: {  	_ =	sfence  }
0xb8: {  	s30 =	sld [smem:$0x0];
	_ =	sdelay $0x2  }
0xb9: {  	s31 =	sshll.u32 s1, $0xD;
	s1 =	sshrl.u32 s1, $0x2  }
0xba: {  	s3 =	sand.u32 $0x4000, s31;
	s1 =	sadd.s32 s1, s30  }
0xbb: {  	s0 =	sor.u32 s3, s0;
	s1 =	sshll.u32 s1, $0x11  }
0xbc: {  	s0 =	sor.u32 s1, s0  }
0xbd: {  	s0 =	sadd.s32 $0x8F2B, s0  }
0xbe: {  	[sflag:s0] =	ssyncadd.remote.s32 $0x1  }
0xbf: {  	_ =	sfence.sel $0xFFFF  }
0xc0: {  	[dreg:$0x0] =	wrdreg $0xFFFFFFFF;
	(pc) =	sbr.abs _section_cstart, $3  }
0xc1: {  	[dreg:$0x1] =	wrdreg $0xFFFFFFFF  }
0xc2: {  	_ =	task.clear_ibuf [dreg:s6], $0x2FFFF;
	_ =	strace $0x9FFFFFFF  }
0xc3: {  	(tm) =	ssettm $0x7FFFFFFF  }
tec
execute0_lowered:
.L_overlay_start_1:
0x0: {  	(tag) =	ssettag $0x1  }
0x1: {  	s28 =	rddreg [dreg:$0x0]  }
0x2: {  	s2 =	rddreg [dreg:$0x1]  }
0x3: {  	s3 =	rddreg [dreg:$0x2];
	s4 =	simm.s32 $0x0  }
0x4: {  	s11 =	simm.s32 $0x2A00;
	[smem:$0x7FF] =	sst s4  }
0x5: {  	s12 =	simm.s32 $0x2C00;
	_ =	strace $0x80000050;
	[dreg:$0xc] =	wrdreg s11  }
0x6: {  	s13 =	simm.s32 $0x2E00;
	[dreg:$0xd] =	wrdreg s12  }
0x7: {  	s14 =	simm.s32 $0x800;
	[dreg:$0xe] =	wrdreg s13  }
0x8: {  	s15 =	simm.s32 $0xA00;
	[dreg:$0xf] =	wrdreg s14  }
0x9: {  	s16 =	simm.s32 $0xC00;
	[dreg:$0x10] =	wrdreg s15  }
0xa: {  	s17 =	simm.s32 $0xE00;
	[dreg:$0x11] =	wrdreg s16  }
0xb: {  	s18 =	simm.s32 $0x3000;
	[dreg:$0x12] =	wrdreg s17  }
0xc: {  	s19 =	simm.s32 $0x3200;
	[dreg:$0x13] =	wrdreg s18  }
0xd: {  	s20 =	simm.s32 $0x3400;
	[dreg:$0x14] =	wrdreg s19  }
0xe: {  	s21 =	simm.s32 $0x3600;
	[dreg:$0x15] =	wrdreg s20  }
0xf: {  	s22 =	simm.s32 $0x1000;
	[dreg:$0x16] =	wrdreg s21  }
0x10: {  	s23 =	simm.s32 $0x1200;
	[dreg:$0x17] =	wrdreg s22  }
0x11: {  	s24 =	simm.s32 $0x1400;
	[dreg:$0x18] =	wrdreg s23  }
0x12: {  	s0 =	stileid.u32;
	s25 =	simm.s32 $0x1600;
	[dreg:$0x19] =	wrdreg s24  }
0x13: {  	s26 =	simm.s32 $0x3800;
	s30 =	sshll.u32 s0, $0x6;
	[dreg:$0x1a] =	wrdreg s25  }
0x14: {  	s10 =	sor.u32 $0x1C05, s30;
	[dreg:$0x1b] =	wrdreg s26  }
0x15: {  	s11 =	simm.s32 $0x1C00;
	[dreg:$0x4] =	wrdreg s10  }
0x16: {  	s12 =	simm.s32 $0x1E00;
	[smem:$0x7F6] =	sst s11  }
0x17: {  	s13 =	simm.s32 $0x4000;
	[smem:$0x7F7] =	sst s12  }
0x18: {  	s14 =	simm.s32 $0x4200;
	[smem:$0x7F8] =	sst s13  }
0x19: {  	s15 =	simm.s32 $0x4400;
	[smem:$0x7F9] =	sst s14  }
0x1a: {  	s16 =	simm.s32 $0x4600;
	[smem:$0x7FA] =	sst s15  }
0x1b: {  	s18 =	simm.s32 $0x2000;
	[smem:$0x7FB] =	sst s16  }
0x1c: {  	s6 =	smul.u32 $0x2780, s0;
	s20 =	simm.s32 $0x2200;
	[smem:$0x7FC] =	sst s18  }
0x1d: {  	s1 =	srdreg.scid;
	s10 =	simm.s32 $0x600;
	[smem:$0x7FD] =	sst s20  }
0x1e: {  	s31 =	sand.u32 $0x1, s1;
	s9 =	sadd.s32 s6, s2;
	[dreg:$0xb] =	wrdreg s10  }
0x1f: {  	s5 =	sshll.u32 s31, $0x4;
	s1 =	sshrl.u32 s9, $0x3;
	s19 =	rddreg [dreg:$0x4]  }
0x20: {  	p0 =	seq.s32 s31, $0x0;
	s9 =	simm.s32 $0x400;
	[dreg:$0x8] =	wrdreg s1  }
0x21: {  	s5 =	sor.u32 s0, s5;
	s10 =	simm.s32 $0x1A00;
	[dreg:$0xa] =	wrdreg s9  }
0x22: {  	s5 =	smul.u32 $0x500, s5;
	s1 =	simm.s32 $0x3C00;
	[smem:$0x7F5] =	sst s10  }
0x23: {  	s29 =	sshrl.u32 s6, $0x3;
	s9 =	simm.s32 $0x1800;
	[dreg:$0x1d] =	wrdreg s1  }
0x24: {  	s7 =	sadd.s32 s29, s28;
	s8 =	sadd.s32 s5, s28;
	[dreg:$0x1f] =	wrdreg s9  }
0x25: {  	s5 =	sadd.s32 $0x20E00, s7;
	s17 =	rddreg [dreg:$0x8];
	s0 =	sadd.s32 $0x7E00, s8  }
0x26: {  	s7 =	sadd.s32 $0x1BE00, s7;
	s8 =	sadd.s32 $0x11E00, s8;
	[dreg:$0x5] =	wrdreg s0  }
0x27: {  	s7 =	smov.u32 @p0 s5;
	[dreg:$0x6] =	wrdreg s8  }
0x28: {  	[dreg:$0x7] =	wrdreg s7;
	s8 =	sor.u32 $0x1C06, s30  }
0x29: {  	s0 =	simm.s32 $0x3A00;
	[dreg:$0x9] =	wrdreg s8  }
0x2a: {  	[dreg:$0x1c] =	wrdreg s0;
	s8 =	simm.s32 $0x3E00  }
0x2b: {  	[dreg:$0x1e] =	wrdreg s8  }
0x2c: {  	[spmem:s17], [sflag:s19] =	dma.local [hbm:s5], $0x4F0  }
0x2d: {  	s6 =	sadd.s32 s6, s3;
	s7 =	rddreg [dreg:$0x7]  }
0x2e: {  	s6 =	sshrl.u32 s6, $0x3;
	s21 =	rddreg [dreg:$0x9]  }
0x2f: {  	[spmem:s6], [sflag:s21] =	dma.local [hbm:s7], $0x4F0  }
0x30: {  	s7 =	rddreg [dreg:$0x5]  }
0x31: {  	[tilespmem:s4], [sflag:$0x7] =	stream.linear.gather [hbm4b:s7+s4], $0x2800, $0x38;
	[tilespmem:$0x11F00] =	vst v63  }
0x32: {  	s8 =	simm.s32 $0x5;
	s22 =	rddreg [dreg:$0x6];
	s7 =	simm.s32 $0x2800  }
0x33: {  	[tilespmem:s7], [sflag:$0x8] =	stream.linear.gather [hbm4b:s22+s4], $0x2800, $0x38;
	[tilespmem:$0x11F00] =	vst v63  }
0x34: {  	_ =	swait.ge [sflag:s8], $0x4F0  }
0x35: {  	[sflag:s8] =	ssyncset.done $0x0  }
0x36: {  	s9 =	simm.s32 $0x6;
	[sflag:s8] =	ssyncadd.s32 $0xFFFFFB10  }
0x37: {  	_ =	swait.ge [sflag:s9], $0x4F0  }
0x38: {  	[sflag:s9] =	ssyncset.done $0x0  }
0x39: {  	s10 =	simm.s32 $0x7;
	[sflag:s9] =	ssyncadd.s32 $0xFFFFFB10  }
0x3a: {  	_ =	swait.ge [sflag:s10], $0x2800  }
0x3b: {  	[sflag:s10] =	ssyncset.done $0x0  }
0x3c: {  	s11 =	simm.s32 $0x8;
	[sflag:s10] =	ssyncadd.s32 $0xFFFFD800  }
0x3d: {  	_ =	swait.ge [sflag:s11], $0x2800  }
0x3e: {  	[sflag:s11] =	ssyncset.done $0x0  }
0x3f: {  	[sflag:s11] =	ssyncadd.s32 $0xFFFFD800  }
0x40: {  	s12 =	simm.s32 $0x200;
	s13 =	simm.s32 $0x5000;
	[bflag:$0x0] =	sbarrier.arrive $0xFFFF  }
0x41: {  	[tilespmem:s13], [sflag:$0x5] =	stream.indirect.gather [spmem:s2], $0x10, s4, s12, $0xb8;
	[tilespmem:$0x11F00] =	vst v63  }
0x42: {  	s14 =	simm.s32 $0x7000  }
0x43: {  	[tilespmem:s14], [sflag:$0x6] =	stream.indirect.gather [spmem:s2], $0x10, s12, s12, $0xb8;
	[tilespmem:$0x11F00] =	vst v63  }
0x44: {  	s15 =	simm.s32 $0x9000;
	s16 =	rddreg [dreg:$0xa]  }
0x45: {  	[tilespmem:s15], [sflag:$0x7] =	stream.indirect.gather [spmem:s2], $0x10, s16, s12, $0xb8;
	[tilespmem:$0x11F00] =	vst v63  }
0x46: {  	s17 =	rddreg [dreg:$0xb];
	s16 =	simm.s32 $0xB000  }
0x47: {  	[tilespmem:s16], [sflag:$0x8] =	stream.indirect.gather [spmem:s2], $0x10, s17, s12, $0xb8;
	[tilespmem:$0x11F00] =	vst v63  }
0x48: {  	_ =	swait.ge [sflag:s8], $0x2000  }
0x49: {  	[sflag:s8] =	ssyncset.done $0x0  }
0x4a: {  	[sflag:s8] =	ssyncadd.s32 $0xFFFFE000  }
0x4b: {  	[spmem:s3] =	stream.indirect.scatter.add.f32 [tilespmem:s13], [sflag:$0x1], $0x10, s7, s12, $0xb8;
	[tilespmem:$0x11F00] =	vst v63  }
0x4c: {  	_ =	swait.ge [sflag:s9], $0x2000  }
0x4d: {  	[sflag:s9] =	ssyncset.done $0x0  }
0x4e: {  	s23 =	rddreg [dreg:$0xc];
	[sflag:s9] =	ssyncadd.s32 $0xFFFFE000  }
0x4f: {  	[spmem:s3] =	stream.indirect.scatter.add.f32 [tilespmem:s14], [sflag:$0x2], $0x10, s23, s12, $0xb8;
	[tilespmem:$0x11F00] =	vst v63  }
0x50: {  	_ =	swait.ge [sflag:s10], $0x2000  }
0x51: {  	[sflag:s10] =	ssyncset.done $0x0  }
0x52: {  	s24 =	rddreg [dreg:$0xd];
	[sflag:s10] =	ssyncadd.s32 $0xFFFFE000  }
0x53: {  	[spmem:s3] =	stream.indirect.scatter.add.f32 [tilespmem:s15], [sflag:$0x3], $0x10, s24, s12, $0xb8;
	[tilespmem:$0x11F00] =	vst v63  }
0x54: {  	_ =	swait.ge [sflag:s11], $0x2000  }
0x55: {  	[sflag:s11] =	ssyncset.done $0x0  }
0x56: {  	s17 =	simm.s32 $0x1;
	s18 =	rddreg [dreg:$0xe];
	[sflag:s11] =	ssyncadd.s32 $0xFFFFE000  }
0x57: {  	[spmem:s3] =	stream.indirect.scatter.add.f32 [tilespmem:s16], [sflag:$0x4], $0x10, s18, s12, $0xb8;
	[tilespmem:$0x11F00] =	vst v63  }
0x58: {  	_ =	swait.ge [sflag:s17], $0x2000  }
0x59: {  	[sflag:s17] =	ssyncset.done $0x0  }
0x5a: {  	s18 =	simm.s32 $0x2;
	s19 =	rddreg [dreg:$0xf];
	[sflag:s17] =	ssyncadd.s32 $0xFFFFE000  }
0x5b: {  	[tilespmem:s13], [sflag:$0x5] =	stream.indirect.gather [spmem:s2], $0x10, s19, s12, $0xb8;
	[tilespmem:$0x11F00] =	vst v63  }
0x5c: {  	_ =	swait.ge [sflag:s18], $0x2000  }
0x5d: {  	[sflag:s18] =	ssyncset.done $0x0  }
0x5e: {  	s19 =	simm.s32 $0x3;
	s20 =	rddreg [dreg:$0x10];
	[sflag:s18] =	ssyncadd.s32 $0xFFFFE000  }
0x5f: {  	[tilespmem:s14], [sflag:$0x6] =	stream.indirect.gather [spmem:s2], $0x10, s20, s12, $0xb8;
	[tilespmem:$0x11F00] =	vst v63  }
0x60: {  	_ =	swait.ge [sflag:s19], $0x2000  }
0x61: {  	[sflag:s19] =	ssyncset.done $0x0  }
0x62: {  	s20 =	simm.s32 $0x4;
	s21 =	rddreg [dreg:$0x11];
	[sflag:s19] =	ssyncadd.s32 $0xFFFFE000  }
0x63: {  	[tilespmem:s15], [sflag:$0x7] =	stream.indirect.gather [spmem:s2], $0x10, s21, s12, $0xb8;
	[tilespmem:$0x11F00] =	vst v63  }
0x64: {  	_ =	swait.ge [sflag:s20], $0x2000  }
0x65: {  	[sflag:s20] =	ssyncset.done $0x0  }
0x66: {  	s25 =	rddreg [dreg:$0x12];
	[sflag:s20] =	ssyncadd.s32 $0xFFFFE000  }
0x67: {  	[tilespmem:s16], [sflag:$0x8] =	stream.indirect.gather [spmem:s2], $0x10, s25, s12, $0xb8;
	[tilespmem:$0x11F00] =	vst v63  }
0x68: {  	_ =	swait.ge [sflag:s8], $0x2000  }
0x69: {  	[sflag:s8] =	ssyncset.done $0x0  }
0x6a: {  	s26 =	rddreg [dreg:$0x13];
	[sflag:s8] =	ssyncadd.s32 $0xFFFFE000  }
0x6b: {  	[spmem:s3] =	stream.indirect.scatter.add.f32 [tilespmem:s13], [sflag:$0x1], $0x10, s26, s12, $0xb8;
	[tilespmem:$0x11F00] =	vst v63  }
0x6c: {  	_ =	swait.ge [sflag:s9], $0x2000  }
0x6d: {  	[sflag:s9] =	ssyncset.done $0x0  }
0x6e: {  	s0 =	rddreg [dreg:$0x14];
	[sflag:s9] =	ssyncadd.s32 $0xFFFFE000  }
0x6f: {  	[spmem:s3] =	stream.indirect.scatter.add.f32 [tilespmem:s14], [sflag:$0x2], $0x10, s0, s12, $0xb8;
	[tilespmem:$0x11F00] =	vst v63  }
0x70: {  	_ =	swait.ge [sflag:s10], $0x2000  }
0x71: {  	[sflag:s10] =	ssyncset.done $0x0  }
0x72: {  	s1 =	rddreg [dreg:$0x15];
	[sflag:s10] =	ssyncadd.s32 $0xFFFFE000  }
0x73: {  	[spmem:s3] =	stream.indirect.scatter.add.f32 [tilespmem:s15], [sflag:$0x3], $0x10, s1, s12, $0xb8;
	[tilespmem:$0x11F00] =	vst v63  }
0x74: {  	_ =	swait.ge [sflag:s11], $0x2000  }
0x75: {  	[sflag:s11] =	ssyncset.done $0x0  }
0x76: {  	s22 =	rddreg [dreg:$0x16];
	[sflag:s11] =	ssyncadd.s32 $0xFFFFE000  }
0x77: {  	[spmem:s3] =	stream.indirect.scatter.add.f32 [tilespmem:s16], [sflag:$0x4], $0x10, s22, s12, $0xb8;
	[tilespmem:$0x11F00] =	vst v63  }
0x78: {  	_ =	swait.ge [sflag:s17], $0x2000  }
0x79: {  	[sflag:s17] =	ssyncset.done $0x0  }
0x7a: {  	s23 =	rddreg [dreg:$0x17];
	[sflag:s17] =	ssyncadd.s32 $0xFFFFE000  }
0x7b: {  	[tilespmem:s13], [sflag:$0x5] =	stream.indirect.gather [spmem:s2], $0x10, s23, s12, $0xb8;
	[tilespmem:$0x11F00] =	vst v63  }
0x7c: {  	_ =	swait.ge [sflag:s18], $0x2000  }
0x7d: {  	[sflag:s18] =	ssyncset.done $0x0  }
0x7e: {  	s24 =	rddreg [dreg:$0x18];
	[sflag:s18] =	ssyncadd.s32 $0xFFFFE000  }
0x7f: {  	[tilespmem:s14], [sflag:$0x6] =	stream.indirect.gather [spmem:s2], $0x10, s24, s12, $0xb8;
	[tilespmem:$0x11F00] =	vst v63  }
0x80: {  	_ =	swait.ge [sflag:s19], $0x2000  }
0x81: {  	[sflag:s19] =	ssyncset.done $0x0  }
0x82: {  	s25 =	rddreg [dreg:$0x19];
	[sflag:s19] =	ssyncadd.s32 $0xFFFFE000  }
0x83: {  	[tilespmem:s15], [sflag:$0x7] =	stream.indirect.gather [spmem:s2], $0x10, s25, s12, $0xb8;
	[tilespmem:$0x11F00] =	vst v63  }
0x84: {  	_ =	swait.ge [sflag:s20], $0x2000  }
0x85: {  	[sflag:s20] =	ssyncset.done $0x0  }
0x86: {  	s26 =	rddreg [dreg:$0x1a];
	[sflag:s20] =	ssyncadd.s32 $0xFFFFE000  }
0x87: {  	[tilespmem:s16], [sflag:$0x8] =	stream.indirect.gather [spmem:s2], $0x10, s26, s12, $0xb8;
	[tilespmem:$0x11F00] =	vst v63  }
0x88: {  	_ =	swait.ge [sflag:s8], $0x2000  }
0x89: {  	[sflag:s8] =	ssyncset.done $0x0  }
0x8a: {  	s0 =	rddreg [dreg:$0x1b];
	[sflag:s8] =	ssyncadd.s32 $0xFFFFE000  }
0x8b: {  	[spmem:s3] =	stream.indirect.scatter.add.f32 [tilespmem:s13], [sflag:$0x1], $0x10, s0, s12, $0xb8;
	[tilespmem:$0x11F00] =	vst v63  }
0x8c: {  	_ =	swait.ge [sflag:s9], $0x2000  }
0x8d: {  	[sflag:s9] =	ssyncset.done $0x0  }
0x8e: {  	s1 =	rddreg [dreg:$0x1c];
	[sflag:s9] =	ssyncadd.s32 $0xFFFFE000  }
0x8f: {  	[spmem:s3] =	stream.indirect.scatter.add.f32 [tilespmem:s14], [sflag:$0x2], $0x10, s1, s12, $0xb8;
	[tilespmem:$0x11F00] =	vst v63  }
0x90: {  	_ =	swait.ge [sflag:s10], $0x2000  }
0x91: {  	[sflag:s10] =	ssyncset.done $0x0  }
0x92: {  	s22 =	rddreg [dreg:$0x1d];
	[sflag:s10] =	ssyncadd.s32 $0xFFFFE000  }
0x93: {  	[spmem:s3] =	stream.indirect.scatter.add.f32 [tilespmem:s15], [sflag:$0x3], $0x10, s22, s12, $0xb8;
	[tilespmem:$0x11F00] =	vst v63  }
0x94: {  	_ =	swait.ge [sflag:s11], $0x2000  }
0x95: {  	[sflag:s11] =	ssyncset.done $0x0  }
0x96: {  	s23 =	rddreg [dreg:$0x1e];
	[sflag:s11] =	ssyncadd.s32 $0xFFFFE000  }
0x97: {  	[spmem:s3] =	stream.indirect.scatter.add.f32 [tilespmem:s16], [sflag:$0x4], $0x10, s23, s12, $0xb8;
	[tilespmem:$0x11F00] =	vst v63  }
0x98: {  	_ =	swait.ge [sflag:s17], $0x2000  }
0x99: {  	[sflag:s17] =	ssyncset.done $0x0  }
0x9a: {  	s24 =	rddreg [dreg:$0x1f];
	[sflag:s17] =	ssyncadd.s32 $0xFFFFE000  }
0x9b: {  	[tilespmem:s13], [sflag:$0x5] =	stream.indirect.gather [spmem:s2], $0x10, s24, s12, $0xb8;
	[tilespmem:$0x11F00] =	vst v63  }
0x9c: {  	_ =	swait.ge [sflag:s18], $0x2000  }
0x9d: {  	s25 =	sld [smem:$0x7F5]  }
0x9e: {  	[sflag:s18] =	ssyncset.done $0x0  }
0x9f: {  	[sflag:s18] =	ssyncadd.s32 $0xFFFFE000  }
0xa0: {  	[tilespmem:s14], [sflag:$0x6] =	stream.indirect.gather [spmem:s2], $0x10, s25, s12, $0xb8;
	[tilespmem:$0x11F00] =	vst v63  }
0xa1: {  	_ =	swait.ge [sflag:s19], $0x2000  }
0xa2: {  	s26 =	sld [smem:$0x7F6]  }
0xa3: {  	[sflag:s19] =	ssyncset.done $0x0  }
0xa4: {  	[sflag:s19] =	ssyncadd.s32 $0xFFFFE000  }
0xa5: {  	[tilespmem:s15], [sflag:$0x7] =	stream.indirect.gather [spmem:s2], $0x10, s26, s12, $0xb8;
	[tilespmem:$0x11F00] =	vst v63  }
0xa6: {  	_ =	swait.ge [sflag:s20], $0x2000  }
0xa7: {  	s0 =	sld [smem:$0x7F7]  }
0xa8: {  	[sflag:s20] =	ssyncset.done $0x0  }
0xa9: {  	[sflag:s20] =	ssyncadd.s32 $0xFFFFE000  }
0xaa: {  	[tilespmem:s16], [sflag:$0x8] =	stream.indirect.gather [spmem:s2], $0x10, s0, s12, $0xb8;
	[tilespmem:$0x11F00] =	vst v63  }
0xab: {  	_ =	swait.ge [sflag:s8], $0x2000  }
0xac: {  	s1 =	sld [smem:$0x7F8]  }
0xad: {  	[sflag:s8] =	ssyncset.done $0x0  }
0xae: {  	[sflag:s8] =	ssyncadd.s32 $0xFFFFE000  }
0xaf: {  	[spmem:s3] =	stream.indirect.scatter.add.f32 [tilespmem:s13], [sflag:$0x1], $0x10, s1, s12, $0xb8;
	[tilespmem:$0x11F00] =	vst v63  }
0xb0: {  	_ =	swait.ge [sflag:s9], $0x2000  }
0xb1: {  	s22 =	sld [smem:$0x7F9]  }
0xb2: {  	[sflag:s9] =	ssyncset.done $0x0  }
0xb3: {  	[sflag:s9] =	ssyncadd.s32 $0xFFFFE000  }
0xb4: {  	[spmem:s3] =	stream.indirect.scatter.add.f32 [tilespmem:s14], [sflag:$0x2], $0x10, s22, s12, $0xb8;
	[tilespmem:$0x11F00] =	vst v63  }
0xb5: {  	_ =	swait.ge [sflag:s10], $0x2000  }
0xb6: {  	s23 =	sld [smem:$0x7FA]  }
0xb7: {  	[sflag:s10] =	ssyncset.done $0x0  }
0xb8: {  	[sflag:s10] =	ssyncadd.s32 $0xFFFFE000  }
0xb9: {  	[spmem:s3] =	stream.indirect.scatter.add.f32 [tilespmem:s15], [sflag:$0x3], $0x10, s23, s12, $0xb8;
	[tilespmem:$0x11F00] =	vst v63  }
0xba: {  	_ =	swait.ge [sflag:s11], $0x2000  }
0xbb: {  	s24 =	sld [smem:$0x7FB]  }
0xbc: {  	[sflag:s11] =	ssyncset.done $0x0  }
0xbd: {  	[sflag:s11] =	ssyncadd.s32 $0xFFFFE000  }
0xbe: {  	[spmem:s3] =	stream.indirect.scatter.add.f32 [tilespmem:s16], [sflag:$0x4], $0x10, s24, s12, $0xb8;
	[tilespmem:$0x11F00] =	vst v63  }
0xbf: {  	_ =	swait.ge [sflag:s17], $0x2000  }
0xc0: {  	s25 =	sld [smem:$0x7FC]  }
0xc1: {  	[sflag:s17] =	ssyncset.done $0x0  }
0xc2: {  	[sflag:s17] =	ssyncadd.s32 $0xFFFFE000  }
0xc3: {  	[tilespmem:s13], [sflag:$0x5] =	stream.indirect.gather [spmem:s2], $0x10, s25, s12, $0xb8;
	[tilespmem:$0x11F00] =	vst v63  }
0xc4: {  	_ =	swait.ge [sflag:s18], $0x2000  }
0xc5: {  	s26 =	sld [smem:$0x7FD]  }
0xc6: {  	[sflag:s18] =	ssyncset.done $0x0  }
0xc7: {  	[sflag:s18] =	ssyncadd.s32 $0xFFFFE000  }
0xc8: {  	[tilespmem:s14], [sflag:$0x6] =	stream.indirect.gather [spmem:s2], $0x10, s26, s12, $0xb8;
	[tilespmem:$0x11F00] =	vst v63  }
0xc9: {  	_ =	swait.ge [sflag:s19], $0x2000  }
0xca: {  	[sflag:s19] =	ssyncset.done $0x0  }
0xcb: {  	s21 =	simm.s32 $0x2400;
	[sflag:s19] =	ssyncadd.s32 $0xFFFFE000  }
0xcc: {  	[tilespmem:s15], [sflag:$0x7] =	stream.indirect.gather [spmem:s2], $0x10, s21, s12, $0xb8;
	[tilespmem:$0x11F00] =	vst v63  }
0xcd: {  	_ =	swait.ge [sflag:s20], $0x2000  }
0xce: {  	[sflag:s20] =	ssyncset.done $0x0  }
0xcf: {  	s22 =	simm.s32 $0x2600;
	[sflag:s20] =	ssyncadd.s32 $0xFFFFE000  }
0xd0: {  	[tilespmem:s16], [sflag:$0x8] =	stream.indirect.gather [spmem:s2], $0x10, s22, s12, $0xb8;
	[tilespmem:$0x11F00] =	vst v63  }
0xd1: {  	_ =	swait.ge [sflag:s8], $0x2000  }
0xd2: {  	[sflag:s8] =	ssyncset.done $0x0  }
0xd3: {  	s23 =	simm.s32 $0x4800;
	[sflag:s8] =	ssyncadd.s32 $0xFFFFE000  }
0xd4: {  	[spmem:s3] =	stream.indirect.scatter.add.f32 [tilespmem:s13], [sflag:$0x1], $0x10, s23, s12, $0xb8;
	[tilespmem:$0x11F00] =	vst v63  }
0xd5: {  	_ =	swait.ge [sflag:s9], $0x2000  }
0xd6: {  	[sflag:s9] =	ssyncset.done $0x0  }
0xd7: {  	s24 =	simm.s32 $0x4A00;
	[sflag:s9] =	ssyncadd.s32 $0xFFFFE000  }
0xd8: {  	[spmem:s3] =	stream.indirect.scatter.add.f32 [tilespmem:s14], [sflag:$0x2], $0x10, s24, s12, $0xb8;
	[tilespmem:$0x11F00] =	vst v63  }
0xd9: {  	_ =	swait.ge [sflag:s10], $0x2000  }
0xda: {  	[sflag:s10] =	ssyncset.done $0x0  }
0xdb: {  	s25 =	simm.s32 $0x4C00;
	[sflag:s10] =	ssyncadd.s32 $0xFFFFE000  }
0xdc: {  	[spmem:s3] =	stream.indirect.scatter.add.f32 [tilespmem:s15], [sflag:$0x3], $0x10, s25, s12, $0xb8;
	[tilespmem:$0x11F00] =	vst v63  }
0xdd: {  	_ =	swait.ge [sflag:s11], $0x2000  }
0xde: {  	[sflag:s11] =	ssyncset.done $0x0  }
0xdf: {  	s26 =	simm.s32 $0x4E00;
	[sflag:s11] =	ssyncadd.s32 $0xFFFFE000  }
0xe0: {  	[spmem:s3] =	stream.indirect.scatter.add.f32 [tilespmem:s16], [sflag:$0x4], $0x10, s26, s12, $0xb8;
	[tilespmem:$0x11F00] =	vst v63  }
0xe1: {  	_ =	swait.ge [sflag:s17], $0x2000  }
0xe2: {  	[sflag:s17] =	ssyncset.done $0x0  }
0xe3: {  	s31 =	ssub.s32 $0x2, s31;
	[sflag:s17] =	ssyncadd.s32 $0xFFFFE000  }
0xe4: {  	s0 =	sshrl.u32 s31, $0x1;
	_ =	swait.ge [sflag:s18], $0x2000  }
0xe5: {  	s0 =	ssub.s32 s31, s0;
	[sflag:s18] =	ssyncset.done $0x0  }
0xe6: {  	s1 =	sadd.s32 $0x25E00, s28;
	s28 =	sadd.s32 $0x2AE00, s28;
	[sflag:s18] =	ssyncadd.s32 $0xFFFFE000  }
0xe7: {  	s0 =	smax.u32 s0, $0x1;
	s28 =	smov.u32 @p0 s1;
	_ =	swait.ge [sflag:s19], $0x2000  }
0xe8: {  	s28 =	sadd.s32 s28, s29;
	s29 =	sadd.s32 $0xFFFFFFFF, s0;
	[sflag:s19] =	ssyncset.done $0x0  }
0xe9: {  	p0 =	sne.s32 s29, $0x0;
	[sflag:s19] =	ssyncadd.s32 $0xFFFFE000  }
.Ltmp0:
0xea: {  	_ =	swait.ge [sflag:s20], $0x2000;
	(pc) =	sbr.rel @!p0 .LBB2_2-.Ltmp0, $4  }
0xeb: {  	[sflag:s20] =	ssyncset.done $0x0  }
0xec: {  	[sflag:s20] =	ssyncadd.s32 $0xFFFFE000  }
0xed: {  	s31 =	sor.u32 $0x1C09, s30;
	s30 =	simm.s32 $0x9;
	[bflag:$0x0] =	sbarrier.arrive $0xFFFF  }
0xee: {  	[hbm:s28], [sflag:s31] =	dma.local [spmem:s6], $0x4F0  }
.LBB2_1:
0xef: {  	_ =	swait.ge [sflag:s30], $0x4F0  }
0xf0: {  	s0 =	rddreg [dreg:$0x8];
	[sflag:s30] =	ssyncset.done $0x0  }
0xf1: {  	s1 =	rddreg [dreg:$0x4];
	[sflag:s30] =	ssyncadd.s32 $0xFFFFFB10  }
0xf2: {  	[spmem:s0], [sflag:s1] =	dma.local [hbm:s5], $0x4F0  }
0xf3: {  	s0 =	rddreg [dreg:$0x7]  }
0xf4: {  	s1 =	rddreg [dreg:$0x9]  }
0xf5: {  	[spmem:s6], [sflag:s1] =	dma.local [hbm:s0], $0x4F0  }
0xf6: {  	s0 =	rddreg [dreg:$0x5]  }
0xf7: {  	[tilespmem:s4], [sflag:$0x7] =	stream.linear.gather [hbm4b:s0+s4], $0x2800, $0x38;
	[tilespmem:$0x11F00] =	vst v63  }
0xf8: {  	s1 =	rddreg [dreg:$0x6]  }
0xf9: {  	[tilespmem:s7], [sflag:$0x8] =	stream.linear.gather [hbm4b:s1+s4], $0x2800, $0x38;
	[tilespmem:$0x11F00] =	vst v63  }
0xfa: {  	_ =	swait.ge [sflag:s8], $0x4F0  }
0xfb: {  	[sflag:s8] =	ssyncset.done $0x0  }
0xfc: {  	[sflag:s8] =	ssyncadd.s32 $0xFFFFFB10  }
0xfd: {  	_ =	swait.ge [sflag:s9], $0x4F0  }
0xfe: {  	[sflag:s9] =	ssyncset.done $0x0  }
0xff: {  	[sflag:s9] =	ssyncadd.s32 $0xFFFFFB10  }
0x100: {  	_ =	swait.ge [sflag:s10], $0x2800  }
0x101: {  	[sflag:s10] =	ssyncset.done $0x0  }
0x102: {  	[sflag:s10] =	ssyncadd.s32 $0xFFFFD800  }
0x103: {  	_ =	swait.ge [sflag:s11], $0x2800  }
0x104: {  	[sflag:s11] =	ssyncset.done $0x0  }
0x105: {  	[sflag:s11] =	ssyncadd.s32 $0xFFFFD800  }
0x106: {  	[bflag:$0x0] =	sbarrier.arrive $0xFFFF  }
0x107: {  	[tilespmem:s13], [sflag:$0x5] =	stream.indirect.gather [spmem:s2], $0x10, s4, s12, $0xb8;
	[tilespmem:$0x11F00] =	vst v63  }
0x108: {  	_ = 	snop  }
0x109: {  	[tilespmem:s14], [sflag:$0x6] =	stream.indirect.gather [spmem:s2], $0x10, s12, s12, $0xb8;
	[tilespmem:$0x11F00] =	vst v63  }
0x10a: {  	s0 =	rddreg [dreg:$0xa]  }
0x10b: {  	[tilespmem:s15], [sflag:$0x7] =	stream.indirect.gather [spmem:s2], $0x10, s0, s12, $0xb8;
	[tilespmem:$0x11F00] =	vst v63  }
0x10c: {  	s1 =	rddreg [dreg:$0xb]  }
0x10d: {  	[tilespmem:s16], [sflag:$0x8] =	stream.indirect.gather [spmem:s2], $0x10, s1, s12, $0xb8;
	[tilespmem:$0x11F00] =	vst v63  }
0x10e: {  	_ =	swait.ge [sflag:s8], $0x2000  }
0x10f: {  	[sflag:s8] =	ssyncset.done $0x0  }
0x110: {  	[sflag:s8] =	ssyncadd.s32 $0xFFFFE000  }
0x111: {  	[spmem:s3] =	stream.indirect.scatter.add.f32 [tilespmem:s13], [sflag:$0x1], $0x10, s7, s12, $0xb8;
	[tilespmem:$0x11F00] =	vst v63  }
0x112: {  	_ =	swait.ge [sflag:s9], $0x2000  }
0x113: {  	[sflag:s9] =	ssyncset.done $0x0  }
0x114: {  	s1 =	rddreg [dreg:$0xc];
	[sflag:s9] =	ssyncadd.s32 $0xFFFFE000  }
0x115: {  	[spmem:s3] =	stream.indirect.scatter.add.f32 [tilespmem:s14], [sflag:$0x2], $0x10, s1, s12, $0xb8;
	[tilespmem:$0x11F00] =	vst v63  }
0x116: {  	_ =	swait.ge [sflag:s10], $0x2000  }
0x117: {  	[sflag:s10] =	ssyncset.done $0x0  }
0x118: {  	s1 =	rddreg [dreg:$0xd];
	[sflag:s10] =	ssyncadd.s32 $0xFFFFE000  }
0x119: {  	[spmem:s3] =	stream.indirect.scatter.add.f32 [tilespmem:s15], [sflag:$0x3], $0x10, s1, s12, $0xb8;
	[tilespmem:$0x11F00] =	vst v63  }
0x11a: {  	_ =	swait.ge [sflag:s11], $0x2000  }
0x11b: {  	[sflag:s11] =	ssyncset.done $0x0  }
0x11c: {  	s1 =	rddreg [dreg:$0xe];
	[sflag:s11] =	ssyncadd.s32 $0xFFFFE000  }
0x11d: {  	[spmem:s3] =	stream.indirect.scatter.add.f32 [tilespmem:s16], [sflag:$0x4], $0x10, s1, s12, $0xb8;
	[tilespmem:$0x11F00] =	vst v63  }
0x11e: {  	_ =	swait.ge [sflag:s17], $0x2000  }
0x11f: {  	[sflag:s17] =	ssyncset.done $0x0  }
0x120: {  	s1 =	rddreg [dreg:$0xf];
	[sflag:s17] =	ssyncadd.s32 $0xFFFFE000  }
0x121: {  	[tilespmem:s13], [sflag:$0x5] =	stream.indirect.gather [spmem:s2], $0x10, s1, s12, $0xb8;
	[tilespmem:$0x11F00] =	vst v63  }
0x122: {  	_ =	swait.ge [sflag:s18], $0x2000  }
0x123: {  	[sflag:s18] =	ssyncset.done $0x0  }
0x124: {  	s1 =	rddreg [dreg:$0x10];
	[sflag:s18] =	ssyncadd.s32 $0xFFFFE000  }
0x125: {  	[tilespmem:s14], [sflag:$0x6] =	stream.indirect.gather [spmem:s2], $0x10, s1, s12, $0xb8;
	[tilespmem:$0x11F00] =	vst v63  }
0x126: {  	_ =	swait.ge [sflag:s19], $0x2000  }
0x127: {  	[sflag:s19] =	ssyncset.done $0x0  }
0x128: {  	s1 =	rddreg [dreg:$0x11];
	[sflag:s19] =	ssyncadd.s32 $0xFFFFE000  }
0x129: {  	[tilespmem:s15], [sflag:$0x7] =	stream.indirect.gather [spmem:s2], $0x10, s1, s12, $0xb8;
	[tilespmem:$0x11F00] =	vst v63  }
0x12a: {  	_ =	swait.ge [sflag:s20], $0x2000  }
0x12b: {  	[sflag:s20] =	ssyncset.done $0x0  }
0x12c: {  	s1 =	rddreg [dreg:$0x12];
	[sflag:s20] =	ssyncadd.s32 $0xFFFFE000  }
0x12d: {  	[tilespmem:s16], [sflag:$0x8] =	stream.indirect.gather [spmem:s2], $0x10, s1, s12, $0xb8;
	[tilespmem:$0x11F00] =	vst v63  }
0x12e: {  	_ =	swait.ge [sflag:s8], $0x2000  }
0x12f: {  	[sflag:s8] =	ssyncset.done $0x0  }
0x130: {  	s1 =	rddreg [dreg:$0x13];
	[sflag:s8] =	ssyncadd.s32 $0xFFFFE000  }
0x131: {  	[spmem:s3] =	stream.indirect.scatter.add.f32 [tilespmem:s13], [sflag:$0x1], $0x10, s1, s12, $0xb8;
	[tilespmem:$0x11F00] =	vst v63  }
0x132: {  	_ =	swait.ge [sflag:s9], $0x2000  }
0x133: {  	[sflag:s9] =	ssyncset.done $0x0  }
0x134: {  	s1 =	rddreg [dreg:$0x14];
	[sflag:s9] =	ssyncadd.s32 $0xFFFFE000  }
0x135: {  	[spmem:s3] =	stream.indirect.scatter.add.f32 [tilespmem:s14], [sflag:$0x2], $0x10, s1, s12, $0xb8;
	[tilespmem:$0x11F00] =	vst v63  }
0x136: {  	_ =	swait.ge [sflag:s10], $0x2000  }
0x137: {  	[sflag:s10] =	ssyncset.done $0x0  }
0x138: {  	s1 =	rddreg [dreg:$0x15];
	[sflag:s10] =	ssyncadd.s32 $0xFFFFE000  }
0x139: {  	[spmem:s3] =	stream.indirect.scatter.add.f32 [tilespmem:s15], [sflag:$0x3], $0x10, s1, s12, $0xb8;
	[tilespmem:$0x11F00] =	vst v63  }
0x13a: {  	_ =	swait.ge [sflag:s11], $0x2000  }
0x13b: {  	[sflag:s11] =	ssyncset.done $0x0  }
0x13c: {  	s1 =	rddreg [dreg:$0x16];
	[sflag:s11] =	ssyncadd.s32 $0xFFFFE000  }
0x13d: {  	[spmem:s3] =	stream.indirect.scatter.add.f32 [tilespmem:s16], [sflag:$0x4], $0x10, s1, s12, $0xb8;
	[tilespmem:$0x11F00] =	vst v63  }
0x13e: {  	_ =	swait.ge [sflag:s17], $0x2000  }
0x13f: {  	[sflag:s17] =	ssyncset.done $0x0  }
0x140: {  	s1 =	rddreg [dreg:$0x17];
	[sflag:s17] =	ssyncadd.s32 $0xFFFFE000  }
0x141: {  	[tilespmem:s13], [sflag:$0x5] =	stream.indirect.gather [spmem:s2], $0x10, s1, s12, $0xb8;
	[tilespmem:$0x11F00] =	vst v63  }
0x142: {  	_ =	swait.ge [sflag:s18], $0x2000  }
0x143: {  	[sflag:s18] =	ssyncset.done $0x0  }
0x144: {  	s1 =	rddreg [dreg:$0x18];
	[sflag:s18] =	ssyncadd.s32 $0xFFFFE000  }
0x145: {  	[tilespmem:s14], [sflag:$0x6] =	stream.indirect.gather [spmem:s2], $0x10, s1, s12, $0xb8;
	[tilespmem:$0x11F00] =	vst v63  }
0x146: {  	_ =	swait.ge [sflag:s19], $0x2000  }
0x147: {  	[sflag:s19] =	ssyncset.done $0x0  }
0x148: {  	s1 =	rddreg [dreg:$0x19];
	[sflag:s19] =	ssyncadd.s32 $0xFFFFE000  }
0x149: {  	[tilespmem:s15], [sflag:$0x7] =	stream.indirect.gather [spmem:s2], $0x10, s1, s12, $0xb8;
	[tilespmem:$0x11F00] =	vst v63  }
0x14a: {  	_ =	swait.ge [sflag:s20], $0x2000  }
0x14b: {  	[sflag:s20] =	ssyncset.done $0x0  }
0x14c: {  	s1 =	rddreg [dreg:$0x1a];
	[sflag:s20] =	ssyncadd.s32 $0xFFFFE000  }
0x14d: {  	[tilespmem:s16], [sflag:$0x8] =	stream.indirect.gather [spmem:s2], $0x10, s1, s12, $0xb8;
	[tilespmem:$0x11F00] =	vst v63  }
0x14e: {  	_ =	swait.ge [sflag:s8], $0x2000  }
0x14f: {  	[sflag:s8] =	ssyncset.done $0x0  }
0x150: {  	s1 =	rddreg [dreg:$0x1b];
	[sflag:s8] =	ssyncadd.s32 $0xFFFFE000  }
0x151: {  	[spmem:s3] =	stream.indirect.scatter.add.f32 [tilespmem:s13], [sflag:$0x1], $0x10, s1, s12, $0xb8;
	[tilespmem:$0x11F00] =	vst v63  }
0x152: {  	_ =	swait.ge [sflag:s9], $0x2000  }
0x153: {  	[sflag:s9] =	ssyncset.done $0x0  }
0x154: {  	s1 =	rddreg [dreg:$0x1c];
	[sflag:s9] =	ssyncadd.s32 $0xFFFFE000  }
0x155: {  	[spmem:s3] =	stream.indirect.scatter.add.f32 [tilespmem:s14], [sflag:$0x2], $0x10, s1, s12, $0xb8;
	[tilespmem:$0x11F00] =	vst v63  }
0x156: {  	_ =	swait.ge [sflag:s10], $0x2000  }
0x157: {  	[sflag:s10] =	ssyncset.done $0x0  }
0x158: {  	s1 =	rddreg [dreg:$0x1d];
	[sflag:s10] =	ssyncadd.s32 $0xFFFFE000  }
0x159: {  	[spmem:s3] =	stream.indirect.scatter.add.f32 [tilespmem:s15], [sflag:$0x3], $0x10, s1, s12, $0xb8;
	[tilespmem:$0x11F00] =	vst v63  }
0x15a: {  	_ =	swait.ge [sflag:s11], $0x2000  }
0x15b: {  	[sflag:s11] =	ssyncset.done $0x0  }
0x15c: {  	s1 =	rddreg [dreg:$0x1e];
	[sflag:s11] =	ssyncadd.s32 $0xFFFFE000  }
0x15d: {  	[spmem:s3] =	stream.indirect.scatter.add.f32 [tilespmem:s16], [sflag:$0x4], $0x10, s1, s12, $0xb8;
	[tilespmem:$0x11F00] =	vst v63  }
0x15e: {  	_ =	swait.ge [sflag:s17], $0x2000  }
0x15f: {  	[sflag:s17] =	ssyncset.done $0x0  }
0x160: {  	s1 =	rddreg [dreg:$0x1f];
	[sflag:s17] =	ssyncadd.s32 $0xFFFFE000  }
0x161: {  	[tilespmem:s13], [sflag:$0x5] =	stream.indirect.gather [spmem:s2], $0x10, s1, s12, $0xb8;
	[tilespmem:$0x11F00] =	vst v63  }
0x162: {  	_ =	swait.ge [sflag:s18], $0x2000  }
0x163: {  	s1 =	sld [smem:$0x7F5]  }
0x164: {  	[sflag:s18] =	ssyncset.done $0x0  }
0x165: {  	[sflag:s18] =	ssyncadd.s32 $0xFFFFE000  }
0x166: {  	[tilespmem:s14], [sflag:$0x6] =	stream.indirect.gather [spmem:s2], $0x10, s1, s12, $0xb8;
	[tilespmem:$0x11F00] =	vst v63  }
0x167: {  	_ =	swait.ge [sflag:s19], $0x2000  }
0x168: {  	s1 =	sld [smem:$0x7F6]  }
0x169: {  	[sflag:s19] =	ssyncset.done $0x0  }
0x16a: {  	[sflag:s19] =	ssyncadd.s32 $0xFFFFE000  }
0x16b: {  	[tilespmem:s15], [sflag:$0x7] =	stream.indirect.gather [spmem:s2], $0x10, s1, s12, $0xb8;
	[tilespmem:$0x11F00] =	vst v63  }
0x16c: {  	_ =	swait.ge [sflag:s20], $0x2000  }
0x16d: {  	s1 =	sld [smem:$0x7F7]  }
0x16e: {  	[sflag:s20] =	ssyncset.done $0x0  }
0x16f: {  	[sflag:s20] =	ssyncadd.s32 $0xFFFFE000  }
0x170: {  	[tilespmem:s16], [sflag:$0x8] =	stream.indirect.gather [spmem:s2], $0x10, s1, s12, $0xb8;
	[tilespmem:$0x11F00] =	vst v63  }
0x171: {  	_ =	swait.ge [sflag:s8], $0x2000  }
0x172: {  	s1 =	sld [smem:$0x7F8]  }
0x173: {  	[sflag:s8] =	ssyncset.done $0x0  }
0x174: {  	[sflag:s8] =	ssyncadd.s32 $0xFFFFE000  }
0x175: {  	[spmem:s3] =	stream.indirect.scatter.add.f32 [tilespmem:s13], [sflag:$0x1], $0x10, s1, s12, $0xb8;
	[tilespmem:$0x11F00] =	vst v63  }
0x176: {  	_ =	swait.ge [sflag:s9], $0x2000  }
0x177: {  	s1 =	sld [smem:$0x7F9]  }
0x178: {  	[sflag:s9] =	ssyncset.done $0x0  }
0x179: {  	[sflag:s9] =	ssyncadd.s32 $0xFFFFE000  }
0x17a: {  	[spmem:s3] =	stream.indirect.scatter.add.f32 [tilespmem:s14], [sflag:$0x2], $0x10, s1, s12, $0xb8;
	[tilespmem:$0x11F00] =	vst v63  }
0x17b: {  	_ =	swait.ge [sflag:s10], $0x2000  }
0x17c: {  	s1 =	sld [smem:$0x7FA]  }
0x17d: {  	[sflag:s10] =	ssyncset.done $0x0  }
0x17e: {  	[sflag:s10] =	ssyncadd.s32 $0xFFFFE000  }
0x17f: {  	[spmem:s3] =	stream.indirect.scatter.add.f32 [tilespmem:s15], [sflag:$0x3], $0x10, s1, s12, $0xb8;
	[tilespmem:$0x11F00] =	vst v63  }
0x180: {  	_ =	swait.ge [sflag:s11], $0x2000  }
0x181: {  	s1 =	sld [smem:$0x7FB]  }
0x182: {  	[sflag:s11] =	ssyncset.done $0x0  }
0x183: {  	[sflag:s11] =	ssyncadd.s32 $0xFFFFE000  }
0x184: {  	[spmem:s3] =	stream.indirect.scatter.add.f32 [tilespmem:s16], [sflag:$0x4], $0x10, s1, s12, $0xb8;
	[tilespmem:$0x11F00] =	vst v63  }
0x185: {  	_ =	swait.ge [sflag:s17], $0x2000  }
0x186: {  	s1 =	sld [smem:$0x7FC]  }
0x187: {  	[sflag:s17] =	ssyncset.done $0x0  }
0x188: {  	[sflag:s17] =	ssyncadd.s32 $0xFFFFE000  }
0x189: {  	[tilespmem:s13], [sflag:$0x5] =	stream.indirect.gather [spmem:s2], $0x10, s1, s12, $0xb8;
	[tilespmem:$0x11F00] =	vst v63  }
0x18a: {  	_ =	swait.ge [sflag:s18], $0x2000  }
0x18b: {  	s1 =	sld [smem:$0x7FD]  }
0x18c: {  	[sflag:s18] =	ssyncset.done $0x0  }
0x18d: {  	[sflag:s18] =	ssyncadd.s32 $0xFFFFE000  }
0x18e: {  	[tilespmem:s14], [sflag:$0x6] =	stream.indirect.gather [spmem:s2], $0x10, s1, s12, $0xb8;
	[tilespmem:$0x11F00] =	vst v63  }
0x18f: {  	_ =	swait.ge [sflag:s19], $0x2000  }
0x190: {  	[sflag:s19] =	ssyncset.done $0x0  }
0x191: {  	[sflag:s19] =	ssyncadd.s32 $0xFFFFE000  }
0x192: {  	[tilespmem:s15], [sflag:$0x7] =	stream.indirect.gather [spmem:s2], $0x10, s21, s12, $0xb8;
	[tilespmem:$0x11F00] =	vst v63  }
0x193: {  	_ =	swait.ge [sflag:s20], $0x2000  }
0x194: {  	[sflag:s20] =	ssyncset.done $0x0  }
0x195: {  	[sflag:s20] =	ssyncadd.s32 $0xFFFFE000  }
0x196: {  	[tilespmem:s16], [sflag:$0x8] =	stream.indirect.gather [spmem:s2], $0x10, s22, s12, $0xb8;
	[tilespmem:$0x11F00] =	vst v63  }
0x197: {  	_ =	swait.ge [sflag:s8], $0x2000  }
0x198: {  	[sflag:s8] =	ssyncset.done $0x0  }
0x199: {  	[sflag:s8] =	ssyncadd.s32 $0xFFFFE000  }
0x19a: {  	[spmem:s3] =	stream.indirect.scatter.add.f32 [tilespmem:s13], [sflag:$0x1], $0x10, s23, s12, $0xb8;
	[tilespmem:$0x11F00] =	vst v63  }
0x19b: {  	_ =	swait.ge [sflag:s9], $0x2000  }
0x19c: {  	[sflag:s9] =	ssyncset.done $0x0  }
0x19d: {  	[sflag:s9] =	ssyncadd.s32 $0xFFFFE000  }
0x19e: {  	[spmem:s3] =	stream.indirect.scatter.add.f32 [tilespmem:s14], [sflag:$0x2], $0x10, s24, s12, $0xb8;
	[tilespmem:$0x11F00] =	vst v63  }
0x19f: {  	_ =	swait.ge [sflag:s10], $0x2000  }
0x1a0: {  	[sflag:s10] =	ssyncset.done $0x0  }
0x1a1: {  	[sflag:s10] =	ssyncadd.s32 $0xFFFFE000  }
0x1a2: {  	[spmem:s3] =	stream.indirect.scatter.add.f32 [tilespmem:s15], [sflag:$0x3], $0x10, s25, s12, $0xb8;
	[tilespmem:$0x11F00] =	vst v63  }
0x1a3: {  	_ =	swait.ge [sflag:s11], $0x2000  }
0x1a4: {  	[sflag:s11] =	ssyncset.done $0x0  }
0x1a5: {  	[sflag:s11] =	ssyncadd.s32 $0xFFFFE000  }
0x1a6: {  	[spmem:s3] =	stream.indirect.scatter.add.f32 [tilespmem:s16], [sflag:$0x4], $0x10, s26, s12, $0xb8;
	[tilespmem:$0x11F00] =	vst v63  }
0x1a7: {  	_ =	swait.ge [sflag:s17], $0x2000  }
0x1a8: {  	[sflag:s17] =	ssyncset.done $0x0  }
0x1a9: {  	[sflag:s17] =	ssyncadd.s32 $0xFFFFE000  }
0x1aa: {  	_ =	swait.ge [sflag:s18], $0x2000  }
0x1ab: {  	[sflag:s18] =	ssyncset.done $0x0  }
0x1ac: {  	[sflag:s18] =	ssyncadd.s32 $0xFFFFE000  }
0x1ad: {  	_ =	swait.ge [sflag:s19], $0x2000  }
0x1ae: {  	s29 =	sadd.s32 $0xFFFFFFFF, s29;
	[sflag:s19] =	ssyncset.done $0x0  }
0x1af: {  	p0 =	sne.s32 s29, $0x0;
	[sflag:s19] =	ssyncadd.s32 $0xFFFFE000  }
.Ltmp1:
0x1b0: {  	_ =	swait.ge [sflag:s20], $0x2000;
	(pc) =	sbr.rel @p0 .LBB2_1-.Ltmp1, $4  }
0x1b1: {  	[sflag:s20] =	ssyncset.done $0x0  }
0x1b2: {  	[sflag:s20] =	ssyncadd.s32 $0xFFFFE000  }
0x1b3: {  	[bflag:$0x0] =	sbarrier.arrive $0xFFFF  }
0x1b4: {  	[hbm:s28], [sflag:s31] =	dma.local [spmem:s6], $0x4F0  }
.LBB2_2:
0x1b5: {  	_ =	swait.ge [sflag:s30], $0x4F0  }
0x1b6: {  	[sflag:s30] =	ssyncset.done $0x0  }
0x1b7: {  	[sflag:s30] =	ssyncadd.s32 $0xFFFFFB10  }
0x1b8: {  	_ =	sfence.sel $0x180000  }
0x1b9: {  	[bflag:$0x0] =	sbarrier.arrive $0xFFFF  }
0x1ba: {  	_ =	strace $0x90000050  }
0x1bb: {  	s0 =	stileid.u32;
	[bflag:$0x2] =	sbarrier.arrive $0xFFFF  }
0x1bc: {  	p0 =	sne.s32 s0, $0x0;
	s0 =	rddreg [dreg:$0x3]  }
0x1bd: {  	s0 =	sadd.s32 @!p0 $0x100000, s0  }
0x1be: {  	[sflag:s0] =	ssyncadd.tile.s32 @!p0 $0x1;
	_ =	shalt  }
.Lfunc_end2:
_tile_overlayer_lowered:
.L_overlay_start_2:
0x1bf: {  	(tag) =	ssettag $0x2  }
0x1c0: {  	s0 =	rddreg [dreg:$0x0];
	s2 =	stileid.u32  }
0x1c1: {  	s1 =	rddreg [dreg:$0x1];
	p0 =	sne.s32 s2, $0x0  }
0x1c2: {  	s3 =	rddreg [dreg:$0x2];
	[bflag:$0x3] =	sbarrier.arrive $0xFFFF;
	s2 =	simm.s32 @!p0 $0x1C09  }
0x1c3: {  	[timem:s3], [sflag:s2] =	dma.local @!p0 [hbm:s0], s1  }
0x1c4: {  	s0 =	simm.s32 @!p0 $0x9  }
0x1c5: {  	_ =	swait.ge @!p0 [sflag:s0], s1  }
0x1c6: {  	s1 =	ssub.s32 @!p0 $0x0, s1;
	[sflag:s0] =	ssyncset.done @!p0 $0x0  }
0x1c7: {  	[sflag:s0] =	ssyncadd.s32 @!p0 s1  }
0x1c8: {  	[bflag:$0x3] =	sbarrier.arrive $0xFFFF  }
0x1c9: {  	_ =	shalt  }

// kernel: kernel.28.cloned.1.call-start
scs
__scs_entry_jumppad:
0x0: {  	(pc) =	sbr.rel $0x88, $3  }
0x1: {  	(tag) =	ssettag $0x0;
	lr =	simm.s32 $0x1  }
0x2: {  	[smem:$0x3F91] =	sst lr;
	_ =	strace $0xD0000000  }
0x3: {  	_ = 	snop  }
0x4: {  	_ = 	snop  }
0x5: {  	_ = 	snop  }
0x6: {  	_ = 	snop  }
0x7: {  	_ = 	snop  }
__scs_overlays_trampoline_lowered:
0x8: {  	[smem:$0x3FA0] =	sst s0  }
0x9: {  	[smem:$0x3FA1] =	sst s1  }
0xa: {  	[smem:$0x3FA2] =	sst s2  }
0xb: {  	[smem:$0x3FA3] =	sst s3  }
0xc: {  	[smem:$0x3FA4] =	sst s4  }
0xd: {  	[smem:$0x3FA5] =	sst s5  }
0xe: {  	[smem:$0x3FA6] =	sst s6  }
0xf: {  	[smem:$0x3FA7] =	sst s7  }
0x10: {  	[smem:$0x3FA8] =	sst s8  }
0x11: {  	[smem:$0x3FA9] =	sst s9;
	s0 =	simm.s32 @!p0 $0x0  }
0x12: {  	s1 =	sld [smem:$0x3F8F];
	s0 =	simm.s32 @p0 $0x1  }
0x13: {  	[smem:$0x3FAA] =	sst s0;
	s0 =	simm.s32 @!p1 $0x0  }
0x14: {  	s2 =	sld [smem:$0x3F8E];
	s0 =	simm.s32 @p1 $0x1  }
0x15: {  	[smem:$0x3FAB] =	sst s0;
	s0 =	simm.s32 @!p2 $0x0  }
0x16: {  	s3 =	sld [smem:$0x3FDB];
	s0 =	simm.s32 @p2 $0x1  }
0x17: {  	s4 =	simm.s32 $0x1BF5;
	[smem:$0x3FAD] =	sst s0  }
0x18: {  	s0 =	sld [smem:$0x3F90];
	_ =	swait.ge [sflag:s4], $0x0  }
0x19: {  	s7 =	sld [smem:$0x3F91]  }
0x1a: {  	s8 =	sadd.s32 $0xFFFFE003, lr  }
0x1b: {  	s9 =	sadd.s32 $0xFFFFFEF7, lr;
	s5 =	simm.s32 $0xFFFFFFFF;
	p2 =	slt.u32 s8, $0xFFFFF086  }
0x1c: {  	p1 =	slt.u32 s9, $0xF7A;
	s5 =	simm.s32 @!p2 $0x0  }
0x1d: {  	s5 =	simm.s32 @p1 $0x1;
	p0 =	seq.s32 s7, s2  }
0x1e: {  	s7 =	smul.u32 @!p0 $0xF7A, s2;
	p2 =	seq.s32 @!p0 s5, $0x0  }
0x1f: {  	s9 =	smul.u32 $0xF7A, s1;
	s8 =	simm.s32 @!p0 $0x1BF5;
	p2 =	por !p2, p0  }
0x20: {  	[sflag:s8] =	ssyncset.s32 @!p0 $0xFFFFF086;
	s6 =	sadd.s32 @!p0 s3, s7;
	s7 =	simm.s32 @!p0 $0x108  }
0x21: {  	s3 =	sadd.s32 s3, s9;
	s6 =	sadd.s32 @!p0 $0x88, s6;
	s7 =	simm.s32 @p2 $0x1082  }
0x22: {  	[simem:s7], [sflag:s8] =	dma.local @!p0 [hbm:s6], $0xF7A  }
0x23: {  	s9 =	sor.u32 $0xD0000000, s2;
	s6 =	simm.s32 $0x108;
	_ =	swait.ge @!p0 [sflag:s8], $0x0  }
0x24: {  	s3 =	sadd.s32 $0x88, s3;
	s6 =	simm.s32 @!p1 $0x1082;
	[sflag:s4] =	ssyncset.s32 $0xFFFFF086  }
0x25: {  	[simem:s6], [sflag:s4] =	dma.local [hbm:s3], $0xF7A  }
0x26: {  	[smem:$0x3F91] =	sst s1;
	(tag) =	ssettag s2;
	_ =	strace s9  }
0x27: {  	s1 =	sld [smem:$0x3FA1]  }
0x28: {  	s2 =	sld [smem:$0x3FA2]  }
0x29: {  	s4 =	sld [smem:$0x3FA4]  }
0x2a: {  	p0 =	seq.s32 s5, $0x0;
	s5 =	sld [smem:$0x3FA5]  }
0x2b: {  	s6 =	sld [smem:$0x3FA6]  }
0x2c: {  	s7 =	sld [smem:$0x3FA7]  }
0x2d: {  	s3 =	simm.s32 $0x108;
	s8 =	sld [smem:$0x3FA8]  }
0x2e: {  	s3 =	simm.s32 @!p0 $0x1082;
	s9 =	sld [smem:$0x3FA9]  }
0x2f: {  	lr =	sadd.s32 s0, s3;
	s0 =	sld [smem:$0x3FA0]  }
0x30: {  	s3 =	sld [smem:$0x3FA3]  }
0x31: {  	[smem:$0x3FAC] =	sst s10  }
0x32: {  	s10 =	sld [smem:$0x3FAA];
	_ =	sdelay $0x3  }
0x33: {  	p0 =	seq.s32 s10, $0x1;
	s10 =	sld [smem:$0x3FAC];
	_ =	sdelay $0x3  }
0x34: {  	[smem:$0x3FAC] =	sst s10  }
0x35: {  	s10 =	sld [smem:$0x3FAB];
	_ =	sdelay $0x3  }
0x36: {  	p1 =	seq.s32 s10, $0x1;
	s10 =	sld [smem:$0x3FAC];
	_ =	sdelay $0x3  }
0x37: {  	[smem:$0x3FAC] =	sst s10  }
0x38: {  	s10 =	sld [smem:$0x3FAD]  }
0x39: {  	_ = 	snop;
	(pc) =	sbr.ind lr, $3  }
0x3a: {  	_ = 	snop  }
0x3b: {  	_ = 	snop  }
0x3c: {  	p2 =	seq.s32 s10, $0x1;
	s10 =	sld [smem:$0x3FAC]  }
0x3d: {  	_ =	shalt  }
0x3e: {  	_ =	shalt  }
0x3f: {  	_ =	shalt  }
0x40: {  	_ =	shalt  }
0x41: {  	_ =	shalt  }
0x42: {  	_ =	shalt  }
0x43: {  	_ =	shalt  }
0x44: {  	_ =	shalt  }
0x45: {  	_ =	shalt  }
0x46: {  	_ =	shalt  }
0x47: {  	_ =	shalt  }
0x48: {  	_ =	shalt  }
0x49: {  	_ =	shalt  }
0x4a: {  	_ =	shalt  }
0x4b: {  	_ =	shalt  }
0x4c: {  	_ =	shalt  }
0x4d: {  	_ =	shalt  }
0x4e: {  	_ =	shalt  }
0x4f: {  	_ =	shalt  }
0x50: {  	_ =	shalt  }
0x51: {  	_ =	shalt  }
0x52: {  	_ =	shalt  }
0x53: {  	_ =	shalt  }
0x54: {  	_ =	shalt  }
0x55: {  	_ =	shalt  }
0x56: {  	_ =	shalt  }
0x57: {  	_ =	shalt  }
0x58: {  	_ =	shalt  }
0x59: {  	_ =	shalt  }
0x5a: {  	_ =	shalt  }
0x5b: {  	_ =	shalt  }
0x5c: {  	_ =	shalt  }
0x5d: {  	_ =	shalt  }
0x5e: {  	_ =	shalt  }
0x5f: {  	_ =	shalt  }
0x60: {  	_ =	shalt  }
0x61: {  	_ =	shalt  }
0x62: {  	_ =	shalt  }
0x63: {  	_ =	shalt  }
0x64: {  	_ =	shalt  }
0x65: {  	_ =	shalt  }
0x66: {  	_ =	shalt  }
0x67: {  	_ =	shalt  }
0x68: {  	_ =	shalt  }
0x69: {  	_ =	shalt  }
0x6a: {  	_ =	shalt  }
0x6b: {  	_ =	shalt  }
0x6c: {  	_ =	shalt  }
0x6d: {  	_ =	shalt  }
0x6e: {  	_ =	shalt  }
0x6f: {  	_ =	shalt  }
0x70: {  	_ =	shalt  }
0x71: {  	_ =	shalt  }
0x72: {  	_ =	shalt  }
0x73: {  	_ =	shalt  }
0x74: {  	_ =	shalt  }
0x75: {  	_ =	shalt  }
0x76: {  	_ =	shalt  }
0x77: {  	_ =	shalt  }
0x78: {  	_ =	shalt  }
0x79: {  	_ =	shalt  }
0x7a: {  	_ =	shalt  }
0x7b: {  	_ =	shalt  }
0x7c: {  	_ =	shalt  }
0x7d: {  	_ =	shalt  }
0x7e: {  	_ =	shalt  }
0x7f: {  	_ =	shalt  }
0x80: {  	_ =	shalt  }
0x81: {  	_ =	shalt  }
0x82: {  	_ =	shalt  }
0x83: {  	_ =	shalt  }
0x84: {  	_ =	shalt  }
0x85: {  	_ =	shalt  }
0x86: {  	_ =	shalt  }
0x87: {  	_ =	shalt  }
.Lfunc_end0:
.L_simem_size_0:
called_computation.4_lowered:
.L_overlay_start_0:
0x88: {  	s2 =	sld [smem:$0x3FD9]  }
0x89: {  	s3 =	sld [smem:$0x3FFE];
	_ =	sdelay $0x1  }
0x8a: {  	s1 =	srdreg.scid  }
0x8b: {  	s0 =	sand.u32 $0x1, s1  }
0x8c: {  	s16 =	sshll.u32 s0, $0xA;
	s2 =	sadd.s32 s3, s2  }
0x8d: {  	s2 =	sadd.s32 s2, s16  }
0x8e: {  	[smem:$0x3FB8] =	sst s2  }
0x8f: {  	_ = 	snop  }
0x90: {  	(tm) =	ssettm $0x1  }
0x91: {  	s17 =	sld [smem:$0x3FFB];
	_ =	sdelay $0x3  }
0x92: {  	_ =	strace s17  }
0x93: {  	s2 =	sld [smem:$0x3FFC];
	_ =	sdelay $0x3  }
0x94: {  	_ =	strace s2  }
0x95: {  	s2 =	sld [smem:$0x3FFD];
	_ =	sdelay $0x3  }
0x96: {  	_ =	strace s2  }
0x97: {  	_ =	strace $0x8FFFFFFF  }
0x98: {  	s18 =	sld [smem:$0x3FDB];
	_ =	sdelay $0x1  }
0x99: {  	s19 =	simm.s32 $_scs_section_size  }
0x9a: {  	s4 =	simm.s32 $_size__tile_overlayer_lowered;
	s5 =	simm.s32 $_tile_overlayer_lowered  }
0x9b: {  	s22 =	simm.s32 $0x1BFF;
	s21 =	sshll.u32 s5, $0x1;
	s2 =	sadd.s32 s19, s18  }
0x9c: {  	s6 =	simm.s32 $0x0;
	s20 =	sshll.u32 s4, $0x1;
	s4 =	sadd.s32 s21, s2  }
0x9d: {  	[timem:s6], [sflag:s22] =	dma.local [hbm:s4], s20  }
0x9e: {  	_ =	swait.ge [sflag:s22], s20  }
0x9f: {  	s3 =	ssub.s32 $0x0, s20;
	[sflag:s22] =	ssyncset.done $0x0  }
0xa0: {  	[sflag:s22] =	ssyncadd.s32 s3;
	_ =	sdelay $0x1  }
0xa1: {  	s23 =	simm.s32 $0x1B8B  }
0xa2: {  	_ =	swait.ge [sflag:s23], $0x1  }
0xa3: {  	[sflag:s23] =	ssyncset.done $0x0  }
0xa4: {  	s25 =	simm.s32 $0x1B8E;
	s24 =	sld [smem:$0x3FFE];
	[sflag:s23] =	ssyncadd.s32 $0xFFFFFFFF  }
0xa5: {  	s26 =	simm.s32 $execute0_lowered;
	[smem:$0x3FD2] =	sst s25  }
0xa6: {  	s4 =	sshll.u32 s26, $0x1;
	_ =	strace $0x80000052;
	[dreg:$0x1] =	wrdreg $0xFFFFFFFF  }
0xa7: {  	s28 =	simm.s32 $_size_execute0_lowered;
	s2 =	sadd.s32 s2, s4;
	[dreg:$0x0] =	wrdreg $0x0  }
0xa8: {  	s4 =	sshll.u32 s28, $0x1;
	[dreg:$0x2] =	wrdreg s2  }
0xa9: {  	[dreg:$0x3] =	wrdreg s4  }
0xaa: {  	[dreg:$0x4] =	wrdreg $0xC0  }
0xab: {  	_ =	task [dreg:s6], $0x5FFFF  }
0xac: {  	[dreg:$0x1] =	wrdreg $0xFFFFFFFF  }
0xad: {  	[dreg:$0x0] =	wrdreg $0x60  }
0xae: {  	[dreg:$0x2] =	wrdreg s24  }
0xaf: {  	[dreg:$0x3] =	wrdreg $0xD0000  }
0xb0: {  	[dreg:$0x4] =	wrdreg $0xF7800  }
0xb1: {  	[dreg:$0x5] =	wrdreg $0x9  }
0xb2: {  	_ =	task.clear_ibuf [dreg:s6], $0x6FFFF;
	_ =	strace $0x90000052  }
0xb3: {  	s29 =	simm.s32 $0x9;
	_ =	strace $0x80000054  }
0xb4: {  	_ =	swait.ge [sflag:s29], $0x1  }
0xb5: {  	[sflag:s29] =	ssyncadd.s32 $0xFFFFFFFF  }
0xb6: {  	_ =	strace $0x90000054  }
0xb7: {  	_ =	sfence  }
0xb8: {  	s30 =	sld [smem:$0x0];
	_ =	sdelay $0x2  }
0xb9: {  	s31 =	sshll.u32 s1, $0xD;
	s1 =	sshrl.u32 s1, $0x2  }
0xba: {  	s3 =	sand.u32 $0x4000, s31;
	s1 =	sadd.s32 s1, s30  }
0xbb: {  	s0 =	sor.u32 s3, s0;
	s1 =	sshll.u32 s1, $0x11  }
0xbc: {  	s0 =	sor.u32 s1, s0  }
0xbd: {  	s0 =	sadd.s32 $0x8F2B, s0  }
0xbe: {  	[sflag:s0] =	ssyncadd.remote.s32 $0x1  }
0xbf: {  	_ =	sfence.sel $0xFFFF  }
0xc0: {  	[dreg:$0x0] =	wrdreg $0xFFFFFFFF;
	(pc) =	sbr.abs _section_cstart, $3  }
0xc1: {  	[dreg:$0x1] =	wrdreg $0xFFFFFFFF  }
0xc2: {  	_ =	task.clear_ibuf [dreg:s6], $0x2FFFF;
	_ =	strace $0x9FFFFFFF  }
0xc3: {  	(tm) =	ssettm $0x7FFFFFFF  }
tec
execute0_lowered:
.L_overlay_start_1:
0x0: {  	(tag) =	ssettag $0x1  }
0x1: {  	s28 =	rddreg [dreg:$0x0]  }
0x2: {  	s2 =	rddreg [dreg:$0x1]  }
0x3: {  	s3 =	rddreg [dreg:$0x2];
	s4 =	simm.s32 $0x0  }
0x4: {  	s11 =	simm.s32 $0x2A00;
	[smem:$0x7FF] =	sst s4  }
0x5: {  	s12 =	simm.s32 $0x2C00;
	_ =	strace $0x80000053;
	[dreg:$0xc] =	wrdreg s11  }
0x6: {  	s13 =	simm.s32 $0x2E00;
	[dreg:$0xd] =	wrdreg s12  }
0x7: {  	s14 =	simm.s32 $0x800;
	[dreg:$0xe] =	wrdreg s13  }
0x8: {  	s15 =	simm.s32 $0xA00;
	[dreg:$0xf] =	wrdreg s14  }
0x9: {  	s16 =	simm.s32 $0xC00;
	[dreg:$0x10] =	wrdreg s15  }
0xa: {  	s17 =	simm.s32 $0xE00;
	[dreg:$0x11] =	wrdreg s16  }
0xb: {  	s18 =	simm.s32 $0x3000;
	[dreg:$0x12] =	wrdreg s17  }
0xc: {  	s19 =	simm.s32 $0x3200;
	[dreg:$0x13] =	wrdreg s18  }
0xd: {  	s20 =	simm.s32 $0x3400;
	[dreg:$0x14] =	wrdreg s19  }
0xe: {  	s21 =	simm.s32 $0x3600;
	[dreg:$0x15] =	wrdreg s20  }
0xf: {  	s22 =	simm.s32 $0x1000;
	[dreg:$0x16] =	wrdreg s21  }
0x10: {  	s23 =	simm.s32 $0x1200;
	[dreg:$0x17] =	wrdreg s22  }
0x11: {  	s24 =	simm.s32 $0x1400;
	[dreg:$0x18] =	wrdreg s23  }
0x12: {  	s0 =	stileid.u32;
	s25 =	simm.s32 $0x1600;
	[dreg:$0x19] =	wrdreg s24  }
0x13: {  	s26 =	simm.s32 $0x3800;
	s30 =	sshll.u32 s0, $0x6;
	[dreg:$0x1a] =	wrdreg s25  }
0x14: {  	s10 =	sor.u32 $0x1C05, s30;
	[dreg:$0x1b] =	wrdreg s26  }
0x15: {  	s11 =	simm.s32 $0x1C00;
	[dreg:$0x4] =	wrdreg s10  }
0x16: {  	s12 =	simm.s32 $0x1E00;
	[smem:$0x7F6] =	sst s11  }
0x17: {  	s13 =	simm.s32 $0x4000;
	[smem:$0x7F7] =	sst s12  }
0x18: {  	s14 =	simm.s32 $0x4200;
	[smem:$0x7F8] =	sst s13  }
0x19: {  	s15 =	simm.s32 $0x4400;
	[smem:$0x7F9] =	sst s14  }
0x1a: {  	s16 =	simm.s32 $0x4600;
	[smem:$0x7FA] =	sst s15  }
0x1b: {  	s18 =	simm.s32 $0x2000;
	[smem:$0x7FB] =	sst s16  }
0x1c: {  	s6 =	smul.u32 $0x2780, s0;
	s20 =	simm.s32 $0x2200;
	[smem:$0x7FC] =	sst s18  }
0x1d: {  	s1 =	srdreg.scid;
	s10 =	simm.s32 $0x600;
	[smem:$0x7FD] =	sst s20  }
0x1e: {  	s31 =	sand.u32 $0x1, s1;
	s9 =	sadd.s32 s6, s2;
	[dreg:$0xb] =	wrdreg s10  }
0x1f: {  	s5 =	sshll.u32 s31, $0x4;
	s1 =	sshrl.u32 s9, $0x3;
	s19 =	rddreg [dreg:$0x4]  }
0x20: {  	p0 =	seq.s32 s31, $0x0;
	s9 =	simm.s32 $0x400;
	[dreg:$0x8] =	wrdreg s1  }
0x21: {  	s5 =	sor.u32 s0, s5;
	s10 =	simm.s32 $0x1A00;
	[dreg:$0xa] =	wrdreg s9  }
0x22: {  	s5 =	smul.u32 $0x500, s5;
	s1 =	simm.s32 $0x3C00;
	[smem:$0x7F5] =	sst s10  }
0x23: {  	s29 =	sshrl.u32 s6, $0x3;
	s9 =	simm.s32 $0x1800;
	[dreg:$0x1d] =	wrdreg s1  }
0x24: {  	s7 =	sadd.s32 s29, s28;
	s8 =	sadd.s32 s5, s28;
	[dreg:$0x1f] =	wrdreg s9  }
0x25: {  	s5 =	sadd.s32 $0x20E00, s7;
	s17 =	rddreg [dreg:$0x8];
	s0 =	sadd.s32 $0x11E00, s8  }
0x26: {  	s7 =	sadd.s32 $0x1BE00, s7;
	s8 =	sadd.s32 $0x7E00, s8;
	[dreg:$0x5] =	wrdreg s0  }
0x27: {  	s7 =	smov.u32 @p0 s5;
	[dreg:$0x6] =	wrdreg s8  }
0x28: {  	[dreg:$0x7] =	wrdreg s7;
	s8 =	sor.u32 $0x1C06, s30  }
0x29: {  	s0 =	simm.s32 $0x3A00;
	[dreg:$0x9] =	wrdreg s8  }
0x2a: {  	[dreg:$0x1c] =	wrdreg s0;
	s8 =	simm.s32 $0x3E00  }
0x2b: {  	[dreg:$0x1e] =	wrdreg s8  }
0x2c: {  	[spmem:s17], [sflag:s19] =	dma.local [hbm:s5], $0x4F0  }
0x2d: {  	s6 =	sadd.s32 s6, s3;
	s7 =	rddreg [dreg:$0x7]  }
0x2e: {  	s6 =	sshrl.u32 s6, $0x3;
	s21 =	rddreg [dreg:$0x9]  }
0x2f: {  	[spmem:s6], [sflag:s21] =	dma.local [hbm:s7], $0x4F0  }
0x30: {  	s7 =	rddreg [dreg:$0x5]  }
0x31: {  	[tilespmem:s4], [sflag:$0x7] =	stream.linear.gather [hbm4b:s7+s4], $0x2800, $0x38;
	[tilespmem:$0x11F00] =	vst v63  }
0x32: {  	s8 =	simm.s32 $0x5;
	s22 =	rddreg [dreg:$0x6];
	s7 =	simm.s32 $0x2800  }
0x33: {  	[tilespmem:s7], [sflag:$0x8] =	stream.linear.gather [hbm4b:s22+s4], $0x2800, $0x38;
	[tilespmem:$0x11F00] =	vst v63  }
0x34: {  	_ =	swait.ge [sflag:s8], $0x4F0  }
0x35: {  	[sflag:s8] =	ssyncset.done $0x0  }
0x36: {  	s9 =	simm.s32 $0x6;
	[sflag:s8] =	ssyncadd.s32 $0xFFFFFB10  }
0x37: {  	_ =	swait.ge [sflag:s9], $0x4F0  }
0x38: {  	[sflag:s9] =	ssyncset.done $0x0  }
0x39: {  	s10 =	simm.s32 $0x7;
	[sflag:s9] =	ssyncadd.s32 $0xFFFFFB10  }
0x3a: {  	_ =	swait.ge [sflag:s10], $0x2800  }
0x3b: {  	[sflag:s10] =	ssyncset.done $0x0  }
0x3c: {  	s11 =	simm.s32 $0x8;
	[sflag:s10] =	ssyncadd.s32 $0xFFFFD800  }
0x3d: {  	_ =	swait.ge [sflag:s11], $0x2800  }
0x3e: {  	[sflag:s11] =	ssyncset.done $0x0  }
0x3f: {  	[sflag:s11] =	ssyncadd.s32 $0xFFFFD800  }
0x40: {  	s12 =	simm.s32 $0x200;
	s13 =	simm.s32 $0x5000;
	[bflag:$0x0] =	sbarrier.arrive $0xFFFF  }
0x41: {  	[tilespmem:s13], [sflag:$0x5] =	stream.indirect.gather [spmem:s2], $0x10, s4, s12, $0xb8;
	[tilespmem:$0x11F00] =	vst v63  }
0x42: {  	s14 =	simm.s32 $0x7000  }
0x43: {  	[tilespmem:s14], [sflag:$0x6] =	stream.indirect.gather [spmem:s2], $0x10, s12, s12, $0xb8;
	[tilespmem:$0x11F00] =	vst v63  }
0x44: {  	s15 =	simm.s32 $0x9000;
	s16 =	rddreg [dreg:$0xa]  }
0x45: {  	[tilespmem:s15], [sflag:$0x7] =	stream.indirect.gather [spmem:s2], $0x10, s16, s12, $0xb8;
	[tilespmem:$0x11F00] =	vst v63  }
0x46: {  	s17 =	rddreg [dreg:$0xb];
	s16 =	simm.s32 $0xB000  }
0x47: {  	[tilespmem:s16], [sflag:$0x8] =	stream.indirect.gather [spmem:s2], $0x10, s17, s12, $0xb8;
	[tilespmem:$0x11F00] =	vst v63  }
0x48: {  	_ =	swait.ge [sflag:s8], $0x2000  }
0x49: {  	[sflag:s8] =	ssyncset.done $0x0  }
0x4a: {  	[sflag:s8] =	ssyncadd.s32 $0xFFFFE000  }
0x4b: {  	[spmem:s3] =	stream.indirect.scatter.add.f32 [tilespmem:s13], [sflag:$0x1], $0x10, s7, s12, $0xb8;
	[tilespmem:$0x11F00] =	vst v63  }
0x4c: {  	_ =	swait.ge [sflag:s9], $0x2000  }
0x4d: {  	[sflag:s9] =	ssyncset.done $0x0  }
0x4e: {  	s23 =	rddreg [dreg:$0xc];
	[sflag:s9] =	ssyncadd.s32 $0xFFFFE000  }
0x4f: {  	[spmem:s3] =	stream.indirect.scatter.add.f32 [tilespmem:s14], [sflag:$0x2], $0x10, s23, s12, $0xb8;
	[tilespmem:$0x11F00] =	vst v63  }
0x50: {  	_ =	swait.ge [sflag:s10], $0x2000  }
0x51: {  	[sflag:s10] =	ssyncset.done $0x0  }
0x52: {  	s24 =	rddreg [dreg:$0xd];
	[sflag:s10] =	ssyncadd.s32 $0xFFFFE000  }
0x53: {  	[spmem:s3] =	stream.indirect.scatter.add.f32 [tilespmem:s15], [sflag:$0x3], $0x10, s24, s12, $0xb8;
	[tilespmem:$0x11F00] =	vst v63  }
0x54: {  	_ =	swait.ge [sflag:s11], $0x2000  }
0x55: {  	[sflag:s11] =	ssyncset.done $0x0  }
0x56: {  	s17 =	simm.s32 $0x1;
	s18 =	rddreg [dreg:$0xe];
	[sflag:s11] =	ssyncadd.s32 $0xFFFFE000  }
0x57: {  	[spmem:s3] =	stream.indirect.scatter.add.f32 [tilespmem:s16], [sflag:$0x4], $0x10, s18, s12, $0xb8;
	[tilespmem:$0x11F00] =	vst v63  }
0x58: {  	_ =	swait.ge [sflag:s17], $0x2000  }
0x59: {  	[sflag:s17] =	ssyncset.done $0x0  }
0x5a: {  	s18 =	simm.s32 $0x2;
	s19 =	rddreg [dreg:$0xf];
	[sflag:s17] =	ssyncadd.s32 $0xFFFFE000  }
0x5b: {  	[tilespmem:s13], [sflag:$0x5] =	stream.indirect.gather [spmem:s2], $0x10, s19, s12, $0xb8;
	[tilespmem:$0x11F00] =	vst v63  }
0x5c: {  	_ =	swait.ge [sflag:s18], $0x2000  }
0x5d: {  	[sflag:s18] =	ssyncset.done $0x0  }
0x5e: {  	s19 =	simm.s32 $0x3;
	s20 =	rddreg [dreg:$0x10];
	[sflag:s18] =	ssyncadd.s32 $0xFFFFE000  }
0x5f: {  	[tilespmem:s14], [sflag:$0x6] =	stream.indirect.gather [spmem:s2], $0x10, s20, s12, $0xb8;
	[tilespmem:$0x11F00] =	vst v63  }
0x60: {  	_ =	swait.ge [sflag:s19], $0x2000  }
0x61: {  	[sflag:s19] =	ssyncset.done $0x0  }
0x62: {  	s20 =	simm.s32 $0x4;
	s21 =	rddreg [dreg:$0x11];
	[sflag:s19] =	ssyncadd.s32 $0xFFFFE000  }
0x63: {  	[tilespmem:s15], [sflag:$0x7] =	stream.indirect.gather [spmem:s2], $0x10, s21, s12, $0xb8;
	[tilespmem:$0x11F00] =	vst v63  }
0x64: {  	_ =	swait.ge [sflag:s20], $0x2000  }
0x65: {  	[sflag:s20] =	ssyncset.done $0x0  }
0x66: {  	s25 =	rddreg [dreg:$0x12];
	[sflag:s20] =	ssyncadd.s32 $0xFFFFE000  }
0x67: {  	[tilespmem:s16], [sflag:$0x8] =	stream.indirect.gather [spmem:s2], $0x10, s25, s12, $0xb8;
	[tilespmem:$0x11F00] =	vst v63  }
0x68: {  	_ =	swait.ge [sflag:s8], $0x2000  }
0x69: {  	[sflag:s8] =	ssyncset.done $0x0  }
0x6a: {  	s26 =	rddreg [dreg:$0x13];
	[sflag:s8] =	ssyncadd.s32 $0xFFFFE000  }
0x6b: {  	[spmem:s3] =	stream.indirect.scatter.add.f32 [tilespmem:s13], [sflag:$0x1], $0x10, s26, s12, $0xb8;
	[tilespmem:$0x11F00] =	vst v63  }
0x6c: {  	_ =	swait.ge [sflag:s9], $0x2000  }
0x6d: {  	[sflag:s9] =	ssyncset.done $0x0  }
0x6e: {  	s0 =	rddreg [dreg:$0x14];
	[sflag:s9] =	ssyncadd.s32 $0xFFFFE000  }
0x6f: {  	[spmem:s3] =	stream.indirect.scatter.add.f32 [tilespmem:s14], [sflag:$0x2], $0x10, s0, s12, $0xb8;
	[tilespmem:$0x11F00] =	vst v63  }
0x70: {  	_ =	swait.ge [sflag:s10], $0x2000  }
0x71: {  	[sflag:s10] =	ssyncset.done $0x0  }
0x72: {  	s1 =	rddreg [dreg:$0x15];
	[sflag:s10] =	ssyncadd.s32 $0xFFFFE000  }
0x73: {  	[spmem:s3] =	stream.indirect.scatter.add.f32 [tilespmem:s15], [sflag:$0x3], $0x10, s1, s12, $0xb8;
	[tilespmem:$0x11F00] =	vst v63  }
0x74: {  	_ =	swait.ge [sflag:s11], $0x2000  }
0x75: {  	[sflag:s11] =	ssyncset.done $0x0  }
0x76: {  	s22 =	rddreg [dreg:$0x16];
	[sflag:s11] =	ssyncadd.s32 $0xFFFFE000  }
0x77: {  	[spmem:s3] =	stream.indirect.scatter.add.f32 [tilespmem:s16], [sflag:$0x4], $0x10, s22, s12, $0xb8;
	[tilespmem:$0x11F00] =	vst v63  }
0x78: {  	_ =	swait.ge [sflag:s17], $0x2000  }
0x79: {  	[sflag:s17] =	ssyncset.done $0x0  }
0x7a: {  	s23 =	rddreg [dreg:$0x17];
	[sflag:s17] =	ssyncadd.s32 $0xFFFFE000  }
0x7b: {  	[tilespmem:s13], [sflag:$0x5] =	stream.indirect.gather [spmem:s2], $0x10, s23, s12, $0xb8;
	[tilespmem:$0x11F00] =	vst v63  }
0x7c: {  	_ =	swait.ge [sflag:s18], $0x2000  }
0x7d: {  	[sflag:s18] =	ssyncset.done $0x0  }
0x7e: {  	s24 =	rddreg [dreg:$0x18];
	[sflag:s18] =	ssyncadd.s32 $0xFFFFE000  }
0x7f: {  	[tilespmem:s14], [sflag:$0x6] =	stream.indirect.gather [spmem:s2], $0x10, s24, s12, $0xb8;
	[tilespmem:$0x11F00] =	vst v63  }
0x80: {  	_ =	swait.ge [sflag:s19], $0x2000  }
0x81: {  	[sflag:s19] =	ssyncset.done $0x0  }
0x82: {  	s25 =	rddreg [dreg:$0x19];
	[sflag:s19] =	ssyncadd.s32 $0xFFFFE000  }
0x83: {  	[tilespmem:s15], [sflag:$0x7] =	stream.indirect.gather [spmem:s2], $0x10, s25, s12, $0xb8;
	[tilespmem:$0x11F00] =	vst v63  }
0x84: {  	_ =	swait.ge [sflag:s20], $0x2000  }
0x85: {  	[sflag:s20] =	ssyncset.done $0x0  }
0x86: {  	s26 =	rddreg [dreg:$0x1a];
	[sflag:s20] =	ssyncadd.s32 $0xFFFFE000  }
0x87: {  	[tilespmem:s16], [sflag:$0x8] =	stream.indirect.gather [spmem:s2], $0x10, s26, s12, $0xb8;
	[tilespmem:$0x11F00] =	vst v63  }
0x88: {  	_ =	swait.ge [sflag:s8], $0x2000  }
0x89: {  	[sflag:s8] =	ssyncset.done $0x0  }
0x8a: {  	s0 =	rddreg [dreg:$0x1b];
	[sflag:s8] =	ssyncadd.s32 $0xFFFFE000  }
0x8b: {  	[spmem:s3] =	stream.indirect.scatter.add.f32 [tilespmem:s13], [sflag:$0x1], $0x10, s0, s12, $0xb8;
	[tilespmem:$0x11F00] =	vst v63  }
0x8c: {  	_ =	swait.ge [sflag:s9], $0x2000  }
0x8d: {  	[sflag:s9] =	ssyncset.done $0x0  }
0x8e: {  	s1 =	rddreg [dreg:$0x1c];
	[sflag:s9] =	ssyncadd.s32 $0xFFFFE000  }
0x8f: {  	[spmem:s3] =	stream.indirect.scatter.add.f32 [tilespmem:s14], [sflag:$0x2], $0x10, s1, s12, $0xb8;
	[tilespmem:$0x11F00] =	vst v63  }
0x90: {  	_ =	swait.ge [sflag:s10], $0x2000  }
0x91: {  	[sflag:s10] =	ssyncset.done $0x0  }
0x92: {  	s22 =	rddreg [dreg:$0x1d];
	[sflag:s10] =	ssyncadd.s32 $0xFFFFE000  }
0x93: {  	[spmem:s3] =	stream.indirect.scatter.add.f32 [tilespmem:s15], [sflag:$0x3], $0x10, s22, s12, $0xb8;
	[tilespmem:$0x11F00] =	vst v63  }
0x94: {  	_ =	swait.ge [sflag:s11], $0x2000  }
0x95: {  	[sflag:s11] =	ssyncset.done $0x0  }
0x96: {  	s23 =	rddreg [dreg:$0x1e];
	[sflag:s11] =	ssyncadd.s32 $0xFFFFE000  }
0x97: {  	[spmem:s3] =	stream.indirect.scatter.add.f32 [tilespmem:s16], [sflag:$0x4], $0x10, s23, s12, $0xb8;
	[tilespmem:$0x11F00] =	vst v63  }
0x98: {  	_ =	swait.ge [sflag:s17], $0x2000  }
0x99: {  	[sflag:s17] =	ssyncset.done $0x0  }
0x9a: {  	s24 =	rddreg [dreg:$0x1f];
	[sflag:s17] =	ssyncadd.s32 $0xFFFFE000  }
0x9b: {  	[tilespmem:s13], [sflag:$0x5] =	stream.indirect.gather [spmem:s2], $0x10, s24, s12, $0xb8;
	[tilespmem:$0x11F00] =	vst v63  }
0x9c: {  	_ =	swait.ge [sflag:s18], $0x2000  }
0x9d: {  	s25 =	sld [smem:$0x7F5]  }
0x9e: {  	[sflag:s18] =	ssyncset.done $0x0  }
0x9f: {  	[sflag:s18] =	ssyncadd.s32 $0xFFFFE000  }
0xa0: {  	[tilespmem:s14], [sflag:$0x6] =	stream.indirect.gather [spmem:s2], $0x10, s25, s12, $0xb8;
	[tilespmem:$0x11F00] =	vst v63  }
0xa1: {  	_ =	swait.ge [sflag:s19], $0x2000  }
0xa2: {  	s26 =	sld [smem:$0x7F6]  }
0xa3: {  	[sflag:s19] =	ssyncset.done $0x0  }
0xa4: {  	[sflag:s19] =	ssyncadd.s32 $0xFFFFE000  }
0xa5: {  	[tilespmem:s15], [sflag:$0x7] =	stream.indirect.gather [spmem:s2], $0x10, s26, s12, $0xb8;
	[tilespmem:$0x11F00] =	vst v63  }
0xa6: {  	_ =	swait.ge [sflag:s20], $0x2000  }
0xa7: {  	s0 =	sld [smem:$0x7F7]  }
0xa8: {  	[sflag:s20] =	ssyncset.done $0x0  }
0xa9: {  	[sflag:s20] =	ssyncadd.s32 $0xFFFFE000  }
0xaa: {  	[tilespmem:s16], [sflag:$0x8] =	stream.indirect.gather [spmem:s2], $0x10, s0, s12, $0xb8;
	[tilespmem:$0x11F00] =	vst v63  }
0xab: {  	_ =	swait.ge [sflag:s8], $0x2000  }
0xac: {  	s1 =	sld [smem:$0x7F8]  }
0xad: {  	[sflag:s8] =	ssyncset.done $0x0  }
0xae: {  	[sflag:s8] =	ssyncadd.s32 $0xFFFFE000  }
0xaf: {  	[spmem:s3] =	stream.indirect.scatter.add.f32 [tilespmem:s13], [sflag:$0x1], $0x10, s1, s12, $0xb8;
	[tilespmem:$0x11F00] =	vst v63  }
0xb0: {  	_ =	swait.ge [sflag:s9], $0x2000  }
0xb1: {  	s22 =	sld [smem:$0x7F9]  }
0xb2: {  	[sflag:s9] =	ssyncset.done $0x0  }
0xb3: {  	[sflag:s9] =	ssyncadd.s32 $0xFFFFE000  }
0xb4: {  	[spmem:s3] =	stream.indirect.scatter.add.f32 [tilespmem:s14], [sflag:$0x2], $0x10, s22, s12, $0xb8;
	[tilespmem:$0x11F00] =	vst v63  }
0xb5: {  	_ =	swait.ge [sflag:s10], $0x2000  }
0xb6: {  	s23 =	sld [smem:$0x7FA]  }
0xb7: {  	[sflag:s10] =	ssyncset.done $0x0  }
0xb8: {  	[sflag:s10] =	ssyncadd.s32 $0xFFFFE000  }
0xb9: {  	[spmem:s3] =	stream.indirect.scatter.add.f32 [tilespmem:s15], [sflag:$0x3], $0x10, s23, s12, $0xb8;
	[tilespmem:$0x11F00] =	vst v63  }
0xba: {  	_ =	swait.ge [sflag:s11], $0x2000  }
0xbb: {  	s24 =	sld [smem:$0x7FB]  }
0xbc: {  	[sflag:s11] =	ssyncset.done $0x0  }
0xbd: {  	[sflag:s11] =	ssyncadd.s32 $0xFFFFE000  }
0xbe: {  	[spmem:s3] =	stream.indirect.scatter.add.f32 [tilespmem:s16], [sflag:$0x4], $0x10, s24, s12, $0xb8;
	[tilespmem:$0x11F00] =	vst v63  }
0xbf: {  	_ =	swait.ge [sflag:s17], $0x2000  }
0xc0: {  	s25 =	sld [smem:$0x7FC]  }
0xc1: {  	[sflag:s17] =	ssyncset.done $0x0  }
0xc2: {  	[sflag:s17] =	ssyncadd.s32 $0xFFFFE000  }
0xc3: {  	[tilespmem:s13], [sflag:$0x5] =	stream.indirect.gather [spmem:s2], $0x10, s25, s12, $0xb8;
	[tilespmem:$0x11F00] =	vst v63  }
0xc4: {  	_ =	swait.ge [sflag:s18], $0x2000  }
0xc5: {  	s26 =	sld [smem:$0x7FD]  }
0xc6: {  	[sflag:s18] =	ssyncset.done $0x0  }
0xc7: {  	[sflag:s18] =	ssyncadd.s32 $0xFFFFE000  }
0xc8: {  	[tilespmem:s14], [sflag:$0x6] =	stream.indirect.gather [spmem:s2], $0x10, s26, s12, $0xb8;
	[tilespmem:$0x11F00] =	vst v63  }
0xc9: {  	_ =	swait.ge [sflag:s19], $0x2000  }
0xca: {  	[sflag:s19] =	ssyncset.done $0x0  }
0xcb: {  	s21 =	simm.s32 $0x2400;
	[sflag:s19] =	ssyncadd.s32 $0xFFFFE000  }
0xcc: {  	[tilespmem:s15], [sflag:$0x7] =	stream.indirect.gather [spmem:s2], $0x10, s21, s12, $0xb8;
	[tilespmem:$0x11F00] =	vst v63  }
0xcd: {  	_ =	swait.ge [sflag:s20], $0x2000  }
0xce: {  	[sflag:s20] =	ssyncset.done $0x0  }
0xcf: {  	s22 =	simm.s32 $0x2600;
	[sflag:s20] =	ssyncadd.s32 $0xFFFFE000  }
0xd0: {  	[tilespmem:s16], [sflag:$0x8] =	stream.indirect.gather [spmem:s2], $0x10, s22, s12, $0xb8;
	[tilespmem:$0x11F00] =	vst v63  }
0xd1: {  	_ =	swait.ge [sflag:s8], $0x2000  }
0xd2: {  	[sflag:s8] =	ssyncset.done $0x0  }
0xd3: {  	s23 =	simm.s32 $0x4800;
	[sflag:s8] =	ssyncadd.s32 $0xFFFFE000  }
0xd4: {  	[spmem:s3] =	stream.indirect.scatter.add.f32 [tilespmem:s13], [sflag:$0x1], $0x10, s23, s12, $0xb8;
	[tilespmem:$0x11F00] =	vst v63  }
0xd5: {  	_ =	swait.ge [sflag:s9], $0x2000  }
0xd6: {  	[sflag:s9] =	ssyncset.done $0x0  }
0xd7: {  	s24 =	simm.s32 $0x4A00;
	[sflag:s9] =	ssyncadd.s32 $0xFFFFE000  }
0xd8: {  	[spmem:s3] =	stream.indirect.scatter.add.f32 [tilespmem:s14], [sflag:$0x2], $0x10, s24, s12, $0xb8;
	[tilespmem:$0x11F00] =	vst v63  }
0xd9: {  	_ =	swait.ge [sflag:s10], $0x2000  }
0xda: {  	[sflag:s10] =	ssyncset.done $0x0  }
0xdb: {  	s25 =	simm.s32 $0x4C00;
	[sflag:s10] =	ssyncadd.s32 $0xFFFFE000  }
0xdc: {  	[spmem:s3] =	stream.indirect.scatter.add.f32 [tilespmem:s15], [sflag:$0x3], $0x10, s25, s12, $0xb8;
	[tilespmem:$0x11F00] =	vst v63  }
0xdd: {  	_ =	swait.ge [sflag:s11], $0x2000  }
0xde: {  	[sflag:s11] =	ssyncset.done $0x0  }
0xdf: {  	s26 =	simm.s32 $0x4E00;
	[sflag:s11] =	ssyncadd.s32 $0xFFFFE000  }
0xe0: {  	[spmem:s3] =	stream.indirect.scatter.add.f32 [tilespmem:s16], [sflag:$0x4], $0x10, s26, s12, $0xb8;
	[tilespmem:$0x11F00] =	vst v63  }
0xe1: {  	_ =	swait.ge [sflag:s17], $0x2000  }
0xe2: {  	[sflag:s17] =	ssyncset.done $0x0  }
0xe3: {  	s31 =	ssub.s32 $0x2, s31;
	[sflag:s17] =	ssyncadd.s32 $0xFFFFE000  }
0xe4: {  	s0 =	sshrl.u32 s31, $0x1;
	_ =	swait.ge [sflag:s18], $0x2000  }
0xe5: {  	s0 =	ssub.s32 s31, s0;
	[sflag:s18] =	ssyncset.done $0x0  }
0xe6: {  	s1 =	sadd.s32 $0x25E00, s28;
	s28 =	sadd.s32 $0x2AE00, s28;
	[sflag:s18] =	ssyncadd.s32 $0xFFFFE000  }
0xe7: {  	s0 =	smax.u32 s0, $0x1;
	s28 =	smov.u32 @p0 s1;
	_ =	swait.ge [sflag:s19], $0x2000  }
0xe8: {  	s28 =	sadd.s32 s28, s29;
	s29 =	sadd.s32 $0xFFFFFFFF, s0;
	[sflag:s19] =	ssyncset.done $0x0  }
0xe9: {  	p0 =	sne.s32 s29, $0x0;
	[sflag:s19] =	ssyncadd.s32 $0xFFFFE000  }
.Ltmp0:
0xea: {  	_ =	swait.ge [sflag:s20], $0x2000;
	(pc) =	sbr.rel @!p0 .LBB2_2-.Ltmp0, $4  }
0xeb: {  	[sflag:s20] =	ssyncset.done $0x0  }
0xec: {  	[sflag:s20] =	ssyncadd.s32 $0xFFFFE000  }
0xed: {  	s31 =	sor.u32 $0x1C09, s30;
	s30 =	simm.s32 $0x9;
	[bflag:$0x0] =	sbarrier.arrive $0xFFFF  }
0xee: {  	[hbm:s28], [sflag:s31] =	dma.local [spmem:s6], $0x4F0  }
.LBB2_1:
0xef: {  	_ =	swait.ge [sflag:s30], $0x4F0  }
0xf0: {  	s0 =	rddreg [dreg:$0x8];
	[sflag:s30] =	ssyncset.done $0x0  }
0xf1: {  	s1 =	rddreg [dreg:$0x4];
	[sflag:s30] =	ssyncadd.s32 $0xFFFFFB10  }
0xf2: {  	[spmem:s0], [sflag:s1] =	dma.local [hbm:s5], $0x4F0  }
0xf3: {  	s0 =	rddreg [dreg:$0x7]  }
0xf4: {  	s1 =	rddreg [dreg:$0x9]  }
0xf5: {  	[spmem:s6], [sflag:s1] =	dma.local [hbm:s0], $0x4F0  }
0xf6: {  	s0 =	rddreg [dreg:$0x5]  }
0xf7: {  	[tilespmem:s4], [sflag:$0x7] =	stream.linear.gather [hbm4b:s0+s4], $0x2800, $0x38;
	[tilespmem:$0x11F00] =	vst v63  }
0xf8: {  	s1 =	rddreg [dreg:$0x6]  }
0xf9: {  	[tilespmem:s7], [sflag:$0x8] =	stream.linear.gather [hbm4b:s1+s4], $0x2800, $0x38;
	[tilespmem:$0x11F00] =	vst v63  }
0xfa: {  	_ =	swait.ge [sflag:s8], $0x4F0  }
0xfb: {  	[sflag:s8] =	ssyncset.done $0x0  }
0xfc: {  	[sflag:s8] =	ssyncadd.s32 $0xFFFFFB10  }
0xfd: {  	_ =	swait.ge [sflag:s9], $0x4F0  }
0xfe: {  	[sflag:s9] =	ssyncset.done $0x0  }
0xff: {  	[sflag:s9] =	ssyncadd.s32 $0xFFFFFB10  }
0x100: {  	_ =	swait.ge [sflag:s10], $0x2800  }
0x101: {  	[sflag:s10] =	ssyncset.done $0x0  }
0x102: {  	[sflag:s10] =	ssyncadd.s32 $0xFFFFD800  }
0x103: {  	_ =	swait.ge [sflag:s11], $0x2800  }
0x104: {  	[sflag:s11] =	ssyncset.done $0x0  }
0x105: {  	[sflag:s11] =	ssyncadd.s32 $0xFFFFD800  }
0x106: {  	[bflag:$0x0] =	sbarrier.arrive $0xFFFF  }
0x107: {  	[tilespmem:s13], [sflag:$0x5] =	stream.indirect.gather [spmem:s2], $0x10, s4, s12, $0xb8;
	[tilespmem:$0x11F00] =	vst v63  }
0x108: {  	_ = 	snop  }
0x109: {  	[tilespmem:s14], [sflag:$0x6] =	stream.indirect.gather [spmem:s2], $0x10, s12, s12, $0xb8;
	[tilespmem:$0x11F00] =	vst v63  }
0x10a: {  	s0 =	rddreg [dreg:$0xa]  }
0x10b: {  	[tilespmem:s15], [sflag:$0x7] =	stream.indirect.gather [spmem:s2], $0x10, s0, s12, $0xb8;
	[tilespmem:$0x11F00] =	vst v63  }
0x10c: {  	s1 =	rddreg [dreg:$0xb]  }
0x10d: {  	[tilespmem:s16], [sflag:$0x8] =	stream.indirect.gather [spmem:s2], $0x10, s1, s12, $0xb8;
	[tilespmem:$0x11F00] =	vst v63  }
0x10e: {  	_ =	swait.ge [sflag:s8], $0x2000  }
0x10f: {  	[sflag:s8] =	ssyncset.done $0x0  }
0x110: {  	[sflag:s8] =	ssyncadd.s32 $0xFFFFE000  }
0x111: {  	[spmem:s3] =	stream.indirect.scatter.add.f32 [tilespmem:s13], [sflag:$0x1], $0x10, s7, s12, $0xb8;
	[tilespmem:$0x11F00] =	vst v63  }
0x112: {  	_ =	swait.ge [sflag:s9], $0x2000  }
0x113: {  	[sflag:s9] =	ssyncset.done $0x0  }
0x114: {  	s1 =	rddreg [dreg:$0xc];
	[sflag:s9] =	ssyncadd.s32 $0xFFFFE000  }
0x115: {  	[spmem:s3] =	stream.indirect.scatter.add.f32 [tilespmem:s14], [sflag:$0x2], $0x10, s1, s12, $0xb8;
	[tilespmem:$0x11F00] =	vst v63  }
0x116: {  	_ =	swait.ge [sflag:s10], $0x2000  }
0x117: {  	[sflag:s10] =	ssyncset.done $0x0  }
0x118: {  	s1 =	rddreg [dreg:$0xd];
	[sflag:s10] =	ssyncadd.s32 $0xFFFFE000  }
0x119: {  	[spmem:s3] =	stream.indirect.scatter.add.f32 [tilespmem:s15], [sflag:$0x3], $0x10, s1, s12, $0xb8;
	[tilespmem:$0x11F00] =	vst v63  }
0x11a: {  	_ =	swait.ge [sflag:s11], $0x2000  }
0x11b: {  	[sflag:s11] =	ssyncset.done $0x0  }
0x11c: {  	s1 =	rddreg [dreg:$0xe];
	[sflag:s11] =	ssyncadd.s32 $0xFFFFE000  }
0x11d: {  	[spmem:s3] =	stream.indirect.scatter.add.f32 [tilespmem:s16], [sflag:$0x4], $0x10, s1, s12, $0xb8;
	[tilespmem:$0x11F00] =	vst v63  }
0x11e: {  	_ =	swait.ge [sflag:s17], $0x2000  }
0x11f: {  	[sflag:s17] =	ssyncset.done $0x0  }
0x120: {  	s1 =	rddreg [dreg:$0xf];
	[sflag:s17] =	ssyncadd.s32 $0xFFFFE000  }
0x121: {  	[tilespmem:s13], [sflag:$0x5] =	stream.indirect.gather [spmem:s2], $0x10, s1, s12, $0xb8;
	[tilespmem:$0x11F00] =	vst v63  }
0x122: {  	_ =	swait.ge [sflag:s18], $0x2000  }
0x123: {  	[sflag:s18] =	ssyncset.done $0x0  }
0x124: {  	s1 =	rddreg [dreg:$0x10];
	[sflag:s18] =	ssyncadd.s32 $0xFFFFE000  }
0x125: {  	[tilespmem:s14], [sflag:$0x6] =	stream.indirect.gather [spmem:s2], $0x10, s1, s12, $0xb8;
	[tilespmem:$0x11F00] =	vst v63  }
0x126: {  	_ =	swait.ge [sflag:s19], $0x2000  }
0x127: {  	[sflag:s19] =	ssyncset.done $0x0  }
0x128: {  	s1 =	rddreg [dreg:$0x11];
	[sflag:s19] =	ssyncadd.s32 $0xFFFFE000  }
0x129: {  	[tilespmem:s15], [sflag:$0x7] =	stream.indirect.gather [spmem:s2], $0x10, s1, s12, $0xb8;
	[tilespmem:$0x11F00] =	vst v63  }
0x12a: {  	_ =	swait.ge [sflag:s20], $0x2000  }
0x12b: {  	[sflag:s20] =	ssyncset.done $0x0  }
0x12c: {  	s1 =	rddreg [dreg:$0x12];
	[sflag:s20] =	ssyncadd.s32 $0xFFFFE000  }
0x12d: {  	[tilespmem:s16], [sflag:$0x8] =	stream.indirect.gather [spmem:s2], $0x10, s1, s12, $0xb8;
	[tilespmem:$0x11F00] =	vst v63  }
0x12e: {  	_ =	swait.ge [sflag:s8], $0x2000  }
0x12f: {  	[sflag:s8] =	ssyncset.done $0x0  }
0x130: {  	s1 =	rddreg [dreg:$0x13];
	[sflag:s8] =	ssyncadd.s32 $0xFFFFE000  }
0x131: {  	[spmem:s3] =	stream.indirect.scatter.add.f32 [tilespmem:s13], [sflag:$0x1], $0x10, s1, s12, $0xb8;
	[tilespmem:$0x11F00] =	vst v63  }
0x132: {  	_ =	swait.ge [sflag:s9], $0x2000  }
0x133: {  	[sflag:s9] =	ssyncset.done $0x0  }
0x134: {  	s1 =	rddreg [dreg:$0x14];
	[sflag:s9] =	ssyncadd.s32 $0xFFFFE000  }
0x135: {  	[spmem:s3] =	stream.indirect.scatter.add.f32 [tilespmem:s14], [sflag:$0x2], $0x10, s1, s12, $0xb8;
	[tilespmem:$0x11F00] =	vst v63  }
0x136: {  	_ =	swait.ge [sflag:s10], $0x2000  }
0x137: {  	[sflag:s10] =	ssyncset.done $0x0  }
0x138: {  	s1 =	rddreg [dreg:$0x15];
	[sflag:s10] =	ssyncadd.s32 $0xFFFFE000  }
0x139: {  	[spmem:s3] =	stream.indirect.scatter.add.f32 [tilespmem:s15], [sflag:$0x3], $0x10, s1, s12, $0xb8;
	[tilespmem:$0x11F00] =	vst v63  }
0x13a: {  	_ =	swait.ge [sflag:s11], $0x2000  }
0x13b: {  	[sflag:s11] =	ssyncset.done $0x0  }
0x13c: {  	s1 =	rddreg [dreg:$0x16];
	[sflag:s11] =	ssyncadd.s32 $0xFFFFE000  }
0x13d: {  	[spmem:s3] =	stream.indirect.scatter.add.f32 [tilespmem:s16], [sflag:$0x4], $0x10, s1, s12, $0xb8;
	[tilespmem:$0x11F00] =	vst v63  }
0x13e: {  	_ =	swait.ge [sflag:s17], $0x2000  }
0x13f: {  	[sflag:s17] =	ssyncset.done $0x0  }
0x140: {  	s1 =	rddreg [dreg:$0x17];
	[sflag:s17] =	ssyncadd.s32 $0xFFFFE000  }
0x141: {  	[tilespmem:s13], [sflag:$0x5] =	stream.indirect.gather [spmem:s2], $0x10, s1, s12, $0xb8;
	[tilespmem:$0x11F00] =	vst v63  }
0x142: {  	_ =	swait.ge [sflag:s18], $0x2000  }
0x143: {  	[sflag:s18] =	ssyncset.done $0x0  }
0x144: {  	s1 =	rddreg [dreg:$0x18];
	[sflag:s18] =	ssyncadd.s32 $0xFFFFE000  }
0x145: {  	[tilespmem:s14], [sflag:$0x6] =	stream.indirect.gather [spmem:s2], $0x10, s1, s12, $0xb8;
	[tilespmem:$0x11F00] =	vst v63  }
0x146: {  	_ =	swait.ge [sflag:s19], $0x2000  }
0x147: {  	[sflag:s19] =	ssyncset.done $0x0  }
0x148: {  	s1 =	rddreg [dreg:$0x19];
	[sflag:s19] =	ssyncadd.s32 $0xFFFFE000  }
0x149: {  	[tilespmem:s15], [sflag:$0x7] =	stream.indirect.gather [spmem:s2], $0x10, s1, s12, $0xb8;
	[tilespmem:$0x11F00] =	vst v63  }
0x14a: {  	_ =	swait.ge [sflag:s20], $0x2000  }
0x14b: {  	[sflag:s20] =	ssyncset.done $0x0  }
0x14c: {  	s1 =	rddreg [dreg:$0x1a];
	[sflag:s20] =	ssyncadd.s32 $0xFFFFE000  }
0x14d: {  	[tilespmem:s16], [sflag:$0x8] =	stream.indirect.gather [spmem:s2], $0x10, s1, s12, $0xb8;
	[tilespmem:$0x11F00] =	vst v63  }
0x14e: {  	_ =	swait.ge [sflag:s8], $0x2000  }
0x14f: {  	[sflag:s8] =	ssyncset.done $0x0  }
0x150: {  	s1 =	rddreg [dreg:$0x1b];
	[sflag:s8] =	ssyncadd.s32 $0xFFFFE000  }
0x151: {  	[spmem:s3] =	stream.indirect.scatter.add.f32 [tilespmem:s13], [sflag:$0x1], $0x10, s1, s12, $0xb8;
	[tilespmem:$0x11F00] =	vst v63  }
0x152: {  	_ =	swait.ge [sflag:s9], $0x2000  }
0x153: {  	[sflag:s9] =	ssyncset.done $0x0  }
0x154: {  	s1 =	rddreg [dreg:$0x1c];
	[sflag:s9] =	ssyncadd.s32 $0xFFFFE000  }
0x155: {  	[spmem:s3] =	stream.indirect.scatter.add.f32 [tilespmem:s14], [sflag:$0x2], $0x10, s1, s12, $0xb8;
	[tilespmem:$0x11F00] =	vst v63  }
0x156: {  	_ =	swait.ge [sflag:s10], $0x2000  }
0x157: {  	[sflag:s10] =	ssyncset.done $0x0  }
0x158: {  	s1 =	rddreg [dreg:$0x1d];
	[sflag:s10] =	ssyncadd.s32 $0xFFFFE000  }
0x159: {  	[spmem:s3] =	stream.indirect.scatter.add.f32 [tilespmem:s15], [sflag:$0x3], $0x10, s1, s12, $0xb8;
	[tilespmem:$0x11F00] =	vst v63  }
0x15a: {  	_ =	swait.ge [sflag:s11], $0x2000  }
0x15b: {  	[sflag:s11] =	ssyncset.done $0x0  }
0x15c: {  	s1 =	rddreg [dreg:$0x1e];
	[sflag:s11] =	ssyncadd.s32 $0xFFFFE000  }
0x15d: {  	[spmem:s3] =	stream.indirect.scatter.add.f32 [tilespmem:s16], [sflag:$0x4], $0x10, s1, s12, $0xb8;
	[tilespmem:$0x11F00] =	vst v63  }
0x15e: {  	_ =	swait.ge [sflag:s17], $0x2000  }
0x15f: {  	[sflag:s17] =	ssyncset.done $0x0  }
0x160: {  	s1 =	rddreg [dreg:$0x1f];
	[sflag:s17] =	ssyncadd.s32 $0xFFFFE000  }
0x161: {  	[tilespmem:s13], [sflag:$0x5] =	stream.indirect.gather [spmem:s2], $0x10, s1, s12, $0xb8;
	[tilespmem:$0x11F00] =	vst v63  }
0x162: {  	_ =	swait.ge [sflag:s18], $0x2000  }
0x163: {  	s1 =	sld [smem:$0x7F5]  }
0x164: {  	[sflag:s18] =	ssyncset.done $0x0  }
0x165: {  	[sflag:s18] =	ssyncadd.s32 $0xFFFFE000  }
0x166: {  	[tilespmem:s14], [sflag:$0x6] =	stream.indirect.gather [spmem:s2], $0x10, s1, s12, $0xb8;
	[tilespmem:$0x11F00] =	vst v63  }
0x167: {  	_ =	swait.ge [sflag:s19], $0x2000  }
0x168: {  	s1 =	sld [smem:$0x7F6]  }
0x169: {  	[sflag:s19] =	ssyncset.done $0x0  }
0x16a: {  	[sflag:s19] =	ssyncadd.s32 $0xFFFFE000  }
0x16b: {  	[tilespmem:s15], [sflag:$0x7] =	stream.indirect.gather [spmem:s2], $0x10, s1, s12, $0xb8;
	[tilespmem:$0x11F00] =	vst v63  }
0x16c: {  	_ =	swait.ge [sflag:s20], $0x2000  }
0x16d: {  	s1 =	sld [smem:$0x7F7]  }
0x16e: {  	[sflag:s20] =	ssyncset.done $0x0  }
0x16f: {  	[sflag:s20] =	ssyncadd.s32 $0xFFFFE000  }
0x170: {  	[tilespmem:s16], [sflag:$0x8] =	stream.indirect.gather [spmem:s2], $0x10, s1, s12, $0xb8;
	[tilespmem:$0x11F00] =	vst v63  }
0x171: {  	_ =	swait.ge [sflag:s8], $0x2000  }
0x172: {  	s1 =	sld [smem:$0x7F8]  }
0x173: {  	[sflag:s8] =	ssyncset.done $0x0  }
0x174: {  	[sflag:s8] =	ssyncadd.s32 $0xFFFFE000  }
0x175: {  	[spmem:s3] =	stream.indirect.scatter.add.f32 [tilespmem:s13], [sflag:$0x1], $0x10, s1, s12, $0xb8;
	[tilespmem:$0x11F00] =	vst v63  }
0x176: {  	_ =	swait.ge [sflag:s9], $0x2000  }
0x177: {  	s1 =	sld [smem:$0x7F9]  }
0x178: {  	[sflag:s9] =	ssyncset.done $0x0  }
0x179: {  	[sflag:s9] =	ssyncadd.s32 $0xFFFFE000  }
0x17a: {  	[spmem:s3] =	stream.indirect.scatter.add.f32 [tilespmem:s14], [sflag:$0x2], $0x10, s1, s12, $0xb8;
	[tilespmem:$0x11F00] =	vst v63  }
0x17b: {  	_ =	swait.ge [sflag:s10], $0x2000  }
0x17c: {  	s1 =	sld [smem:$0x7FA]  }
0x17d: {  	[sflag:s10] =	ssyncset.done $0x0  }
0x17e: {  	[sflag:s10] =	ssyncadd.s32 $0xFFFFE000  }
0x17f: {  	[spmem:s3] =	stream.indirect.scatter.add.f32 [tilespmem:s15], [sflag:$0x3], $0x10, s1, s12, $0xb8;
	[tilespmem:$0x11F00] =	vst v63  }
0x180: {  	_ =	swait.ge [sflag:s11], $0x2000  }
0x181: {  	s1 =	sld [smem:$0x7FB]  }
0x182: {  	[sflag:s11] =	ssyncset.done $0x0  }
0x183: {  	[sflag:s11] =	ssyncadd.s32 $0xFFFFE000  }
0x184: {  	[spmem:s3] =	stream.indirect.scatter.add.f32 [tilespmem:s16], [sflag:$0x4], $0x10, s1, s12, $0xb8;
	[tilespmem:$0x11F00] =	vst v63  }
0x185: {  	_ =	swait.ge [sflag:s17], $0x2000  }
0x186: {  	s1 =	sld [smem:$0x7FC]  }
0x187: {  	[sflag:s17] =	ssyncset.done $0x0  }
0x188: {  	[sflag:s17] =	ssyncadd.s32 $0xFFFFE000  }
0x189: {  	[tilespmem:s13], [sflag:$0x5] =	stream.indirect.gather [spmem:s2], $0x10, s1, s12, $0xb8;
	[tilespmem:$0x11F00] =	vst v63  }
0x18a: {  	_ =	swait.ge [sflag:s18], $0x2000  }
0x18b: {  	s1 =	sld [smem:$0x7FD]  }
0x18c: {  	[sflag:s18] =	ssyncset.done $0x0  }
0x18d: {  	[sflag:s18] =	ssyncadd.s32 $0xFFFFE000  }
0x18e: {  	[tilespmem:s14], [sflag:$0x6] =	stream.indirect.gather [spmem:s2], $0x10, s1, s12, $0xb8;
	[tilespmem:$0x11F00] =	vst v63  }
0x18f: {  	_ =	swait.ge [sflag:s19], $0x2000  }
0x190: {  	[sflag:s19] =	ssyncset.done $0x0  }
0x191: {  	[sflag:s19] =	ssyncadd.s32 $0xFFFFE000  }
0x192: {  	[tilespmem:s15], [sflag:$0x7] =	stream.indirect.gather [spmem:s2], $0x10, s21, s12, $0xb8;
	[tilespmem:$0x11F00] =	vst v63  }
0x193: {  	_ =	swait.ge [sflag:s20], $0x2000  }
0x194: {  	[sflag:s20] =	ssyncset.done $0x0  }
0x195: {  	[sflag:s20] =	ssyncadd.s32 $0xFFFFE000  }
0x196: {  	[tilespmem:s16], [sflag:$0x8] =	stream.indirect.gather [spmem:s2], $0x10, s22, s12, $0xb8;
	[tilespmem:$0x11F00] =	vst v63  }
0x197: {  	_ =	swait.ge [sflag:s8], $0x2000  }
0x198: {  	[sflag:s8] =	ssyncset.done $0x0  }
0x199: {  	[sflag:s8] =	ssyncadd.s32 $0xFFFFE000  }
0x19a: {  	[spmem:s3] =	stream.indirect.scatter.add.f32 [tilespmem:s13], [sflag:$0x1], $0x10, s23, s12, $0xb8;
	[tilespmem:$0x11F00] =	vst v63  }
0x19b: {  	_ =	swait.ge [sflag:s9], $0x2000  }
0x19c: {  	[sflag:s9] =	ssyncset.done $0x0  }
0x19d: {  	[sflag:s9] =	ssyncadd.s32 $0xFFFFE000  }
0x19e: {  	[spmem:s3] =	stream.indirect.scatter.add.f32 [tilespmem:s14], [sflag:$0x2], $0x10, s24, s12, $0xb8;
	[tilespmem:$0x11F00] =	vst v63  }
0x19f: {  	_ =	swait.ge [sflag:s10], $0x2000  }
0x1a0: {  	[sflag:s10] =	ssyncset.done $0x0  }
0x1a1: {  	[sflag:s10] =	ssyncadd.s32 $0xFFFFE000  }
0x1a2: {  	[spmem:s3] =	stream.indirect.scatter.add.f32 [tilespmem:s15], [sflag:$0x3], $0x10, s25, s12, $0xb8;
	[tilespmem:$0x11F00] =	vst v63  }
0x1a3: {  	_ =	swait.ge [sflag:s11], $0x2000  }
0x1a4: {  	[sflag:s11] =	ssyncset.done $0x0  }
0x1a5: {  	[sflag:s11] =	ssyncadd.s32 $0xFFFFE000  }
0x1a6: {  	[spmem:s3] =	stream.indirect.scatter.add.f32 [tilespmem:s16], [sflag:$0x4], $0x10, s26, s12, $0xb8;
	[tilespmem:$0x11F00] =	vst v63  }
0x1a7: {  	_ =	swait.ge [sflag:s17], $0x2000  }
0x1a8: {  	[sflag:s17] =	ssyncset.done $0x0  }
0x1a9: {  	[sflag:s17] =	ssyncadd.s32 $0xFFFFE000  }
0x1aa: {  	_ =	swait.ge [sflag:s18], $0x2000  }
0x1ab: {  	[sflag:s18] =	ssyncset.done $0x0  }
0x1ac: {  	[sflag:s18] =	ssyncadd.s32 $0xFFFFE000  }
0x1ad: {  	_ =	swait.ge [sflag:s19], $0x2000  }
0x1ae: {  	s29 =	sadd.s32 $0xFFFFFFFF, s29;
	[sflag:s19] =	ssyncset.done $0x0  }
0x1af: {  	p0 =	sne.s32 s29, $0x0;
	[sflag:s19] =	ssyncadd.s32 $0xFFFFE000  }
.Ltmp1:
0x1b0: {  	_ =	swait.ge [sflag:s20], $0x2000;
	(pc) =	sbr.rel @p0 .LBB2_1-.Ltmp1, $4  }
0x1b1: {  	[sflag:s20] =	ssyncset.done $0x0  }
0x1b2: {  	[sflag:s20] =	ssyncadd.s32 $0xFFFFE000  }
0x1b3: {  	[bflag:$0x0] =	sbarrier.arrive $0xFFFF  }
0x1b4: {  	[hbm:s28], [sflag:s31] =	dma.local [spmem:s6], $0x4F0  }
.LBB2_2:
0x1b5: {  	_ =	swait.ge [sflag:s30], $0x4F0  }
0x1b6: {  	[sflag:s30] =	ssyncset.done $0x0  }
0x1b7: {  	[sflag:s30] =	ssyncadd.s32 $0xFFFFFB10  }
0x1b8: {  	_ =	sfence.sel $0x180000  }
0x1b9: {  	[bflag:$0x0] =	sbarrier.arrive $0xFFFF  }
0x1ba: {  	_ =	strace $0x90000053  }
0x1bb: {  	s0 =	stileid.u32;
	[bflag:$0x2] =	sbarrier.arrive $0xFFFF  }
0x1bc: {  	p0 =	sne.s32 s0, $0x0;
	s0 =	rddreg [dreg:$0x3]  }
0x1bd: {  	s0 =	sadd.s32 @!p0 $0x100000, s0  }
0x1be: {  	[sflag:s0] =	ssyncadd.tile.s32 @!p0 $0x1;
	_ =	shalt  }
.Lfunc_end2:
_tile_overlayer_lowered:
.L_overlay_start_2:
0x1bf: {  	(tag) =	ssettag $0x2  }
0x1c0: {  	s0 =	rddreg [dreg:$0x0];
	s2 =	stileid.u32  }
0x1c1: {  	s1 =	rddreg [dreg:$0x1];
	p0 =	sne.s32 s2, $0x0  }
0x1c2: {  	s3 =	rddreg [dreg:$0x2];
	[bflag:$0x3] =	sbarrier.arrive $0xFFFF;
	s2 =	simm.s32 @!p0 $0x1C09  }
0x1c3: {  	[timem:s3], [sflag:s2] =	dma.local @!p0 [hbm:s0], s1  }
0x1c4: {  	s0 =	simm.s32 @!p0 $0x9  }
0x1c5: {  	_ =	swait.ge @!p0 [sflag:s0], s1  }
0x1c6: {  	s1 =	ssub.s32 @!p0 $0x0, s1;
	[sflag:s0] =	ssyncset.done @!p0 $0x0  }
0x1c7: {  	[sflag:s0] =	ssyncadd.s32 @!p0 s1  }
0x1c8: {  	[bflag:$0x3] =	sbarrier.arrive $0xFFFF  }
0x1c9: {  	_ =	shalt  }

// kernel: kernel.31.cloned.1.call-start
scs
__scs_entry_jumppad:
0x0: {  	(pc) =	sbr.rel $0x88, $3  }
0x1: {  	(tag) =	ssettag $0x0;
	lr =	simm.s32 $0x1  }
0x2: {  	[smem:$0x3F91] =	sst lr;
	_ =	strace $0xD0000000  }
0x3: {  	_ = 	snop  }
0x4: {  	_ = 	snop  }
0x5: {  	_ = 	snop  }
0x6: {  	_ = 	snop  }
0x7: {  	_ = 	snop  }
__scs_overlays_trampoline_lowered:
0x8: {  	[smem:$0x3FA0] =	sst s0  }
0x9: {  	[smem:$0x3FA1] =	sst s1  }
0xa: {  	[smem:$0x3FA2] =	sst s2  }
0xb: {  	[smem:$0x3FA3] =	sst s3  }
0xc: {  	[smem:$0x3FA4] =	sst s4  }
0xd: {  	[smem:$0x3FA5] =	sst s5  }
0xe: {  	[smem:$0x3FA6] =	sst s6  }
0xf: {  	[smem:$0x3FA7] =	sst s7  }
0x10: {  	[smem:$0x3FA8] =	sst s8  }
0x11: {  	[smem:$0x3FA9] =	sst s9;
	s0 =	simm.s32 @!p0 $0x0  }
0x12: {  	s1 =	sld [smem:$0x3F8F];
	s0 =	simm.s32 @p0 $0x1  }
0x13: {  	[smem:$0x3FAA] =	sst s0;
	s0 =	simm.s32 @!p1 $0x0  }
0x14: {  	s2 =	sld [smem:$0x3F8E];
	s0 =	simm.s32 @p1 $0x1  }
0x15: {  	[smem:$0x3FAB] =	sst s0;
	s0 =	simm.s32 @!p2 $0x0  }
0x16: {  	s3 =	sld [smem:$0x3FDB];
	s0 =	simm.s32 @p2 $0x1  }
0x17: {  	s4 =	simm.s32 $0x1BF5;
	[smem:$0x3FAD] =	sst s0  }
0x18: {  	s0 =	sld [smem:$0x3F90];
	_ =	swait.ge [sflag:s4], $0x0  }
0x19: {  	s7 =	sld [smem:$0x3F91]  }
0x1a: {  	s8 =	sadd.s32 $0xFFFFE003, lr  }
0x1b: {  	s9 =	sadd.s32 $0xFFFFFEF7, lr;
	s5 =	simm.s32 $0xFFFFFFFF;
	p2 =	slt.u32 s8, $0xFFFFF086  }
0x1c: {  	p1 =	slt.u32 s9, $0xF7A;
	s5 =	simm.s32 @!p2 $0x0  }
0x1d: {  	s5 =	simm.s32 @p1 $0x1;
	p0 =	seq.s32 s7, s2  }
0x1e: {  	s7 =	smul.u32 @!p0 $0xF7A, s2;
	p2 =	seq.s32 @!p0 s5, $0x0  }
0x1f: {  	s9 =	smul.u32 $0xF7A, s1;
	s8 =	simm.s32 @!p0 $0x1BF5;
	p2 =	por !p2, p0  }
0x20: {  	[sflag:s8] =	ssyncset.s32 @!p0 $0xFFFFF086;
	s6 =	sadd.s32 @!p0 s3, s7;
	s7 =	simm.s32 @!p0 $0x108  }
0x21: {  	s3 =	sadd.s32 s3, s9;
	s6 =	sadd.s32 @!p0 $0x88, s6;
	s7 =	simm.s32 @p2 $0x1082  }
0x22: {  	[simem:s7], [sflag:s8] =	dma.local @!p0 [hbm:s6], $0xF7A  }
0x23: {  	s9 =	sor.u32 $0xD0000000, s2;
	s6 =	simm.s32 $0x108;
	_ =	swait.ge @!p0 [sflag:s8], $0x0  }
0x24: {  	s3 =	sadd.s32 $0x88, s3;
	s6 =	simm.s32 @!p1 $0x1082;
	[sflag:s4] =	ssyncset.s32 $0xFFFFF086  }
0x25: {  	[simem:s6], [sflag:s4] =	dma.local [hbm:s3], $0xF7A  }
0x26: {  	[smem:$0x3F91] =	sst s1;
	(tag) =	ssettag s2;
	_ =	strace s9  }
0x27: {  	s1 =	sld [smem:$0x3FA1]  }
0x28: {  	s2 =	sld [smem:$0x3FA2]  }
0x29: {  	s4 =	sld [smem:$0x3FA4]  }
0x2a: {  	p0 =	seq.s32 s5, $0x0;
	s5 =	sld [smem:$0x3FA5]  }
0x2b: {  	s6 =	sld [smem:$0x3FA6]  }
0x2c: {  	s7 =	sld [smem:$0x3FA7]  }
0x2d: {  	s3 =	simm.s32 $0x108;
	s8 =	sld [smem:$0x3FA8]  }
0x2e: {  	s3 =	simm.s32 @!p0 $0x1082;
	s9 =	sld [smem:$0x3FA9]  }
0x2f: {  	lr =	sadd.s32 s0, s3;
	s0 =	sld [smem:$0x3FA0]  }
0x30: {  	s3 =	sld [smem:$0x3FA3]  }
0x31: {  	[smem:$0x3FAC] =	sst s10  }
0x32: {  	s10 =	sld [smem:$0x3FAA];
	_ =	sdelay $0x3  }
0x33: {  	p0 =	seq.s32 s10, $0x1;
	s10 =	sld [smem:$0x3FAC];
	_ =	sdelay $0x3  }
0x34: {  	[smem:$0x3FAC] =	sst s10  }
0x35: {  	s10 =	sld [smem:$0x3FAB];
	_ =	sdelay $0x3  }
0x36: {  	p1 =	seq.s32 s10, $0x1;
	s10 =	sld [smem:$0x3FAC];
	_ =	sdelay $0x3  }
0x37: {  	[smem:$0x3FAC] =	sst s10  }
0x38: {  	s10 =	sld [smem:$0x3FAD]  }
0x39: {  	_ = 	snop;
	(pc) =	sbr.ind lr, $3  }
0x3a: {  	_ = 	snop  }
0x3b: {  	_ = 	snop  }
0x3c: {  	p2 =	seq.s32 s10, $0x1;
	s10 =	sld [smem:$0x3FAC]  }
0x3d: {  	_ =	shalt  }
0x3e: {  	_ =	shalt  }
0x3f: {  	_ =	shalt  }
0x40: {  	_ =	shalt  }
0x41: {  	_ =	shalt  }
0x42: {  	_ =	shalt  }
0x43: {  	_ =	shalt  }
0x44: {  	_ =	shalt  }
0x45: {  	_ =	shalt  }
0x46: {  	_ =	shalt  }
0x47: {  	_ =	shalt  }
0x48: {  	_ =	shalt  }
0x49: {  	_ =	shalt  }
0x4a: {  	_ =	shalt  }
0x4b: {  	_ =	shalt  }
0x4c: {  	_ =	shalt  }
0x4d: {  	_ =	shalt  }
0x4e: {  	_ =	shalt  }
0x4f: {  	_ =	shalt  }
0x50: {  	_ =	shalt  }
0x51: {  	_ =	shalt  }
0x52: {  	_ =	shalt  }
0x53: {  	_ =	shalt  }
0x54: {  	_ =	shalt  }
0x55: {  	_ =	shalt  }
0x56: {  	_ =	shalt  }
0x57: {  	_ =	shalt  }
0x58: {  	_ =	shalt  }
0x59: {  	_ =	shalt  }
0x5a: {  	_ =	shalt  }
0x5b: {  	_ =	shalt  }
0x5c: {  	_ =	shalt  }
0x5d: {  	_ =	shalt  }
0x5e: {  	_ =	shalt  }
0x5f: {  	_ =	shalt  }
0x60: {  	_ =	shalt  }
0x61: {  	_ =	shalt  }
0x62: {  	_ =	shalt  }
0x63: {  	_ =	shalt  }
0x64: {  	_ =	shalt  }
0x65: {  	_ =	shalt  }
0x66: {  	_ =	shalt  }
0x67: {  	_ =	shalt  }
0x68: {  	_ =	shalt  }
0x69: {  	_ =	shalt  }
0x6a: {  	_ =	shalt  }
0x6b: {  	_ =	shalt  }
0x6c: {  	_ =	shalt  }
0x6d: {  	_ =	shalt  }
0x6e: {  	_ =	shalt  }
0x6f: {  	_ =	shalt  }
0x70: {  	_ =	shalt  }
0x71: {  	_ =	shalt  }
0x72: {  	_ =	shalt  }
0x73: {  	_ =	shalt  }
0x74: {  	_ =	shalt  }
0x75: {  	_ =	shalt  }
0x76: {  	_ =	shalt  }
0x77: {  	_ =	shalt  }
0x78: {  	_ =	shalt  }
0x79: {  	_ =	shalt  }
0x7a: {  	_ =	shalt  }
0x7b: {  	_ =	shalt  }
0x7c: {  	_ =	shalt  }
0x7d: {  	_ =	shalt  }
0x7e: {  	_ =	shalt  }
0x7f: {  	_ =	shalt  }
0x80: {  	_ =	shalt  }
0x81: {  	_ =	shalt  }
0x82: {  	_ =	shalt  }
0x83: {  	_ =	shalt  }
0x84: {  	_ =	shalt  }
0x85: {  	_ =	shalt  }
0x86: {  	_ =	shalt  }
0x87: {  	_ =	shalt  }
.Lfunc_end0:
.L_simem_size_0:
called_computation.5_lowered:
.L_overlay_start_0:
0x88: {  	s2 =	sld [smem:$0x3FD9]  }
0x89: {  	s3 =	sld [smem:$0x3FFE];
	_ =	sdelay $0x1  }
0x8a: {  	s1 =	srdreg.scid  }
0x8b: {  	s0 =	sand.u32 $0x1, s1  }
0x8c: {  	s16 =	sshll.u32 s0, $0xA;
	s2 =	sadd.s32 s3, s2  }
0x8d: {  	s2 =	sadd.s32 s2, s16  }
0x8e: {  	[smem:$0x3FB8] =	sst s2  }
0x8f: {  	_ = 	snop  }
0x90: {  	(tm) =	ssettm $0x1  }
0x91: {  	s17 =	sld [smem:$0x3FFB];
	_ =	sdelay $0x3  }
0x92: {  	_ =	strace s17  }
0x93: {  	s2 =	sld [smem:$0x3FFC];
	_ =	sdelay $0x3  }
0x94: {  	_ =	strace s2  }
0x95: {  	s2 =	sld [smem:$0x3FFD];
	_ =	sdelay $0x3  }
0x96: {  	_ =	strace s2  }
0x97: {  	_ =	strace $0x8FFFFFFF  }
0x98: {  	s18 =	sld [smem:$0x3FDB];
	_ =	sdelay $0x1  }
0x99: {  	s19 =	simm.s32 $_scs_section_size  }
0x9a: {  	s4 =	simm.s32 $_size__tile_overlayer_lowered;
	s5 =	simm.s32 $_tile_overlayer_lowered  }
0x9b: {  	s22 =	simm.s32 $0x1BFF;
	s21 =	sshll.u32 s5, $0x1;
	s2 =	sadd.s32 s19, s18  }
0x9c: {  	s6 =	simm.s32 $0x0;
	s20 =	sshll.u32 s4, $0x1;
	s4 =	sadd.s32 s21, s2  }
0x9d: {  	[timem:s6], [sflag:s22] =	dma.local [hbm:s4], s20  }
0x9e: {  	_ =	swait.ge [sflag:s22], s20  }
0x9f: {  	s3 =	ssub.s32 $0x0, s20;
	[sflag:s22] =	ssyncset.done $0x0  }
0xa0: {  	[sflag:s22] =	ssyncadd.s32 s3;
	_ =	sdelay $0x1  }
0xa1: {  	s23 =	simm.s32 $0x1B8B  }
0xa2: {  	_ =	swait.ge [sflag:s23], $0x1  }
0xa3: {  	[sflag:s23] =	ssyncset.done $0x0  }
0xa4: {  	s25 =	simm.s32 $0x1B8E;
	s24 =	sld [smem:$0x3FFE];
	[sflag:s23] =	ssyncadd.s32 $0xFFFFFFFF  }
0xa5: {  	s26 =	simm.s32 $execute0_lowered;
	[smem:$0x3FD2] =	sst s25  }
0xa6: {  	s4 =	sshll.u32 s26, $0x1;
	_ =	strace $0x80000055;
	[dreg:$0x1] =	wrdreg $0xFFFFFFFF  }
0xa7: {  	s28 =	simm.s32 $_size_execute0_lowered;
	s2 =	sadd.s32 s2, s4;
	[dreg:$0x0] =	wrdreg $0x0  }
0xa8: {  	s4 =	sshll.u32 s28, $0x1;
	[dreg:$0x2] =	wrdreg s2  }
0xa9: {  	[dreg:$0x3] =	wrdreg s4  }
0xaa: {  	[dreg:$0x4] =	wrdreg $0xC0  }
0xab: {  	_ =	task [dreg:s6], $0x5FFFF  }
0xac: {  	[dreg:$0x1] =	wrdreg $0xFFFFFFFF  }
0xad: {  	[dreg:$0x0] =	wrdreg $0x60  }
0xae: {  	[dreg:$0x2] =	wrdreg s24  }
0xaf: {  	[dreg:$0x3] =	wrdreg $0xD0000  }
0xb0: {  	[dreg:$0x4] =	wrdreg $0xF7800  }
0xb1: {  	[dreg:$0x5] =	wrdreg $0x9  }
0xb2: {  	_ =	task.clear_ibuf [dreg:s6], $0x6FFFF;
	_ =	strace $0x90000055  }
0xb3: {  	s29 =	simm.s32 $0x9;
	_ =	strace $0x80000057  }
0xb4: {  	_ =	swait.ge [sflag:s29], $0x1  }
0xb5: {  	[sflag:s29] =	ssyncadd.s32 $0xFFFFFFFF  }
0xb6: {  	_ =	strace $0x90000057  }
0xb7: {  	_ =	sfence  }
0xb8: {  	s30 =	sld [smem:$0x0];
	_ =	sdelay $0x2  }
0xb9: {  	s31 =	sshll.u32 s1, $0xD;
	s1 =	sshrl.u32 s1, $0x2  }
0xba: {  	s3 =	sand.u32 $0x4000, s31;
	s1 =	sadd.s32 s1, s30  }
0xbb: {  	s0 =	sor.u32 s3, s0;
	s1 =	sshll.u32 s1, $0x11  }
0xbc: {  	s0 =	sor.u32 s1, s0  }
0xbd: {  	s0 =	sadd.s32 $0x8F2B, s0  }
0xbe: {  	[sflag:s0] =	ssyncadd.remote.s32 $0x1  }
0xbf: {  	_ =	sfence.sel $0xFFFF  }
0xc0: {  	[dreg:$0x0] =	wrdreg $0xFFFFFFFF;
	(pc) =	sbr.abs _section_cstart, $3  }
0xc1: {  	[dreg:$0x1] =	wrdreg $0xFFFFFFFF  }
0xc2: {  	_ =	task.clear_ibuf [dreg:s6], $0x2FFFF;
	_ =	strace $0x9FFFFFFF  }
0xc3: {  	(tm) =	ssettm $0x7FFFFFFF  }
tec
execute0_lowered:
.L_overlay_start_1:
0x0: {  	(tag) =	ssettag $0x1  }
0x1: {  	s28 =	rddreg [dreg:$0x0]  }
0x2: {  	s2 =	rddreg [dreg:$0x1]  }
0x3: {  	s3 =	rddreg [dreg:$0x2];
	s4 =	simm.s32 $0x0  }
0x4: {  	s11 =	simm.s32 $0x2A00;
	[smem:$0x7FF] =	sst s4  }
0x5: {  	s12 =	simm.s32 $0x2C00;
	_ =	strace $0x80000056;
	[dreg:$0xc] =	wrdreg s11  }
0x6: {  	s13 =	simm.s32 $0x2E00;
	[dreg:$0xd] =	wrdreg s12  }
0x7: {  	s14 =	simm.s32 $0x800;
	[dreg:$0xe] =	wrdreg s13  }
0x8: {  	s15 =	simm.s32 $0xA00;
	[dreg:$0xf] =	wrdreg s14  }
0x9: {  	s16 =	simm.s32 $0xC00;
	[dreg:$0x10] =	wrdreg s15  }
0xa: {  	s17 =	simm.s32 $0xE00;
	[dreg:$0x11] =	wrdreg s16  }
0xb: {  	s18 =	simm.s32 $0x3000;
	[dreg:$0x12] =	wrdreg s17  }
0xc: {  	s19 =	simm.s32 $0x3200;
	[dreg:$0x13] =	wrdreg s18  }
0xd: {  	s20 =	simm.s32 $0x3400;
	[dreg:$0x14] =	wrdreg s19  }
0xe: {  	s21 =	simm.s32 $0x3600;
	[dreg:$0x15] =	wrdreg s20  }
0xf: {  	s22 =	simm.s32 $0x1000;
	[dreg:$0x16] =	wrdreg s21  }
0x10: {  	s23 =	simm.s32 $0x1200;
	[dreg:$0x17] =	wrdreg s22  }
0x11: {  	s24 =	simm.s32 $0x1400;
	[dreg:$0x18] =	wrdreg s23  }
0x12: {  	s0 =	stileid.u32;
	s25 =	simm.s32 $0x1600;
	[dreg:$0x19] =	wrdreg s24  }
0x13: {  	s26 =	simm.s32 $0x3800;
	s30 =	sshll.u32 s0, $0x6;
	[dreg:$0x1a] =	wrdreg s25  }
0x14: {  	s10 =	sor.u32 $0x1C05, s30;
	[dreg:$0x1b] =	wrdreg s26  }
0x15: {  	s11 =	simm.s32 $0x1C00;
	[dreg:$0x4] =	wrdreg s10  }
0x16: {  	s12 =	simm.s32 $0x1E00;
	[smem:$0x7F6] =	sst s11  }
0x17: {  	s13 =	simm.s32 $0x4000;
	[smem:$0x7F7] =	sst s12  }
0x18: {  	s14 =	simm.s32 $0x4200;
	[smem:$0x7F8] =	sst s13  }
0x19: {  	s15 =	simm.s32 $0x4400;
	[smem:$0x7F9] =	sst s14  }
0x1a: {  	s16 =	simm.s32 $0x4600;
	[smem:$0x7FA] =	sst s15  }
0x1b: {  	s18 =	simm.s32 $0x2000;
	[smem:$0x7FB] =	sst s16  }
0x1c: {  	s6 =	smul.u32 $0x2780, s0;
	s20 =	simm.s32 $0x2200;
	[smem:$0x7FC] =	sst s18  }
0x1d: {  	s1 =	srdreg.scid;
	s10 =	simm.s32 $0x600;
	[smem:$0x7FD] =	sst s20  }
0x1e: {  	s31 =	sand.u32 $0x1, s1;
	s9 =	sadd.s32 s6, s2;
	[dreg:$0xb] =	wrdreg s10  }
0x1f: {  	s5 =	sshll.u32 s31, $0x4;
	s1 =	sshrl.u32 s9, $0x3;
	s19 =	rddreg [dreg:$0x4]  }
0x20: {  	p0 =	seq.s32 s31, $0x0;
	s9 =	simm.s32 $0x400;
	[dreg:$0x8] =	wrdreg s1  }
0x21: {  	s5 =	sor.u32 s0, s5;
	s10 =	simm.s32 $0x1A00;
	[dreg:$0xa] =	wrdreg s9  }
0x22: {  	s5 =	smul.u32 $0x500, s5;
	s1 =	simm.s32 $0x3C00;
	[smem:$0x7F5] =	sst s10  }
0x23: {  	s29 =	sshrl.u32 s6, $0x3;
	s9 =	simm.s32 $0x1800;
	[dreg:$0x1d] =	wrdreg s1  }
0x24: {  	s7 =	sadd.s32 s29, s28;
	s8 =	sadd.s32 s5, s28;
	[dreg:$0x1f] =	wrdreg s9  }
0x25: {  	s5 =	sadd.s32 $0x20E00, s7;
	s17 =	rddreg [dreg:$0x8];
	s0 =	sadd.s32 $0x11E00, s8  }
0x26: {  	s7 =	sadd.s32 $0x1BE00, s7;
	s8 =	sadd.s32 $0x7E00, s8;
	[dreg:$0x5] =	wrdreg s0  }
0x27: {  	s7 =	smov.u32 @p0 s5;
	[dreg:$0x6] =	wrdreg s8  }
0x28: {  	[dreg:$0x7] =	wrdreg s7;
	s8 =	sor.u32 $0x1C06, s30  }
0x29: {  	s0 =	simm.s32 $0x3A00;
	[dreg:$0x9] =	wrdreg s8  }
0x2a: {  	[dreg:$0x1c] =	wrdreg s0;
	s8 =	simm.s32 $0x3E00  }
0x2b: {  	[dreg:$0x1e] =	wrdreg s8  }
0x2c: {  	[spmem:s17], [sflag:s19] =	dma.local [hbm:s5], $0x4F0  }
0x2d: {  	s6 =	sadd.s32 s6, s3;
	s7 =	rddreg [dreg:$0x7]  }
0x2e: {  	s6 =	sshrl.u32 s6, $0x3;
	s21 =	rddreg [dreg:$0x9]  }
0x2f: {  	[spmem:s6], [sflag:s21] =	dma.local [hbm:s7], $0x4F0  }
0x30: {  	s7 =	rddreg [dreg:$0x5]  }
0x31: {  	[tilespmem:s4], [sflag:$0x7] =	stream.linear.gather [hbm4b:s7+s4], $0x2800, $0x38;
	[tilespmem:$0x11F00] =	vst v63  }
0x32: {  	s8 =	simm.s32 $0x5;
	s22 =	rddreg [dreg:$0x6];
	s7 =	simm.s32 $0x2800  }
0x33: {  	[tilespmem:s7], [sflag:$0x8] =	stream.linear.gather [hbm4b:s22+s4], $0x2800, $0x38;
	[tilespmem:$0x11F00] =	vst v63  }
0x34: {  	_ =	swait.ge [sflag:s8], $0x4F0  }
0x35: {  	[sflag:s8] =	ssyncset.done $0x0  }
0x36: {  	s9 =	simm.s32 $0x6;
	[sflag:s8] =	ssyncadd.s32 $0xFFFFFB10  }
0x37: {  	_ =	swait.ge [sflag:s9], $0x4F0  }
0x38: {  	[sflag:s9] =	ssyncset.done $0x0  }
0x39: {  	s10 =	simm.s32 $0x7;
	[sflag:s9] =	ssyncadd.s32 $0xFFFFFB10  }
0x3a: {  	_ =	swait.ge [sflag:s10], $0x2800  }
0x3b: {  	[sflag:s10] =	ssyncset.done $0x0  }
0x3c: {  	s11 =	simm.s32 $0x8;
	[sflag:s10] =	ssyncadd.s32 $0xFFFFD800  }
0x3d: {  	_ =	swait.ge [sflag:s11], $0x2800  }
0x3e: {  	[sflag:s11] =	ssyncset.done $0x0  }
0x3f: {  	[sflag:s11] =	ssyncadd.s32 $0xFFFFD800  }
0x40: {  	s12 =	simm.s32 $0x200;
	s13 =	simm.s32 $0x5000;
	[bflag:$0x0] =	sbarrier.arrive $0xFFFF  }
0x41: {  	[tilespmem:s13], [sflag:$0x5] =	stream.indirect.gather [spmem:s2], $0x10, s4, s12, $0xb8;
	[tilespmem:$0x11F00] =	vst v63  }
0x42: {  	s14 =	simm.s32 $0x7000  }
0x43: {  	[tilespmem:s14], [sflag:$0x6] =	stream.indirect.gather [spmem:s2], $0x10, s12, s12, $0xb8;
	[tilespmem:$0x11F00] =	vst v63  }
0x44: {  	s15 =	simm.s32 $0x9000;
	s16 =	rddreg [dreg:$0xa]  }
0x45: {  	[tilespmem:s15], [sflag:$0x7] =	stream.indirect.gather [spmem:s2], $0x10, s16, s12, $0xb8;
	[tilespmem:$0x11F00] =	vst v63  }
0x46: {  	s17 =	rddreg [dreg:$0xb];
	s16 =	simm.s32 $0xB000  }
0x47: {  	[tilespmem:s16], [sflag:$0x8] =	stream.indirect.gather [spmem:s2], $0x10, s17, s12, $0xb8;
	[tilespmem:$0x11F00] =	vst v63  }
0x48: {  	_ =	swait.ge [sflag:s8], $0x2000  }
0x49: {  	[sflag:s8] =	ssyncset.done $0x0  }
0x4a: {  	[sflag:s8] =	ssyncadd.s32 $0xFFFFE000  }
0x4b: {  	[spmem:s3] =	stream.indirect.scatter.add.f32 [tilespmem:s13], [sflag:$0x1], $0x10, s7, s12, $0xb8;
	[tilespmem:$0x11F00] =	vst v63  }
0x4c: {  	_ =	swait.ge [sflag:s9], $0x2000  }
0x4d: {  	[sflag:s9] =	ssyncset.done $0x0  }
0x4e: {  	s23 =	rddreg [dreg:$0xc];
	[sflag:s9] =	ssyncadd.s32 $0xFFFFE000  }
0x4f: {  	[spmem:s3] =	stream.indirect.scatter.add.f32 [tilespmem:s14], [sflag:$0x2], $0x10, s23, s12, $0xb8;
	[tilespmem:$0x11F00] =	vst v63  }
0x50: {  	_ =	swait.ge [sflag:s10], $0x2000  }
0x51: {  	[sflag:s10] =	ssyncset.done $0x0  }
0x52: {  	s24 =	rddreg [dreg:$0xd];
	[sflag:s10] =	ssyncadd.s32 $0xFFFFE000  }
0x53: {  	[spmem:s3] =	stream.indirect.scatter.add.f32 [tilespmem:s15], [sflag:$0x3], $0x10, s24, s12, $0xb8;
	[tilespmem:$0x11F00] =	vst v63  }
0x54: {  	_ =	swait.ge [sflag:s11], $0x2000  }
0x55: {  	[sflag:s11] =	ssyncset.done $0x0  }
0x56: {  	s17 =	simm.s32 $0x1;
	s18 =	rddreg [dreg:$0xe];
	[sflag:s11] =	ssyncadd.s32 $0xFFFFE000  }
0x57: {  	[spmem:s3] =	stream.indirect.scatter.add.f32 [tilespmem:s16], [sflag:$0x4], $0x10, s18, s12, $0xb8;
	[tilespmem:$0x11F00] =	vst v63  }
0x58: {  	_ =	swait.ge [sflag:s17], $0x2000  }
0x59: {  	[sflag:s17] =	ssyncset.done $0x0  }
0x5a: {  	s18 =	simm.s32 $0x2;
	s19 =	rddreg [dreg:$0xf];
	[sflag:s17] =	ssyncadd.s32 $0xFFFFE000  }
0x5b: {  	[tilespmem:s13], [sflag:$0x5] =	stream.indirect.gather [spmem:s2], $0x10, s19, s12, $0xb8;
	[tilespmem:$0x11F00] =	vst v63  }
0x5c: {  	_ =	swait.ge [sflag:s18], $0x2000  }
0x5d: {  	[sflag:s18] =	ssyncset.done $0x0  }
0x5e: {  	s19 =	simm.s32 $0x3;
	s20 =	rddreg [dreg:$0x10];
	[sflag:s18] =	ssyncadd.s32 $0xFFFFE000  }
0x5f: {  	[tilespmem:s14], [sflag:$0x6] =	stream.indirect.gather [spmem:s2], $0x10, s20, s12, $0xb8;
	[tilespmem:$0x11F00] =	vst v63  }
0x60: {  	_ =	swait.ge [sflag:s19], $0x2000  }
0x61: {  	[sflag:s19] =	ssyncset.done $0x0  }
0x62: {  	s20 =	simm.s32 $0x4;
	s21 =	rddreg [dreg:$0x11];
	[sflag:s19] =	ssyncadd.s32 $0xFFFFE000  }
0x63: {  	[tilespmem:s15], [sflag:$0x7] =	stream.indirect.gather [spmem:s2], $0x10, s21, s12, $0xb8;
	[tilespmem:$0x11F00] =	vst v63  }
0x64: {  	_ =	swait.ge [sflag:s20], $0x2000  }
0x65: {  	[sflag:s20] =	ssyncset.done $0x0  }
0x66: {  	s25 =	rddreg [dreg:$0x12];
	[sflag:s20] =	ssyncadd.s32 $0xFFFFE000  }
0x67: {  	[tilespmem:s16], [sflag:$0x8] =	stream.indirect.gather [spmem:s2], $0x10, s25, s12, $0xb8;
	[tilespmem:$0x11F00] =	vst v63  }
0x68: {  	_ =	swait.ge [sflag:s8], $0x2000  }
0x69: {  	[sflag:s8] =	ssyncset.done $0x0  }
0x6a: {  	s26 =	rddreg [dreg:$0x13];
	[sflag:s8] =	ssyncadd.s32 $0xFFFFE000  }
0x6b: {  	[spmem:s3] =	stream.indirect.scatter.add.f32 [tilespmem:s13], [sflag:$0x1], $0x10, s26, s12, $0xb8;
	[tilespmem:$0x11F00] =	vst v63  }
0x6c: {  	_ =	swait.ge [sflag:s9], $0x2000  }
0x6d: {  	[sflag:s9] =	ssyncset.done $0x0  }
0x6e: {  	s0 =	rddreg [dreg:$0x14];
	[sflag:s9] =	ssyncadd.s32 $0xFFFFE000  }
0x6f: {  	[spmem:s3] =	stream.indirect.scatter.add.f32 [tilespmem:s14], [sflag:$0x2], $0x10, s0, s12, $0xb8;
	[tilespmem:$0x11F00] =	vst v63  }
0x70: {  	_ =	swait.ge [sflag:s10], $0x2000  }
0x71: {  	[sflag:s10] =	ssyncset.done $0x0  }
0x72: {  	s1 =	rddreg [dreg:$0x15];
	[sflag:s10] =	ssyncadd.s32 $0xFFFFE000  }
0x73: {  	[spmem:s3] =	stream.indirect.scatter.add.f32 [tilespmem:s15], [sflag:$0x3], $0x10, s1, s12, $0xb8;
	[tilespmem:$0x11F00] =	vst v63  }
0x74: {  	_ =	swait.ge [sflag:s11], $0x2000  }
0x75: {  	[sflag:s11] =	ssyncset.done $0x0  }
0x76: {  	s22 =	rddreg [dreg:$0x16];
	[sflag:s11] =	ssyncadd.s32 $0xFFFFE000  }
0x77: {  	[spmem:s3] =	stream.indirect.scatter.add.f32 [tilespmem:s16], [sflag:$0x4], $0x10, s22, s12, $0xb8;
	[tilespmem:$0x11F00] =	vst v63  }
0x78: {  	_ =	swait.ge [sflag:s17], $0x2000  }
0x79: {  	[sflag:s17] =	ssyncset.done $0x0  }
0x7a: {  	s23 =	rddreg [dreg:$0x17];
	[sflag:s17] =	ssyncadd.s32 $0xFFFFE000  }
0x7b: {  	[tilespmem:s13], [sflag:$0x5] =	stream.indirect.gather [spmem:s2], $0x10, s23, s12, $0xb8;
	[tilespmem:$0x11F00] =	vst v63  }
0x7c: {  	_ =	swait.ge [sflag:s18], $0x2000  }
0x7d: {  	[sflag:s18] =	ssyncset.done $0x0  }
0x7e: {  	s24 =	rddreg [dreg:$0x18];
	[sflag:s18] =	ssyncadd.s32 $0xFFFFE000  }
0x7f: {  	[tilespmem:s14], [sflag:$0x6] =	stream.indirect.gather [spmem:s2], $0x10, s24, s12, $0xb8;
	[tilespmem:$0x11F00] =	vst v63  }
0x80: {  	_ =	swait.ge [sflag:s19], $0x2000  }
0x81: {  	[sflag:s19] =	ssyncset.done $0x0  }
0x82: {  	s25 =	rddreg [dreg:$0x19];
	[sflag:s19] =	ssyncadd.s32 $0xFFFFE000  }
0x83: {  	[tilespmem:s15], [sflag:$0x7] =	stream.indirect.gather [spmem:s2], $0x10, s25, s12, $0xb8;
	[tilespmem:$0x11F00] =	vst v63  }
0x84: {  	_ =	swait.ge [sflag:s20], $0x2000  }
0x85: {  	[sflag:s20] =	ssyncset.done $0x0  }
0x86: {  	s26 =	rddreg [dreg:$0x1a];
	[sflag:s20] =	ssyncadd.s32 $0xFFFFE000  }
0x87: {  	[tilespmem:s16], [sflag:$0x8] =	stream.indirect.gather [spmem:s2], $0x10, s26, s12, $0xb8;
	[tilespmem:$0x11F00] =	vst v63  }
0x88: {  	_ =	swait.ge [sflag:s8], $0x2000  }
0x89: {  	[sflag:s8] =	ssyncset.done $0x0  }
0x8a: {  	s0 =	rddreg [dreg:$0x1b];
	[sflag:s8] =	ssyncadd.s32 $0xFFFFE000  }
0x8b: {  	[spmem:s3] =	stream.indirect.scatter.add.f32 [tilespmem:s13], [sflag:$0x1], $0x10, s0, s12, $0xb8;
	[tilespmem:$0x11F00] =	vst v63  }
0x8c: {  	_ =	swait.ge [sflag:s9], $0x2000  }
0x8d: {  	[sflag:s9] =	ssyncset.done $0x0  }
0x8e: {  	s1 =	rddreg [dreg:$0x1c];
	[sflag:s9] =	ssyncadd.s32 $0xFFFFE000  }
0x8f: {  	[spmem:s3] =	stream.indirect.scatter.add.f32 [tilespmem:s14], [sflag:$0x2], $0x10, s1, s12, $0xb8;
	[tilespmem:$0x11F00] =	vst v63  }
0x90: {  	_ =	swait.ge [sflag:s10], $0x2000  }
0x91: {  	[sflag:s10] =	ssyncset.done $0x0  }
0x92: {  	s22 =	rddreg [dreg:$0x1d];
	[sflag:s10] =	ssyncadd.s32 $0xFFFFE000  }
0x93: {  	[spmem:s3] =	stream.indirect.scatter.add.f32 [tilespmem:s15], [sflag:$0x3], $0x10, s22, s12, $0xb8;
	[tilespmem:$0x11F00] =	vst v63  }
0x94: {  	_ =	swait.ge [sflag:s11], $0x2000  }
0x95: {  	[sflag:s11] =	ssyncset.done $0x0  }
0x96: {  	s23 =	rddreg [dreg:$0x1e];
	[sflag:s11] =	ssyncadd.s32 $0xFFFFE000  }
0x97: {  	[spmem:s3] =	stream.indirect.scatter.add.f32 [tilespmem:s16], [sflag:$0x4], $0x10, s23, s12, $0xb8;
	[tilespmem:$0x11F00] =	vst v63  }
0x98: {  	_ =	swait.ge [sflag:s17], $0x2000  }
0x99: {  	[sflag:s17] =	ssyncset.done $0x0  }
0x9a: {  	s24 =	rddreg [dreg:$0x1f];
	[sflag:s17] =	ssyncadd.s32 $0xFFFFE000  }
0x9b: {  	[tilespmem:s13], [sflag:$0x5] =	stream.indirect.gather [spmem:s2], $0x10, s24, s12, $0xb8;
	[tilespmem:$0x11F00] =	vst v63  }
0x9c: {  	_ =	swait.ge [sflag:s18], $0x2000  }
0x9d: {  	s25 =	sld [smem:$0x7F5]  }
0x9e: {  	[sflag:s18] =	ssyncset.done $0x0  }
0x9f: {  	[sflag:s18] =	ssyncadd.s32 $0xFFFFE000  }
0xa0: {  	[tilespmem:s14], [sflag:$0x6] =	stream.indirect.gather [spmem:s2], $0x10, s25, s12, $0xb8;
	[tilespmem:$0x11F00] =	vst v63  }
0xa1: {  	_ =	swait.ge [sflag:s19], $0x2000  }
0xa2: {  	s26 =	sld [smem:$0x7F6]  }
0xa3: {  	[sflag:s19] =	ssyncset.done $0x0  }
0xa4: {  	[sflag:s19] =	ssyncadd.s32 $0xFFFFE000  }
0xa5: {  	[tilespmem:s15], [sflag:$0x7] =	stream.indirect.gather [spmem:s2], $0x10, s26, s12, $0xb8;
	[tilespmem:$0x11F00] =	vst v63  }
0xa6: {  	_ =	swait.ge [sflag:s20], $0x2000  }
0xa7: {  	s0 =	sld [smem:$0x7F7]  }
0xa8: {  	[sflag:s20] =	ssyncset.done $0x0  }
0xa9: {  	[sflag:s20] =	ssyncadd.s32 $0xFFFFE000  }
0xaa: {  	[tilespmem:s16], [sflag:$0x8] =	stream.indirect.gather [spmem:s2], $0x10, s0, s12, $0xb8;
	[tilespmem:$0x11F00] =	vst v63  }
0xab: {  	_ =	swait.ge [sflag:s8], $0x2000  }
0xac: {  	s1 =	sld [smem:$0x7F8]  }
0xad: {  	[sflag:s8] =	ssyncset.done $0x0  }
0xae: {  	[sflag:s8] =	ssyncadd.s32 $0xFFFFE000  }
0xaf: {  	[spmem:s3] =	stream.indirect.scatter.add.f32 [tilespmem:s13], [sflag:$0x1], $0x10, s1, s12, $0xb8;
	[tilespmem:$0x11F00] =	vst v63  }
0xb0: {  	_ =	swait.ge [sflag:s9], $0x2000  }
0xb1: {  	s22 =	sld [smem:$0x7F9]  }
0xb2: {  	[sflag:s9] =	ssyncset.done $0x0  }
0xb3: {  	[sflag:s9] =	ssyncadd.s32 $0xFFFFE000  }
0xb4: {  	[spmem:s3] =	stream.indirect.scatter.add.f32 [tilespmem:s14], [sflag:$0x2], $0x10, s22, s12, $0xb8;
	[tilespmem:$0x11F00] =	vst v63  }
0xb5: {  	_ =	swait.ge [sflag:s10], $0x2000  }
0xb6: {  	s23 =	sld [smem:$0x7FA]  }
0xb7: {  	[sflag:s10] =	ssyncset.done $0x0  }
0xb8: {  	[sflag:s10] =	ssyncadd.s32 $0xFFFFE000  }
0xb9: {  	[spmem:s3] =	stream.indirect.scatter.add.f32 [tilespmem:s15], [sflag:$0x3], $0x10, s23, s12, $0xb8;
	[tilespmem:$0x11F00] =	vst v63  }
0xba: {  	_ =	swait.ge [sflag:s11], $0x2000  }
0xbb: {  	s24 =	sld [smem:$0x7FB]  }
0xbc: {  	[sflag:s11] =	ssyncset.done $0x0  }
0xbd: {  	[sflag:s11] =	ssyncadd.s32 $0xFFFFE000  }
0xbe: {  	[spmem:s3] =	stream.indirect.scatter.add.f32 [tilespmem:s16], [sflag:$0x4], $0x10, s24, s12, $0xb8;
	[tilespmem:$0x11F00] =	vst v63  }
0xbf: {  	_ =	swait.ge [sflag:s17], $0x2000  }
0xc0: {  	s25 =	sld [smem:$0x7FC]  }
0xc1: {  	[sflag:s17] =	ssyncset.done $0x0  }
0xc2: {  	[sflag:s17] =	ssyncadd.s32 $0xFFFFE000  }
0xc3: {  	[tilespmem:s13], [sflag:$0x5] =	stream.indirect.gather [spmem:s2], $0x10, s25, s12, $0xb8;
	[tilespmem:$0x11F00] =	vst v63  }
0xc4: {  	_ =	swait.ge [sflag:s18], $0x2000  }
0xc5: {  	s26 =	sld [smem:$0x7FD]  }
0xc6: {  	[sflag:s18] =	ssyncset.done $0x0  }
0xc7: {  	[sflag:s18] =	ssyncadd.s32 $0xFFFFE000  }
0xc8: {  	[tilespmem:s14], [sflag:$0x6] =	stream.indirect.gather [spmem:s2], $0x10, s26, s12, $0xb8;
	[tilespmem:$0x11F00] =	vst v63  }
0xc9: {  	_ =	swait.ge [sflag:s19], $0x2000  }
0xca: {  	[sflag:s19] =	ssyncset.done $0x0  }
0xcb: {  	s21 =	simm.s32 $0x2400;
	[sflag:s19] =	ssyncadd.s32 $0xFFFFE000  }
0xcc: {  	[tilespmem:s15], [sflag:$0x7] =	stream.indirect.gather [spmem:s2], $0x10, s21, s12, $0xb8;
	[tilespmem:$0x11F00] =	vst v63  }
0xcd: {  	_ =	swait.ge [sflag:s20], $0x2000  }
0xce: {  	[sflag:s20] =	ssyncset.done $0x0  }
0xcf: {  	s22 =	simm.s32 $0x2600;
	[sflag:s20] =	ssyncadd.s32 $0xFFFFE000  }
0xd0: {  	[tilespmem:s16], [sflag:$0x8] =	stream.indirect.gather [spmem:s2], $0x10, s22, s12, $0xb8;
	[tilespmem:$0x11F00] =	vst v63  }
0xd1: {  	_ =	swait.ge [sflag:s8], $0x2000  }
0xd2: {  	[sflag:s8] =	ssyncset.done $0x0  }
0xd3: {  	s23 =	simm.s32 $0x4800;
	[sflag:s8] =	ssyncadd.s32 $0xFFFFE000  }
0xd4: {  	[spmem:s3] =	stream.indirect.scatter.add.f32 [tilespmem:s13], [sflag:$0x1], $0x10, s23, s12, $0xb8;
	[tilespmem:$0x11F00] =	vst v63  }
0xd5: {  	_ =	swait.ge [sflag:s9], $0x2000  }
0xd6: {  	[sflag:s9] =	ssyncset.done $0x0  }
0xd7: {  	s24 =	simm.s32 $0x4A00;
	[sflag:s9] =	ssyncadd.s32 $0xFFFFE000  }
0xd8: {  	[spmem:s3] =	stream.indirect.scatter.add.f32 [tilespmem:s14], [sflag:$0x2], $0x10, s24, s12, $0xb8;
	[tilespmem:$0x11F00] =	vst v63  }
0xd9: {  	_ =	swait.ge [sflag:s10], $0x2000  }
0xda: {  	[sflag:s10] =	ssyncset.done $0x0  }
0xdb: {  	s25 =	simm.s32 $0x4C00;
	[sflag:s10] =	ssyncadd.s32 $0xFFFFE000  }
0xdc: {  	[spmem:s3] =	stream.indirect.scatter.add.f32 [tilespmem:s15], [sflag:$0x3], $0x10, s25, s12, $0xb8;
	[tilespmem:$0x11F00] =	vst v63  }
0xdd: {  	_ =	swait.ge [sflag:s11], $0x2000  }
0xde: {  	[sflag:s11] =	ssyncset.done $0x0  }
0xdf: {  	s26 =	simm.s32 $0x4E00;
	[sflag:s11] =	ssyncadd.s32 $0xFFFFE000  }
0xe0: {  	[spmem:s3] =	stream.indirect.scatter.add.f32 [tilespmem:s16], [sflag:$0x4], $0x10, s26, s12, $0xb8;
	[tilespmem:$0x11F00] =	vst v63  }
0xe1: {  	_ =	swait.ge [sflag:s17], $0x2000  }
0xe2: {  	[sflag:s17] =	ssyncset.done $0x0  }
0xe3: {  	s31 =	ssub.s32 $0x2, s31;
	[sflag:s17] =	ssyncadd.s32 $0xFFFFE000  }
0xe4: {  	s0 =	sshrl.u32 s31, $0x1;
	_ =	swait.ge [sflag:s18], $0x2000  }
0xe5: {  	s0 =	ssub.s32 s31, s0;
	[sflag:s18] =	ssyncset.done $0x0  }
0xe6: {  	s1 =	sadd.s32 $0x25E00, s28;
	s28 =	sadd.s32 $0x2AE00, s28;
	[sflag:s18] =	ssyncadd.s32 $0xFFFFE000  }
0xe7: {  	s0 =	smax.u32 s0, $0x1;
	s28 =	smov.u32 @p0 s1;
	_ =	swait.ge [sflag:s19], $0x2000  }
0xe8: {  	s28 =	sadd.s32 s28, s29;
	s29 =	sadd.s32 $0xFFFFFFFF, s0;
	[sflag:s19] =	ssyncset.done $0x0  }
0xe9: {  	p0 =	sne.s32 s29, $0x0;
	[sflag:s19] =	ssyncadd.s32 $0xFFFFE000  }
.Ltmp0:
0xea: {  	_ =	swait.ge [sflag:s20], $0x2000;
	(pc) =	sbr.rel @!p0 .LBB2_2-.Ltmp0, $4  }
0xeb: {  	[sflag:s20] =	ssyncset.done $0x0  }
0xec: {  	[sflag:s20] =	ssyncadd.s32 $0xFFFFE000  }
0xed: {  	s31 =	sor.u32 $0x1C09, s30;
	s30 =	simm.s32 $0x9;
	[bflag:$0x0] =	sbarrier.arrive $0xFFFF  }
0xee: {  	[hbm:s28], [sflag:s31] =	dma.local [spmem:s6], $0x4F0  }
.LBB2_1:
0xef: {  	_ =	swait.ge [sflag:s30], $0x4F0  }
0xf0: {  	s0 =	rddreg [dreg:$0x8];
	[sflag:s30] =	ssyncset.done $0x0  }
0xf1: {  	s1 =	rddreg [dreg:$0x4];
	[sflag:s30] =	ssyncadd.s32 $0xFFFFFB10  }
0xf2: {  	[spmem:s0], [sflag:s1] =	dma.local [hbm:s5], $0x4F0  }
0xf3: {  	s0 =	rddreg [dreg:$0x7]  }
0xf4: {  	s1 =	rddreg [dreg:$0x9]  }
0xf5: {  	[spmem:s6], [sflag:s1] =	dma.local [hbm:s0], $0x4F0  }
0xf6: {  	s0 =	rddreg [dreg:$0x5]  }
0xf7: {  	[tilespmem:s4], [sflag:$0x7] =	stream.linear.gather [hbm4b:s0+s4], $0x2800, $0x38;
	[tilespmem:$0x11F00] =	vst v63  }
0xf8: {  	s1 =	rddreg [dreg:$0x6]  }
0xf9: {  	[tilespmem:s7], [sflag:$0x8] =	stream.linear.gather [hbm4b:s1+s4], $0x2800, $0x38;
	[tilespmem:$0x11F00] =	vst v63  }
0xfa: {  	_ =	swait.ge [sflag:s8], $0x4F0  }
0xfb: {  	[sflag:s8] =	ssyncset.done $0x0  }
0xfc: {  	[sflag:s8] =	ssyncadd.s32 $0xFFFFFB10  }
0xfd: {  	_ =	swait.ge [sflag:s9], $0x4F0  }
0xfe: {  	[sflag:s9] =	ssyncset.done $0x0  }
0xff: {  	[sflag:s9] =	ssyncadd.s32 $0xFFFFFB10  }
0x100: {  	_ =	swait.ge [sflag:s10], $0x2800  }
0x101: {  	[sflag:s10] =	ssyncset.done $0x0  }
0x102: {  	[sflag:s10] =	ssyncadd.s32 $0xFFFFD800  }
0x103: {  	_ =	swait.ge [sflag:s11], $0x2800  }
0x104: {  	[sflag:s11] =	ssyncset.done $0x0  }
0x105: {  	[sflag:s11] =	ssyncadd.s32 $0xFFFFD800  }
0x106: {  	[bflag:$0x0] =	sbarrier.arrive $0xFFFF  }
0x107: {  	[tilespmem:s13], [sflag:$0x5] =	stream.indirect.gather [spmem:s2], $0x10, s4, s12, $0xb8;
	[tilespmem:$0x11F00] =	vst v63  }
0x108: {  	_ = 	snop  }
0x109: {  	[tilespmem:s14], [sflag:$0x6] =	stream.indirect.gather [spmem:s2], $0x10, s12, s12, $0xb8;
	[tilespmem:$0x11F00] =	vst v63  }
0x10a: {  	s0 =	rddreg [dreg:$0xa]  }
0x10b: {  	[tilespmem:s15], [sflag:$0x7] =	stream.indirect.gather [spmem:s2], $0x10, s0, s12, $0xb8;
	[tilespmem:$0x11F00] =	vst v63  }
0x10c: {  	s1 =	rddreg [dreg:$0xb]  }
0x10d: {  	[tilespmem:s16], [sflag:$0x8] =	stream.indirect.gather [spmem:s2], $0x10, s1, s12, $0xb8;
	[tilespmem:$0x11F00] =	vst v63  }
0x10e: {  	_ =	swait.ge [sflag:s8], $0x2000  }
0x10f: {  	[sflag:s8] =	ssyncset.done $0x0  }
0x110: {  	[sflag:s8] =	ssyncadd.s32 $0xFFFFE000  }
0x111: {  	[spmem:s3] =	stream.indirect.scatter.add.f32 [tilespmem:s13], [sflag:$0x1], $0x10, s7, s12, $0xb8;
	[tilespmem:$0x11F00] =	vst v63  }
0x112: {  	_ =	swait.ge [sflag:s9], $0x2000  }
0x113: {  	[sflag:s9] =	ssyncset.done $0x0  }
0x114: {  	s1 =	rddreg [dreg:$0xc];
	[sflag:s9] =	ssyncadd.s32 $0xFFFFE000  }
0x115: {  	[spmem:s3] =	stream.indirect.scatter.add.f32 [tilespmem:s14], [sflag:$0x2], $0x10, s1, s12, $0xb8;
	[tilespmem:$0x11F00] =	vst v63  }
0x116: {  	_ =	swait.ge [sflag:s10], $0x2000  }
0x117: {  	[sflag:s10] =	ssyncset.done $0x0  }
0x118: {  	s1 =	rddreg [dreg:$0xd];
	[sflag:s10] =	ssyncadd.s32 $0xFFFFE000  }
0x119: {  	[spmem:s3] =	stream.indirect.scatter.add.f32 [tilespmem:s15], [sflag:$0x3], $0x10, s1, s12, $0xb8;
	[tilespmem:$0x11F00] =	vst v63  }
0x11a: {  	_ =	swait.ge [sflag:s11], $0x2000  }
0x11b: {  	[sflag:s11] =	ssyncset.done $0x0  }
0x11c: {  	s1 =	rddreg [dreg:$0xe];
	[sflag:s11] =	ssyncadd.s32 $0xFFFFE000  }
0x11d: {  	[spmem:s3] =	stream.indirect.scatter.add.f32 [tilespmem:s16], [sflag:$0x4], $0x10, s1, s12, $0xb8;
	[tilespmem:$0x11F00] =	vst v63  }
0x11e: {  	_ =	swait.ge [sflag:s17], $0x2000  }
0x11f: {  	[sflag:s17] =	ssyncset.done $0x0  }
0x120: {  	s1 =	rddreg [dreg:$0xf];
	[sflag:s17] =	ssyncadd.s32 $0xFFFFE000  }
0x121: {  	[tilespmem:s13], [sflag:$0x5] =	stream.indirect.gather [spmem:s2], $0x10, s1, s12, $0xb8;
	[tilespmem:$0x11F00] =	vst v63  }
0x122: {  	_ =	swait.ge [sflag:s18], $0x2000  }
0x123: {  	[sflag:s18] =	ssyncset.done $0x0  }
0x124: {  	s1 =	rddreg [dreg:$0x10];
	[sflag:s18] =	ssyncadd.s32 $0xFFFFE000  }
0x125: {  	[tilespmem:s14], [sflag:$0x6] =	stream.indirect.gather [spmem:s2], $0x10, s1, s12, $0xb8;
	[tilespmem:$0x11F00] =	vst v63  }
0x126: {  	_ =	swait.ge [sflag:s19], $0x2000  }
0x127: {  	[sflag:s19] =	ssyncset.done $0x0  }
0x128: {  	s1 =	rddreg [dreg:$0x11];
	[sflag:s19] =	ssyncadd.s32 $0xFFFFE000  }
0x129: {  	[tilespmem:s15], [sflag:$0x7] =	stream.indirect.gather [spmem:s2], $0x10, s1, s12, $0xb8;
	[tilespmem:$0x11F00] =	vst v63  }
0x12a: {  	_ =	swait.ge [sflag:s20], $0x2000  }
0x12b: {  	[sflag:s20] =	ssyncset.done $0x0  }
0x12c: {  	s1 =	rddreg [dreg:$0x12];
	[sflag:s20] =	ssyncadd.s32 $0xFFFFE000  }
0x12d: {  	[tilespmem:s16], [sflag:$0x8] =	stream.indirect.gather [spmem:s2], $0x10, s1, s12, $0xb8;
	[tilespmem:$0x11F00] =	vst v63  }
0x12e: {  	_ =	swait.ge [sflag:s8], $0x2000  }
0x12f: {  	[sflag:s8] =	ssyncset.done $0x0  }
0x130: {  	s1 =	rddreg [dreg:$0x13];
	[sflag:s8] =	ssyncadd.s32 $0xFFFFE000  }
0x131: {  	[spmem:s3] =	stream.indirect.scatter.add.f32 [tilespmem:s13], [sflag:$0x1], $0x10, s1, s12, $0xb8;
	[tilespmem:$0x11F00] =	vst v63  }
0x132: {  	_ =	swait.ge [sflag:s9], $0x2000  }
0x133: {  	[sflag:s9] =	ssyncset.done $0x0  }
0x134: {  	s1 =	rddreg [dreg:$0x14];
	[sflag:s9] =	ssyncadd.s32 $0xFFFFE000  }
0x135: {  	[spmem:s3] =	stream.indirect.scatter.add.f32 [tilespmem:s14], [sflag:$0x2], $0x10, s1, s12, $0xb8;
	[tilespmem:$0x11F00] =	vst v63  }
0x136: {  	_ =	swait.ge [sflag:s10], $0x2000  }
0x137: {  	[sflag:s10] =	ssyncset.done $0x0  }
0x138: {  	s1 =	rddreg [dreg:$0x15];
	[sflag:s10] =	ssyncadd.s32 $0xFFFFE000  }
0x139: {  	[spmem:s3] =	stream.indirect.scatter.add.f32 [tilespmem:s15], [sflag:$0x3], $0x10, s1, s12, $0xb8;
	[tilespmem:$0x11F00] =	vst v63  }
0x13a: {  	_ =	swait.ge [sflag:s11], $0x2000  }
0x13b: {  	[sflag:s11] =	ssyncset.done $0x0  }
0x13c: {  	s1 =	rddreg [dreg:$0x16];
	[sflag:s11] =	ssyncadd.s32 $0xFFFFE000  }
0x13d: {  	[spmem:s3] =	stream.indirect.scatter.add.f32 [tilespmem:s16], [sflag:$0x4], $0x10, s1, s12, $0xb8;
	[tilespmem:$0x11F00] =	vst v63  }
0x13e: {  	_ =	swait.ge [sflag:s17], $0x2000  }
0x13f: {  	[sflag:s17] =	ssyncset.done $0x0  }
0x140: {  	s1 =	rddreg [dreg:$0x17];
	[sflag:s17] =	ssyncadd.s32 $0xFFFFE000  }
0x141: {  	[tilespmem:s13], [sflag:$0x5] =	stream.indirect.gather [spmem:s2], $0x10, s1, s12, $0xb8;
	[tilespmem:$0x11F00] =	vst v63  }
0x142: {  	_ =	swait.ge [sflag:s18], $0x2000  }
0x143: {  	[sflag:s18] =	ssyncset.done $0x0  }
0x144: {  	s1 =	rddreg [dreg:$0x18];
	[sflag:s18] =	ssyncadd.s32 $0xFFFFE000  }
0x145: {  	[tilespmem:s14], [sflag:$0x6] =	stream.indirect.gather [spmem:s2], $0x10, s1, s12, $0xb8;
	[tilespmem:$0x11F00] =	vst v63  }
0x146: {  	_ =	swait.ge [sflag:s19], $0x2000  }
0x147: {  	[sflag:s19] =	ssyncset.done $0x0  }
0x148: {  	s1 =	rddreg [dreg:$0x19];
	[sflag:s19] =	ssyncadd.s32 $0xFFFFE000  }
0x149: {  	[tilespmem:s15], [sflag:$0x7] =	stream.indirect.gather [spmem:s2], $0x10, s1, s12, $0xb8;
	[tilespmem:$0x11F00] =	vst v63  }
0x14a: {  	_ =	swait.ge [sflag:s20], $0x2000  }
0x14b: {  	[sflag:s20] =	ssyncset.done $0x0  }
0x14c: {  	s1 =	rddreg [dreg:$0x1a];
	[sflag:s20] =	ssyncadd.s32 $0xFFFFE000  }
0x14d: {  	[tilespmem:s16], [sflag:$0x8] =	stream.indirect.gather [spmem:s2], $0x10, s1, s12, $0xb8;
	[tilespmem:$0x11F00] =	vst v63  }
0x14e: {  	_ =	swait.ge [sflag:s8], $0x2000  }
0x14f: {  	[sflag:s8] =	ssyncset.done $0x0  }
0x150: {  	s1 =	rddreg [dreg:$0x1b];
	[sflag:s8] =	ssyncadd.s32 $0xFFFFE000  }
0x151: {  	[spmem:s3] =	stream.indirect.scatter.add.f32 [tilespmem:s13], [sflag:$0x1], $0x10, s1, s12, $0xb8;
	[tilespmem:$0x11F00] =	vst v63  }
0x152: {  	_ =	swait.ge [sflag:s9], $0x2000  }
0x153: {  	[sflag:s9] =	ssyncset.done $0x0  }
0x154: {  	s1 =	rddreg [dreg:$0x1c];
	[sflag:s9] =	ssyncadd.s32 $0xFFFFE000  }
0x155: {  	[spmem:s3] =	stream.indirect.scatter.add.f32 [tilespmem:s14], [sflag:$0x2], $0x10, s1, s12, $0xb8;
	[tilespmem:$0x11F00] =	vst v63  }
0x156: {  	_ =	swait.ge [sflag:s10], $0x2000  }
0x157: {  	[sflag:s10] =	ssyncset.done $0x0  }
0x158: {  	s1 =	rddreg [dreg:$0x1d];
	[sflag:s10] =	ssyncadd.s32 $0xFFFFE000  }
0x159: {  	[spmem:s3] =	stream.indirect.scatter.add.f32 [tilespmem:s15], [sflag:$0x3], $0x10, s1, s12, $0xb8;
	[tilespmem:$0x11F00] =	vst v63  }
0x15a: {  	_ =	swait.ge [sflag:s11], $0x2000  }
0x15b: {  	[sflag:s11] =	ssyncset.done $0x0  }
0x15c: {  	s1 =	rddreg [dreg:$0x1e];
	[sflag:s11] =	ssyncadd.s32 $0xFFFFE000  }
0x15d: {  	[spmem:s3] =	stream.indirect.scatter.add.f32 [tilespmem:s16], [sflag:$0x4], $0x10, s1, s12, $0xb8;
	[tilespmem:$0x11F00] =	vst v63  }
0x15e: {  	_ =	swait.ge [sflag:s17], $0x2000  }
0x15f: {  	[sflag:s17] =	ssyncset.done $0x0  }
0x160: {  	s1 =	rddreg [dreg:$0x1f];
	[sflag:s17] =	ssyncadd.s32 $0xFFFFE000  }
0x161: {  	[tilespmem:s13], [sflag:$0x5] =	stream.indirect.gather [spmem:s2], $0x10, s1, s12, $0xb8;
	[tilespmem:$0x11F00] =	vst v63  }
0x162: {  	_ =	swait.ge [sflag:s18], $0x2000  }
0x163: {  	s1 =	sld [smem:$0x7F5]  }
0x164: {  	[sflag:s18] =	ssyncset.done $0x0  }
0x165: {  	[sflag:s18] =	ssyncadd.s32 $0xFFFFE000  }
0x166: {  	[tilespmem:s14], [sflag:$0x6] =	stream.indirect.gather [spmem:s2], $0x10, s1, s12, $0xb8;
	[tilespmem:$0x11F00] =	vst v63  }
0x167: {  	_ =	swait.ge [sflag:s19], $0x2000  }
0x168: {  	s1 =	sld [smem:$0x7F6]  }
0x169: {  	[sflag:s19] =	ssyncset.done $0x0  }
0x16a: {  	[sflag:s19] =	ssyncadd.s32 $0xFFFFE000  }
0x16b: {  	[tilespmem:s15], [sflag:$0x7] =	stream.indirect.gather [spmem:s2], $0x10, s1, s12, $0xb8;
	[tilespmem:$0x11F00] =	vst v63  }
0x16c: {  	_ =	swait.ge [sflag:s20], $0x2000  }
0x16d: {  	s1 =	sld [smem:$0x7F7]  }
0x16e: {  	[sflag:s20] =	ssyncset.done $0x0  }
0x16f: {  	[sflag:s20] =	ssyncadd.s32 $0xFFFFE000  }
0x170: {  	[tilespmem:s16], [sflag:$0x8] =	stream.indirect.gather [spmem:s2], $0x10, s1, s12, $0xb8;
	[tilespmem:$0x11F00] =	vst v63  }
0x171: {  	_ =	swait.ge [sflag:s8], $0x2000  }
0x172: {  	s1 =	sld [smem:$0x7F8]  }
0x173: {  	[sflag:s8] =	ssyncset.done $0x0  }
0x174: {  	[sflag:s8] =	ssyncadd.s32 $0xFFFFE000  }
0x175: {  	[spmem:s3] =	stream.indirect.scatter.add.f32 [tilespmem:s13], [sflag:$0x1], $0x10, s1, s12, $0xb8;
	[tilespmem:$0x11F00] =	vst v63  }
0x176: {  	_ =	swait.ge [sflag:s9], $0x2000  }
0x177: {  	s1 =	sld [smem:$0x7F9]  }
0x178: {  	[sflag:s9] =	ssyncset.done $0x0  }
0x179: {  	[sflag:s9] =	ssyncadd.s32 $0xFFFFE000  }
0x17a: {  	[spmem:s3] =	stream.indirect.scatter.add.f32 [tilespmem:s14], [sflag:$0x2], $0x10, s1, s12, $0xb8;
	[tilespmem:$0x11F00] =	vst v63  }
0x17b: {  	_ =	swait.ge [sflag:s10], $0x2000  }
0x17c: {  	s1 =	sld [smem:$0x7FA]  }
0x17d: {  	[sflag:s10] =	ssyncset.done $0x0  }
0x17e: {  	[sflag:s10] =	ssyncadd.s32 $0xFFFFE000  }
0x17f: {  	[spmem:s3] =	stream.indirect.scatter.add.f32 [tilespmem:s15], [sflag:$0x3], $0x10, s1, s12, $0xb8;
	[tilespmem:$0x11F00] =	vst v63  }
0x180: {  	_ =	swait.ge [sflag:s11], $0x2000  }
0x181: {  	s1 =	sld [smem:$0x7FB]  }
0x182: {  	[sflag:s11] =	ssyncset.done $0x0  }
0x183: {  	[sflag:s11] =	ssyncadd.s32 $0xFFFFE000  }
0x184: {  	[spmem:s3] =	stream.indirect.scatter.add.f32 [tilespmem:s16], [sflag:$0x4], $0x10, s1, s12, $0xb8;
	[tilespmem:$0x11F00] =	vst v63  }
0x185: {  	_ =	swait.ge [sflag:s17], $0x2000  }
0x186: {  	s1 =	sld [smem:$0x7FC]  }
0x187: {  	[sflag:s17] =	ssyncset.done $0x0  }
0x188: {  	[sflag:s17] =	ssyncadd.s32 $0xFFFFE000  }
0x189: {  	[tilespmem:s13], [sflag:$0x5] =	stream.indirect.gather [spmem:s2], $0x10, s1, s12, $0xb8;
	[tilespmem:$0x11F00] =	vst v63  }
0x18a: {  	_ =	swait.ge [sflag:s18], $0x2000  }
0x18b: {  	s1 =	sld [smem:$0x7FD]  }
0x18c: {  	[sflag:s18] =	ssyncset.done $0x0  }
0x18d: {  	[sflag:s18] =	ssyncadd.s32 $0xFFFFE000  }
0x18e: {  	[tilespmem:s14], [sflag:$0x6] =	stream.indirect.gather [spmem:s2], $0x10, s1, s12, $0xb8;
	[tilespmem:$0x11F00] =	vst v63  }
0x18f: {  	_ =	swait.ge [sflag:s19], $0x2000  }
0x190: {  	[sflag:s19] =	ssyncset.done $0x0  }
0x191: {  	[sflag:s19] =	ssyncadd.s32 $0xFFFFE000  }
0x192: {  	[tilespmem:s15], [sflag:$0x7] =	stream.indirect.gather [spmem:s2], $0x10, s21, s12, $0xb8;
	[tilespmem:$0x11F00] =	vst v63  }
0x193: {  	_ =	swait.ge [sflag:s20], $0x2000  }
0x194: {  	[sflag:s20] =	ssyncset.done $0x0  }
0x195: {  	[sflag:s20] =	ssyncadd.s32 $0xFFFFE000  }
0x196: {  	[tilespmem:s16], [sflag:$0x8] =	stream.indirect.gather [spmem:s2], $0x10, s22, s12, $0xb8;
	[tilespmem:$0x11F00] =	vst v63  }
0x197: {  	_ =	swait.ge [sflag:s8], $0x2000  }
0x198: {  	[sflag:s8] =	ssyncset.done $0x0  }
0x199: {  	[sflag:s8] =	ssyncadd.s32 $0xFFFFE000  }
0x19a: {  	[spmem:s3] =	stream.indirect.scatter.add.f32 [tilespmem:s13], [sflag:$0x1], $0x10, s23, s12, $0xb8;
	[tilespmem:$0x11F00] =	vst v63  }
0x19b: {  	_ =	swait.ge [sflag:s9], $0x2000  }
0x19c: {  	[sflag:s9] =	ssyncset.done $0x0  }
0x19d: {  	[sflag:s9] =	ssyncadd.s32 $0xFFFFE000  }
0x19e: {  	[spmem:s3] =	stream.indirect.scatter.add.f32 [tilespmem:s14], [sflag:$0x2], $0x10, s24, s12, $0xb8;
	[tilespmem:$0x11F00] =	vst v63  }
0x19f: {  	_ =	swait.ge [sflag:s10], $0x2000  }
0x1a0: {  	[sflag:s10] =	ssyncset.done $0x0  }
0x1a1: {  	[sflag:s10] =	ssyncadd.s32 $0xFFFFE000  }
0x1a2: {  	[spmem:s3] =	stream.indirect.scatter.add.f32 [tilespmem:s15], [sflag:$0x3], $0x10, s25, s12, $0xb8;
	[tilespmem:$0x11F00] =	vst v63  }
0x1a3: {  	_ =	swait.ge [sflag:s11], $0x2000  }
0x1a4: {  	[sflag:s11] =	ssyncset.done $0x0  }
0x1a5: {  	[sflag:s11] =	ssyncadd.s32 $0xFFFFE000  }
0x1a6: {  	[spmem:s3] =	stream.indirect.scatter.add.f32 [tilespmem:s16], [sflag:$0x4], $0x10, s26, s12, $0xb8;
	[tilespmem:$0x11F00] =	vst v63  }
0x1a7: {  	_ =	swait.ge [sflag:s17], $0x2000  }
0x1a8: {  	[sflag:s17] =	ssyncset.done $0x0  }
0x1a9: {  	[sflag:s17] =	ssyncadd.s32 $0xFFFFE000  }
0x1aa: {  	_ =	swait.ge [sflag:s18], $0x2000  }
0x1ab: {  	[sflag:s18] =	ssyncset.done $0x0  }
0x1ac: {  	[sflag:s18] =	ssyncadd.s32 $0xFFFFE000  }
0x1ad: {  	_ =	swait.ge [sflag:s19], $0x2000  }
0x1ae: {  	s29 =	sadd.s32 $0xFFFFFFFF, s29;
	[sflag:s19] =	ssyncset.done $0x0  }
0x1af: {  	p0 =	sne.s32 s29, $0x0;
	[sflag:s19] =	ssyncadd.s32 $0xFFFFE000  }
.Ltmp1:
0x1b0: {  	_ =	swait.ge [sflag:s20], $0x2000;
	(pc) =	sbr.rel @p0 .LBB2_1-.Ltmp1, $4  }
0x1b1: {  	[sflag:s20] =	ssyncset.done $0x0  }
0x1b2: {  	[sflag:s20] =	ssyncadd.s32 $0xFFFFE000  }
0x1b3: {  	[bflag:$0x0] =	sbarrier.arrive $0xFFFF  }
0x1b4: {  	[hbm:s28], [sflag:s31] =	dma.local [spmem:s6], $0x4F0  }
.LBB2_2:
0x1b5: {  	_ =	swait.ge [sflag:s30], $0x4F0  }
0x1b6: {  	[sflag:s30] =	ssyncset.done $0x0  }
0x1b7: {  	[sflag:s30] =	ssyncadd.s32 $0xFFFFFB10  }
0x1b8: {  	_ =	sfence.sel $0x180000  }
0x1b9: {  	[bflag:$0x0] =	sbarrier.arrive $0xFFFF  }
0x1ba: {  	_ =	strace $0x90000056  }
0x1bb: {  	s0 =	stileid.u32;
	[bflag:$0x2] =	sbarrier.arrive $0xFFFF  }
0x1bc: {  	p0 =	sne.s32 s0, $0x0;
	s0 =	rddreg [dreg:$0x3]  }
0x1bd: {  	s0 =	sadd.s32 @!p0 $0x100000, s0  }
0x1be: {  	[sflag:s0] =	ssyncadd.tile.s32 @!p0 $0x1;
	_ =	shalt  }
.Lfunc_end2:
_tile_overlayer_lowered:
.L_overlay_start_2:
0x1bf: {  	(tag) =	ssettag $0x2  }
0x1c0: {  	s0 =	rddreg [dreg:$0x0];
	s2 =	stileid.u32  }
0x1c1: {  	s1 =	rddreg [dreg:$0x1];
	p0 =	sne.s32 s2, $0x0  }
0x1c2: {  	s3 =	rddreg [dreg:$0x2];
	[bflag:$0x3] =	sbarrier.arrive $0xFFFF;
	s2 =	simm.s32 @!p0 $0x1C09  }
0x1c3: {  	[timem:s3], [sflag:s2] =	dma.local @!p0 [hbm:s0], s1  }
0x1c4: {  	s0 =	simm.s32 @!p0 $0x9  }
0x1c5: {  	_ =	swait.ge @!p0 [sflag:s0], s1  }
0x1c6: {  	s1 =	ssub.s32 @!p0 $0x0, s1;
	[sflag:s0] =	ssyncset.done @!p0 $0x0  }
0x1c7: {  	[sflag:s0] =	ssyncadd.s32 @!p0 s1  }
0x1c8: {  	[bflag:$0x3] =	sbarrier.arrive $0xFFFF  }
0x1c9: {  	_ =	shalt  }

</sc_bundles>
